<compile_context>
chip_gen: v7x
topology: tpu7x:2x2x1
jax: 0.10.2.dev20260603
libtpu: 0.0.44.dev20260713+nightly
codegen_flags: <defaults>
</compile_context>

<pallas_src>
import functools

import jax
import jax.numpy as jnp
from jax import lax
from jax.experimental import pallas as pl
from jax.experimental.pallas import tpu as pltpu
from jax.experimental.pallas import tpu_sc as plsc

N_NODES = 10000
N_EDGES = 320000
D_IN = 128
D_HID = 256
N_CLS = 40
EPS = 1e-5

NC = 2
NS = 16
DEG_W = 8

N_PAD = 10112
E_PAD = 327680
E_PER_SUB = E_PAD // NS
ROWS_PER_SUB = N_PAD // NS

NIDX = 8
LI = 4


def _sc_agg_body(with_deg, dc, blk, nbuf, look, *refs):
    if with_deg:
        (eidx, tab0, tab1, zrs, zrs_deg, ones,
         out0, out1, dout, *rest) = refs
    else:
        (eidx, tab0, tab1, zrs, out0, out1, *rest) = refs
    ibuf = rest[:NIDX]
    rows = rest[NIDX:NIDX + nbuf]
    acc = rest[NIDX + nbuf]
    isem = rest[NIDX + nbuf + 1:NIDX + nbuf + 1 + NIDX]
    gsem = rest[NIDX + nbuf + 1 + NIDX:NIDX + nbuf + 1 + NIDX + nbuf]
    ssem = rest[NIDX + nbuf + 1 + NIDX + nbuf:
                NIDX + nbuf + 1 + NIDX + 2 * nbuf]
    if with_deg:
        degsem, ones_v, deg_acc = rest[NIDX + nbuf + 1 + NIDX + 2 * nbuf:]

    n_loc = E_PER_SUB // blk

    c = lax.axis_index("c")
    s = lax.axis_index("s")
    rbase = s * ROWS_PER_SUB
    stripe = pl.ds(rbase, ROWS_PER_SUB)

    pltpu.sync_copy(zrs.at[stripe], acc.at[stripe])
    if with_deg:
        pltpu.sync_copy(zrs_deg.at[stripe], deg_acc.at[stripe])
        pltpu.sync_copy(ones, ones_v)
    plsc.subcore_barrier()

    def iissue(k, bi):
        pltpu.async_copy(eidx.at[s, pl.ds(2 * k, 2)], ibuf[bi], isem[bi])

    def iwait(k, bi):
        pltpu.make_async_copy(eidx.at[s, pl.ds(2 * k, 2)], ibuf[bi],
                              isem[bi]).wait()

    def gissue(k, bi, b):
        @pl.when(c == 0)
        def _():
            pltpu.async_copy(tab0.at[ibuf[bi].at[0]], rows[b], gsem[b])

        @pl.when(c == 1)
        def _():
            pltpu.async_copy(tab1.at[ibuf[bi].at[0]], rows[b], gsem[b])

    def gwait(bi, b):
        pltpu.make_async_copy(tab0.at[ibuf[bi].at[0]], rows[b],
                              gsem[b]).wait()

    def sissue(bi, b):
        pltpu.async_copy(rows[b], acc.at[ibuf[bi].at[1]], ssem[b], add=True)

    def swait(bi, b):
        pltpu.make_async_copy(rows[b], acc.at[ibuf[bi].at[1]],
                              ssem[b]).wait()

    def dissue(bi):
        pltpu.async_copy(ones_v, deg_acc.at[ibuf[bi].at[1]], degsem,
                         add=True)

    def dwait(bi):
        pltpu.make_async_copy(ones_v, deg_acc.at[ibuf[bi].at[1]],
                              degsem).wait()

    for k in range(LI):
        iissue(k, k)
    for k in range(look):
        iwait(k, k)
        gissue(k, k, k)

    def outer(k8, carry):
        for u in range(NIDX):
            k = k8 * NIDX + u
            b = u % nbuf
            bi = u

            @pl.when(k + LI < n_loc)
            def _(k=k, bi2=(u + LI) % NIDX):
                iissue(k + LI, bi2)

            gwait(bi, b)
            sissue(bi, b)
            if with_deg:
                dissue(bi)

                @pl.when(k >= look)
                def _(bi2=(u - look) % NIDX):
                    dwait(bi2)

            bg = (b + look) % nbuf

            @pl.when(k >= look)
            def _(bi2=(u - look) % NIDX, bg=bg):
                swait(bi2, bg)

            @pl.when(k + look < n_loc)
            def _(k=k, bi2=(u + look) % NIDX, bg=bg):
                iwait(k + look, bi2)
                gissue(k + look, bi2, bg)
        return carry

    lax.fori_loop(0, n_loc // NIDX, outer, 0)
    for k in range(n_loc - look, n_loc):
        swait(k % NIDX, k % nbuf)
        if with_deg:
            dwait(k % NIDX)
    plsc.subcore_barrier()

    @pl.when(c == 0)
    def _():
        pltpu.sync_copy(acc.at[stripe], out0.at[stripe])
        if with_deg:
            pltpu.sync_copy(deg_acc.at[stripe], dout.at[stripe])

    @pl.when(c == 1)
    def _():
        pltpu.sync_copy(acc.at[stripe], out1.at[stripe])


def _make_sc_agg(dc, blk, nbuf=4, look=2, with_deg=False, dt=jnp.bfloat16):
    mesh = plsc.VectorSubcoreMesh(core_axis_name="c", subcore_axis_name="s")
    out_type = [jax.ShapeDtypeStruct((N_PAD, dc), dt),
                jax.ShapeDtypeStruct((N_PAD, dc), dt)]
    scratch = (
        [pltpu.VMEM((2, blk), jnp.int32)] * NIDX
        + [pltpu.VMEM((blk, dc), dt)] * nbuf
        + [pltpu.VMEM_SHARED((N_PAD, dc), dt)]
        + [pltpu.SemaphoreType.DMA] * (NIDX + 2 * nbuf)
    )
    if with_deg:
        out_type += [jax.ShapeDtypeStruct((N_PAD, DEG_W), jnp.float32)]
        scratch += [
            pltpu.SemaphoreType.DMA,
            pltpu.VMEM((blk, DEG_W), jnp.float32),
            pltpu.VMEM_SHARED((N_PAD, DEG_W), jnp.float32),
        ]
    return pl.kernel(
        functools.partial(_sc_agg_body, with_deg, dc, blk, nbuf, look),
        out_type=out_type,
        mesh=mesh,
        scratch_types=scratch,
        compiler_params=pltpu.CompilerParams(use_tc_tiling_on_sc=False),
    )


def _pack_eidx(src_p, dst_p, blk):
    nb = E_PER_SUB // blk
    e = jnp.stack([src_p.reshape(NS, nb, blk),
                   dst_p.reshape(NS, nb, blk)], axis=2)
    return e.reshape(NS, 2 * nb, blk)



def _rdeg(deg_ref):
    return 1.0 / jnp.maximum(deg_ref[:N_NODES, 0:1], 1.0)


def _bn_relu(h, g_ref, be_ref):
    mu = jnp.mean(h, axis=0, keepdims=True)
    var = jnp.mean((h - mu) * (h - mu), axis=0, keepdims=True)
    h = g_ref[...] * (h - mu) * lax.rsqrt(var + EPS) + be_ref[...]
    return jnp.maximum(h, 0.0)


def _scaled(a_ref, rdeg):
    bf16 = jnp.bfloat16
    return (a_ref[:N_NODES].astype(jnp.float32) * rdeg).astype(bf16)


def _tc1_body(x_ref, a0_ref, a1_ref, d_ref,
              ws_ref, wn_ref, b_ref, g_ref, be_ref,
              h0_ref, h1_ref):
    rdeg = _rdeg(d_ref)
    f32 = jnp.float32
    h = jnp.dot(x_ref[...], ws_ref[...], preferred_element_type=f32)
    h += jnp.dot(_scaled(a0_ref, rdeg), wn_ref[0],
                 preferred_element_type=f32)
    h += jnp.dot(_scaled(a1_ref, rdeg), wn_ref[1],
                 preferred_element_type=f32)
    h += b_ref[...]
    h = _bn_relu(h, g_ref, be_ref)
    h0_ref[...] = h[:, :D_HID // 2].astype(h0_ref.dtype)
    h1_ref[...] = h[:, D_HID // 2:].astype(h1_ref.dtype)


def _tc2_body(x0_ref, x1_ref, a0_ref, a1_ref, d_ref,
              ws_ref, wn_ref, b_ref, g_ref, be_ref, wn3_ref,
              h0_ref, h1_ref, p_ref):
    rdeg = _rdeg(d_ref)
    f32 = jnp.float32
    h = jnp.dot(x0_ref[...], ws_ref[0], preferred_element_type=f32)
    h += jnp.dot(x1_ref[...], ws_ref[1], preferred_element_type=f32)
    h += jnp.dot(_scaled(a0_ref, rdeg), wn_ref[0],
                 preferred_element_type=f32)
    h += jnp.dot(_scaled(a1_ref, rdeg), wn_ref[1],
                 preferred_element_type=f32)
    h += b_ref[...]
    h = _bn_relu(h, g_ref, be_ref)
    hb0 = h[:, :D_HID // 2].astype(h0_ref.dtype)
    hb1 = h[:, D_HID // 2:].astype(h1_ref.dtype)
    h0_ref[...] = hb0
    h1_ref[...] = hb1
    p = jnp.dot(hb0, wn3_ref[0], preferred_element_type=f32)
    p += jnp.dot(hb1, wn3_ref[1], preferred_element_type=f32)
    p_ref[...] = p.astype(p_ref.dtype)


def _tc3_body(x0_ref, x1_ref, a0_ref, a1_ref, d_ref,
              ws_ref, b_ref, out_ref):
    rdeg = _rdeg(d_ref)
    f32 = jnp.float32
    mean = jnp.concatenate(
        [a0_ref[:N_NODES].astype(f32),
         a1_ref[:N_NODES, :N_CLS - 32].astype(f32)], axis=1) * rdeg
    logits = jnp.dot(x0_ref[...], ws_ref[0], preferred_element_type=f32)
    logits += jnp.dot(x1_ref[...], ws_ref[1], preferred_element_type=f32)
    logits += mean + b_ref[...]
    m = jnp.max(logits, axis=1, keepdims=True)
    sh = logits - m
    lse = jnp.log(jnp.sum(jnp.exp(sh), axis=1, keepdims=True))
    out_ref[...] = sh - lse


def kernel(x, edge_index,
           W_self1, W_neigh1, b1, gamma1, beta1,
           W_self2, W_neigh2, b2, gamma2, beta2,
           W_self3, W_neigh3, b3):
    f32 = jnp.float32
    bf16 = jnp.bfloat16
    src = edge_index[0].astype(jnp.int32)
    dst = edge_index[1].astype(jnp.int32)
    pad = E_PAD - N_EDGES
    src_p = jnp.concatenate([src, jnp.zeros((pad,), jnp.int32)])
    pad_dst = N_NODES + jnp.arange(pad, dtype=jnp.int32) % (N_PAD - N_NODES)
    dst_p = jnp.concatenate([dst, pad_dst])
    eidx128 = _pack_eidx(src_p, dst_p, 128)

    xb = x.astype(bf16)
    x0 = xb[:, :D_IN // 2]
    x1 = xb[:, D_IN // 2:]
    z64 = jnp.zeros((N_PAD, 64), bf16)
    z128 = jnp.zeros((N_PAD, 128), bf16)
    z32 = jnp.zeros((N_PAD, 32), bf16)
    zdeg = jnp.zeros((N_PAD, DEG_W), f32)
    ones = jnp.ones((128, DEG_W), f32)

    agg1_0, agg1_1, deg = _make_sc_agg(64, 128, with_deg=True)(
        eidx128, x0, x1, z64, zdeg, ones)

    wn1 = W_neigh1.reshape(2, 64, D_HID).astype(bf16)
    b1r, g1r, be1r = b1.reshape(1, -1), gamma1.reshape(1, -1), beta1.reshape(1, -1)
    h1_0, h1_1 = pl.pallas_call(
        _tc1_body,
        out_shape=[jax.ShapeDtypeStruct((N_NODES, D_HID // 2), bf16)] * 2,
    )(xb, agg1_0, agg1_1, deg, W_self1.astype(bf16), wn1, b1r, g1r, be1r)

    agg2_0, agg2_1 = _make_sc_agg(128, 128)(eidx128, h1_0, h1_1, z128)

    wn2 = W_neigh2.reshape(2, 128, D_HID).astype(bf16)
    wn3p = jnp.pad(W_neigh3, ((0, 0), (0, 64 - N_CLS)))
    wn3p = wn3p.reshape(2, 128, 64).astype(bf16)
    b2r, g2r, be2r = b2.reshape(1, -1), gamma2.reshape(1, -1), beta2.reshape(1, -1)
    ws2 = W_self2.reshape(2, 128, D_HID).astype(bf16)
    h2_0, h2_1, p3 = pl.pallas_call(
        _tc2_body,
        out_shape=[jax.ShapeDtypeStruct((N_NODES, D_HID // 2), bf16)] * 2
        + [jax.ShapeDtypeStruct((N_NODES, 64), bf16)],
    )(h1_0, h1_1, agg2_0, agg2_1, deg, ws2, wn2, b2r, g2r, be2r, wn3p)
    p3_0 = p3[:, :32]
    p3_1 = p3[:, 32:]

    agg3_0, agg3_1 = _make_sc_agg(32, 128)(eidx128, p3_0, p3_1, z32)

    b3r = b3.reshape(1, -1)
    ws3 = W_self3.reshape(2, 128, N_CLS).astype(bf16)
    out = pl.pallas_call(
        _tc3_body,
        out_shape=jax.ShapeDtypeStruct((N_NODES, N_CLS), f32),
    )(h2_0, h2_1, agg3_0, agg3_1, deg, ws3, b3r)
    return out

# --- scband reference (transcript-rebuilt; emitter-appended) ---
"""Pipeline reference for scband-graph-sage-77094662963915 (READ-ONLY COPY).

The authoritative reference and input builder live on the scoring server;
editing this copy changes nothing except your own understanding.
"""

import jax, jax.numpy as jnp
import numpy as np

N_NODES = 10000
N_EDGES = 320000
D_IN = 128
D_HID = 256
N_CLS = 40
EPS = 1e-5


def setup_inputs(seed: int = 0) -> dict:
    key = jax.random.key(seed)
    ks = jax.random.split(key, 16)
    x = jax.random.normal(ks[0], (N_NODES, D_IN), dtype=jnp.float32)
    edge_index = jax.random.randint(ks[1], (2, N_EDGES), 0, N_NODES, dtype=jnp.int64)
    def glorot(k, shape):
        fan_in, fan_out = shape
        lim = np.sqrt(6.0 / (fan_in + fan_out))
        return jax.random.uniform(k, shape, dtype=jnp.float32, minval=-lim, maxval=lim)
    return {
        "x": x,
        "edge_index": edge_index,
        "W_self1": glorot(ks[2], (D_IN, D_HID)),
        "W_neigh1": glorot(ks[3], (D_IN, D_HID)),
        "b1": jnp.zeros((D_HID,), dtype=jnp.float32),
        "gamma1": jnp.ones((D_HID,), dtype=jnp.float32),
        "beta1": jnp.zeros((D_HID,), dtype=jnp.float32),
        "W_self2": glorot(ks[4], (D_HID, D_HID)),
        "W_neigh2": glorot(ks[5], (D_HID, D_HID)),
        "b2": jnp.zeros((D_HID,), dtype=jnp.float32),
        "gamma2": jnp.ones((D_HID,), dtype=jnp.float32),
        "beta2": jnp.zeros((D_HID,), dtype=jnp.float32),
        "W_self3": glorot(ks[6], (D_HID, N_CLS)),
        "W_neigh3": glorot(ks[7], (D_HID, N_CLS)),
        "b3": jnp.zeros((N_CLS,), dtype=jnp.float32),
    }


def _sage_conv(h, src, dst, W_self, W_neigh, b):
    # DGL SAGEConv with 'mean' aggregator:
    # h_neigh = mean_{u in N(v)} h_u ; rst = h_v @ W_self + h_neigh @ W_neigh + b
    msg = jnp.take(h, src, axis=0)                       # gather  [E, d]
    agg = jax.ops.segment_sum(msg, dst, num_segments=N_NODES)   # scatter-add
    deg = jax.ops.segment_sum(jnp.ones((src.shape[0],), dtype=h.dtype), dst,
                              num_segments=N_NODES)
    mean = agg / jnp.clip(deg, 1.0, None)[:, None]
    return h @ W_self + mean @ W_neigh + b


def _batchnorm(h, gamma, beta):
    mu = jnp.mean(h, axis=0, keepdims=True)
    var = jnp.var(h, axis=0, keepdims=True)
    return gamma * (h - mu) / jnp.sqrt(var + EPS) + beta


def reference(x, edge_index,
              W_self1, W_neigh1, b1, gamma1, beta1,
              W_self2, W_neigh2, b2, gamma2, beta2,
              W_self3, W_neigh3, b3):
    src = edge_index[0]
    dst = edge_index[1]
    h = _sage_conv(x, src, dst, W_self1, W_neigh1, b1)
    h = _batchnorm(h, gamma1, beta1)
    h = jax.nn.relu(h)
    # dropout is identity in eval / deterministic reference
    h = _sage_conv(h, src, dst, W_self2, W_neigh2, b2)
    h = _batchnorm(h, gamma2, beta2)
    h = jax.nn.relu(h)
    h = _sage_conv(h, src, dst, W_self3, W_neigh3, b3)
    return jax.nn.log_softmax(h, axis=-1)

if __name__ == "__main__":
    import jax
    _d = setup_inputs()
    print(jax.jit(kernel)(*tuple(_d.values())))

</pallas_src>

<mosaic_0001>
#map = affine_map<(d0, d1) -> (0, 0, 0)>
#map1 = affine_map<(d0, d1) -> (0, 0)>
module attributes {stable_mosaic.version = 14 : i64} {
  func.func @_sc_agg_body(%arg0: i32, %arg1: i32, %arg2: memref<16x320x128xi32, #tpu.memory_space<hbm>>, %arg3: memref<10000x32xbf16, #tpu.memory_space<hbm>>, %arg4: memref<10000x32xbf16, #tpu.memory_space<hbm>>, %arg5: memref<10112x32xbf16, #tpu.memory_space<hbm>>, %arg6: memref<10112x32xbf16, #tpu.memory_space<hbm>>, %arg7: memref<10112x32xbf16, #tpu.memory_space<hbm>>, %arg8: memref<2x128xi32, #tpu.memory_space<vmem>>, %arg9: memref<2x128xi32, #tpu.memory_space<vmem>>, %arg10: memref<2x128xi32, #tpu.memory_space<vmem>>, %arg11: memref<2x128xi32, #tpu.memory_space<vmem>>, %arg12: memref<2x128xi32, #tpu.memory_space<vmem>>, %arg13: memref<2x128xi32, #tpu.memory_space<vmem>>, %arg14: memref<2x128xi32, #tpu.memory_space<vmem>>, %arg15: memref<2x128xi32, #tpu.memory_space<vmem>>, %arg16: memref<128x32xbf16, #tpu.memory_space<vmem>>, %arg17: memref<128x32xbf16, #tpu.memory_space<vmem>>, %arg18: memref<128x32xbf16, #tpu.memory_space<vmem>>, %arg19: memref<128x32xbf16, #tpu.memory_space<vmem>>, %arg20: memref<10112x32xbf16, #tpu.memory_space<vmem_shared>>, %arg21: memref<!tpu.dma_semaphore, #tpu.memory_space<semaphore_mem>>, %arg22: memref<!tpu.dma_semaphore, #tpu.memory_space<semaphore_mem>>, %arg23: memref<!tpu.dma_semaphore, #tpu.memory_space<semaphore_mem>>, %arg24: memref<!tpu.dma_semaphore, #tpu.memory_space<semaphore_mem>>, %arg25: memref<!tpu.dma_semaphore, #tpu.memory_space<semaphore_mem>>, %arg26: memref<!tpu.dma_semaphore, #tpu.memory_space<semaphore_mem>>, %arg27: memref<!tpu.dma_semaphore, #tpu.memory_space<semaphore_mem>>, %arg28: memref<!tpu.dma_semaphore, #tpu.memory_space<semaphore_mem>>, %arg29: memref<!tpu.dma_semaphore, #tpu.memory_space<semaphore_mem>>, %arg30: memref<!tpu.dma_semaphore, #tpu.memory_space<semaphore_mem>>, %arg31: memref<!tpu.dma_semaphore, #tpu.memory_space<semaphore_mem>>, %arg32: memref<!tpu.dma_semaphore, #tpu.memory_space<semaphore_mem>>, %arg33: memref<!tpu.dma_semaphore, #tpu.memory_space<semaphore_mem>>, %arg34: memref<!tpu.dma_semaphore, #tpu.memory_space<semaphore_mem>>, %arg35: memref<!tpu.dma_semaphore, #tpu.memory_space<semaphore_mem>>, %arg36: memref<!tpu.dma_semaphore, #tpu.memory_space<semaphore_mem>>) attributes {dimension_semantics = [#tpu.dimension_semantics<core_parallel>, #tpu.dimension_semantics<subcore_parallel>], iteration_bounds = array<i64: 2, 16>, scalar_prefetch = 0 : i64, scratch_operands = 29 : i64, tpu.core_type = #tpu.core_type<sc_vector_subcore>, window_params = [{transform_indices = #map}, {transform_indices = #map1}, {transform_indices = #map1}, {transform_indices = #map1}, {transform_indices = #map1}, {transform_indices = #map1}]} {
    %mul3A = arith.constant 632 : i32
    %mul3A_0 = arith.muli %arg1, %mul3A : i32
    "tpu.region"() ({
      %run_scoped3A = tpu.sem_alloc : memref<!tpu.dma_semaphore, #tpu.memory_space<semaphore_mem>>
      %dma_start3A_94 = arith.constant 0 : i32
      %dma_start3A_95 = tpu.memref_slice %arg20[%mul3A_0, %dma_start3A_94] : memref<10112x32xbf16, #tpu.memory_space<vmem_shared>> -> memref<632x32xbf16, #tpu.memory_space<vmem_shared>>
      %dma_start3A_96 = arith.constant 0 : i32
      %dma_start3A_97 = tpu.memref_slice %arg5[%mul3A_0, %dma_start3A_96] : memref<10112x32xbf16, #tpu.memory_space<hbm>> -> memref<632x32xbf16, #tpu.memory_space<hbm>>
      tpu.enqueue_dma source(%dma_start3A_97 : memref<632x32xbf16, #tpu.memory_space<hbm>>) target(%dma_start3A_95 : memref<632x32xbf16, #tpu.memory_space<vmem_shared>>) target_semaphore(%run_scoped3A : memref<!tpu.dma_semaphore, #tpu.memory_space<semaphore_mem>>)
      %dma_wait3A_98 = arith.constant 0 : i32
      %dma_wait3A_99 = tpu.memref_slice %arg20[%mul3A_0, %dma_wait3A_98] : memref<10112x32xbf16, #tpu.memory_space<vmem_shared>> -> memref<632x32xbf16, #tpu.memory_space<vmem_shared>>
      %dma_wait3A_100 = arith.constant 0 : i32
      %dma_wait3A_101 = tpu.memref_slice %arg5[%mul3A_0, %dma_wait3A_100] : memref<10112x32xbf16, #tpu.memory_space<hbm>> -> memref<632x32xbf16, #tpu.memory_space<hbm>>
      tpu.wait_dma2 semaphore(%run_scoped3A : memref<!tpu.dma_semaphore, #tpu.memory_space<semaphore_mem>>) src(%dma_wait3A_101 : memref<632x32xbf16, #tpu.memory_space<hbm>>) dst(%dma_wait3A_99 : memref<632x32xbf16, #tpu.memory_space<vmem_shared>>)
      tpu.yield
    }) : () -> ()
    %barrier3A = arith.constant 0 : index
    tpu.barrier barrier_id(%barrier3A)
    %dma_start3A = arith.constant 0 : i32
    %dma_start3A_1 = arith.constant 0 : i32
    %dma_start3A_2 = tpu.memref_slice %arg2[%arg1, %dma_start3A, %dma_start3A_1] : memref<16x320x128xi32, #tpu.memory_space<hbm>> -> memref<1x2x128xi32, #tpu.memory_space<hbm>>
    %dma_start3A_3 = tpu.memref_squeeze %dma_start3A_2 : memref<1x2x128xi32, #tpu.memory_space<hbm>> -> memref<2x128xi32, #tpu.memory_space<hbm>>
    %dma_start3A_4 = arith.constant 0 : i32
    %dma_start3A_5 = arith.constant 0 : i32
    %dma_start3A_6 = tpu.memref_slice %arg2[%arg1, %dma_start3A_4, %dma_start3A_5] : memref<16x320x128xi32, #tpu.memory_space<hbm>> -> memref<1x2x128xi32, #tpu.memory_space<hbm>>
    %dma_start3A_7 = tpu.memref_squeeze %dma_start3A_6 : memref<1x2x128xi32, #tpu.memory_space<hbm>> -> memref<2x128xi32, #tpu.memory_space<hbm>>
    tpu.enqueue_dma source(%dma_start3A_7 : memref<2x128xi32, #tpu.memory_space<hbm>>) target(%arg8 : memref<2x128xi32, #tpu.memory_space<vmem>>) target_semaphore(%arg21 : memref<!tpu.dma_semaphore, #tpu.memory_space<semaphore_mem>>)
    %dma_start3A_8 = arith.constant 2 : i32
    %dma_start3A_9 = arith.constant 0 : i32
    %dma_start3A_10 = tpu.memref_slice %arg2[%arg1, %dma_start3A_8, %dma_start3A_9] : memref<16x320x128xi32, #tpu.memory_space<hbm>> -> memref<1x2x128xi32, #tpu.memory_space<hbm>>
    %dma_start3A_11 = tpu.memref_squeeze %dma_start3A_10 : memref<1x2x128xi32, #tpu.memory_space<hbm>> -> memref<2x128xi32, #tpu.memory_space<hbm>>
    %dma_start3A_12 = arith.constant 2 : i32
    %dma_start3A_13 = arith.constant 0 : i32
    %dma_start3A_14 = tpu.memref_slice %arg2[%arg1, %dma_start3A_12, %dma_start3A_13] : memref<16x320x128xi32, #tpu.memory_space<hbm>> -> memref<1x2x128xi32, #tpu.memory_space<hbm>>
    %dma_start3A_15 = tpu.memref_squeeze %dma_start3A_14 : memref<1x2x128xi32, #tpu.memory_space<hbm>> -> memref<2x128xi32, #tpu.memory_space<hbm>>
    tpu.enqueue_dma source(%dma_start3A_15 : memref<2x128xi32, #tpu.memory_space<hbm>>) target(%arg9 : memref<2x128xi32, #tpu.memory_space<vmem>>) target_semaphore(%arg22 : memref<!tpu.dma_semaphore, #tpu.memory_space<semaphore_mem>>)
    %dma_start3A_16 = arith.constant 4 : i32
    %dma_start3A_17 = arith.constant 0 : i32
    %dma_start3A_18 = tpu.memref_slice %arg2[%arg1, %dma_start3A_16, %dma_start3A_17] : memref<16x320x128xi32, #tpu.memory_space<hbm>> -> memref<1x2x128xi32, #tpu.memory_space<hbm>>
    %dma_start3A_19 = tpu.memref_squeeze %dma_start3A_18 : memref<1x2x128xi32, #tpu.memory_space<hbm>> -> memref<2x128xi32, #tpu.memory_space<hbm>>
    %dma_start3A_20 = arith.constant 4 : i32
    %dma_start3A_21 = arith.constant 0 : i32
    %dma_start3A_22 = tpu.memref_slice %arg2[%arg1, %dma_start3A_20, %dma_start3A_21] : memref<16x320x128xi32, #tpu.memory_space<hbm>> -> memref<1x2x128xi32, #tpu.memory_space<hbm>>
    %dma_start3A_23 = tpu.memref_squeeze %dma_start3A_22 : memref<1x2x128xi32, #tpu.memory_space<hbm>> -> memref<2x128xi32, #tpu.memory_space<hbm>>
    tpu.enqueue_dma source(%dma_start3A_23 : memref<2x128xi32, #tpu.memory_space<hbm>>) target(%arg10 : memref<2x128xi32, #tpu.memory_space<vmem>>) target_semaphore(%arg23 : memref<!tpu.dma_semaphore, #tpu.memory_space<semaphore_mem>>)
    %dma_start3A_24 = arith.constant 6 : i32
    %dma_start3A_25 = arith.constant 0 : i32
    %dma_start3A_26 = tpu.memref_slice %arg2[%arg1, %dma_start3A_24, %dma_start3A_25] : memref<16x320x128xi32, #tpu.memory_space<hbm>> -> memref<1x2x128xi32, #tpu.memory_space<hbm>>
    %dma_start3A_27 = tpu.memref_squeeze %dma_start3A_26 : memref<1x2x128xi32, #tpu.memory_space<hbm>> -> memref<2x128xi32, #tpu.memory_space<hbm>>
    %dma_start3A_28 = arith.constant 6 : i32
    %dma_start3A_29 = arith.constant 0 : i32
    %dma_start3A_30 = tpu.memref_slice %arg2[%arg1, %dma_start3A_28, %dma_start3A_29] : memref<16x320x128xi32, #tpu.memory_space<hbm>> -> memref<1x2x128xi32, #tpu.memory_space<hbm>>
    %dma_start3A_31 = tpu.memref_squeeze %dma_start3A_30 : memref<1x2x128xi32, #tpu.memory_space<hbm>> -> memref<2x128xi32, #tpu.memory_space<hbm>>
    tpu.enqueue_dma source(%dma_start3A_31 : memref<2x128xi32, #tpu.memory_space<hbm>>) target(%arg11 : memref<2x128xi32, #tpu.memory_space<vmem>>) target_semaphore(%arg24 : memref<!tpu.dma_semaphore, #tpu.memory_space<semaphore_mem>>)
    %dma_wait3A = arith.constant 0 : i32
    %dma_wait3A_32 = arith.constant 0 : i32
    %dma_wait3A_33 = tpu.memref_slice %arg2[%arg1, %dma_wait3A, %dma_wait3A_32] : memref<16x320x128xi32, #tpu.memory_space<hbm>> -> memref<1x2x128xi32, #tpu.memory_space<hbm>>
    %dma_wait3A_34 = tpu.memref_squeeze %dma_wait3A_33 : memref<1x2x128xi32, #tpu.memory_space<hbm>> -> memref<2x128xi32, #tpu.memory_space<hbm>>
    %dma_wait3A_35 = arith.constant 0 : i32
    %dma_wait3A_36 = arith.constant 0 : i32
    %dma_wait3A_37 = tpu.memref_slice %arg2[%arg1, %dma_wait3A_35, %dma_wait3A_36] : memref<16x320x128xi32, #tpu.memory_space<hbm>> -> memref<1x2x128xi32, #tpu.memory_space<hbm>>
    %dma_wait3A_38 = tpu.memref_squeeze %dma_wait3A_37 : memref<1x2x128xi32, #tpu.memory_space<hbm>> -> memref<2x128xi32, #tpu.memory_space<hbm>>
    tpu.wait_dma2 semaphore(%arg21 : memref<!tpu.dma_semaphore, #tpu.memory_space<semaphore_mem>>) src(%dma_wait3A_38 : memref<2x128xi32, #tpu.memory_space<hbm>>) dst(%arg8 : memref<2x128xi32, #tpu.memory_space<vmem>>)
    %eq3A = arith.constant 0 : i32
    %eq3A_39 = arith.cmpi eq, %arg0, %eq3A : i32
    %convert_element_type3A = arith.extui %eq3A_39 : i1 to i32
    %cond3A = arith.constant 0 : i32
    %cond3A_40 = arith.cmpi ne, %convert_element_type3A, %cond3A : i32
    scf.if %cond3A_40 {
      %dma_start3A_94 = arith.constant 0 : i32
      %dma_start3A_95 = arith.constant 0 : i32
      %dma_start3A_96 = tpu.memref_slice %arg8[%dma_start3A_94, %dma_start3A_95] : memref<2x128xi32, #tpu.memory_space<vmem>> -> memref<1x128xi32, #tpu.memory_space<vmem>>
      %dma_start3A_97 = tpu.memref_squeeze %dma_start3A_96 : memref<1x128xi32, #tpu.memory_space<vmem>> -> memref<128xi32, #tpu.memory_space<vmem>>
      %dma_start3A_98 = arith.constant 0 : i32
      %dma_start3A_99 = arith.constant 0 : i32
      %dma_start3A_100 = tpu.memref_slice %arg3[%dma_start3A_98, %dma_start3A_99] : memref<10000x32xbf16, #tpu.memory_space<hbm>> -> memref<10000x32xbf16, #tpu.memory_space<hbm>>
      tpu.enqueue_indirect_dma source(%dma_start3A_100 : memref<10000x32xbf16, #tpu.memory_space<hbm>>) target(%arg16 : memref<128x32xbf16, #tpu.memory_space<vmem>>) offsets(%dma_start3A_97 : memref<128xi32, #tpu.memory_space<vmem>>) semaphore(%arg29 : memref<!tpu.dma_semaphore, #tpu.memory_space<semaphore_mem>>)
    } else {
    }
    %eq3A_41 = arith.constant 1 : i32
    %eq3A_42 = arith.cmpi eq, %arg0, %eq3A_41 : i32
    %convert_element_type3A_43 = arith.extui %eq3A_42 : i1 to i32
    %cond3A_44 = arith.constant 0 : i32
    %cond3A_45 = arith.cmpi ne, %convert_element_type3A_43, %cond3A_44 : i32
    scf.if %cond3A_45 {
      %dma_start3A_94 = arith.constant 0 : i32
      %dma_start3A_95 = arith.constant 0 : i32
      %dma_start3A_96 = tpu.memref_slice %arg8[%dma_start3A_94, %dma_start3A_95] : memref<2x128xi32, #tpu.memory_space<vmem>> -> memref<1x128xi32, #tpu.memory_space<vmem>>
      %dma_start3A_97 = tpu.memref_squeeze %dma_start3A_96 : memref<1x128xi32, #tpu.memory_space<vmem>> -> memref<128xi32, #tpu.memory_space<vmem>>
      %dma_start3A_98 = arith.constant 0 : i32
      %dma_start3A_99 = arith.constant 0 : i32
      %dma_start3A_100 = tpu.memref_slice %arg4[%dma_start3A_98, %dma_start3A_99] : memref<10000x32xbf16, #tpu.memory_space<hbm>> -> memref<10000x32xbf16, #tpu.memory_space<hbm>>
      tpu.enqueue_indirect_dma source(%dma_start3A_100 : memref<10000x32xbf16, #tpu.memory_space<hbm>>) target(%arg16 : memref<128x32xbf16, #tpu.memory_space<vmem>>) offsets(%dma_start3A_97 : memref<128xi32, #tpu.memory_space<vmem>>) semaphore(%arg29 : memref<!tpu.dma_semaphore, #tpu.memory_space<semaphore_mem>>)
    } else {
    }
    %dma_wait3A_46 = arith.constant 2 : i32
    %dma_wait3A_47 = arith.constant 0 : i32
    %dma_wait3A_48 = tpu.memref_slice %arg2[%arg1, %dma_wait3A_46, %dma_wait3A_47] : memref<16x320x128xi32, #tpu.memory_space<hbm>> -> memref<1x2x128xi32, #tpu.memory_space<hbm>>
    %dma_wait3A_49 = tpu.memref_squeeze %dma_wait3A_48 : memref<1x2x128xi32, #tpu.memory_space<hbm>> -> memref<2x128xi32, #tpu.memory_space<hbm>>
    %dma_wait3A_50 = arith.constant 2 : i32
    %dma_wait3A_51 = arith.constant 0 : i32
    %dma_wait3A_52 = tpu.memref_slice %arg2[%arg1, %dma_wait3A_50, %dma_wait3A_51] : memref<16x320x128xi32, #tpu.memory_space<hbm>> -> memref<1x2x128xi32, #tpu.memory_space<hbm>>
    %dma_wait3A_53 = tpu.memref_squeeze %dma_wait3A_52 : memref<1x2x128xi32, #tpu.memory_space<hbm>> -> memref<2x128xi32, #tpu.memory_space<hbm>>
    tpu.wait_dma2 semaphore(%arg22 : memref<!tpu.dma_semaphore, #tpu.memory_space<semaphore_mem>>) src(%dma_wait3A_53 : memref<2x128xi32, #tpu.memory_space<hbm>>) dst(%arg9 : memref<2x128xi32, #tpu.memory_space<vmem>>)
    %eq3A_54 = arith.constant 0 : i32
    %eq3A_55 = arith.cmpi eq, %arg0, %eq3A_54 : i32
    %convert_element_type3A_56 = arith.extui %eq3A_55 : i1 to i32
    %cond3A_57 = arith.constant 0 : i32
    %cond3A_58 = arith.cmpi ne, %convert_element_type3A_56, %cond3A_57 : i32
    scf.if %cond3A_58 {
      %dma_start3A_94 = arith.constant 0 : i32
      %dma_start3A_95 = arith.constant 0 : i32
      %dma_start3A_96 = tpu.memref_slice %arg9[%dma_start3A_94, %dma_start3A_95] : memref<2x128xi32, #tpu.memory_space<vmem>> -> memref<1x128xi32, #tpu.memory_space<vmem>>
      %dma_start3A_97 = tpu.memref_squeeze %dma_start3A_96 : memref<1x128xi32, #tpu.memory_space<vmem>> -> memref<128xi32, #tpu.memory_space<vmem>>
      %dma_start3A_98 = arith.constant 0 : i32
      %dma_start3A_99 = arith.constant 0 : i32
      %dma_start3A_100 = tpu.memref_slice %arg3[%dma_start3A_98, %dma_start3A_99] : memref<10000x32xbf16, #tpu.memory_space<hbm>> -> memref<10000x32xbf16, #tpu.memory_space<hbm>>
      tpu.enqueue_indirect_dma source(%dma_start3A_100 : memref<10000x32xbf16, #tpu.memory_space<hbm>>) target(%arg17 : memref<128x32xbf16, #tpu.memory_space<vmem>>) offsets(%dma_start3A_97 : memref<128xi32, #tpu.memory_space<vmem>>) semaphore(%arg30 : memref<!tpu.dma_semaphore, #tpu.memory_space<semaphore_mem>>)
    } else {
    }
    %eq3A_59 = arith.constant 1 : i32
    %eq3A_60 = arith.cmpi eq, %arg0, %eq3A_59 : i32
    %convert_element_type3A_61 = arith.extui %eq3A_60 : i1 to i32
    %cond3A_62 = arith.constant 0 : i32
    %cond3A_63 = arith.cmpi ne, %convert_element_type3A_61, %cond3A_62 : i32
    scf.if %cond3A_63 {
      %dma_start3A_94 = arith.constant 0 : i32
      %dma_start3A_95 = arith.constant 0 : i32
      %dma_start3A_96 = tpu.memref_slice %arg9[%dma_start3A_94, %dma_start3A_95] : memref<2x128xi32, #tpu.memory_space<vmem>> -> memref<1x128xi32, #tpu.memory_space<vmem>>
      %dma_start3A_97 = tpu.memref_squeeze %dma_start3A_96 : memref<1x128xi32, #tpu.memory_space<vmem>> -> memref<128xi32, #tpu.memory_space<vmem>>
      %dma_start3A_98 = arith.constant 0 : i32
      %dma_start3A_99 = arith.constant 0 : i32
      %dma_start3A_100 = tpu.memref_slice %arg4[%dma_start3A_98, %dma_start3A_99] : memref<10000x32xbf16, #tpu.memory_space<hbm>> -> memref<10000x32xbf16, #tpu.memory_space<hbm>>
      tpu.enqueue_indirect_dma source(%dma_start3A_100 : memref<10000x32xbf16, #tpu.memory_space<hbm>>) target(%arg17 : memref<128x32xbf16, #tpu.memory_space<vmem>>) offsets(%dma_start3A_97 : memref<128xi32, #tpu.memory_space<vmem>>) semaphore(%arg30 : memref<!tpu.dma_semaphore, #tpu.memory_space<semaphore_mem>>)
    } else {
    }
    %scan3A = arith.constant 0 : i32
    %scan3A_64 = arith.constant 0 : i32
    %scan3A_65 = arith.constant 20 : i32
    %scan3A_66 = arith.addi %scan3A_64, %scan3A_65 : i32
    %scan3A_67 = arith.constant 1 : i32
    scf.for %scan3A_94 = %scan3A_64 to %scan3A_66 step %scan3A_67  : i32 {
      %mul3A_95 = arith.constant 8 : i32
      %mul3A_96 = arith.muli %scan3A_94, %mul3A_95 : i32
      %add3A = arith.constant 0 : i32
      %add3A_97 = arith.addi %mul3A_96, %add3A : i32
      %add3A_98 = arith.constant 4 : i32
      %add3A_99 = arith.addi %add3A_97, %add3A_98 : i32
      %lt3A = arith.constant 160 : i32
      %lt3A_100 = arith.cmpi slt, %add3A_99, %lt3A : i32
      %convert_element_type3A_101 = arith.extui %lt3A_100 : i1 to i32
      %cond3A_102 = arith.constant 0 : i32
      %cond3A_103 = arith.cmpi ne, %convert_element_type3A_101, %cond3A_102 : i32
      scf.if %cond3A_103 {
        %add3A_388 = arith.constant 4 : i32
        %add3A_389 = arith.addi %add3A_97, %add3A_388 : i32
        %mul3A_390 = arith.constant 2 : i32
        %mul3A_391 = arith.muli %mul3A_390, %add3A_389 : i32
        %dma_start3A_392 = arith.constant 0 : i32
        %dma_start3A_393 = tpu.memref_slice %arg2[%arg1, %mul3A_391, %dma_start3A_392] : memref<16x320x128xi32, #tpu.memory_space<hbm>> -> memref<1x2x128xi32, #tpu.memory_space<hbm>>
        %dma_start3A_394 = tpu.memref_squeeze %dma_start3A_393 : memref<1x2x128xi32, #tpu.memory_space<hbm>> -> memref<2x128xi32, #tpu.memory_space<hbm>>
        %dma_start3A_395 = arith.constant 0 : i32
        %dma_start3A_396 = tpu.memref_slice %arg2[%arg1, %mul3A_391, %dma_start3A_395] : memref<16x320x128xi32, #tpu.memory_space<hbm>> -> memref<1x2x128xi32, #tpu.memory_space<hbm>>
        %dma_start3A_397 = tpu.memref_squeeze %dma_start3A_396 : memref<1x2x128xi32, #tpu.memory_space<hbm>> -> memref<2x128xi32, #tpu.memory_space<hbm>>
        tpu.enqueue_dma source(%dma_start3A_397 : memref<2x128xi32, #tpu.memory_space<hbm>>) target(%arg12 : memref<2x128xi32, #tpu.memory_space<vmem>>) target_semaphore(%arg25 : memref<!tpu.dma_semaphore, #tpu.memory_space<semaphore_mem>>)
      } else {
      }
      %dma_wait3A_104 = arith.constant 0 : i32
      %dma_wait3A_105 = arith.constant 0 : i32
      %dma_wait3A_106 = tpu.memref_slice %arg8[%dma_wait3A_104, %dma_wait3A_105] : memref<2x128xi32, #tpu.memory_space<vmem>> -> memref<1x128xi32, #tpu.memory_space<vmem>>
      %dma_wait3A_107 = tpu.memref_squeeze %dma_wait3A_106 : memref<1x128xi32, #tpu.memory_space<vmem>> -> memref<128xi32, #tpu.memory_space<vmem>>
      %dma_wait3A_108 = arith.constant 0 : i32
      %dma_wait3A_109 = arith.constant 0 : i32
      %dma_wait3A_110 = tpu.memref_slice %arg3[%dma_wait3A_108, %dma_wait3A_109] : memref<10000x32xbf16, #tpu.memory_space<hbm>> -> memref<10000x32xbf16, #tpu.memory_space<hbm>>
      tpu.wait_indirect_dma semaphore(%arg29 : memref<!tpu.dma_semaphore, #tpu.memory_space<semaphore_mem>>) src(%dma_wait3A_110 : memref<10000x32xbf16, #tpu.memory_space<hbm>>) dst(%arg16 : memref<128x32xbf16, #tpu.memory_space<vmem>>)
      %dma_start3A_111 = arith.constant 1 : i32
      %dma_start3A_112 = arith.constant 0 : i32
      %dma_start3A_113 = tpu.memref_slice %arg8[%dma_start3A_111, %dma_start3A_112] : memref<2x128xi32, #tpu.memory_space<vmem>> -> memref<1x128xi32, #tpu.memory_space<vmem>>
      %dma_start3A_114 = tpu.memref_squeeze %dma_start3A_113 : memref<1x128xi32, #tpu.memory_space<vmem>> -> memref<128xi32, #tpu.memory_space<vmem>>
      %dma_start3A_115 = arith.constant 0 : i32
      %dma_start3A_116 = arith.constant 0 : i32
      %dma_start3A_117 = tpu.memref_slice %arg20[%dma_start3A_115, %dma_start3A_116] : memref<10112x32xbf16, #tpu.memory_space<vmem_shared>> -> memref<10112x32xbf16, #tpu.memory_space<vmem_shared>>
      tpu.enqueue_indirect_dma source(%arg16 : memref<128x32xbf16, #tpu.memory_space<vmem>>) target(%dma_start3A_117 : memref<10112x32xbf16, #tpu.memory_space<vmem_shared>>) offsets(%dma_start3A_114 : memref<128xi32, #tpu.memory_space<vmem>>) semaphore(%arg33 : memref<!tpu.dma_semaphore, #tpu.memory_space<semaphore_mem>>) {add = true}
      %ge3A = arith.constant 2 : i32
      %ge3A_118 = arith.cmpi sge, %add3A_97, %ge3A : i32
      %convert_element_type3A_119 = arith.extui %ge3A_118 : i1 to i32
      %cond3A_120 = arith.constant 0 : i32
      %cond3A_121 = arith.cmpi ne, %convert_element_type3A_119, %cond3A_120 : i32
      scf.if %cond3A_121 {
        %dma_wait3A_388 = arith.constant 1 : i32
        %dma_wait3A_389 = arith.constant 0 : i32
        %dma_wait3A_390 = tpu.memref_slice %arg14[%dma_wait3A_388, %dma_wait3A_389] : memref<2x128xi32, #tpu.memory_space<vmem>> -> memref<1x128xi32, #tpu.memory_space<vmem>>
        %dma_wait3A_391 = tpu.memref_squeeze %dma_wait3A_390 : memref<1x128xi32, #tpu.memory_space<vmem>> -> memref<128xi32, #tpu.memory_space<vmem>>
        %dma_wait3A_392 = arith.constant 0 : i32
        %dma_wait3A_393 = arith.constant 0 : i32
        %dma_wait3A_394 = tpu.memref_slice %arg20[%dma_wait3A_392, %dma_wait3A_393] : memref<10112x32xbf16, #tpu.memory_space<vmem_shared>> -> memref<10112x32xbf16, #tpu.memory_space<vmem_shared>>
        tpu.wait_indirect_dma semaphore(%arg35 : memref<!tpu.dma_semaphore, #tpu.memory_space<semaphore_mem>>) src(%arg18 : memref<128x32xbf16, #tpu.memory_space<vmem>>) dst(%dma_wait3A_394 : memref<10112x32xbf16, #tpu.memory_space<vmem_shared>>)
      } else {
      }
      %add3A_122 = arith.constant 2 : i32
      %add3A_123 = arith.addi %add3A_97, %add3A_122 : i32
      %lt3A_124 = arith.constant 160 : i32
      %lt3A_125 = arith.cmpi slt, %add3A_123, %lt3A_124 : i32
      %convert_element_type3A_126 = arith.extui %lt3A_125 : i1 to i32
      %cond3A_127 = arith.constant 0 : i32
      %cond3A_128 = arith.cmpi ne, %convert_element_type3A_126, %cond3A_127 : i32
      scf.if %cond3A_128 {
        %add3A_388 = arith.constant 2 : i32
        %add3A_389 = arith.addi %add3A_97, %add3A_388 : i32
        %mul3A_390 = arith.constant 2 : i32
        %mul3A_391 = arith.muli %mul3A_390, %add3A_389 : i32
        %dma_wait3A_392 = arith.constant 0 : i32
        %dma_wait3A_393 = tpu.memref_slice %arg2[%arg1, %mul3A_391, %dma_wait3A_392] : memref<16x320x128xi32, #tpu.memory_space<hbm>> -> memref<1x2x128xi32, #tpu.memory_space<hbm>>
        %dma_wait3A_394 = tpu.memref_squeeze %dma_wait3A_393 : memref<1x2x128xi32, #tpu.memory_space<hbm>> -> memref<2x128xi32, #tpu.memory_space<hbm>>
        %dma_wait3A_395 = arith.constant 0 : i32
        %dma_wait3A_396 = tpu.memref_slice %arg2[%arg1, %mul3A_391, %dma_wait3A_395] : memref<16x320x128xi32, #tpu.memory_space<hbm>> -> memref<1x2x128xi32, #tpu.memory_space<hbm>>
        %dma_wait3A_397 = tpu.memref_squeeze %dma_wait3A_396 : memref<1x2x128xi32, #tpu.memory_space<hbm>> -> memref<2x128xi32, #tpu.memory_space<hbm>>
        tpu.wait_dma2 semaphore(%arg23 : memref<!tpu.dma_semaphore, #tpu.memory_space<semaphore_mem>>) src(%dma_wait3A_397 : memref<2x128xi32, #tpu.memory_space<hbm>>) dst(%arg10 : memref<2x128xi32, #tpu.memory_space<vmem>>)
        %add3A_398 = arith.constant 2 : i32
        %add3A_399 = arith.addi %add3A_97, %add3A_398 : i32
        %eq3A_400 = arith.constant 0 : i32
        %eq3A_401 = arith.cmpi eq, %arg0, %eq3A_400 : i32
        %convert_element_type3A_402 = arith.extui %eq3A_401 : i1 to i32
        %cond3A_403 = arith.constant 0 : i32
        %cond3A_404 = arith.cmpi ne, %convert_element_type3A_402, %cond3A_403 : i32
        scf.if %cond3A_404 {
          %dma_start3A_410 = arith.constant 0 : i32
          %dma_start3A_411 = arith.constant 0 : i32
          %dma_start3A_412 = tpu.memref_slice %arg10[%dma_start3A_410, %dma_start3A_411] : memref<2x128xi32, #tpu.memory_space<vmem>> -> memref<1x128xi32, #tpu.memory_space<vmem>>
          %dma_start3A_413 = tpu.memref_squeeze %dma_start3A_412 : memref<1x128xi32, #tpu.memory_space<vmem>> -> memref<128xi32, #tpu.memory_space<vmem>>
          %dma_start3A_414 = arith.constant 0 : i32
          %dma_start3A_415 = arith.constant 0 : i32
          %dma_start3A_416 = tpu.memref_slice %arg3[%dma_start3A_414, %dma_start3A_415] : memref<10000x32xbf16, #tpu.memory_space<hbm>> -> memref<10000x32xbf16, #tpu.memory_space<hbm>>
          tpu.enqueue_indirect_dma source(%dma_start3A_416 : memref<10000x32xbf16, #tpu.memory_space<hbm>>) target(%arg18 : memref<128x32xbf16, #tpu.memory_space<vmem>>) offsets(%dma_start3A_413 : memref<128xi32, #tpu.memory_space<vmem>>) semaphore(%arg31 : memref<!tpu.dma_semaphore, #tpu.memory_space<semaphore_mem>>)
        } else {
        }
        %eq3A_405 = arith.constant 1 : i32
        %eq3A_406 = arith.cmpi eq, %arg0, %eq3A_405 : i32
        %convert_element_type3A_407 = arith.extui %eq3A_406 : i1 to i32
        %cond3A_408 = arith.constant 0 : i32
        %cond3A_409 = arith.cmpi ne, %convert_element_type3A_407, %cond3A_408 : i32
        scf.if %cond3A_409 {
          %dma_start3A_410 = arith.constant 0 : i32
          %dma_start3A_411 = arith.constant 0 : i32
          %dma_start3A_412 = tpu.memref_slice %arg10[%dma_start3A_410, %dma_start3A_411] : memref<2x128xi32, #tpu.memory_space<vmem>> -> memref<1x128xi32, #tpu.memory_space<vmem>>
          %dma_start3A_413 = tpu.memref_squeeze %dma_start3A_412 : memref<1x128xi32, #tpu.memory_space<vmem>> -> memref<128xi32, #tpu.memory_space<vmem>>
          %dma_start3A_414 = arith.constant 0 : i32
          %dma_start3A_415 = arith.constant 0 : i32
          %dma_start3A_416 = tpu.memref_slice %arg4[%dma_start3A_414, %dma_start3A_415] : memref<10000x32xbf16, #tpu.memory_space<hbm>> -> memref<10000x32xbf16, #tpu.memory_space<hbm>>
          tpu.enqueue_indirect_dma source(%dma_start3A_416 : memref<10000x32xbf16, #tpu.memory_space<hbm>>) target(%arg18 : memref<128x32xbf16, #tpu.memory_space<vmem>>) offsets(%dma_start3A_413 : memref<128xi32, #tpu.memory_space<vmem>>) semaphore(%arg31 : memref<!tpu.dma_semaphore, #tpu.memory_space<semaphore_mem>>)
        } else {
        }
      } else {
      }
      %mul3A_129 = arith.constant 8 : i32
      %mul3A_130 = arith.muli %scan3A_94, %mul3A_129 : i32
      %add3A_131 = arith.constant 1 : i32
      %add3A_132 = arith.addi %mul3A_130, %add3A_131 : i32
      %add3A_133 = arith.constant 4 : i32
      %add3A_134 = arith.addi %add3A_132, %add3A_133 : i32
      %lt3A_135 = arith.constant 160 : i32
      %lt3A_136 = arith.cmpi slt, %add3A_134, %lt3A_135 : i32
      %convert_element_type3A_137 = arith.extui %lt3A_136 : i1 to i32
      %cond3A_138 = arith.constant 0 : i32
      %cond3A_139 = arith.cmpi ne, %convert_element_type3A_137, %cond3A_138 : i32
      scf.if %cond3A_139 {
        %add3A_388 = arith.constant 4 : i32
        %add3A_389 = arith.addi %add3A_132, %add3A_388 : i32
        %mul3A_390 = arith.constant 2 : i32
        %mul3A_391 = arith.muli %mul3A_390, %add3A_389 : i32
        %dma_start3A_392 = arith.constant 0 : i32
        %dma_start3A_393 = tpu.memref_slice %arg2[%arg1, %mul3A_391, %dma_start3A_392] : memref<16x320x128xi32, #tpu.memory_space<hbm>> -> memref<1x2x128xi32, #tpu.memory_space<hbm>>
        %dma_start3A_394 = tpu.memref_squeeze %dma_start3A_393 : memref<1x2x128xi32, #tpu.memory_space<hbm>> -> memref<2x128xi32, #tpu.memory_space<hbm>>
        %dma_start3A_395 = arith.constant 0 : i32
        %dma_start3A_396 = tpu.memref_slice %arg2[%arg1, %mul3A_391, %dma_start3A_395] : memref<16x320x128xi32, #tpu.memory_space<hbm>> -> memref<1x2x128xi32, #tpu.memory_space<hbm>>
        %dma_start3A_397 = tpu.memref_squeeze %dma_start3A_396 : memref<1x2x128xi32, #tpu.memory_space<hbm>> -> memref<2x128xi32, #tpu.memory_space<hbm>>
        tpu.enqueue_dma source(%dma_start3A_397 : memref<2x128xi32, #tpu.memory_space<hbm>>) target(%arg13 : memref<2x128xi32, #tpu.memory_space<vmem>>) target_semaphore(%arg26 : memref<!tpu.dma_semaphore, #tpu.memory_space<semaphore_mem>>)
      } else {
      }
      %dma_wait3A_140 = arith.constant 0 : i32
      %dma_wait3A_141 = arith.constant 0 : i32
      %dma_wait3A_142 = tpu.memref_slice %arg9[%dma_wait3A_140, %dma_wait3A_141] : memref<2x128xi32, #tpu.memory_space<vmem>> -> memref<1x128xi32, #tpu.memory_space<vmem>>
      %dma_wait3A_143 = tpu.memref_squeeze %dma_wait3A_142 : memref<1x128xi32, #tpu.memory_space<vmem>> -> memref<128xi32, #tpu.memory_space<vmem>>
      %dma_wait3A_144 = arith.constant 0 : i32
      %dma_wait3A_145 = arith.constant 0 : i32
      %dma_wait3A_146 = tpu.memref_slice %arg3[%dma_wait3A_144, %dma_wait3A_145] : memref<10000x32xbf16, #tpu.memory_space<hbm>> -> memref<10000x32xbf16, #tpu.memory_space<hbm>>
      tpu.wait_indirect_dma semaphore(%arg30 : memref<!tpu.dma_semaphore, #tpu.memory_space<semaphore_mem>>) src(%dma_wait3A_146 : memref<10000x32xbf16, #tpu.memory_space<hbm>>) dst(%arg17 : memref<128x32xbf16, #tpu.memory_space<vmem>>)
      %dma_start3A_147 = arith.constant 1 : i32
      %dma_start3A_148 = arith.constant 0 : i32
      %dma_start3A_149 = tpu.memref_slice %arg9[%dma_start3A_147, %dma_start3A_148] : memref<2x128xi32, #tpu.memory_space<vmem>> -> memref<1x128xi32, #tpu.memory_space<vmem>>
      %dma_start3A_150 = tpu.memref_squeeze %dma_start3A_149 : memref<1x128xi32, #tpu.memory_space<vmem>> -> memref<128xi32, #tpu.memory_space<vmem>>
      %dma_start3A_151 = arith.constant 0 : i32
      %dma_start3A_152 = arith.constant 0 : i32
      %dma_start3A_153 = tpu.memref_slice %arg20[%dma_start3A_151, %dma_start3A_152] : memref<10112x32xbf16, #tpu.memory_space<vmem_shared>> -> memref<10112x32xbf16, #tpu.memory_space<vmem_shared>>
      tpu.enqueue_indirect_dma source(%arg17 : memref<128x32xbf16, #tpu.memory_space<vmem>>) target(%dma_start3A_153 : memref<10112x32xbf16, #tpu.memory_space<vmem_shared>>) offsets(%dma_start3A_150 : memref<128xi32, #tpu.memory_space<vmem>>) semaphore(%arg34 : memref<!tpu.dma_semaphore, #tpu.memory_space<semaphore_mem>>) {add = true}
      %ge3A_154 = arith.constant 2 : i32
      %ge3A_155 = arith.cmpi sge, %add3A_132, %ge3A_154 : i32
      %convert_element_type3A_156 = arith.extui %ge3A_155 : i1 to i32
      %cond3A_157 = arith.constant 0 : i32
      %cond3A_158 = arith.cmpi ne, %convert_element_type3A_156, %cond3A_157 : i32
      scf.if %cond3A_158 {
        %dma_wait3A_388 = arith.constant 1 : i32
        %dma_wait3A_389 = arith.constant 0 : i32
        %dma_wait3A_390 = tpu.memref_slice %arg15[%dma_wait3A_388, %dma_wait3A_389] : memref<2x128xi32, #tpu.memory_space<vmem>> -> memref<1x128xi32, #tpu.memory_space<vmem>>
        %dma_wait3A_391 = tpu.memref_squeeze %dma_wait3A_390 : memref<1x128xi32, #tpu.memory_space<vmem>> -> memref<128xi32, #tpu.memory_space<vmem>>
        %dma_wait3A_392 = arith.constant 0 : i32
        %dma_wait3A_393 = arith.constant 0 : i32
        %dma_wait3A_394 = tpu.memref_slice %arg20[%dma_wait3A_392, %dma_wait3A_393] : memref<10112x32xbf16, #tpu.memory_space<vmem_shared>> -> memref<10112x32xbf16, #tpu.memory_space<vmem_shared>>
        tpu.wait_indirect_dma semaphore(%arg36 : memref<!tpu.dma_semaphore, #tpu.memory_space<semaphore_mem>>) src(%arg19 : memref<128x32xbf16, #tpu.memory_space<vmem>>) dst(%dma_wait3A_394 : memref<10112x32xbf16, #tpu.memory_space<vmem_shared>>)
      } else {
      }
      %add3A_159 = arith.constant 2 : i32
      %add3A_160 = arith.addi %add3A_132, %add3A_159 : i32
      %lt3A_161 = arith.constant 160 : i32
      %lt3A_162 = arith.cmpi slt, %add3A_160, %lt3A_161 : i32
      %convert_element_type3A_163 = arith.extui %lt3A_162 : i1 to i32
      %cond3A_164 = arith.constant 0 : i32
      %cond3A_165 = arith.cmpi ne, %convert_element_type3A_163, %cond3A_164 : i32
      scf.if %cond3A_165 {
        %add3A_388 = arith.constant 2 : i32
        %add3A_389 = arith.addi %add3A_132, %add3A_388 : i32
        %mul3A_390 = arith.constant 2 : i32
        %mul3A_391 = arith.muli %mul3A_390, %add3A_389 : i32
        %dma_wait3A_392 = arith.constant 0 : i32
        %dma_wait3A_393 = tpu.memref_slice %arg2[%arg1, %mul3A_391, %dma_wait3A_392] : memref<16x320x128xi32, #tpu.memory_space<hbm>> -> memref<1x2x128xi32, #tpu.memory_space<hbm>>
        %dma_wait3A_394 = tpu.memref_squeeze %dma_wait3A_393 : memref<1x2x128xi32, #tpu.memory_space<hbm>> -> memref<2x128xi32, #tpu.memory_space<hbm>>
        %dma_wait3A_395 = arith.constant 0 : i32
        %dma_wait3A_396 = tpu.memref_slice %arg2[%arg1, %mul3A_391, %dma_wait3A_395] : memref<16x320x128xi32, #tpu.memory_space<hbm>> -> memref<1x2x128xi32, #tpu.memory_space<hbm>>
        %dma_wait3A_397 = tpu.memref_squeeze %dma_wait3A_396 : memref<1x2x128xi32, #tpu.memory_space<hbm>> -> memref<2x128xi32, #tpu.memory_space<hbm>>
        tpu.wait_dma2 semaphore(%arg24 : memref<!tpu.dma_semaphore, #tpu.memory_space<semaphore_mem>>) src(%dma_wait3A_397 : memref<2x128xi32, #tpu.memory_space<hbm>>) dst(%arg11 : memref<2x128xi32, #tpu.memory_space<vmem>>)
        %add3A_398 = arith.constant 2 : i32
        %add3A_399 = arith.addi %add3A_132, %add3A_398 : i32
        %eq3A_400 = arith.constant 0 : i32
        %eq3A_401 = arith.cmpi eq, %arg0, %eq3A_400 : i32
        %convert_element_type3A_402 = arith.extui %eq3A_401 : i1 to i32
        %cond3A_403 = arith.constant 0 : i32
        %cond3A_404 = arith.cmpi ne, %convert_element_type3A_402, %cond3A_403 : i32
        scf.if %cond3A_404 {
          %dma_start3A_410 = arith.constant 0 : i32
          %dma_start3A_411 = arith.constant 0 : i32
          %dma_start3A_412 = tpu.memref_slice %arg11[%dma_start3A_410, %dma_start3A_411] : memref<2x128xi32, #tpu.memory_space<vmem>> -> memref<1x128xi32, #tpu.memory_space<vmem>>
          %dma_start3A_413 = tpu.memref_squeeze %dma_start3A_412 : memref<1x128xi32, #tpu.memory_space<vmem>> -> memref<128xi32, #tpu.memory_space<vmem>>
          %dma_start3A_414 = arith.constant 0 : i32
          %dma_start3A_415 = arith.constant 0 : i32
          %dma_start3A_416 = tpu.memref_slice %arg3[%dma_start3A_414, %dma_start3A_415] : memref<10000x32xbf16, #tpu.memory_space<hbm>> -> memref<10000x32xbf16, #tpu.memory_space<hbm>>
          tpu.enqueue_indirect_dma source(%dma_start3A_416 : memref<10000x32xbf16, #tpu.memory_space<hbm>>) target(%arg19 : memref<128x32xbf16, #tpu.memory_space<vmem>>) offsets(%dma_start3A_413 : memref<128xi32, #tpu.memory_space<vmem>>) semaphore(%arg32 : memref<!tpu.dma_semaphore, #tpu.memory_space<semaphore_mem>>)
        } else {
        }
        %eq3A_405 = arith.constant 1 : i32
        %eq3A_406 = arith.cmpi eq, %arg0, %eq3A_405 : i32
        %convert_element_type3A_407 = arith.extui %eq3A_406 : i1 to i32
        %cond3A_408 = arith.constant 0 : i32
        %cond3A_409 = arith.cmpi ne, %convert_element_type3A_407, %cond3A_408 : i32
        scf.if %cond3A_409 {
          %dma_start3A_410 = arith.constant 0 : i32
          %dma_start3A_411 = arith.constant 0 : i32
          %dma_start3A_412 = tpu.memref_slice %arg11[%dma_start3A_410, %dma_start3A_411] : memref<2x128xi32, #tpu.memory_space<vmem>> -> memref<1x128xi32, #tpu.memory_space<vmem>>
          %dma_start3A_413 = tpu.memref_squeeze %dma_start3A_412 : memref<1x128xi32, #tpu.memory_space<vmem>> -> memref<128xi32, #tpu.memory_space<vmem>>
          %dma_start3A_414 = arith.constant 0 : i32
          %dma_start3A_415 = arith.constant 0 : i32
          %dma_start3A_416 = tpu.memref_slice %arg4[%dma_start3A_414, %dma_start3A_415] : memref<10000x32xbf16, #tpu.memory_space<hbm>> -> memref<10000x32xbf16, #tpu.memory_space<hbm>>
          tpu.enqueue_indirect_dma source(%dma_start3A_416 : memref<10000x32xbf16, #tpu.memory_space<hbm>>) target(%arg19 : memref<128x32xbf16, #tpu.memory_space<vmem>>) offsets(%dma_start3A_413 : memref<128xi32, #tpu.memory_space<vmem>>) semaphore(%arg32 : memref<!tpu.dma_semaphore, #tpu.memory_space<semaphore_mem>>)
        } else {
        }
      } else {
      }
      %mul3A_166 = arith.constant 8 : i32
      %mul3A_167 = arith.muli %scan3A_94, %mul3A_166 : i32
      %add3A_168 = arith.constant 2 : i32
      %add3A_169 = arith.addi %mul3A_167, %add3A_168 : i32
      %add3A_170 = arith.constant 4 : i32
      %add3A_171 = arith.addi %add3A_169, %add3A_170 : i32
      %lt3A_172 = arith.constant 160 : i32
      %lt3A_173 = arith.cmpi slt, %add3A_171, %lt3A_172 : i32
      %convert_element_type3A_174 = arith.extui %lt3A_173 : i1 to i32
      %cond3A_175 = arith.constant 0 : i32
      %cond3A_176 = arith.cmpi ne, %convert_element_type3A_174, %cond3A_175 : i32
      scf.if %cond3A_176 {
        %add3A_388 = arith.constant 4 : i32
        %add3A_389 = arith.addi %add3A_169, %add3A_388 : i32
        %mul3A_390 = arith.constant 2 : i32
        %mul3A_391 = arith.muli %mul3A_390, %add3A_389 : i32
        %dma_start3A_392 = arith.constant 0 : i32
        %dma_start3A_393 = tpu.memref_slice %arg2[%arg1, %mul3A_391, %dma_start3A_392] : memref<16x320x128xi32, #tpu.memory_space<hbm>> -> memref<1x2x128xi32, #tpu.memory_space<hbm>>
        %dma_start3A_394 = tpu.memref_squeeze %dma_start3A_393 : memref<1x2x128xi32, #tpu.memory_space<hbm>> -> memref<2x128xi32, #tpu.memory_space<hbm>>
        %dma_start3A_395 = arith.constant 0 : i32
        %dma_start3A_396 = tpu.memref_slice %arg2[%arg1, %mul3A_391, %dma_start3A_395] : memref<16x320x128xi32, #tpu.memory_space<hbm>> -> memref<1x2x128xi32, #tpu.memory_space<hbm>>
        %dma_start3A_397 = tpu.memref_squeeze %dma_start3A_396 : memref<1x2x128xi32, #tpu.memory_space<hbm>> -> memref<2x128xi32, #tpu.memory_space<hbm>>
        tpu.enqueue_dma source(%dma_start3A_397 : memref<2x128xi32, #tpu.memory_space<hbm>>) target(%arg14 : memref<2x128xi32, #tpu.memory_space<vmem>>) target_semaphore(%arg27 : memref<!tpu.dma_semaphore, #tpu.memory_space<semaphore_mem>>)
      } else {
      }
      %dma_wait3A_177 = arith.constant 0 : i32
      %dma_wait3A_178 = arith.constant 0 : i32
      %dma_wait3A_179 = tpu.memref_slice %arg10[%dma_wait3A_177, %dma_wait3A_178] : memref<2x128xi32, #tpu.memory_space<vmem>> -> memref<1x128xi32, #tpu.memory_space<vmem>>
      %dma_wait3A_180 = tpu.memref_squeeze %dma_wait3A_179 : memref<1x128xi32, #tpu.memory_space<vmem>> -> memref<128xi32, #tpu.memory_space<vmem>>
      %dma_wait3A_181 = arith.constant 0 : i32
      %dma_wait3A_182 = arith.constant 0 : i32
      %dma_wait3A_183 = tpu.memref_slice %arg3[%dma_wait3A_181, %dma_wait3A_182] : memref<10000x32xbf16, #tpu.memory_space<hbm>> -> memref<10000x32xbf16, #tpu.memory_space<hbm>>
      tpu.wait_indirect_dma semaphore(%arg31 : memref<!tpu.dma_semaphore, #tpu.memory_space<semaphore_mem>>) src(%dma_wait3A_183 : memref<10000x32xbf16, #tpu.memory_space<hbm>>) dst(%arg18 : memref<128x32xbf16, #tpu.memory_space<vmem>>)
      %dma_start3A_184 = arith.constant 1 : i32
      %dma_start3A_185 = arith.constant 0 : i32
      %dma_start3A_186 = tpu.memref_slice %arg10[%dma_start3A_184, %dma_start3A_185] : memref<2x128xi32, #tpu.memory_space<vmem>> -> memref<1x128xi32, #tpu.memory_space<vmem>>
      %dma_start3A_187 = tpu.memref_squeeze %dma_start3A_186 : memref<1x128xi32, #tpu.memory_space<vmem>> -> memref<128xi32, #tpu.memory_space<vmem>>
      %dma_start3A_188 = arith.constant 0 : i32
      %dma_start3A_189 = arith.constant 0 : i32
      %dma_start3A_190 = tpu.memref_slice %arg20[%dma_start3A_188, %dma_start3A_189] : memref<10112x32xbf16, #tpu.memory_space<vmem_shared>> -> memref<10112x32xbf16, #tpu.memory_space<vmem_shared>>
      tpu.enqueue_indirect_dma source(%arg18 : memref<128x32xbf16, #tpu.memory_space<vmem>>) target(%dma_start3A_190 : memref<10112x32xbf16, #tpu.memory_space<vmem_shared>>) offsets(%dma_start3A_187 : memref<128xi32, #tpu.memory_space<vmem>>) semaphore(%arg35 : memref<!tpu.dma_semaphore, #tpu.memory_space<semaphore_mem>>) {add = true}
      %ge3A_191 = arith.constant 2 : i32
      %ge3A_192 = arith.cmpi sge, %add3A_169, %ge3A_191 : i32
      %convert_element_type3A_193 = arith.extui %ge3A_192 : i1 to i32
      %cond3A_194 = arith.constant 0 : i32
      %cond3A_195 = arith.cmpi ne, %convert_element_type3A_193, %cond3A_194 : i32
      scf.if %cond3A_195 {
        %dma_wait3A_388 = arith.constant 1 : i32
        %dma_wait3A_389 = arith.constant 0 : i32
        %dma_wait3A_390 = tpu.memref_slice %arg8[%dma_wait3A_388, %dma_wait3A_389] : memref<2x128xi32, #tpu.memory_space<vmem>> -> memref<1x128xi32, #tpu.memory_space<vmem>>
        %dma_wait3A_391 = tpu.memref_squeeze %dma_wait3A_390 : memref<1x128xi32, #tpu.memory_space<vmem>> -> memref<128xi32, #tpu.memory_space<vmem>>
        %dma_wait3A_392 = arith.constant 0 : i32
        %dma_wait3A_393 = arith.constant 0 : i32
        %dma_wait3A_394 = tpu.memref_slice %arg20[%dma_wait3A_392, %dma_wait3A_393] : memref<10112x32xbf16, #tpu.memory_space<vmem_shared>> -> memref<10112x32xbf16, #tpu.memory_space<vmem_shared>>
        tpu.wait_indirect_dma semaphore(%arg33 : memref<!tpu.dma_semaphore, #tpu.memory_space<semaphore_mem>>) src(%arg16 : memref<128x32xbf16, #tpu.memory_space<vmem>>) dst(%dma_wait3A_394 : memref<10112x32xbf16, #tpu.memory_space<vmem_shared>>)
      } else {
      }
      %add3A_196 = arith.constant 2 : i32
      %add3A_197 = arith.addi %add3A_169, %add3A_196 : i32
      %lt3A_198 = arith.constant 160 : i32
      %lt3A_199 = arith.cmpi slt, %add3A_197, %lt3A_198 : i32
      %convert_element_type3A_200 = arith.extui %lt3A_199 : i1 to i32
      %cond3A_201 = arith.constant 0 : i32
      %cond3A_202 = arith.cmpi ne, %convert_element_type3A_200, %cond3A_201 : i32
      scf.if %cond3A_202 {
        %add3A_388 = arith.constant 2 : i32
        %add3A_389 = arith.addi %add3A_169, %add3A_388 : i32
        %mul3A_390 = arith.constant 2 : i32
        %mul3A_391 = arith.muli %mul3A_390, %add3A_389 : i32
        %dma_wait3A_392 = arith.constant 0 : i32
        %dma_wait3A_393 = tpu.memref_slice %arg2[%arg1, %mul3A_391, %dma_wait3A_392] : memref<16x320x128xi32, #tpu.memory_space<hbm>> -> memref<1x2x128xi32, #tpu.memory_space<hbm>>
        %dma_wait3A_394 = tpu.memref_squeeze %dma_wait3A_393 : memref<1x2x128xi32, #tpu.memory_space<hbm>> -> memref<2x128xi32, #tpu.memory_space<hbm>>
        %dma_wait3A_395 = arith.constant 0 : i32
        %dma_wait3A_396 = tpu.memref_slice %arg2[%arg1, %mul3A_391, %dma_wait3A_395] : memref<16x320x128xi32, #tpu.memory_space<hbm>> -> memref<1x2x128xi32, #tpu.memory_space<hbm>>
        %dma_wait3A_397 = tpu.memref_squeeze %dma_wait3A_396 : memref<1x2x128xi32, #tpu.memory_space<hbm>> -> memref<2x128xi32, #tpu.memory_space<hbm>>
        tpu.wait_dma2 semaphore(%arg25 : memref<!tpu.dma_semaphore, #tpu.memory_space<semaphore_mem>>) src(%dma_wait3A_397 : memref<2x128xi32, #tpu.memory_space<hbm>>) dst(%arg12 : memref<2x128xi32, #tpu.memory_space<vmem>>)
        %add3A_398 = arith.constant 2 : i32
        %add3A_399 = arith.addi %add3A_169, %add3A_398 : i32
        %eq3A_400 = arith.constant 0 : i32
        %eq3A_401 = arith.cmpi eq, %arg0, %eq3A_400 : i32
        %convert_element_type3A_402 = arith.extui %eq3A_401 : i1 to i32
        %cond3A_403 = arith.constant 0 : i32
        %cond3A_404 = arith.cmpi ne, %convert_element_type3A_402, %cond3A_403 : i32
        scf.if %cond3A_404 {
          %dma_start3A_410 = arith.constant 0 : i32
          %dma_start3A_411 = arith.constant 0 : i32
          %dma_start3A_412 = tpu.memref_slice %arg12[%dma_start3A_410, %dma_start3A_411] : memref<2x128xi32, #tpu.memory_space<vmem>> -> memref<1x128xi32, #tpu.memory_space<vmem>>
          %dma_start3A_413 = tpu.memref_squeeze %dma_start3A_412 : memref<1x128xi32, #tpu.memory_space<vmem>> -> memref<128xi32, #tpu.memory_space<vmem>>
          %dma_start3A_414 = arith.constant 0 : i32
          %dma_start3A_415 = arith.constant 0 : i32
          %dma_start3A_416 = tpu.memref_slice %arg3[%dma_start3A_414, %dma_start3A_415] : memref<10000x32xbf16, #tpu.memory_space<hbm>> -> memref<10000x32xbf16, #tpu.memory_space<hbm>>
          tpu.enqueue_indirect_dma source(%dma_start3A_416 : memref<10000x32xbf16, #tpu.memory_space<hbm>>) target(%arg16 : memref<128x32xbf16, #tpu.memory_space<vmem>>) offsets(%dma_start3A_413 : memref<128xi32, #tpu.memory_space<vmem>>) semaphore(%arg29 : memref<!tpu.dma_semaphore, #tpu.memory_space<semaphore_mem>>)
        } else {
        }
        %eq3A_405 = arith.constant 1 : i32
        %eq3A_406 = arith.cmpi eq, %arg0, %eq3A_405 : i32
        %convert_element_type3A_407 = arith.extui %eq3A_406 : i1 to i32
        %cond3A_408 = arith.constant 0 : i32
        %cond3A_409 = arith.cmpi ne, %convert_element_type3A_407, %cond3A_408 : i32
        scf.if %cond3A_409 {
          %dma_start3A_410 = arith.constant 0 : i32
          %dma_start3A_411 = arith.constant 0 : i32
          %dma_start3A_412 = tpu.memref_slice %arg12[%dma_start3A_410, %dma_start3A_411] : memref<2x128xi32, #tpu.memory_space<vmem>> -> memref<1x128xi32, #tpu.memory_space<vmem>>
          %dma_start3A_413 = tpu.memref_squeeze %dma_start3A_412 : memref<1x128xi32, #tpu.memory_space<vmem>> -> memref<128xi32, #tpu.memory_space<vmem>>
          %dma_start3A_414 = arith.constant 0 : i32
          %dma_start3A_415 = arith.constant 0 : i32
          %dma_start3A_416 = tpu.memref_slice %arg4[%dma_start3A_414, %dma_start3A_415] : memref<10000x32xbf16, #tpu.memory_space<hbm>> -> memref<10000x32xbf16, #tpu.memory_space<hbm>>
          tpu.enqueue_indirect_dma source(%dma_start3A_416 : memref<10000x32xbf16, #tpu.memory_space<hbm>>) target(%arg16 : memref<128x32xbf16, #tpu.memory_space<vmem>>) offsets(%dma_start3A_413 : memref<128xi32, #tpu.memory_space<vmem>>) semaphore(%arg29 : memref<!tpu.dma_semaphore, #tpu.memory_space<semaphore_mem>>)
        } else {
        }
      } else {
      }
      %mul3A_203 = arith.constant 8 : i32
      %mul3A_204 = arith.muli %scan3A_94, %mul3A_203 : i32
      %add3A_205 = arith.constant 3 : i32
      %add3A_206 = arith.addi %mul3A_204, %add3A_205 : i32
      %add3A_207 = arith.constant 4 : i32
      %add3A_208 = arith.addi %add3A_206, %add3A_207 : i32
      %lt3A_209 = arith.constant 160 : i32
      %lt3A_210 = arith.cmpi slt, %add3A_208, %lt3A_209 : i32
      %convert_element_type3A_211 = arith.extui %lt3A_210 : i1 to i32
      %cond3A_212 = arith.constant 0 : i32
      %cond3A_213 = arith.cmpi ne, %convert_element_type3A_211, %cond3A_212 : i32
      scf.if %cond3A_213 {
        %add3A_388 = arith.constant 4 : i32
        %add3A_389 = arith.addi %add3A_206, %add3A_388 : i32
        %mul3A_390 = arith.constant 2 : i32
        %mul3A_391 = arith.muli %mul3A_390, %add3A_389 : i32
        %dma_start3A_392 = arith.constant 0 : i32
        %dma_start3A_393 = tpu.memref_slice %arg2[%arg1, %mul3A_391, %dma_start3A_392] : memref<16x320x128xi32, #tpu.memory_space<hbm>> -> memref<1x2x128xi32, #tpu.memory_space<hbm>>
        %dma_start3A_394 = tpu.memref_squeeze %dma_start3A_393 : memref<1x2x128xi32, #tpu.memory_space<hbm>> -> memref<2x128xi32, #tpu.memory_space<hbm>>
        %dma_start3A_395 = arith.constant 0 : i32
        %dma_start3A_396 = tpu.memref_slice %arg2[%arg1, %mul3A_391, %dma_start3A_395] : memref<16x320x128xi32, #tpu.memory_space<hbm>> -> memref<1x2x128xi32, #tpu.memory_space<hbm>>
        %dma_start3A_397 = tpu.memref_squeeze %dma_start3A_396 : memref<1x2x128xi32, #tpu.memory_space<hbm>> -> memref<2x128xi32, #tpu.memory_space<hbm>>
        tpu.enqueue_dma source(%dma_start3A_397 : memref<2x128xi32, #tpu.memory_space<hbm>>) target(%arg15 : memref<2x128xi32, #tpu.memory_space<vmem>>) target_semaphore(%arg28 : memref<!tpu.dma_semaphore, #tpu.memory_space<semaphore_mem>>)
      } else {
      }
      %dma_wait3A_214 = arith.constant 0 : i32
      %dma_wait3A_215 = arith.constant 0 : i32
      %dma_wait3A_216 = tpu.memref_slice %arg11[%dma_wait3A_214, %dma_wait3A_215] : memref<2x128xi32, #tpu.memory_space<vmem>> -> memref<1x128xi32, #tpu.memory_space<vmem>>
      %dma_wait3A_217 = tpu.memref_squeeze %dma_wait3A_216 : memref<1x128xi32, #tpu.memory_space<vmem>> -> memref<128xi32, #tpu.memory_space<vmem>>
      %dma_wait3A_218 = arith.constant 0 : i32
      %dma_wait3A_219 = arith.constant 0 : i32
      %dma_wait3A_220 = tpu.memref_slice %arg3[%dma_wait3A_218, %dma_wait3A_219] : memref<10000x32xbf16, #tpu.memory_space<hbm>> -> memref<10000x32xbf16, #tpu.memory_space<hbm>>
      tpu.wait_indirect_dma semaphore(%arg32 : memref<!tpu.dma_semaphore, #tpu.memory_space<semaphore_mem>>) src(%dma_wait3A_220 : memref<10000x32xbf16, #tpu.memory_space<hbm>>) dst(%arg19 : memref<128x32xbf16, #tpu.memory_space<vmem>>)
      %dma_start3A_221 = arith.constant 1 : i32
      %dma_start3A_222 = arith.constant 0 : i32
      %dma_start3A_223 = tpu.memref_slice %arg11[%dma_start3A_221, %dma_start3A_222] : memref<2x128xi32, #tpu.memory_space<vmem>> -> memref<1x128xi32, #tpu.memory_space<vmem>>
      %dma_start3A_224 = tpu.memref_squeeze %dma_start3A_223 : memref<1x128xi32, #tpu.memory_space<vmem>> -> memref<128xi32, #tpu.memory_space<vmem>>
      %dma_start3A_225 = arith.constant 0 : i32
      %dma_start3A_226 = arith.constant 0 : i32
      %dma_start3A_227 = tpu.memref_slice %arg20[%dma_start3A_225, %dma_start3A_226] : memref<10112x32xbf16, #tpu.memory_space<vmem_shared>> -> memref<10112x32xbf16, #tpu.memory_space<vmem_shared>>
      tpu.enqueue_indirect_dma source(%arg19 : memref<128x32xbf16, #tpu.memory_space<vmem>>) target(%dma_start3A_227 : memref<10112x32xbf16, #tpu.memory_space<vmem_shared>>) offsets(%dma_start3A_224 : memref<128xi32, #tpu.memory_space<vmem>>) semaphore(%arg36 : memref<!tpu.dma_semaphore, #tpu.memory_space<semaphore_mem>>) {add = true}
      %ge3A_228 = arith.constant 2 : i32
      %ge3A_229 = arith.cmpi sge, %add3A_206, %ge3A_228 : i32
      %convert_element_type3A_230 = arith.extui %ge3A_229 : i1 to i32
      %cond3A_231 = arith.constant 0 : i32
      %cond3A_232 = arith.cmpi ne, %convert_element_type3A_230, %cond3A_231 : i32
      scf.if %cond3A_232 {
        %dma_wait3A_388 = arith.constant 1 : i32
        %dma_wait3A_389 = arith.constant 0 : i32
        %dma_wait3A_390 = tpu.memref_slice %arg9[%dma_wait3A_388, %dma_wait3A_389] : memref<2x128xi32, #tpu.memory_space<vmem>> -> memref<1x128xi32, #tpu.memory_space<vmem>>
        %dma_wait3A_391 = tpu.memref_squeeze %dma_wait3A_390 : memref<1x128xi32, #tpu.memory_space<vmem>> -> memref<128xi32, #tpu.memory_space<vmem>>
        %dma_wait3A_392 = arith.constant 0 : i32
        %dma_wait3A_393 = arith.constant 0 : i32
        %dma_wait3A_394 = tpu.memref_slice %arg20[%dma_wait3A_392, %dma_wait3A_393] : memref<10112x32xbf16, #tpu.memory_space<vmem_shared>> -> memref<10112x32xbf16, #tpu.memory_space<vmem_shared>>
        tpu.wait_indirect_dma semaphore(%arg34 : memref<!tpu.dma_semaphore, #tpu.memory_space<semaphore_mem>>) src(%arg17 : memref<128x32xbf16, #tpu.memory_space<vmem>>) dst(%dma_wait3A_394 : memref<10112x32xbf16, #tpu.memory_space<vmem_shared>>)
      } else {
      }
      %add3A_233 = arith.constant 2 : i32
      %add3A_234 = arith.addi %add3A_206, %add3A_233 : i32
      %lt3A_235 = arith.constant 160 : i32
      %lt3A_236 = arith.cmpi slt, %add3A_234, %lt3A_235 : i32
      %convert_element_type3A_237 = arith.extui %lt3A_236 : i1 to i32
      %cond3A_238 = arith.constant 0 : i32
      %cond3A_239 = arith.cmpi ne, %convert_element_type3A_237, %cond3A_238 : i32
      scf.if %cond3A_239 {
        %add3A_388 = arith.constant 2 : i32
        %add3A_389 = arith.addi %add3A_206, %add3A_388 : i32
        %mul3A_390 = arith.constant 2 : i32
        %mul3A_391 = arith.muli %mul3A_390, %add3A_389 : i32
        %dma_wait3A_392 = arith.constant 0 : i32
        %dma_wait3A_393 = tpu.memref_slice %arg2[%arg1, %mul3A_391, %dma_wait3A_392] : memref<16x320x128xi32, #tpu.memory_space<hbm>> -> memref<1x2x128xi32, #tpu.memory_space<hbm>>
        %dma_wait3A_394 = tpu.memref_squeeze %dma_wait3A_393 : memref<1x2x128xi32, #tpu.memory_space<hbm>> -> memref<2x128xi32, #tpu.memory_space<hbm>>
        %dma_wait3A_395 = arith.constant 0 : i32
        %dma_wait3A_396 = tpu.memref_slice %arg2[%arg1, %mul3A_391, %dma_wait3A_395] : memref<16x320x128xi32, #tpu.memory_space<hbm>> -> memref<1x2x128xi32, #tpu.memory_space<hbm>>
        %dma_wait3A_397 = tpu.memref_squeeze %dma_wait3A_396 : memref<1x2x128xi32, #tpu.memory_space<hbm>> -> memref<2x128xi32, #tpu.memory_space<hbm>>
        tpu.wait_dma2 semaphore(%arg26 : memref<!tpu.dma_semaphore, #tpu.memory_space<semaphore_mem>>) src(%dma_wait3A_397 : memref<2x128xi32, #tpu.memory_space<hbm>>) dst(%arg13 : memref<2x128xi32, #tpu.memory_space<vmem>>)
        %add3A_398 = arith.constant 2 : i32
        %add3A_399 = arith.addi %add3A_206, %add3A_398 : i32
        %eq3A_400 = arith.constant 0 : i32
        %eq3A_401 = arith.cmpi eq, %arg0, %eq3A_400 : i32
        %convert_element_type3A_402 = arith.extui %eq3A_401 : i1 to i32
        %cond3A_403 = arith.constant 0 : i32
        %cond3A_404 = arith.cmpi ne, %convert_element_type3A_402, %cond3A_403 : i32
        scf.if %cond3A_404 {
          %dma_start3A_410 = arith.constant 0 : i32
          %dma_start3A_411 = arith.constant 0 : i32
          %dma_start3A_412 = tpu.memref_slice %arg13[%dma_start3A_410, %dma_start3A_411] : memref<2x128xi32, #tpu.memory_space<vmem>> -> memref<1x128xi32, #tpu.memory_space<vmem>>
          %dma_start3A_413 = tpu.memref_squeeze %dma_start3A_412 : memref<1x128xi32, #tpu.memory_space<vmem>> -> memref<128xi32, #tpu.memory_space<vmem>>
          %dma_start3A_414 = arith.constant 0 : i32
          %dma_start3A_415 = arith.constant 0 : i32
          %dma_start3A_416 = tpu.memref_slice %arg3[%dma_start3A_414, %dma_start3A_415] : memref<10000x32xbf16, #tpu.memory_space<hbm>> -> memref<10000x32xbf16, #tpu.memory_space<hbm>>
          tpu.enqueue_indirect_dma source(%dma_start3A_416 : memref<10000x32xbf16, #tpu.memory_space<hbm>>) target(%arg17 : memref<128x32xbf16, #tpu.memory_space<vmem>>) offsets(%dma_start3A_413 : memref<128xi32, #tpu.memory_space<vmem>>) semaphore(%arg30 : memref<!tpu.dma_semaphore, #tpu.memory_space<semaphore_mem>>)
        } else {
        }
        %eq3A_405 = arith.constant 1 : i32
        %eq3A_406 = arith.cmpi eq, %arg0, %eq3A_405 : i32
        %convert_element_type3A_407 = arith.extui %eq3A_406 : i1 to i32
        %cond3A_408 = arith.constant 0 : i32
        %cond3A_409 = arith.cmpi ne, %convert_element_type3A_407, %cond3A_408 : i32
        scf.if %cond3A_409 {
          %dma_start3A_410 = arith.constant 0 : i32
          %dma_start3A_411 = arith.constant 0 : i32
          %dma_start3A_412 = tpu.memref_slice %arg13[%dma_start3A_410, %dma_start3A_411] : memref<2x128xi32, #tpu.memory_space<vmem>> -> memref<1x128xi32, #tpu.memory_space<vmem>>
          %dma_start3A_413 = tpu.memref_squeeze %dma_start3A_412 : memref<1x128xi32, #tpu.memory_space<vmem>> -> memref<128xi32, #tpu.memory_space<vmem>>
          %dma_start3A_414 = arith.constant 0 : i32
          %dma_start3A_415 = arith.constant 0 : i32
          %dma_start3A_416 = tpu.memref_slice %arg4[%dma_start3A_414, %dma_start3A_415] : memref<10000x32xbf16, #tpu.memory_space<hbm>> -> memref<10000x32xbf16, #tpu.memory_space<hbm>>
          tpu.enqueue_indirect_dma source(%dma_start3A_416 : memref<10000x32xbf16, #tpu.memory_space<hbm>>) target(%arg17 : memref<128x32xbf16, #tpu.memory_space<vmem>>) offsets(%dma_start3A_413 : memref<128xi32, #tpu.memory_space<vmem>>) semaphore(%arg30 : memref<!tpu.dma_semaphore, #tpu.memory_space<semaphore_mem>>)
        } else {
        }
      } else {
      }
      %mul3A_240 = arith.constant 8 : i32
      %mul3A_241 = arith.muli %scan3A_94, %mul3A_240 : i32
      %add3A_242 = arith.constant 4 : i32
      %add3A_243 = arith.addi %mul3A_241, %add3A_242 : i32
      %add3A_244 = arith.constant 4 : i32
      %add3A_245 = arith.addi %add3A_243, %add3A_244 : i32
      %lt3A_246 = arith.constant 160 : i32
      %lt3A_247 = arith.cmpi slt, %add3A_245, %lt3A_246 : i32
      %convert_element_type3A_248 = arith.extui %lt3A_247 : i1 to i32
      %cond3A_249 = arith.constant 0 : i32
      %cond3A_250 = arith.cmpi ne, %convert_element_type3A_248, %cond3A_249 : i32
      scf.if %cond3A_250 {
        %add3A_388 = arith.constant 4 : i32
        %add3A_389 = arith.addi %add3A_243, %add3A_388 : i32
        %mul3A_390 = arith.constant 2 : i32
        %mul3A_391 = arith.muli %mul3A_390, %add3A_389 : i32
        %dma_start3A_392 = arith.constant 0 : i32
        %dma_start3A_393 = tpu.memref_slice %arg2[%arg1, %mul3A_391, %dma_start3A_392] : memref<16x320x128xi32, #tpu.memory_space<hbm>> -> memref<1x2x128xi32, #tpu.memory_space<hbm>>
        %dma_start3A_394 = tpu.memref_squeeze %dma_start3A_393 : memref<1x2x128xi32, #tpu.memory_space<hbm>> -> memref<2x128xi32, #tpu.memory_space<hbm>>
        %dma_start3A_395 = arith.constant 0 : i32
        %dma_start3A_396 = tpu.memref_slice %arg2[%arg1, %mul3A_391, %dma_start3A_395] : memref<16x320x128xi32, #tpu.memory_space<hbm>> -> memref<1x2x128xi32, #tpu.memory_space<hbm>>
        %dma_start3A_397 = tpu.memref_squeeze %dma_start3A_396 : memref<1x2x128xi32, #tpu.memory_space<hbm>> -> memref<2x128xi32, #tpu.memory_space<hbm>>
        tpu.enqueue_dma source(%dma_start3A_397 : memref<2x128xi32, #tpu.memory_space<hbm>>) target(%arg8 : memref<2x128xi32, #tpu.memory_space<vmem>>) target_semaphore(%arg21 : memref<!tpu.dma_semaphore, #tpu.memory_space<semaphore_mem>>)
      } else {
      }
      %dma_wait3A_251 = arith.constant 0 : i32
      %dma_wait3A_252 = arith.constant 0 : i32
      %dma_wait3A_253 = tpu.memref_slice %arg12[%dma_wait3A_251, %dma_wait3A_252] : memref<2x128xi32, #tpu.memory_space<vmem>> -> memref<1x128xi32, #tpu.memory_space<vmem>>
      %dma_wait3A_254 = tpu.memref_squeeze %dma_wait3A_253 : memref<1x128xi32, #tpu.memory_space<vmem>> -> memref<128xi32, #tpu.memory_space<vmem>>
      %dma_wait3A_255 = arith.constant 0 : i32
      %dma_wait3A_256 = arith.constant 0 : i32
      %dma_wait3A_257 = tpu.memref_slice %arg3[%dma_wait3A_255, %dma_wait3A_256] : memref<10000x32xbf16, #tpu.memory_space<hbm>> -> memref<10000x32xbf16, #tpu.memory_space<hbm>>
      tpu.wait_indirect_dma semaphore(%arg29 : memref<!tpu.dma_semaphore, #tpu.memory_space<semaphore_mem>>) src(%dma_wait3A_257 : memref<10000x32xbf16, #tpu.memory_space<hbm>>) dst(%arg16 : memref<128x32xbf16, #tpu.memory_space<vmem>>)
      %dma_start3A_258 = arith.constant 1 : i32
      %dma_start3A_259 = arith.constant 0 : i32
      %dma_start3A_260 = tpu.memref_slice %arg12[%dma_start3A_258, %dma_start3A_259] : memref<2x128xi32, #tpu.memory_space<vmem>> -> memref<1x128xi32, #tpu.memory_space<vmem>>
      %dma_start3A_261 = tpu.memref_squeeze %dma_start3A_260 : memref<1x128xi32, #tpu.memory_space<vmem>> -> memref<128xi32, #tpu.memory_space<vmem>>
      %dma_start3A_262 = arith.constant 0 : i32
      %dma_start3A_263 = arith.constant 0 : i32
      %dma_start3A_264 = tpu.memref_slice %arg20[%dma_start3A_262, %dma_start3A_263] : memref<10112x32xbf16, #tpu.memory_space<vmem_shared>> -> memref<10112x32xbf16, #tpu.memory_space<vmem_shared>>
      tpu.enqueue_indirect_dma source(%arg16 : memref<128x32xbf16, #tpu.memory_space<vmem>>) target(%dma_start3A_264 : memref<10112x32xbf16, #tpu.memory_space<vmem_shared>>) offsets(%dma_start3A_261 : memref<128xi32, #tpu.memory_space<vmem>>) semaphore(%arg33 : memref<!tpu.dma_semaphore, #tpu.memory_space<semaphore_mem>>) {add = true}
      %ge3A_265 = arith.constant 2 : i32
      %ge3A_266 = arith.cmpi sge, %add3A_243, %ge3A_265 : i32
      %convert_element_type3A_267 = arith.extui %ge3A_266 : i1 to i32
      %cond3A_268 = arith.constant 0 : i32
      %cond3A_269 = arith.cmpi ne, %convert_element_type3A_267, %cond3A_268 : i32
      scf.if %cond3A_269 {
        %dma_wait3A_388 = arith.constant 1 : i32
        %dma_wait3A_389 = arith.constant 0 : i32
        %dma_wait3A_390 = tpu.memref_slice %arg10[%dma_wait3A_388, %dma_wait3A_389] : memref<2x128xi32, #tpu.memory_space<vmem>> -> memref<1x128xi32, #tpu.memory_space<vmem>>
        %dma_wait3A_391 = tpu.memref_squeeze %dma_wait3A_390 : memref<1x128xi32, #tpu.memory_space<vmem>> -> memref<128xi32, #tpu.memory_space<vmem>>
        %dma_wait3A_392 = arith.constant 0 : i32
        %dma_wait3A_393 = arith.constant 0 : i32
        %dma_wait3A_394 = tpu.memref_slice %arg20[%dma_wait3A_392, %dma_wait3A_393] : memref<10112x32xbf16, #tpu.memory_space<vmem_shared>> -> memref<10112x32xbf16, #tpu.memory_space<vmem_shared>>
        tpu.wait_indirect_dma semaphore(%arg35 : memref<!tpu.dma_semaphore, #tpu.memory_space<semaphore_mem>>) src(%arg18 : memref<128x32xbf16, #tpu.memory_space<vmem>>) dst(%dma_wait3A_394 : memref<10112x32xbf16, #tpu.memory_space<vmem_shared>>)
      } else {
      }
      %add3A_270 = arith.constant 2 : i32
      %add3A_271 = arith.addi %add3A_243, %add3A_270 : i32
      %lt3A_272 = arith.constant 160 : i32
      %lt3A_273 = arith.cmpi slt, %add3A_271, %lt3A_272 : i32
      %convert_element_type3A_274 = arith.extui %lt3A_273 : i1 to i32
      %cond3A_275 = arith.constant 0 : i32
      %cond3A_276 = arith.cmpi ne, %convert_element_type3A_274, %cond3A_275 : i32
      scf.if %cond3A_276 {
        %add3A_388 = arith.constant 2 : i32
        %add3A_389 = arith.addi %add3A_243, %add3A_388 : i32
        %mul3A_390 = arith.constant 2 : i32
        %mul3A_391 = arith.muli %mul3A_390, %add3A_389 : i32
        %dma_wait3A_392 = arith.constant 0 : i32
        %dma_wait3A_393 = tpu.memref_slice %arg2[%arg1, %mul3A_391, %dma_wait3A_392] : memref<16x320x128xi32, #tpu.memory_space<hbm>> -> memref<1x2x128xi32, #tpu.memory_space<hbm>>
        %dma_wait3A_394 = tpu.memref_squeeze %dma_wait3A_393 : memref<1x2x128xi32, #tpu.memory_space<hbm>> -> memref<2x128xi32, #tpu.memory_space<hbm>>
        %dma_wait3A_395 = arith.constant 0 : i32
        %dma_wait3A_396 = tpu.memref_slice %arg2[%arg1, %mul3A_391, %dma_wait3A_395] : memref<16x320x128xi32, #tpu.memory_space<hbm>> -> memref<1x2x128xi32, #tpu.memory_space<hbm>>
        %dma_wait3A_397 = tpu.memref_squeeze %dma_wait3A_396 : memref<1x2x128xi32, #tpu.memory_space<hbm>> -> memref<2x128xi32, #tpu.memory_space<hbm>>
        tpu.wait_dma2 semaphore(%arg27 : memref<!tpu.dma_semaphore, #tpu.memory_space<semaphore_mem>>) src(%dma_wait3A_397 : memref<2x128xi32, #tpu.memory_space<hbm>>) dst(%arg14 : memref<2x128xi32, #tpu.memory_space<vmem>>)
        %add3A_398 = arith.constant 2 : i32
        %add3A_399 = arith.addi %add3A_243, %add3A_398 : i32
        %eq3A_400 = arith.constant 0 : i32
        %eq3A_401 = arith.cmpi eq, %arg0, %eq3A_400 : i32
        %convert_element_type3A_402 = arith.extui %eq3A_401 : i1 to i32
        %cond3A_403 = arith.constant 0 : i32
        %cond3A_404 = arith.cmpi ne, %convert_element_type3A_402, %cond3A_403 : i32
        scf.if %cond3A_404 {
          %dma_start3A_410 = arith.constant 0 : i32
          %dma_start3A_411 = arith.constant 0 : i32
          %dma_start3A_412 = tpu.memref_slice %arg14[%dma_start3A_410, %dma_start3A_411] : memref<2x128xi32, #tpu.memory_space<vmem>> -> memref<1x128xi32, #tpu.memory_space<vmem>>
          %dma_start3A_413 = tpu.memref_squeeze %dma_start3A_412 : memref<1x128xi32, #tpu.memory_space<vmem>> -> memref<128xi32, #tpu.memory_space<vmem>>
          %dma_start3A_414 = arith.constant 0 : i32
          %dma_start3A_415 = arith.constant 0 : i32
          %dma_start3A_416 = tpu.memref_slice %arg3[%dma_start3A_414, %dma_start3A_415] : memref<10000x32xbf16, #tpu.memory_space<hbm>> -> memref<10000x32xbf16, #tpu.memory_space<hbm>>
          tpu.enqueue_indirect_dma source(%dma_start3A_416 : memref<10000x32xbf16, #tpu.memory_space<hbm>>) target(%arg18 : memref<128x32xbf16, #tpu.memory_space<vmem>>) offsets(%dma_start3A_413 : memref<128xi32, #tpu.memory_space<vmem>>) semaphore(%arg31 : memref<!tpu.dma_semaphore, #tpu.memory_space<semaphore_mem>>)
        } else {
        }
        %eq3A_405 = arith.constant 1 : i32
        %eq3A_406 = arith.cmpi eq, %arg0, %eq3A_405 : i32
        %convert_element_type3A_407 = arith.extui %eq3A_406 : i1 to i32
        %cond3A_408 = arith.constant 0 : i32
        %cond3A_409 = arith.cmpi ne, %convert_element_type3A_407, %cond3A_408 : i32
        scf.if %cond3A_409 {
          %dma_start3A_410 = arith.constant 0 : i32
          %dma_start3A_411 = arith.constant 0 : i32
          %dma_start3A_412 = tpu.memref_slice %arg14[%dma_start3A_410, %dma_start3A_411] : memref<2x128xi32, #tpu.memory_space<vmem>> -> memref<1x128xi32, #tpu.memory_space<vmem>>
          %dma_start3A_413 = tpu.memref_squeeze %dma_start3A_412 : memref<1x128xi32, #tpu.memory_space<vmem>> -> memref<128xi32, #tpu.memory_space<vmem>>
          %dma_start3A_414 = arith.constant 0 : i32
          %dma_start3A_415 = arith.constant 0 : i32
          %dma_start3A_416 = tpu.memref_slice %arg4[%dma_start3A_414, %dma_start3A_415] : memref<10000x32xbf16, #tpu.memory_space<hbm>> -> memref<10000x32xbf16, #tpu.memory_space<hbm>>
          tpu.enqueue_indirect_dma source(%dma_start3A_416 : memref<10000x32xbf16, #tpu.memory_space<hbm>>) target(%arg18 : memref<128x32xbf16, #tpu.memory_space<vmem>>) offsets(%dma_start3A_413 : memref<128xi32, #tpu.memory_space<vmem>>) semaphore(%arg31 : memref<!tpu.dma_semaphore, #tpu.memory_space<semaphore_mem>>)
        } else {
        }
      } else {
      }
      %mul3A_277 = arith.constant 8 : i32
      %mul3A_278 = arith.muli %scan3A_94, %mul3A_277 : i32
      %add3A_279 = arith.constant 5 : i32
      %add3A_280 = arith.addi %mul3A_278, %add3A_279 : i32
      %add3A_281 = arith.constant 4 : i32
      %add3A_282 = arith.addi %add3A_280, %add3A_281 : i32
      %lt3A_283 = arith.constant 160 : i32
      %lt3A_284 = arith.cmpi slt, %add3A_282, %lt3A_283 : i32
      %convert_element_type3A_285 = arith.extui %lt3A_284 : i1 to i32
      %cond3A_286 = arith.constant 0 : i32
      %cond3A_287 = arith.cmpi ne, %convert_element_type3A_285, %cond3A_286 : i32
      scf.if %cond3A_287 {
        %add3A_388 = arith.constant 4 : i32
        %add3A_389 = arith.addi %add3A_280, %add3A_388 : i32
        %mul3A_390 = arith.constant 2 : i32
        %mul3A_391 = arith.muli %mul3A_390, %add3A_389 : i32
        %dma_start3A_392 = arith.constant 0 : i32
        %dma_start3A_393 = tpu.memref_slice %arg2[%arg1, %mul3A_391, %dma_start3A_392] : memref<16x320x128xi32, #tpu.memory_space<hbm>> -> memref<1x2x128xi32, #tpu.memory_space<hbm>>
        %dma_start3A_394 = tpu.memref_squeeze %dma_start3A_393 : memref<1x2x128xi32, #tpu.memory_space<hbm>> -> memref<2x128xi32, #tpu.memory_space<hbm>>
        %dma_start3A_395 = arith.constant 0 : i32
        %dma_start3A_396 = tpu.memref_slice %arg2[%arg1, %mul3A_391, %dma_start3A_395] : memref<16x320x128xi32, #tpu.memory_space<hbm>> -> memref<1x2x128xi32, #tpu.memory_space<hbm>>
        %dma_start3A_397 = tpu.memref_squeeze %dma_start3A_396 : memref<1x2x128xi32, #tpu.memory_space<hbm>> -> memref<2x128xi32, #tpu.memory_space<hbm>>
        tpu.enqueue_dma source(%dma_start3A_397 : memref<2x128xi32, #tpu.memory_space<hbm>>) target(%arg9 : memref<2x128xi32, #tpu.memory_space<vmem>>) target_semaphore(%arg22 : memref<!tpu.dma_semaphore, #tpu.memory_space<semaphore_mem>>)
      } else {
      }
      %dma_wait3A_288 = arith.constant 0 : i32
      %dma_wait3A_289 = arith.constant 0 : i32
      %dma_wait3A_290 = tpu.memref_slice %arg13[%dma_wait3A_288, %dma_wait3A_289] : memref<2x128xi32, #tpu.memory_space<vmem>> -> memref<1x128xi32, #tpu.memory_space<vmem>>
      %dma_wait3A_291 = tpu.memref_squeeze %dma_wait3A_290 : memref<1x128xi32, #tpu.memory_space<vmem>> -> memref<128xi32, #tpu.memory_space<vmem>>
      %dma_wait3A_292 = arith.constant 0 : i32
      %dma_wait3A_293 = arith.constant 0 : i32
      %dma_wait3A_294 = tpu.memref_slice %arg3[%dma_wait3A_292, %dma_wait3A_293] : memref<10000x32xbf16, #tpu.memory_space<hbm>> -> memref<10000x32xbf16, #tpu.memory_space<hbm>>
      tpu.wait_indirect_dma semaphore(%arg30 : memref<!tpu.dma_semaphore, #tpu.memory_space<semaphore_mem>>) src(%dma_wait3A_294 : memref<10000x32xbf16, #tpu.memory_space<hbm>>) dst(%arg17 : memref<128x32xbf16, #tpu.memory_space<vmem>>)
      %dma_start3A_295 = arith.constant 1 : i32
      %dma_start3A_296 = arith.constant 0 : i32
      %dma_start3A_297 = tpu.memref_slice %arg13[%dma_start3A_295, %dma_start3A_296] : memref<2x128xi32, #tpu.memory_space<vmem>> -> memref<1x128xi32, #tpu.memory_space<vmem>>
      %dma_start3A_298 = tpu.memref_squeeze %dma_start3A_297 : memref<1x128xi32, #tpu.memory_space<vmem>> -> memref<128xi32, #tpu.memory_space<vmem>>
      %dma_start3A_299 = arith.constant 0 : i32
      %dma_start3A_300 = arith.constant 0 : i32
      %dma_start3A_301 = tpu.memref_slice %arg20[%dma_start3A_299, %dma_start3A_300] : memref<10112x32xbf16, #tpu.memory_space<vmem_shared>> -> memref<10112x32xbf16, #tpu.memory_space<vmem_shared>>
      tpu.enqueue_indirect_dma source(%arg17 : memref<128x32xbf16, #tpu.memory_space<vmem>>) target(%dma_start3A_301 : memref<10112x32xbf16, #tpu.memory_space<vmem_shared>>) offsets(%dma_start3A_298 : memref<128xi32, #tpu.memory_space<vmem>>) semaphore(%arg34 : memref<!tpu.dma_semaphore, #tpu.memory_space<semaphore_mem>>) {add = true}
      %ge3A_302 = arith.constant 2 : i32
      %ge3A_303 = arith.cmpi sge, %add3A_280, %ge3A_302 : i32
      %convert_element_type3A_304 = arith.extui %ge3A_303 : i1 to i32
      %cond3A_305 = arith.constant 0 : i32
      %cond3A_306 = arith.cmpi ne, %convert_element_type3A_304, %cond3A_305 : i32
      scf.if %cond3A_306 {
        %dma_wait3A_388 = arith.constant 1 : i32
        %dma_wait3A_389 = arith.constant 0 : i32
        %dma_wait3A_390 = tpu.memref_slice %arg11[%dma_wait3A_388, %dma_wait3A_389] : memref<2x128xi32, #tpu.memory_space<vmem>> -> memref<1x128xi32, #tpu.memory_space<vmem>>
        %dma_wait3A_391 = tpu.memref_squeeze %dma_wait3A_390 : memref<1x128xi32, #tpu.memory_space<vmem>> -> memref<128xi32, #tpu.memory_space<vmem>>
        %dma_wait3A_392 = arith.constant 0 : i32
        %dma_wait3A_393 = arith.constant 0 : i32
        %dma_wait3A_394 = tpu.memref_slice %arg20[%dma_wait3A_392, %dma_wait3A_393] : memref<10112x32xbf16, #tpu.memory_space<vmem_shared>> -> memref<10112x32xbf16, #tpu.memory_space<vmem_shared>>
        tpu.wait_indirect_dma semaphore(%arg36 : memref<!tpu.dma_semaphore, #tpu.memory_space<semaphore_mem>>) src(%arg19 : memref<128x32xbf16, #tpu.memory_space<vmem>>) dst(%dma_wait3A_394 : memref<10112x32xbf16, #tpu.memory_space<vmem_shared>>)
      } else {
      }
      %add3A_307 = arith.constant 2 : i32
      %add3A_308 = arith.addi %add3A_280, %add3A_307 : i32
      %lt3A_309 = arith.constant 160 : i32
      %lt3A_310 = arith.cmpi slt, %add3A_308, %lt3A_309 : i32
      %convert_element_type3A_311 = arith.extui %lt3A_310 : i1 to i32
      %cond3A_312 = arith.constant 0 : i32
      %cond3A_313 = arith.cmpi ne, %convert_element_type3A_311, %cond3A_312 : i32
      scf.if %cond3A_313 {
        %add3A_388 = arith.constant 2 : i32
        %add3A_389 = arith.addi %add3A_280, %add3A_388 : i32
        %mul3A_390 = arith.constant 2 : i32
        %mul3A_391 = arith.muli %mul3A_390, %add3A_389 : i32
        %dma_wait3A_392 = arith.constant 0 : i32
        %dma_wait3A_393 = tpu.memref_slice %arg2[%arg1, %mul3A_391, %dma_wait3A_392] : memref<16x320x128xi32, #tpu.memory_space<hbm>> -> memref<1x2x128xi32, #tpu.memory_space<hbm>>
        %dma_wait3A_394 = tpu.memref_squeeze %dma_wait3A_393 : memref<1x2x128xi32, #tpu.memory_space<hbm>> -> memref<2x128xi32, #tpu.memory_space<hbm>>
        %dma_wait3A_395 = arith.constant 0 : i32
        %dma_wait3A_396 = tpu.memref_slice %arg2[%arg1, %mul3A_391, %dma_wait3A_395] : memref<16x320x128xi32, #tpu.memory_space<hbm>> -> memref<1x2x128xi32, #tpu.memory_space<hbm>>
        %dma_wait3A_397 = tpu.memref_squeeze %dma_wait3A_396 : memref<1x2x128xi32, #tpu.memory_space<hbm>> -> memref<2x128xi32, #tpu.memory_space<hbm>>
        tpu.wait_dma2 semaphore(%arg28 : memref<!tpu.dma_semaphore, #tpu.memory_space<semaphore_mem>>) src(%dma_wait3A_397 : memref<2x128xi32, #tpu.memory_space<hbm>>) dst(%arg15 : memref<2x128xi32, #tpu.memory_space<vmem>>)
        %add3A_398 = arith.constant 2 : i32
        %add3A_399 = arith.addi %add3A_280, %add3A_398 : i32
        %eq3A_400 = arith.constant 0 : i32
        %eq3A_401 = arith.cmpi eq, %arg0, %eq3A_400 : i32
        %convert_element_type3A_402 = arith.extui %eq3A_401 : i1 to i32
        %cond3A_403 = arith.constant 0 : i32
        %cond3A_404 = arith.cmpi ne, %convert_element_type3A_402, %cond3A_403 : i32
        scf.if %cond3A_404 {
          %dma_start3A_410 = arith.constant 0 : i32
          %dma_start3A_411 = arith.constant 0 : i32
          %dma_start3A_412 = tpu.memref_slice %arg15[%dma_start3A_410, %dma_start3A_411] : memref<2x128xi32, #tpu.memory_space<vmem>> -> memref<1x128xi32, #tpu.memory_space<vmem>>
          %dma_start3A_413 = tpu.memref_squeeze %dma_start3A_412 : memref<1x128xi32, #tpu.memory_space<vmem>> -> memref<128xi32, #tpu.memory_space<vmem>>
          %dma_start3A_414 = arith.constant 0 : i32
          %dma_start3A_415 = arith.constant 0 : i32
          %dma_start3A_416 = tpu.memref_slice %arg3[%dma_start3A_414, %dma_start3A_415] : memref<10000x32xbf16, #tpu.memory_space<hbm>> -> memref<10000x32xbf16, #tpu.memory_space<hbm>>
          tpu.enqueue_indirect_dma source(%dma_start3A_416 : memref<10000x32xbf16, #tpu.memory_space<hbm>>) target(%arg19 : memref<128x32xbf16, #tpu.memory_space<vmem>>) offsets(%dma_start3A_413 : memref<128xi32, #tpu.memory_space<vmem>>) semaphore(%arg32 : memref<!tpu.dma_semaphore, #tpu.memory_space<semaphore_mem>>)
        } else {
        }
        %eq3A_405 = arith.constant 1 : i32
        %eq3A_406 = arith.cmpi eq, %arg0, %eq3A_405 : i32
        %convert_element_type3A_407 = arith.extui %eq3A_406 : i1 to i32
        %cond3A_408 = arith.constant 0 : i32
        %cond3A_409 = arith.cmpi ne, %convert_element_type3A_407, %cond3A_408 : i32
        scf.if %cond3A_409 {
          %dma_start3A_410 = arith.constant 0 : i32
          %dma_start3A_411 = arith.constant 0 : i32
          %dma_start3A_412 = tpu.memref_slice %arg15[%dma_start3A_410, %dma_start3A_411] : memref<2x128xi32, #tpu.memory_space<vmem>> -> memref<1x128xi32, #tpu.memory_space<vmem>>
          %dma_start3A_413 = tpu.memref_squeeze %dma_start3A_412 : memref<1x128xi32, #tpu.memory_space<vmem>> -> memref<128xi32, #tpu.memory_space<vmem>>
          %dma_start3A_414 = arith.constant 0 : i32
          %dma_start3A_415 = arith.constant 0 : i32
          %dma_start3A_416 = tpu.memref_slice %arg4[%dma_start3A_414, %dma_start3A_415] : memref<10000x32xbf16, #tpu.memory_space<hbm>> -> memref<10000x32xbf16, #tpu.memory_space<hbm>>
          tpu.enqueue_indirect_dma source(%dma_start3A_416 : memref<10000x32xbf16, #tpu.memory_space<hbm>>) target(%arg19 : memref<128x32xbf16, #tpu.memory_space<vmem>>) offsets(%dma_start3A_413 : memref<128xi32, #tpu.memory_space<vmem>>) semaphore(%arg32 : memref<!tpu.dma_semaphore, #tpu.memory_space<semaphore_mem>>)
        } else {
        }
      } else {
      }
      %mul3A_314 = arith.constant 8 : i32
      %mul3A_315 = arith.muli %scan3A_94, %mul3A_314 : i32
      %add3A_316 = arith.constant 6 : i32
      %add3A_317 = arith.addi %mul3A_315, %add3A_316 : i32
      %add3A_318 = arith.constant 4 : i32
      %add3A_319 = arith.addi %add3A_317, %add3A_318 : i32
      %lt3A_320 = arith.constant 160 : i32
      %lt3A_321 = arith.cmpi slt, %add3A_319, %lt3A_320 : i32
      %convert_element_type3A_322 = arith.extui %lt3A_321 : i1 to i32
      %cond3A_323 = arith.constant 0 : i32
      %cond3A_324 = arith.cmpi ne, %convert_element_type3A_322, %cond3A_323 : i32
      scf.if %cond3A_324 {
        %add3A_388 = arith.constant 4 : i32
        %add3A_389 = arith.addi %add3A_317, %add3A_388 : i32
        %mul3A_390 = arith.constant 2 : i32
        %mul3A_391 = arith.muli %mul3A_390, %add3A_389 : i32
        %dma_start3A_392 = arith.constant 0 : i32
        %dma_start3A_393 = tpu.memref_slice %arg2[%arg1, %mul3A_391, %dma_start3A_392] : memref<16x320x128xi32, #tpu.memory_space<hbm>> -> memref<1x2x128xi32, #tpu.memory_space<hbm>>
        %dma_start3A_394 = tpu.memref_squeeze %dma_start3A_393 : memref<1x2x128xi32, #tpu.memory_space<hbm>> -> memref<2x128xi32, #tpu.memory_space<hbm>>
        %dma_start3A_395 = arith.constant 0 : i32
        %dma_start3A_396 = tpu.memref_slice %arg2[%arg1, %mul3A_391, %dma_start3A_395] : memref<16x320x128xi32, #tpu.memory_space<hbm>> -> memref<1x2x128xi32, #tpu.memory_space<hbm>>
        %dma_start3A_397 = tpu.memref_squeeze %dma_start3A_396 : memref<1x2x128xi32, #tpu.memory_space<hbm>> -> memref<2x128xi32, #tpu.memory_space<hbm>>
        tpu.enqueue_dma source(%dma_start3A_397 : memref<2x128xi32, #tpu.memory_space<hbm>>) target(%arg10 : memref<2x128xi32, #tpu.memory_space<vmem>>) target_semaphore(%arg23 : memref<!tpu.dma_semaphore, #tpu.memory_space<semaphore_mem>>)
      } else {
      }
      %dma_wait3A_325 = arith.constant 0 : i32
      %dma_wait3A_326 = arith.constant 0 : i32
      %dma_wait3A_327 = tpu.memref_slice %arg14[%dma_wait3A_325, %dma_wait3A_326] : memref<2x128xi32, #tpu.memory_space<vmem>> -> memref<1x128xi32, #tpu.memory_space<vmem>>
      %dma_wait3A_328 = tpu.memref_squeeze %dma_wait3A_327 : memref<1x128xi32, #tpu.memory_space<vmem>> -> memref<128xi32, #tpu.memory_space<vmem>>
      %dma_wait3A_329 = arith.constant 0 : i32
      %dma_wait3A_330 = arith.constant 0 : i32
      %dma_wait3A_331 = tpu.memref_slice %arg3[%dma_wait3A_329, %dma_wait3A_330] : memref<10000x32xbf16, #tpu.memory_space<hbm>> -> memref<10000x32xbf16, #tpu.memory_space<hbm>>
      tpu.wait_indirect_dma semaphore(%arg31 : memref<!tpu.dma_semaphore, #tpu.memory_space<semaphore_mem>>) src(%dma_wait3A_331 : memref<10000x32xbf16, #tpu.memory_space<hbm>>) dst(%arg18 : memref<128x32xbf16, #tpu.memory_space<vmem>>)
      %dma_start3A_332 = arith.constant 1 : i32
      %dma_start3A_333 = arith.constant 0 : i32
      %dma_start3A_334 = tpu.memref_slice %arg14[%dma_start3A_332, %dma_start3A_333] : memref<2x128xi32, #tpu.memory_space<vmem>> -> memref<1x128xi32, #tpu.memory_space<vmem>>
      %dma_start3A_335 = tpu.memref_squeeze %dma_start3A_334 : memref<1x128xi32, #tpu.memory_space<vmem>> -> memref<128xi32, #tpu.memory_space<vmem>>
      %dma_start3A_336 = arith.constant 0 : i32
      %dma_start3A_337 = arith.constant 0 : i32
      %dma_start3A_338 = tpu.memref_slice %arg20[%dma_start3A_336, %dma_start3A_337] : memref<10112x32xbf16, #tpu.memory_space<vmem_shared>> -> memref<10112x32xbf16, #tpu.memory_space<vmem_shared>>
      tpu.enqueue_indirect_dma source(%arg18 : memref<128x32xbf16, #tpu.memory_space<vmem>>) target(%dma_start3A_338 : memref<10112x32xbf16, #tpu.memory_space<vmem_shared>>) offsets(%dma_start3A_335 : memref<128xi32, #tpu.memory_space<vmem>>) semaphore(%arg35 : memref<!tpu.dma_semaphore, #tpu.memory_space<semaphore_mem>>) {add = true}
      %ge3A_339 = arith.constant 2 : i32
      %ge3A_340 = arith.cmpi sge, %add3A_317, %ge3A_339 : i32
      %convert_element_type3A_341 = arith.extui %ge3A_340 : i1 to i32
      %cond3A_342 = arith.constant 0 : i32
      %cond3A_343 = arith.cmpi ne, %convert_element_type3A_341, %cond3A_342 : i32
      scf.if %cond3A_343 {
        %dma_wait3A_388 = arith.constant 1 : i32
        %dma_wait3A_389 = arith.constant 0 : i32
        %dma_wait3A_390 = tpu.memref_slice %arg12[%dma_wait3A_388, %dma_wait3A_389] : memref<2x128xi32, #tpu.memory_space<vmem>> -> memref<1x128xi32, #tpu.memory_space<vmem>>
        %dma_wait3A_391 = tpu.memref_squeeze %dma_wait3A_390 : memref<1x128xi32, #tpu.memory_space<vmem>> -> memref<128xi32, #tpu.memory_space<vmem>>
        %dma_wait3A_392 = arith.constant 0 : i32
        %dma_wait3A_393 = arith.constant 0 : i32
        %dma_wait3A_394 = tpu.memref_slice %arg20[%dma_wait3A_392, %dma_wait3A_393] : memref<10112x32xbf16, #tpu.memory_space<vmem_shared>> -> memref<10112x32xbf16, #tpu.memory_space<vmem_shared>>
        tpu.wait_indirect_dma semaphore(%arg33 : memref<!tpu.dma_semaphore, #tpu.memory_space<semaphore_mem>>) src(%arg16 : memref<128x32xbf16, #tpu.memory_space<vmem>>) dst(%dma_wait3A_394 : memref<10112x32xbf16, #tpu.memory_space<vmem_shared>>)
      } else {
      }
      %add3A_344 = arith.constant 2 : i32
      %add3A_345 = arith.addi %add3A_317, %add3A_344 : i32
      %lt3A_346 = arith.constant 160 : i32
      %lt3A_347 = arith.cmpi slt, %add3A_345, %lt3A_346 : i32
      %convert_element_type3A_348 = arith.extui %lt3A_347 : i1 to i32
      %cond3A_349 = arith.constant 0 : i32
      %cond3A_350 = arith.cmpi ne, %convert_element_type3A_348, %cond3A_349 : i32
      scf.if %cond3A_350 {
        %add3A_388 = arith.constant 2 : i32
        %add3A_389 = arith.addi %add3A_317, %add3A_388 : i32
        %mul3A_390 = arith.constant 2 : i32
        %mul3A_391 = arith.muli %mul3A_390, %add3A_389 : i32
        %dma_wait3A_392 = arith.constant 0 : i32
        %dma_wait3A_393 = tpu.memref_slice %arg2[%arg1, %mul3A_391, %dma_wait3A_392] : memref<16x320x128xi32, #tpu.memory_space<hbm>> -> memref<1x2x128xi32, #tpu.memory_space<hbm>>
        %dma_wait3A_394 = tpu.memref_squeeze %dma_wait3A_393 : memref<1x2x128xi32, #tpu.memory_space<hbm>> -> memref<2x128xi32, #tpu.memory_space<hbm>>
        %dma_wait3A_395 = arith.constant 0 : i32
        %dma_wait3A_396 = tpu.memref_slice %arg2[%arg1, %mul3A_391, %dma_wait3A_395] : memref<16x320x128xi32, #tpu.memory_space<hbm>> -> memref<1x2x128xi32, #tpu.memory_space<hbm>>
        %dma_wait3A_397 = tpu.memref_squeeze %dma_wait3A_396 : memref<1x2x128xi32, #tpu.memory_space<hbm>> -> memref<2x128xi32, #tpu.memory_space<hbm>>
        tpu.wait_dma2 semaphore(%arg21 : memref<!tpu.dma_semaphore, #tpu.memory_space<semaphore_mem>>) src(%dma_wait3A_397 : memref<2x128xi32, #tpu.memory_space<hbm>>) dst(%arg8 : memref<2x128xi32, #tpu.memory_space<vmem>>)
        %add3A_398 = arith.constant 2 : i32
        %add3A_399 = arith.addi %add3A_317, %add3A_398 : i32
        %eq3A_400 = arith.constant 0 : i32
        %eq3A_401 = arith.cmpi eq, %arg0, %eq3A_400 : i32
        %convert_element_type3A_402 = arith.extui %eq3A_401 : i1 to i32
        %cond3A_403 = arith.constant 0 : i32
        %cond3A_404 = arith.cmpi ne, %convert_element_type3A_402, %cond3A_403 : i32
        scf.if %cond3A_404 {
          %dma_start3A_410 = arith.constant 0 : i32
          %dma_start3A_411 = arith.constant 0 : i32
          %dma_start3A_412 = tpu.memref_slice %arg8[%dma_start3A_410, %dma_start3A_411] : memref<2x128xi32, #tpu.memory_space<vmem>> -> memref<1x128xi32, #tpu.memory_space<vmem>>
          %dma_start3A_413 = tpu.memref_squeeze %dma_start3A_412 : memref<1x128xi32, #tpu.memory_space<vmem>> -> memref<128xi32, #tpu.memory_space<vmem>>
          %dma_start3A_414 = arith.constant 0 : i32
          %dma_start3A_415 = arith.constant 0 : i32
          %dma_start3A_416 = tpu.memref_slice %arg3[%dma_start3A_414, %dma_start3A_415] : memref<10000x32xbf16, #tpu.memory_space<hbm>> -> memref<10000x32xbf16, #tpu.memory_space<hbm>>
          tpu.enqueue_indirect_dma source(%dma_start3A_416 : memref<10000x32xbf16, #tpu.memory_space<hbm>>) target(%arg16 : memref<128x32xbf16, #tpu.memory_space<vmem>>) offsets(%dma_start3A_413 : memref<128xi32, #tpu.memory_space<vmem>>) semaphore(%arg29 : memref<!tpu.dma_semaphore, #tpu.memory_space<semaphore_mem>>)
        } else {
        }
        %eq3A_405 = arith.constant 1 : i32
        %eq3A_406 = arith.cmpi eq, %arg0, %eq3A_405 : i32
        %convert_element_type3A_407 = arith.extui %eq3A_406 : i1 to i32
        %cond3A_408 = arith.constant 0 : i32
        %cond3A_409 = arith.cmpi ne, %convert_element_type3A_407, %cond3A_408 : i32
        scf.if %cond3A_409 {
          %dma_start3A_410 = arith.constant 0 : i32
          %dma_start3A_411 = arith.constant 0 : i32
          %dma_start3A_412 = tpu.memref_slice %arg8[%dma_start3A_410, %dma_start3A_411] : memref<2x128xi32, #tpu.memory_space<vmem>> -> memref<1x128xi32, #tpu.memory_space<vmem>>
          %dma_start3A_413 = tpu.memref_squeeze %dma_start3A_412 : memref<1x128xi32, #tpu.memory_space<vmem>> -> memref<128xi32, #tpu.memory_space<vmem>>
          %dma_start3A_414 = arith.constant 0 : i32
          %dma_start3A_415 = arith.constant 0 : i32
          %dma_start3A_416 = tpu.memref_slice %arg4[%dma_start3A_414, %dma_start3A_415] : memref<10000x32xbf16, #tpu.memory_space<hbm>> -> memref<10000x32xbf16, #tpu.memory_space<hbm>>
          tpu.enqueue_indirect_dma source(%dma_start3A_416 : memref<10000x32xbf16, #tpu.memory_space<hbm>>) target(%arg16 : memref<128x32xbf16, #tpu.memory_space<vmem>>) offsets(%dma_start3A_413 : memref<128xi32, #tpu.memory_space<vmem>>) semaphore(%arg29 : memref<!tpu.dma_semaphore, #tpu.memory_space<semaphore_mem>>)
        } else {
        }
      } else {
      }
      %mul3A_351 = arith.constant 8 : i32
      %mul3A_352 = arith.muli %scan3A_94, %mul3A_351 : i32
      %add3A_353 = arith.constant 7 : i32
      %add3A_354 = arith.addi %mul3A_352, %add3A_353 : i32
      %add3A_355 = arith.constant 4 : i32
      %add3A_356 = arith.addi %add3A_354, %add3A_355 : i32
      %lt3A_357 = arith.constant 160 : i32
      %lt3A_358 = arith.cmpi slt, %add3A_356, %lt3A_357 : i32
      %convert_element_type3A_359 = arith.extui %lt3A_358 : i1 to i32
      %cond3A_360 = arith.constant 0 : i32
      %cond3A_361 = arith.cmpi ne, %convert_element_type3A_359, %cond3A_360 : i32
      scf.if %cond3A_361 {
        %add3A_388 = arith.constant 4 : i32
        %add3A_389 = arith.addi %add3A_354, %add3A_388 : i32
        %mul3A_390 = arith.constant 2 : i32
        %mul3A_391 = arith.muli %mul3A_390, %add3A_389 : i32
        %dma_start3A_392 = arith.constant 0 : i32
        %dma_start3A_393 = tpu.memref_slice %arg2[%arg1, %mul3A_391, %dma_start3A_392] : memref<16x320x128xi32, #tpu.memory_space<hbm>> -> memref<1x2x128xi32, #tpu.memory_space<hbm>>
        %dma_start3A_394 = tpu.memref_squeeze %dma_start3A_393 : memref<1x2x128xi32, #tpu.memory_space<hbm>> -> memref<2x128xi32, #tpu.memory_space<hbm>>
        %dma_start3A_395 = arith.constant 0 : i32
        %dma_start3A_396 = tpu.memref_slice %arg2[%arg1, %mul3A_391, %dma_start3A_395] : memref<16x320x128xi32, #tpu.memory_space<hbm>> -> memref<1x2x128xi32, #tpu.memory_space<hbm>>
        %dma_start3A_397 = tpu.memref_squeeze %dma_start3A_396 : memref<1x2x128xi32, #tpu.memory_space<hbm>> -> memref<2x128xi32, #tpu.memory_space<hbm>>
        tpu.enqueue_dma source(%dma_start3A_397 : memref<2x128xi32, #tpu.memory_space<hbm>>) target(%arg11 : memref<2x128xi32, #tpu.memory_space<vmem>>) target_semaphore(%arg24 : memref<!tpu.dma_semaphore, #tpu.memory_space<semaphore_mem>>)
      } else {
      }
      %dma_wait3A_362 = arith.constant 0 : i32
      %dma_wait3A_363 = arith.constant 0 : i32
      %dma_wait3A_364 = tpu.memref_slice %arg15[%dma_wait3A_362, %dma_wait3A_363] : memref<2x128xi32, #tpu.memory_space<vmem>> -> memref<1x128xi32, #tpu.memory_space<vmem>>
      %dma_wait3A_365 = tpu.memref_squeeze %dma_wait3A_364 : memref<1x128xi32, #tpu.memory_space<vmem>> -> memref<128xi32, #tpu.memory_space<vmem>>
      %dma_wait3A_366 = arith.constant 0 : i32
      %dma_wait3A_367 = arith.constant 0 : i32
      %dma_wait3A_368 = tpu.memref_slice %arg3[%dma_wait3A_366, %dma_wait3A_367] : memref<10000x32xbf16, #tpu.memory_space<hbm>> -> memref<10000x32xbf16, #tpu.memory_space<hbm>>
      tpu.wait_indirect_dma semaphore(%arg32 : memref<!tpu.dma_semaphore, #tpu.memory_space<semaphore_mem>>) src(%dma_wait3A_368 : memref<10000x32xbf16, #tpu.memory_space<hbm>>) dst(%arg19 : memref<128x32xbf16, #tpu.memory_space<vmem>>)
      %dma_start3A_369 = arith.constant 1 : i32
      %dma_start3A_370 = arith.constant 0 : i32
      %dma_start3A_371 = tpu.memref_slice %arg15[%dma_start3A_369, %dma_start3A_370] : memref<2x128xi32, #tpu.memory_space<vmem>> -> memref<1x128xi32, #tpu.memory_space<vmem>>
      %dma_start3A_372 = tpu.memref_squeeze %dma_start3A_371 : memref<1x128xi32, #tpu.memory_space<vmem>> -> memref<128xi32, #tpu.memory_space<vmem>>
      %dma_start3A_373 = arith.constant 0 : i32
      %dma_start3A_374 = arith.constant 0 : i32
      %dma_start3A_375 = tpu.memref_slice %arg20[%dma_start3A_373, %dma_start3A_374] : memref<10112x32xbf16, #tpu.memory_space<vmem_shared>> -> memref<10112x32xbf16, #tpu.memory_space<vmem_shared>>
      tpu.enqueue_indirect_dma source(%arg19 : memref<128x32xbf16, #tpu.memory_space<vmem>>) target(%dma_start3A_375 : memref<10112x32xbf16, #tpu.memory_space<vmem_shared>>) offsets(%dma_start3A_372 : memref<128xi32, #tpu.memory_space<vmem>>) semaphore(%arg36 : memref<!tpu.dma_semaphore, #tpu.memory_space<semaphore_mem>>) {add = true}
      %ge3A_376 = arith.constant 2 : i32
      %ge3A_377 = arith.cmpi sge, %add3A_354, %ge3A_376 : i32
      %convert_element_type3A_378 = arith.extui %ge3A_377 : i1 to i32
      %cond3A_379 = arith.constant 0 : i32
      %cond3A_380 = arith.cmpi ne, %convert_element_type3A_378, %cond3A_379 : i32
      scf.if %cond3A_380 {
        %dma_wait3A_388 = arith.constant 1 : i32
        %dma_wait3A_389 = arith.constant 0 : i32
        %dma_wait3A_390 = tpu.memref_slice %arg13[%dma_wait3A_388, %dma_wait3A_389] : memref<2x128xi32, #tpu.memory_space<vmem>> -> memref<1x128xi32, #tpu.memory_space<vmem>>
        %dma_wait3A_391 = tpu.memref_squeeze %dma_wait3A_390 : memref<1x128xi32, #tpu.memory_space<vmem>> -> memref<128xi32, #tpu.memory_space<vmem>>
        %dma_wait3A_392 = arith.constant 0 : i32
        %dma_wait3A_393 = arith.constant 0 : i32
        %dma_wait3A_394 = tpu.memref_slice %arg20[%dma_wait3A_392, %dma_wait3A_393] : memref<10112x32xbf16, #tpu.memory_space<vmem_shared>> -> memref<10112x32xbf16, #tpu.memory_space<vmem_shared>>
        tpu.wait_indirect_dma semaphore(%arg34 : memref<!tpu.dma_semaphore, #tpu.memory_space<semaphore_mem>>) src(%arg17 : memref<128x32xbf16, #tpu.memory_space<vmem>>) dst(%dma_wait3A_394 : memref<10112x32xbf16, #tpu.memory_space<vmem_shared>>)
      } else {
      }
      %add3A_381 = arith.constant 2 : i32
      %add3A_382 = arith.addi %add3A_354, %add3A_381 : i32
      %lt3A_383 = arith.constant 160 : i32
      %lt3A_384 = arith.cmpi slt, %add3A_382, %lt3A_383 : i32
      %convert_element_type3A_385 = arith.extui %lt3A_384 : i1 to i32
      %cond3A_386 = arith.constant 0 : i32
      %cond3A_387 = arith.cmpi ne, %convert_element_type3A_385, %cond3A_386 : i32
      scf.if %cond3A_387 {
        %add3A_388 = arith.constant 2 : i32
        %add3A_389 = arith.addi %add3A_354, %add3A_388 : i32
        %mul3A_390 = arith.constant 2 : i32
        %mul3A_391 = arith.muli %mul3A_390, %add3A_389 : i32
        %dma_wait3A_392 = arith.constant 0 : i32
        %dma_wait3A_393 = tpu.memref_slice %arg2[%arg1, %mul3A_391, %dma_wait3A_392] : memref<16x320x128xi32, #tpu.memory_space<hbm>> -> memref<1x2x128xi32, #tpu.memory_space<hbm>>
        %dma_wait3A_394 = tpu.memref_squeeze %dma_wait3A_393 : memref<1x2x128xi32, #tpu.memory_space<hbm>> -> memref<2x128xi32, #tpu.memory_space<hbm>>
        %dma_wait3A_395 = arith.constant 0 : i32
        %dma_wait3A_396 = tpu.memref_slice %arg2[%arg1, %mul3A_391, %dma_wait3A_395] : memref<16x320x128xi32, #tpu.memory_space<hbm>> -> memref<1x2x128xi32, #tpu.memory_space<hbm>>
        %dma_wait3A_397 = tpu.memref_squeeze %dma_wait3A_396 : memref<1x2x128xi32, #tpu.memory_space<hbm>> -> memref<2x128xi32, #tpu.memory_space<hbm>>
        tpu.wait_dma2 semaphore(%arg22 : memref<!tpu.dma_semaphore, #tpu.memory_space<semaphore_mem>>) src(%dma_wait3A_397 : memref<2x128xi32, #tpu.memory_space<hbm>>) dst(%arg9 : memref<2x128xi32, #tpu.memory_space<vmem>>)
        %add3A_398 = arith.constant 2 : i32
        %add3A_399 = arith.addi %add3A_354, %add3A_398 : i32
        %eq3A_400 = arith.constant 0 : i32
        %eq3A_401 = arith.cmpi eq, %arg0, %eq3A_400 : i32
        %convert_element_type3A_402 = arith.extui %eq3A_401 : i1 to i32
        %cond3A_403 = arith.constant 0 : i32
        %cond3A_404 = arith.cmpi ne, %convert_element_type3A_402, %cond3A_403 : i32
        scf.if %cond3A_404 {
          %dma_start3A_410 = arith.constant 0 : i32
          %dma_start3A_411 = arith.constant 0 : i32
          %dma_start3A_412 = tpu.memref_slice %arg9[%dma_start3A_410, %dma_start3A_411] : memref<2x128xi32, #tpu.memory_space<vmem>> -> memref<1x128xi32, #tpu.memory_space<vmem>>
          %dma_start3A_413 = tpu.memref_squeeze %dma_start3A_412 : memref<1x128xi32, #tpu.memory_space<vmem>> -> memref<128xi32, #tpu.memory_space<vmem>>
          %dma_start3A_414 = arith.constant 0 : i32
          %dma_start3A_415 = arith.constant 0 : i32
          %dma_start3A_416 = tpu.memref_slice %arg3[%dma_start3A_414, %dma_start3A_415] : memref<10000x32xbf16, #tpu.memory_space<hbm>> -> memref<10000x32xbf16, #tpu.memory_space<hbm>>
          tpu.enqueue_indirect_dma source(%dma_start3A_416 : memref<10000x32xbf16, #tpu.memory_space<hbm>>) target(%arg17 : memref<128x32xbf16, #tpu.memory_space<vmem>>) offsets(%dma_start3A_413 : memref<128xi32, #tpu.memory_space<vmem>>) semaphore(%arg30 : memref<!tpu.dma_semaphore, #tpu.memory_space<semaphore_mem>>)
        } else {
        }
        %eq3A_405 = arith.constant 1 : i32
        %eq3A_406 = arith.cmpi eq, %arg0, %eq3A_405 : i32
        %convert_element_type3A_407 = arith.extui %eq3A_406 : i1 to i32
        %cond3A_408 = arith.constant 0 : i32
        %cond3A_409 = arith.cmpi ne, %convert_element_type3A_407, %cond3A_408 : i32
        scf.if %cond3A_409 {
          %dma_start3A_410 = arith.constant 0 : i32
          %dma_start3A_411 = arith.constant 0 : i32
          %dma_start3A_412 = tpu.memref_slice %arg9[%dma_start3A_410, %dma_start3A_411] : memref<2x128xi32, #tpu.memory_space<vmem>> -> memref<1x128xi32, #tpu.memory_space<vmem>>
          %dma_start3A_413 = tpu.memref_squeeze %dma_start3A_412 : memref<1x128xi32, #tpu.memory_space<vmem>> -> memref<128xi32, #tpu.memory_space<vmem>>
          %dma_start3A_414 = arith.constant 0 : i32
          %dma_start3A_415 = arith.constant 0 : i32
          %dma_start3A_416 = tpu.memref_slice %arg4[%dma_start3A_414, %dma_start3A_415] : memref<10000x32xbf16, #tpu.memory_space<hbm>> -> memref<10000x32xbf16, #tpu.memory_space<hbm>>
          tpu.enqueue_indirect_dma source(%dma_start3A_416 : memref<10000x32xbf16, #tpu.memory_space<hbm>>) target(%arg17 : memref<128x32xbf16, #tpu.memory_space<vmem>>) offsets(%dma_start3A_413 : memref<128xi32, #tpu.memory_space<vmem>>) semaphore(%arg30 : memref<!tpu.dma_semaphore, #tpu.memory_space<semaphore_mem>>)
        } else {
        }
      } else {
      }
    }
    %scan3A_68 = arith.constant 20 : i32
    %dma_wait3A_69 = arith.constant 1 : i32
    %dma_wait3A_70 = arith.constant 0 : i32
    %dma_wait3A_71 = tpu.memref_slice %arg14[%dma_wait3A_69, %dma_wait3A_70] : memref<2x128xi32, #tpu.memory_space<vmem>> -> memref<1x128xi32, #tpu.memory_space<vmem>>
    %dma_wait3A_72 = tpu.memref_squeeze %dma_wait3A_71 : memref<1x128xi32, #tpu.memory_space<vmem>> -> memref<128xi32, #tpu.memory_space<vmem>>
    %dma_wait3A_73 = arith.constant 0 : i32
    %dma_wait3A_74 = arith.constant 0 : i32
    %dma_wait3A_75 = tpu.memref_slice %arg20[%dma_wait3A_73, %dma_wait3A_74] : memref<10112x32xbf16, #tpu.memory_space<vmem_shared>> -> memref<10112x32xbf16, #tpu.memory_space<vmem_shared>>
    tpu.wait_indirect_dma semaphore(%arg35 : memref<!tpu.dma_semaphore, #tpu.memory_space<semaphore_mem>>) src(%arg18 : memref<128x32xbf16, #tpu.memory_space<vmem>>) dst(%dma_wait3A_75 : memref<10112x32xbf16, #tpu.memory_space<vmem_shared>>)
    %dma_wait3A_76 = arith.constant 1 : i32
    %dma_wait3A_77 = arith.constant 0 : i32
    %dma_wait3A_78 = tpu.memref_slice %arg15[%dma_wait3A_76, %dma_wait3A_77] : memref<2x128xi32, #tpu.memory_space<vmem>> -> memref<1x128xi32, #tpu.memory_space<vmem>>
    %dma_wait3A_79 = tpu.memref_squeeze %dma_wait3A_78 : memref<1x128xi32, #tpu.memory_space<vmem>> -> memref<128xi32, #tpu.memory_space<vmem>>
    %dma_wait3A_80 = arith.constant 0 : i32
    %dma_wait3A_81 = arith.constant 0 : i32
    %dma_wait3A_82 = tpu.memref_slice %arg20[%dma_wait3A_80, %dma_wait3A_81] : memref<10112x32xbf16, #tpu.memory_space<vmem_shared>> -> memref<10112x32xbf16, #tpu.memory_space<vmem_shared>>
    tpu.wait_indirect_dma semaphore(%arg36 : memref<!tpu.dma_semaphore, #tpu.memory_space<semaphore_mem>>) src(%arg19 : memref<128x32xbf16, #tpu.memory_space<vmem>>) dst(%dma_wait3A_82 : memref<10112x32xbf16, #tpu.memory_space<vmem_shared>>)
    %barrier3A_83 = arith.constant 0 : index
    tpu.barrier barrier_id(%barrier3A_83)
    %eq3A_84 = arith.constant 0 : i32
    %eq3A_85 = arith.cmpi eq, %arg0, %eq3A_84 : i32
    %convert_element_type3A_86 = arith.extui %eq3A_85 : i1 to i32
    %cond3A_87 = arith.constant 0 : i32
    %cond3A_88 = arith.cmpi ne, %convert_element_type3A_86, %cond3A_87 : i32
    scf.if %cond3A_88 {
      "tpu.region"() ({
        %run_scoped3A = tpu.sem_alloc : memref<!tpu.dma_semaphore, #tpu.memory_space<semaphore_mem>>
        %dma_start3A_94 = arith.constant 0 : i32
        %dma_start3A_95 = tpu.memref_slice %arg6[%mul3A_0, %dma_start3A_94] : memref<10112x32xbf16, #tpu.memory_space<hbm>> -> memref<632x32xbf16, #tpu.memory_space<hbm>>
        %dma_start3A_96 = arith.constant 0 : i32
        %dma_start3A_97 = tpu.memref_slice %arg20[%mul3A_0, %dma_start3A_96] : memref<10112x32xbf16, #tpu.memory_space<vmem_shared>> -> memref<632x32xbf16, #tpu.memory_space<vmem_shared>>
        tpu.enqueue_dma source(%dma_start3A_97 : memref<632x32xbf16, #tpu.memory_space<vmem_shared>>) target(%dma_start3A_95 : memref<632x32xbf16, #tpu.memory_space<hbm>>) target_semaphore(%run_scoped3A : memref<!tpu.dma_semaphore, #tpu.memory_space<semaphore_mem>>)
        %dma_wait3A_98 = arith.constant 0 : i32
        %dma_wait3A_99 = tpu.memref_slice %arg6[%mul3A_0, %dma_wait3A_98] : memref<10112x32xbf16, #tpu.memory_space<hbm>> -> memref<632x32xbf16, #tpu.memory_space<hbm>>
        %dma_wait3A_100 = arith.constant 0 : i32
        %dma_wait3A_101 = tpu.memref_slice %arg20[%mul3A_0, %dma_wait3A_100] : memref<10112x32xbf16, #tpu.memory_space<vmem_shared>> -> memref<632x32xbf16, #tpu.memory_space<vmem_shared>>
        tpu.wait_dma2 semaphore(%run_scoped3A : memref<!tpu.dma_semaphore, #tpu.memory_space<semaphore_mem>>) src(%dma_wait3A_101 : memref<632x32xbf16, #tpu.memory_space<vmem_shared>>) dst(%dma_wait3A_99 : memref<632x32xbf16, #tpu.memory_space<hbm>>)
        tpu.yield
      }) : () -> ()
    } else {
    }
    %eq3A_89 = arith.constant 1 : i32
    %eq3A_90 = arith.cmpi eq, %arg0, %eq3A_89 : i32
    %convert_element_type3A_91 = arith.extui %eq3A_90 : i1 to i32
    %cond3A_92 = arith.constant 0 : i32
    %cond3A_93 = arith.cmpi ne, %convert_element_type3A_91, %cond3A_92 : i32
    scf.if %cond3A_93 {
      "tpu.region"() ({
        %run_scoped3A = tpu.sem_alloc : memref<!tpu.dma_semaphore, #tpu.memory_space<semaphore_mem>>
        %dma_start3A_94 = arith.constant 0 : i32
        %dma_start3A_95 = tpu.memref_slice %arg7[%mul3A_0, %dma_start3A_94] : memref<10112x32xbf16, #tpu.memory_space<hbm>> -> memref<632x32xbf16, #tpu.memory_space<hbm>>
        %dma_start3A_96 = arith.constant 0 : i32
        %dma_start3A_97 = tpu.memref_slice %arg20[%mul3A_0, %dma_start3A_96] : memref<10112x32xbf16, #tpu.memory_space<vmem_shared>> -> memref<632x32xbf16, #tpu.memory_space<vmem_shared>>
        tpu.enqueue_dma source(%dma_start3A_97 : memref<632x32xbf16, #tpu.memory_space<vmem_shared>>) target(%dma_start3A_95 : memref<632x32xbf16, #tpu.memory_space<hbm>>) target_semaphore(%run_scoped3A : memref<!tpu.dma_semaphore, #tpu.memory_space<semaphore_mem>>)
        %dma_wait3A_98 = arith.constant 0 : i32
        %dma_wait3A_99 = tpu.memref_slice %arg7[%mul3A_0, %dma_wait3A_98] : memref<10112x32xbf16, #tpu.memory_space<hbm>> -> memref<632x32xbf16, #tpu.memory_space<hbm>>
        %dma_wait3A_100 = arith.constant 0 : i32
        %dma_wait3A_101 = tpu.memref_slice %arg20[%mul3A_0, %dma_wait3A_100] : memref<10112x32xbf16, #tpu.memory_space<vmem_shared>> -> memref<632x32xbf16, #tpu.memory_space<vmem_shared>>
        tpu.wait_dma2 semaphore(%run_scoped3A : memref<!tpu.dma_semaphore, #tpu.memory_space<semaphore_mem>>) src(%dma_wait3A_101 : memref<632x32xbf16, #tpu.memory_space<vmem_shared>>) dst(%dma_wait3A_99 : memref<632x32xbf16, #tpu.memory_space<hbm>>)
        tpu.yield
      }) : () -> ()
    } else {
    }
    return
  }
}

#map = affine_map<(d0, d1) -> (0, 0, 0)>
#map1 = affine_map<(d0, d1) -> (0, 0)>
module attributes {stable_mosaic.version = 14 : i64} {
  func.func @_sc_agg_body(%arg0: i32, %arg1: i32, %arg2: memref<16x320x128xi32, #tpu.memory_space<hbm>>, %arg3: memref<10000x128xbf16, #tpu.memory_space<hbm>>, %arg4: memref<10000x128xbf16, #tpu.memory_space<hbm>>, %arg5: memref<10112x128xbf16, #tpu.memory_space<hbm>>, %arg6: memref<10112x128xbf16, #tpu.memory_space<hbm>>, %arg7: memref<10112x128xbf16, #tpu.memory_space<hbm>>, %arg8: memref<2x128xi32, #tpu.memory_space<vmem>>, %arg9: memref<2x128xi32, #tpu.memory_space<vmem>>, %arg10: memref<2x128xi32, #tpu.memory_space<vmem>>, %arg11: memref<2x128xi32, #tpu.memory_space<vmem>>, %arg12: memref<2x128xi32, #tpu.memory_space<vmem>>, %arg13: memref<2x128xi32, #tpu.memory_space<vmem>>, %arg14: memref<2x128xi32, #tpu.memory_space<vmem>>, %arg15: memref<2x128xi32, #tpu.memory_space<vmem>>, %arg16: memref<128x128xbf16, #tpu.memory_space<vmem>>, %arg17: memref<128x128xbf16, #tpu.memory_space<vmem>>, %arg18: memref<128x128xbf16, #tpu.memory_space<vmem>>, %arg19: memref<128x128xbf16, #tpu.memory_space<vmem>>, %arg20: memref<10112x128xbf16, #tpu.memory_space<vmem_shared>>, %arg21: memref<!tpu.dma_semaphore, #tpu.memory_space<semaphore_mem>>, %arg22: memref<!tpu.dma_semaphore, #tpu.memory_space<semaphore_mem>>, %arg23: memref<!tpu.dma_semaphore, #tpu.memory_space<semaphore_mem>>, %arg24: memref<!tpu.dma_semaphore, #tpu.memory_space<semaphore_mem>>, %arg25: memref<!tpu.dma_semaphore, #tpu.memory_space<semaphore_mem>>, %arg26: memref<!tpu.dma_semaphore, #tpu.memory_space<semaphore_mem>>, %arg27: memref<!tpu.dma_semaphore, #tpu.memory_space<semaphore_mem>>, %arg28: memref<!tpu.dma_semaphore, #tpu.memory_space<semaphore_mem>>, %arg29: memref<!tpu.dma_semaphore, #tpu.memory_space<semaphore_mem>>, %arg30: memref<!tpu.dma_semaphore, #tpu.memory_space<semaphore_mem>>, %arg31: memref<!tpu.dma_semaphore, #tpu.memory_space<semaphore_mem>>, %arg32: memref<!tpu.dma_semaphore, #tpu.memory_space<semaphore_mem>>, %arg33: memref<!tpu.dma_semaphore, #tpu.memory_space<semaphore_mem>>, %arg34: memref<!tpu.dma_semaphore, #tpu.memory_space<semaphore_mem>>, %arg35: memref<!tpu.dma_semaphore, #tpu.memory_space<semaphore_mem>>, %arg36: memref<!tpu.dma_semaphore, #tpu.memory_space<semaphore_mem>>) attributes {dimension_semantics = [#tpu.dimension_semantics<core_parallel>, #tpu.dimension_semantics<subcore_parallel>], iteration_bounds = array<i64: 2, 16>, scalar_prefetch = 0 : i64, scratch_operands = 29 : i64, tpu.core_type = #tpu.core_type<sc_vector_subcore>, window_params = [{transform_indices = #map}, {transform_indices = #map1}, {transform_indices = #map1}, {transform_indices = #map1}, {transform_indices = #map1}, {transform_indices = #map1}]} {
    %mul3A = arith.constant 632 : i32
    %mul3A_0 = arith.muli %arg1, %mul3A : i32
    "tpu.region"() ({
      %run_scoped3A = tpu.sem_alloc : memref<!tpu.dma_semaphore, #tpu.memory_space<semaphore_mem>>
      %dma_start3A_94 = arith.constant 0 : i32
      %dma_start3A_95 = tpu.memref_slice %arg20[%mul3A_0, %dma_start3A_94] : memref<10112x128xbf16, #tpu.memory_space<vmem_shared>> -> memref<632x128xbf16, #tpu.memory_space<vmem_shared>>
      %dma_start3A_96 = arith.constant 0 : i32
      %dma_start3A_97 = tpu.memref_slice %arg5[%mul3A_0, %dma_start3A_96] : memref<10112x128xbf16, #tpu.memory_space<hbm>> -> memref<632x128xbf16, #tpu.memory_space<hbm>>
      tpu.enqueue_dma source(%dma_start3A_97 : memref<632x128xbf16, #tpu.memory_space<hbm>>) target(%dma_start3A_95 : memref<632x128xbf16, #tpu.memory_space<vmem_shared>>) target_semaphore(%run_scoped3A : memref<!tpu.dma_semaphore, #tpu.memory_space<semaphore_mem>>)
      %dma_wait3A_98 = arith.constant 0 : i32
      %dma_wait3A_99 = tpu.memref_slice %arg20[%mul3A_0, %dma_wait3A_98] : memref<10112x128xbf16, #tpu.memory_space<vmem_shared>> -> memref<632x128xbf16, #tpu.memory_space<vmem_shared>>
      %dma_wait3A_100 = arith.constant 0 : i32
      %dma_wait3A_101 = tpu.memref_slice %arg5[%mul3A_0, %dma_wait3A_100] : memref<10112x128xbf16, #tpu.memory_space<hbm>> -> memref<632x128xbf16, #tpu.memory_space<hbm>>
      tpu.wait_dma2 semaphore(%run_scoped3A : memref<!tpu.dma_semaphore, #tpu.memory_space<semaphore_mem>>) src(%dma_wait3A_101 : memref<632x128xbf16, #tpu.memory_space<hbm>>) dst(%dma_wait3A_99 : memref<632x128xbf16, #tpu.memory_space<vmem_shared>>)
      tpu.yield
    }) : () -> ()
    %barrier3A = arith.constant 0 : index
    tpu.barrier barrier_id(%barrier3A)
    %dma_start3A = arith.constant 0 : i32
    %dma_start3A_1 = arith.constant 0 : i32
    %dma_start3A_2 = tpu.memref_slice %arg2[%arg1, %dma_start3A, %dma_start3A_1] : memref<16x320x128xi32, #tpu.memory_space<hbm>> -> memref<1x2x128xi32, #tpu.memory_space<hbm>>
    %dma_start3A_3 = tpu.memref_squeeze %dma_start3A_2 : memref<1x2x128xi32, #tpu.memory_space<hbm>> -> memref<2x128xi32, #tpu.memory_space<hbm>>
    %dma_start3A_4 = arith.constant 0 : i32
    %dma_start3A_5 = arith.constant 0 : i32
    %dma_start3A_6 = tpu.memref_slice %arg2[%arg1, %dma_start3A_4, %dma_start3A_5] : memref<16x320x128xi32, #tpu.memory_space<hbm>> -> memref<1x2x128xi32, #tpu.memory_space<hbm>>
    %dma_start3A_7 = tpu.memref_squeeze %dma_start3A_6 : memref<1x2x128xi32, #tpu.memory_space<hbm>> -> memref<2x128xi32, #tpu.memory_space<hbm>>
    tpu.enqueue_dma source(%dma_start3A_7 : memref<2x128xi32, #tpu.memory_space<hbm>>) target(%arg8 : memref<2x128xi32, #tpu.memory_space<vmem>>) target_semaphore(%arg21 : memref<!tpu.dma_semaphore, #tpu.memory_space<semaphore_mem>>)
    %dma_start3A_8 = arith.constant 2 : i32
    %dma_start3A_9 = arith.constant 0 : i32
    %dma_start3A_10 = tpu.memref_slice %arg2[%arg1, %dma_start3A_8, %dma_start3A_9] : memref<16x320x128xi32, #tpu.memory_space<hbm>> -> memref<1x2x128xi32, #tpu.memory_space<hbm>>
    %dma_start3A_11 = tpu.memref_squeeze %dma_start3A_10 : memref<1x2x128xi32, #tpu.memory_space<hbm>> -> memref<2x128xi32, #tpu.memory_space<hbm>>
    %dma_start3A_12 = arith.constant 2 : i32
    %dma_start3A_13 = arith.constant 0 : i32
    %dma_start3A_14 = tpu.memref_slice %arg2[%arg1, %dma_start3A_12, %dma_start3A_13] : memref<16x320x128xi32, #tpu.memory_space<hbm>> -> memref<1x2x128xi32, #tpu.memory_space<hbm>>
    %dma_start3A_15 = tpu.memref_squeeze %dma_start3A_14 : memref<1x2x128xi32, #tpu.memory_space<hbm>> -> memref<2x128xi32, #tpu.memory_space<hbm>>
    tpu.enqueue_dma source(%dma_start3A_15 : memref<2x128xi32, #tpu.memory_space<hbm>>) target(%arg9 : memref<2x128xi32, #tpu.memory_space<vmem>>) target_semaphore(%arg22 : memref<!tpu.dma_semaphore, #tpu.memory_space<semaphore_mem>>)
    %dma_start3A_16 = arith.constant 4 : i32
    %dma_start3A_17 = arith.constant 0 : i32
    %dma_start3A_18 = tpu.memref_slice %arg2[%arg1, %dma_start3A_16, %dma_start3A_17] : memref<16x320x128xi32, #tpu.memory_space<hbm>> -> memref<1x2x128xi32, #tpu.memory_space<hbm>>
    %dma_start3A_19 = tpu.memref_squeeze %dma_start3A_18 : memref<1x2x128xi32, #tpu.memory_space<hbm>> -> memref<2x128xi32, #tpu.memory_space<hbm>>
    %dma_start3A_20 = arith.constant 4 : i32
    %dma_start3A_21 = arith.constant 0 : i32
    %dma_start3A_22 = tpu.memref_slice %arg2[%arg1, %dma_start3A_20, %dma_start3A_21] : memref<16x320x128xi32, #tpu.memory_space<hbm>> -> memref<1x2x128xi32, #tpu.memory_space<hbm>>
    %dma_start3A_23 = tpu.memref_squeeze %dma_start3A_22 : memref<1x2x128xi32, #tpu.memory_space<hbm>> -> memref<2x128xi32, #tpu.memory_space<hbm>>
    tpu.enqueue_dma source(%dma_start3A_23 : memref<2x128xi32, #tpu.memory_space<hbm>>) target(%arg10 : memref<2x128xi32, #tpu.memory_space<vmem>>) target_semaphore(%arg23 : memref<!tpu.dma_semaphore, #tpu.memory_space<semaphore_mem>>)
    %dma_start3A_24 = arith.constant 6 : i32
    %dma_start3A_25 = arith.constant 0 : i32
    %dma_start3A_26 = tpu.memref_slice %arg2[%arg1, %dma_start3A_24, %dma_start3A_25] : memref<16x320x128xi32, #tpu.memory_space<hbm>> -> memref<1x2x128xi32, #tpu.memory_space<hbm>>
    %dma_start3A_27 = tpu.memref_squeeze %dma_start3A_26 : memref<1x2x128xi32, #tpu.memory_space<hbm>> -> memref<2x128xi32, #tpu.memory_space<hbm>>
    %dma_start3A_28 = arith.constant 6 : i32
    %dma_start3A_29 = arith.constant 0 : i32
    %dma_start3A_30 = tpu.memref_slice %arg2[%arg1, %dma_start3A_28, %dma_start3A_29] : memref<16x320x128xi32, #tpu.memory_space<hbm>> -> memref<1x2x128xi32, #tpu.memory_space<hbm>>
    %dma_start3A_31 = tpu.memref_squeeze %dma_start3A_30 : memref<1x2x128xi32, #tpu.memory_space<hbm>> -> memref<2x128xi32, #tpu.memory_space<hbm>>
    tpu.enqueue_dma source(%dma_start3A_31 : memref<2x128xi32, #tpu.memory_space<hbm>>) target(%arg11 : memref<2x128xi32, #tpu.memory_space<vmem>>) target_semaphore(%arg24 : memref<!tpu.dma_semaphore, #tpu.memory_space<semaphore_mem>>)
    %dma_wait3A = arith.constant 0 : i32
    %dma_wait3A_32 = arith.constant 0 : i32
    %dma_wait3A_33 = tpu.memref_slice %arg2[%arg1, %dma_wait3A, %dma_wait3A_32] : memref<16x320x128xi32, #tpu.memory_space<hbm>> -> memref<1x2x128xi32, #tpu.memory_space<hbm>>
    %dma_wait3A_34 = tpu.memref_squeeze %dma_wait3A_33 : memref<1x2x128xi32, #tpu.memory_space<hbm>> -> memref<2x128xi32, #tpu.memory_space<hbm>>
    %dma_wait3A_35 = arith.constant 0 : i32
    %dma_wait3A_36 = arith.constant 0 : i32
    %dma_wait3A_37 = tpu.memref_slice %arg2[%arg1, %dma_wait3A_35, %dma_wait3A_36] : memref<16x320x128xi32, #tpu.memory_space<hbm>> -> memref<1x2x128xi32, #tpu.memory_space<hbm>>
    %dma_wait3A_38 = tpu.memref_squeeze %dma_wait3A_37 : memref<1x2x128xi32, #tpu.memory_space<hbm>> -> memref<2x128xi32, #tpu.memory_space<hbm>>
    tpu.wait_dma2 semaphore(%arg21 : memref<!tpu.dma_semaphore, #tpu.memory_space<semaphore_mem>>) src(%dma_wait3A_38 : memref<2x128xi32, #tpu.memory_space<hbm>>) dst(%arg8 : memref<2x128xi32, #tpu.memory_space<vmem>>)
    %eq3A = arith.constant 0 : i32
    %eq3A_39 = arith.cmpi eq, %arg0, %eq3A : i32
    %convert_element_type3A = arith.extui %eq3A_39 : i1 to i32
    %cond3A = arith.constant 0 : i32
    %cond3A_40 = arith.cmpi ne, %convert_element_type3A, %cond3A : i32
    scf.if %cond3A_40 {
      %dma_start3A_94 = arith.constant 0 : i32
      %dma_start3A_95 = arith.constant 0 : i32
      %dma_start3A_96 = tpu.memref_slice %arg8[%dma_start3A_94, %dma_start3A_95] : memref<2x128xi32, #tpu.memory_space<vmem>> -> memref<1x128xi32, #tpu.memory_space<vmem>>
      %dma_start3A_97 = tpu.memref_squeeze %dma_start3A_96 : memref<1x128xi32, #tpu.memory_space<vmem>> -> memref<128xi32, #tpu.memory_space<vmem>>
      %dma_start3A_98 = arith.constant 0 : i32
      %dma_start3A_99 = arith.constant 0 : i32
      %dma_start3A_100 = tpu.memref_slice %arg3[%dma_start3A_98, %dma_start3A_99] : memref<10000x128xbf16, #tpu.memory_space<hbm>> -> memref<10000x128xbf16, #tpu.memory_space<hbm>>
      tpu.enqueue_indirect_dma source(%dma_start3A_100 : memref<10000x128xbf16, #tpu.memory_space<hbm>>) target(%arg16 : memref<128x128xbf16, #tpu.memory_space<vmem>>) offsets(%dma_start3A_97 : memref<128xi32, #tpu.memory_space<vmem>>) semaphore(%arg29 : memref<!tpu.dma_semaphore, #tpu.memory_space<semaphore_mem>>)
    } else {
    }
    %eq3A_41 = arith.constant 1 : i32
    %eq3A_42 = arith.cmpi eq, %arg0, %eq3A_41 : i32
    %convert_element_type3A_43 = arith.extui %eq3A_42 : i1 to i32
    %cond3A_44 = arith.constant 0 : i32
    %cond3A_45 = arith.cmpi ne, %convert_element_type3A_43, %cond3A_44 : i32
    scf.if %cond3A_45 {
      %dma_start3A_94 = arith.constant 0 : i32
      %dma_start3A_95 = arith.constant 0 : i32
      %dma_start3A_96 = tpu.memref_slice %arg8[%dma_start3A_94, %dma_start3A_95] : memref<2x128xi32, #tpu.memory_space<vmem>> -> memref<1x128xi32, #tpu.memory_space<vmem>>
      %dma_start3A_97 = tpu.memref_squeeze %dma_start3A_96 : memref<1x128xi32, #tpu.memory_space<vmem>> -> memref<128xi32, #tpu.memory_space<vmem>>
      %dma_start3A_98 = arith.constant 0 : i32
      %dma_start3A_99 = arith.constant 0 : i32
      %dma_start3A_100 = tpu.memref_slice %arg4[%dma_start3A_98, %dma_start3A_99] : memref<10000x128xbf16, #tpu.memory_space<hbm>> -> memref<10000x128xbf16, #tpu.memory_space<hbm>>
      tpu.enqueue_indirect_dma source(%dma_start3A_100 : memref<10000x128xbf16, #tpu.memory_space<hbm>>) target(%arg16 : memref<128x128xbf16, #tpu.memory_space<vmem>>) offsets(%dma_start3A_97 : memref<128xi32, #tpu.memory_space<vmem>>) semaphore(%arg29 : memref<!tpu.dma_semaphore, #tpu.memory_space<semaphore_mem>>)
    } else {
    }
    %dma_wait3A_46 = arith.constant 2 : i32
    %dma_wait3A_47 = arith.constant 0 : i32
    %dma_wait3A_48 = tpu.memref_slice %arg2[%arg1, %dma_wait3A_46, %dma_wait3A_47] : memref<16x320x128xi32, #tpu.memory_space<hbm>> -> memref<1x2x128xi32, #tpu.memory_space<hbm>>
    %dma_wait3A_49 = tpu.memref_squeeze %dma_wait3A_48 : memref<1x2x128xi32, #tpu.memory_space<hbm>> -> memref<2x128xi32, #tpu.memory_space<hbm>>
    %dma_wait3A_50 = arith.constant 2 : i32
    %dma_wait3A_51 = arith.constant 0 : i32
    %dma_wait3A_52 = tpu.memref_slice %arg2[%arg1, %dma_wait3A_50, %dma_wait3A_51] : memref<16x320x128xi32, #tpu.memory_space<hbm>> -> memref<1x2x128xi32, #tpu.memory_space<hbm>>
    %dma_wait3A_53 = tpu.memref_squeeze %dma_wait3A_52 : memref<1x2x128xi32, #tpu.memory_space<hbm>> -> memref<2x128xi32, #tpu.memory_space<hbm>>
    tpu.wait_dma2 semaphore(%arg22 : memref<!tpu.dma_semaphore, #tpu.memory_space<semaphore_mem>>) src(%dma_wait3A_53 : memref<2x128xi32, #tpu.memory_space<hbm>>) dst(%arg9 : memref<2x128xi32, #tpu.memory_space<vmem>>)
    %eq3A_54 = arith.constant 0 : i32
    %eq3A_55 = arith.cmpi eq, %arg0, %eq3A_54 : i32
    %convert_element_type3A_56 = arith.extui %eq3A_55 : i1 to i32
    %cond3A_57 = arith.constant 0 : i32
    %cond3A_58 = arith.cmpi ne, %convert_element_type3A_56, %cond3A_57 : i32
    scf.if %cond3A_58 {
      %dma_start3A_94 = arith.constant 0 : i32
      %dma_start3A_95 = arith.constant 0 : i32
      %dma_start3A_96 = tpu.memref_slice %arg9[%dma_start3A_94, %dma_start3A_95] : memref<2x128xi32, #tpu.memory_space<vmem>> -> memref<1x128xi32, #tpu.memory_space<vmem>>
      %dma_start3A_97 = tpu.memref_squeeze %dma_start3A_96 : memref<1x128xi32, #tpu.memory_space<vmem>> -> memref<128xi32, #tpu.memory_space<vmem>>
      %dma_start3A_98 = arith.constant 0 : i32
      %dma_start3A_99 = arith.constant 0 : i32
      %dma_start3A_100 = tpu.memref_slice %arg3[%dma_start3A_98, %dma_start3A_99] : memref<10000x128xbf16, #tpu.memory_space<hbm>> -> memref<10000x128xbf16, #tpu.memory_space<hbm>>
      tpu.enqueue_indirect_dma source(%dma_start3A_100 : memref<10000x128xbf16, #tpu.memory_space<hbm>>) target(%arg17 : memref<128x128xbf16, #tpu.memory_space<vmem>>) offsets(%dma_start3A_97 : memref<128xi32, #tpu.memory_space<vmem>>) semaphore(%arg30 : memref<!tpu.dma_semaphore, #tpu.memory_space<semaphore_mem>>)
    } else {
    }
    %eq3A_59 = arith.constant 1 : i32
    %eq3A_60 = arith.cmpi eq, %arg0, %eq3A_59 : i32
    %convert_element_type3A_61 = arith.extui %eq3A_60 : i1 to i32
    %cond3A_62 = arith.constant 0 : i32
    %cond3A_63 = arith.cmpi ne, %convert_element_type3A_61, %cond3A_62 : i32
    scf.if %cond3A_63 {
      %dma_start3A_94 = arith.constant 0 : i32
      %dma_start3A_95 = arith.constant 0 : i32
      %dma_start3A_96 = tpu.memref_slice %arg9[%dma_start3A_94, %dma_start3A_95] : memref<2x128xi32, #tpu.memory_space<vmem>> -> memref<1x128xi32, #tpu.memory_space<vmem>>
      %dma_start3A_97 = tpu.memref_squeeze %dma_start3A_96 : memref<1x128xi32, #tpu.memory_space<vmem>> -> memref<128xi32, #tpu.memory_space<vmem>>
      %dma_start3A_98 = arith.constant 0 : i32
      %dma_start3A_99 = arith.constant 0 : i32
      %dma_start3A_100 = tpu.memref_slice %arg4[%dma_start3A_98, %dma_start3A_99] : memref<10000x128xbf16, #tpu.memory_space<hbm>> -> memref<10000x128xbf16, #tpu.memory_space<hbm>>
      tpu.enqueue_indirect_dma source(%dma_start3A_100 : memref<10000x128xbf16, #tpu.memory_space<hbm>>) target(%arg17 : memref<128x128xbf16, #tpu.memory_space<vmem>>) offsets(%dma_start3A_97 : memref<128xi32, #tpu.memory_space<vmem>>) semaphore(%arg30 : memref<!tpu.dma_semaphore, #tpu.memory_space<semaphore_mem>>)
    } else {
    }
    %scan3A = arith.constant 0 : i32
    %scan3A_64 = arith.constant 0 : i32
    %scan3A_65 = arith.constant 20 : i32
    %scan3A_66 = arith.addi %scan3A_64, %scan3A_65 : i32
    %scan3A_67 = arith.constant 1 : i32
    scf.for %scan3A_94 = %scan3A_64 to %scan3A_66 step %scan3A_67  : i32 {
      %mul3A_95 = arith.constant 8 : i32
      %mul3A_96 = arith.muli %scan3A_94, %mul3A_95 : i32
      %add3A = arith.constant 0 : i32
      %add3A_97 = arith.addi %mul3A_96, %add3A : i32
      %add3A_98 = arith.constant 4 : i32
      %add3A_99 = arith.addi %add3A_97, %add3A_98 : i32
      %lt3A = arith.constant 160 : i32
      %lt3A_100 = arith.cmpi slt, %add3A_99, %lt3A : i32
      %convert_element_type3A_101 = arith.extui %lt3A_100 : i1 to i32
      %cond3A_102 = arith.constant 0 : i32
      %cond3A_103 = arith.cmpi ne, %convert_element_type3A_101, %cond3A_102 : i32
      scf.if %cond3A_103 {
        %add3A_388 = arith.constant 4 : i32
        %add3A_389 = arith.addi %add3A_97, %add3A_388 : i32
        %mul3A_390 = arith.constant 2 : i32
        %mul3A_391 = arith.muli %mul3A_390, %add3A_389 : i32
        %dma_start3A_392 = arith.constant 0 : i32
        %dma_start3A_393 = tpu.memref_slice %arg2[%arg1, %mul3A_391, %dma_start3A_392] : memref<16x320x128xi32, #tpu.memory_space<hbm>> -> memref<1x2x128xi32, #tpu.memory_space<hbm>>
        %dma_start3A_394 = tpu.memref_squeeze %dma_start3A_393 : memref<1x2x128xi32, #tpu.memory_space<hbm>> -> memref<2x128xi32, #tpu.memory_space<hbm>>
        %dma_start3A_395 = arith.constant 0 : i32
        %dma_start3A_396 = tpu.memref_slice %arg2[%arg1, %mul3A_391, %dma_start3A_395] : memref<16x320x128xi32, #tpu.memory_space<hbm>> -> memref<1x2x128xi32, #tpu.memory_space<hbm>>
        %dma_start3A_397 = tpu.memref_squeeze %dma_start3A_396 : memref<1x2x128xi32, #tpu.memory_space<hbm>> -> memref<2x128xi32, #tpu.memory_space<hbm>>
        tpu.enqueue_dma source(%dma_start3A_397 : memref<2x128xi32, #tpu.memory_space<hbm>>) target(%arg12 : memref<2x128xi32, #tpu.memory_space<vmem>>) target_semaphore(%arg25 : memref<!tpu.dma_semaphore, #tpu.memory_space<semaphore_mem>>)
      } else {
      }
      %dma_wait3A_104 = arith.constant 0 : i32
      %dma_wait3A_105 = arith.constant 0 : i32
      %dma_wait3A_106 = tpu.memref_slice %arg8[%dma_wait3A_104, %dma_wait3A_105] : memref<2x128xi32, #tpu.memory_space<vmem>> -> memref<1x128xi32, #tpu.memory_space<vmem>>
      %dma_wait3A_107 = tpu.memref_squeeze %dma_wait3A_106 : memref<1x128xi32, #tpu.memory_space<vmem>> -> memref<128xi32, #tpu.memory_space<vmem>>
      %dma_wait3A_108 = arith.constant 0 : i32
      %dma_wait3A_109 = arith.constant 0 : i32
      %dma_wait3A_110 = tpu.memref_slice %arg3[%dma_wait3A_108, %dma_wait3A_109] : memref<10000x128xbf16, #tpu.memory_space<hbm>> -> memref<10000x128xbf16, #tpu.memory_space<hbm>>
      tpu.wait_indirect_dma semaphore(%arg29 : memref<!tpu.dma_semaphore, #tpu.memory_space<semaphore_mem>>) src(%dma_wait3A_110 : memref<10000x128xbf16, #tpu.memory_space<hbm>>) dst(%arg16 : memref<128x128xbf16, #tpu.memory_space<vmem>>)
      %dma_start3A_111 = arith.constant 1 : i32
      %dma_start3A_112 = arith.constant 0 : i32
      %dma_start3A_113 = tpu.memref_slice %arg8[%dma_start3A_111, %dma_start3A_112] : memref<2x128xi32, #tpu.memory_space<vmem>> -> memref<1x128xi32, #tpu.memory_space<vmem>>
      %dma_start3A_114 = tpu.memref_squeeze %dma_start3A_113 : memref<1x128xi32, #tpu.memory_space<vmem>> -> memref<128xi32, #tpu.memory_space<vmem>>
      %dma_start3A_115 = arith.constant 0 : i32
      %dma_start3A_116 = arith.constant 0 : i32
      %dma_start3A_117 = tpu.memref_slice %arg20[%dma_start3A_115, %dma_start3A_116] : memref<10112x128xbf16, #tpu.memory_space<vmem_shared>> -> memref<10112x128xbf16, #tpu.memory_space<vmem_shared>>
      tpu.enqueue_indirect_dma source(%arg16 : memref<128x128xbf16, #tpu.memory_space<vmem>>) target(%dma_start3A_117 : memref<10112x128xbf16, #tpu.memory_space<vmem_shared>>) offsets(%dma_start3A_114 : memref<128xi32, #tpu.memory_space<vmem>>) semaphore(%arg33 : memref<!tpu.dma_semaphore, #tpu.memory_space<semaphore_mem>>) {add = true}
      %ge3A = arith.constant 2 : i32
      %ge3A_118 = arith.cmpi sge, %add3A_97, %ge3A : i32
      %convert_element_type3A_119 = arith.extui %ge3A_118 : i1 to i32
      %cond3A_120 = arith.constant 0 : i32
      %cond3A_121 = arith.cmpi ne, %convert_element_type3A_119, %cond3A_120 : i32
      scf.if %cond3A_121 {
        %dma_wait3A_388 = arith.constant 1 : i32
        %dma_wait3A_389 = arith.constant 0 : i32
        %dma_wait3A_390 = tpu.memref_slice %arg14[%dma_wait3A_388, %dma_wait3A_389] : memref<2x128xi32, #tpu.memory_space<vmem>> -> memref<1x128xi32, #tpu.memory_space<vmem>>
        %dma_wait3A_391 = tpu.memref_squeeze %dma_wait3A_390 : memref<1x128xi32, #tpu.memory_space<vmem>> -> memref<128xi32, #tpu.memory_space<vmem>>
        %dma_wait3A_392 = arith.constant 0 : i32
        %dma_wait3A_393 = arith.constant 0 : i32
        %dma_wait3A_394 = tpu.memref_slice %arg20[%dma_wait3A_392, %dma_wait3A_393] : memref<10112x128xbf16, #tpu.memory_space<vmem_shared>> -> memref<10112x128xbf16, #tpu.memory_space<vmem_shared>>
        tpu.wait_indirect_dma semaphore(%arg35 : memref<!tpu.dma_semaphore, #tpu.memory_space<semaphore_mem>>) src(%arg18 : memref<128x128xbf16, #tpu.memory_space<vmem>>) dst(%dma_wait3A_394 : memref<10112x128xbf16, #tpu.memory_space<vmem_shared>>)
      } else {
      }
      %add3A_122 = arith.constant 2 : i32
      %add3A_123 = arith.addi %add3A_97, %add3A_122 : i32
      %lt3A_124 = arith.constant 160 : i32
      %lt3A_125 = arith.cmpi slt, %add3A_123, %lt3A_124 : i32
      %convert_element_type3A_126 = arith.extui %lt3A_125 : i1 to i32
      %cond3A_127 = arith.constant 0 : i32
      %cond3A_128 = arith.cmpi ne, %convert_element_type3A_126, %cond3A_127 : i32
      scf.if %cond3A_128 {
        %add3A_388 = arith.constant 2 : i32
        %add3A_389 = arith.addi %add3A_97, %add3A_388 : i32
        %mul3A_390 = arith.constant 2 : i32
        %mul3A_391 = arith.muli %mul3A_390, %add3A_389 : i32
        %dma_wait3A_392 = arith.constant 0 : i32
        %dma_wait3A_393 = tpu.memref_slice %arg2[%arg1, %mul3A_391, %dma_wait3A_392] : memref<16x320x128xi32, #tpu.memory_space<hbm>> -> memref<1x2x128xi32, #tpu.memory_space<hbm>>
        %dma_wait3A_394 = tpu.memref_squeeze %dma_wait3A_393 : memref<1x2x128xi32, #tpu.memory_space<hbm>> -> memref<2x128xi32, #tpu.memory_space<hbm>>
        %dma_wait3A_395 = arith.constant 0 : i32
        %dma_wait3A_396 = tpu.memref_slice %arg2[%arg1, %mul3A_391, %dma_wait3A_395] : memref<16x320x128xi32, #tpu.memory_space<hbm>> -> memref<1x2x128xi32, #tpu.memory_space<hbm>>
        %dma_wait3A_397 = tpu.memref_squeeze %dma_wait3A_396 : memref<1x2x128xi32, #tpu.memory_space<hbm>> -> memref<2x128xi32, #tpu.memory_space<hbm>>
        tpu.wait_dma2 semaphore(%arg23 : memref<!tpu.dma_semaphore, #tpu.memory_space<semaphore_mem>>) src(%dma_wait3A_397 : memref<2x128xi32, #tpu.memory_space<hbm>>) dst(%arg10 : memref<2x128xi32, #tpu.memory_space<vmem>>)
        %add3A_398 = arith.constant 2 : i32
        %add3A_399 = arith.addi %add3A_97, %add3A_398 : i32
        %eq3A_400 = arith.constant 0 : i32
        %eq3A_401 = arith.cmpi eq, %arg0, %eq3A_400 : i32
        %convert_element_type3A_402 = arith.extui %eq3A_401 : i1 to i32
        %cond3A_403 = arith.constant 0 : i32
        %cond3A_404 = arith.cmpi ne, %convert_element_type3A_402, %cond3A_403 : i32
        scf.if %cond3A_404 {
          %dma_start3A_410 = arith.constant 0 : i32
          %dma_start3A_411 = arith.constant 0 : i32
          %dma_start3A_412 = tpu.memref_slice %arg10[%dma_start3A_410, %dma_start3A_411] : memref<2x128xi32, #tpu.memory_space<vmem>> -> memref<1x128xi32, #tpu.memory_space<vmem>>
          %dma_start3A_413 = tpu.memref_squeeze %dma_start3A_412 : memref<1x128xi32, #tpu.memory_space<vmem>> -> memref<128xi32, #tpu.memory_space<vmem>>
          %dma_start3A_414 = arith.constant 0 : i32
          %dma_start3A_415 = arith.constant 0 : i32
          %dma_start3A_416 = tpu.memref_slice %arg3[%dma_start3A_414, %dma_start3A_415] : memref<10000x128xbf16, #tpu.memory_space<hbm>> -> memref<10000x128xbf16, #tpu.memory_space<hbm>>
          tpu.enqueue_indirect_dma source(%dma_start3A_416 : memref<10000x128xbf16, #tpu.memory_space<hbm>>) target(%arg18 : memref<128x128xbf16, #tpu.memory_space<vmem>>) offsets(%dma_start3A_413 : memref<128xi32, #tpu.memory_space<vmem>>) semaphore(%arg31 : memref<!tpu.dma_semaphore, #tpu.memory_space<semaphore_mem>>)
        } else {
        }
        %eq3A_405 = arith.constant 1 : i32
        %eq3A_406 = arith.cmpi eq, %arg0, %eq3A_405 : i32
        %convert_element_type3A_407 = arith.extui %eq3A_406 : i1 to i32
        %cond3A_408 = arith.constant 0 : i32
        %cond3A_409 = arith.cmpi ne, %convert_element_type3A_407, %cond3A_408 : i32
        scf.if %cond3A_409 {
          %dma_start3A_410 = arith.constant 0 : i32
          %dma_start3A_411 = arith.constant 0 : i32
          %dma_start3A_412 = tpu.memref_slice %arg10[%dma_start3A_410, %dma_start3A_411] : memref<2x128xi32, #tpu.memory_space<vmem>> -> memref<1x128xi32, #tpu.memory_space<vmem>>
          %dma_start3A_413 = tpu.memref_squeeze %dma_start3A_412 : memref<1x128xi32, #tpu.memory_space<vmem>> -> memref<128xi32, #tpu.memory_space<vmem>>
          %dma_start3A_414 = arith.constant 0 : i32
          %dma_start3A_415 = arith.constant 0 : i32
          %dma_start3A_416 = tpu.memref_slice %arg4[%dma_start3A_414, %dma_start3A_415] : memref<10000x128xbf16, #tpu.memory_space<hbm>> -> memref<10000x128xbf16, #tpu.memory_space<hbm>>
          tpu.enqueue_indirect_dma source(%dma_start3A_416 : memref<10000x128xbf16, #tpu.memory_space<hbm>>) target(%arg18 : memref<128x128xbf16, #tpu.memory_space<vmem>>) offsets(%dma_start3A_413 : memref<128xi32, #tpu.memory_space<vmem>>) semaphore(%arg31 : memref<!tpu.dma_semaphore, #tpu.memory_space<semaphore_mem>>)
        } else {
        }
      } else {
      }
      %mul3A_129 = arith.constant 8 : i32
      %mul3A_130 = arith.muli %scan3A_94, %mul3A_129 : i32
      %add3A_131 = arith.constant 1 : i32
      %add3A_132 = arith.addi %mul3A_130, %add3A_131 : i32
      %add3A_133 = arith.constant 4 : i32
      %add3A_134 = arith.addi %add3A_132, %add3A_133 : i32
      %lt3A_135 = arith.constant 160 : i32
      %lt3A_136 = arith.cmpi slt, %add3A_134, %lt3A_135 : i32
      %convert_element_type3A_137 = arith.extui %lt3A_136 : i1 to i32
      %cond3A_138 = arith.constant 0 : i32
      %cond3A_139 = arith.cmpi ne, %convert_element_type3A_137, %cond3A_138 : i32
      scf.if %cond3A_139 {
        %add3A_388 = arith.constant 4 : i32
        %add3A_389 = arith.addi %add3A_132, %add3A_388 : i32
        %mul3A_390 = arith.constant 2 : i32
        %mul3A_391 = arith.muli %mul3A_390, %add3A_389 : i32
        %dma_start3A_392 = arith.constant 0 : i32
        %dma_start3A_393 = tpu.memref_slice %arg2[%arg1, %mul3A_391, %dma_start3A_392] : memref<16x320x128xi32, #tpu.memory_space<hbm>> -> memref<1x2x128xi32, #tpu.memory_space<hbm>>
        %dma_start3A_394 = tpu.memref_squeeze %dma_start3A_393 : memref<1x2x128xi32, #tpu.memory_space<hbm>> -> memref<2x128xi32, #tpu.memory_space<hbm>>
        %dma_start3A_395 = arith.constant 0 : i32
        %dma_start3A_396 = tpu.memref_slice %arg2[%arg1, %mul3A_391, %dma_start3A_395] : memref<16x320x128xi32, #tpu.memory_space<hbm>> -> memref<1x2x128xi32, #tpu.memory_space<hbm>>
        %dma_start3A_397 = tpu.memref_squeeze %dma_start3A_396 : memref<1x2x128xi32, #tpu.memory_space<hbm>> -> memref<2x128xi32, #tpu.memory_space<hbm>>
        tpu.enqueue_dma source(%dma_start3A_397 : memref<2x128xi32, #tpu.memory_space<hbm>>) target(%arg13 : memref<2x128xi32, #tpu.memory_space<vmem>>) target_semaphore(%arg26 : memref<!tpu.dma_semaphore, #tpu.memory_space<semaphore_mem>>)
      } else {
      }
      %dma_wait3A_140 = arith.constant 0 : i32
      %dma_wait3A_141 = arith.constant 0 : i32
      %dma_wait3A_142 = tpu.memref_slice %arg9[%dma_wait3A_140, %dma_wait3A_141] : memref<2x128xi32, #tpu.memory_space<vmem>> -> memref<1x128xi32, #tpu.memory_space<vmem>>
      %dma_wait3A_143 = tpu.memref_squeeze %dma_wait3A_142 : memref<1x128xi32, #tpu.memory_space<vmem>> -> memref<128xi32, #tpu.memory_space<vmem>>
      %dma_wait3A_144 = arith.constant 0 : i32
      %dma_wait3A_145 = arith.constant 0 : i32
      %dma_wait3A_146 = tpu.memref_slice %arg3[%dma_wait3A_144, %dma_wait3A_145] : memref<10000x128xbf16, #tpu.memory_space<hbm>> -> memref<10000x128xbf16, #tpu.memory_space<hbm>>
      tpu.wait_indirect_dma semaphore(%arg30 : memref<!tpu.dma_semaphore, #tpu.memory_space<semaphore_mem>>) src(%dma_wait3A_146 : memref<10000x128xbf16, #tpu.memory_space<hbm>>) dst(%arg17 : memref<128x128xbf16, #tpu.memory_space<vmem>>)
      %dma_start3A_147 = arith.constant 1 : i32
      %dma_start3A_148 = arith.constant 0 : i32
      %dma_start3A_149 = tpu.memref_slice %arg9[%dma_start3A_147, %dma_start3A_148] : memref<2x128xi32, #tpu.memory_space<vmem>> -> memref<1x128xi32, #tpu.memory_space<vmem>>
      %dma_start3A_150 = tpu.memref_squeeze %dma_start3A_149 : memref<1x128xi32, #tpu.memory_space<vmem>> -> memref<128xi32, #tpu.memory_space<vmem>>
      %dma_start3A_151 = arith.constant 0 : i32
      %dma_start3A_152 = arith.constant 0 : i32
      %dma_start3A_153 = tpu.memref_slice %arg20[%dma_start3A_151, %dma_start3A_152] : memref<10112x128xbf16, #tpu.memory_space<vmem_shared>> -> memref<10112x128xbf16, #tpu.memory_space<vmem_shared>>
      tpu.enqueue_indirect_dma source(%arg17 : memref<128x128xbf16, #tpu.memory_space<vmem>>) target(%dma_start3A_153 : memref<10112x128xbf16, #tpu.memory_space<vmem_shared>>) offsets(%dma_start3A_150 : memref<128xi32, #tpu.memory_space<vmem>>) semaphore(%arg34 : memref<!tpu.dma_semaphore, #tpu.memory_space<semaphore_mem>>) {add = true}
      %ge3A_154 = arith.constant 2 : i32
      %ge3A_155 = arith.cmpi sge, %add3A_132, %ge3A_154 : i32
      %convert_element_type3A_156 = arith.extui %ge3A_155 : i1 to i32
      %cond3A_157 = arith.constant 0 : i32
      %cond3A_158 = arith.cmpi ne, %convert_element_type3A_156, %cond3A_157 : i32
      scf.if %cond3A_158 {
        %dma_wait3A_388 = arith.constant 1 : i32
        %dma_wait3A_389 = arith.constant 0 : i32
        %dma_wait3A_390 = tpu.memref_slice %arg15[%dma_wait3A_388, %dma_wait3A_389] : memref<2x128xi32, #tpu.memory_space<vmem>> -> memref<1x128xi32, #tpu.memory_space<vmem>>
        %dma_wait3A_391 = tpu.memref_squeeze %dma_wait3A_390 : memref<1x128xi32, #tpu.memory_space<vmem>> -> memref<128xi32, #tpu.memory_space<vmem>>
        %dma_wait3A_392 = arith.constant 0 : i32
        %dma_wait3A_393 = arith.constant 0 : i32
        %dma_wait3A_394 = tpu.memref_slice %arg20[%dma_wait3A_392, %dma_wait3A_393] : memref<10112x128xbf16, #tpu.memory_space<vmem_shared>> -> memref<10112x128xbf16, #tpu.memory_space<vmem_shared>>
        tpu.wait_indirect_dma semaphore(%arg36 : memref<!tpu.dma_semaphore, #tpu.memory_space<semaphore_mem>>) src(%arg19 : memref<128x128xbf16, #tpu.memory_space<vmem>>) dst(%dma_wait3A_394 : memref<10112x128xbf16, #tpu.memory_space<vmem_shared>>)
      } else {
      }
      %add3A_159 = arith.constant 2 : i32
      %add3A_160 = arith.addi %add3A_132, %add3A_159 : i32
      %lt3A_161 = arith.constant 160 : i32
      %lt3A_162 = arith.cmpi slt, %add3A_160, %lt3A_161 : i32
      %convert_element_type3A_163 = arith.extui %lt3A_162 : i1 to i32
      %cond3A_164 = arith.constant 0 : i32
      %cond3A_165 = arith.cmpi ne, %convert_element_type3A_163, %cond3A_164 : i32
      scf.if %cond3A_165 {
        %add3A_388 = arith.constant 2 : i32
        %add3A_389 = arith.addi %add3A_132, %add3A_388 : i32
        %mul3A_390 = arith.constant 2 : i32
        %mul3A_391 = arith.muli %mul3A_390, %add3A_389 : i32
        %dma_wait3A_392 = arith.constant 0 : i32
        %dma_wait3A_393 = tpu.memref_slice %arg2[%arg1, %mul3A_391, %dma_wait3A_392] : memref<16x320x128xi32, #tpu.memory_space<hbm>> -> memref<1x2x128xi32, #tpu.memory_space<hbm>>
        %dma_wait3A_394 = tpu.memref_squeeze %dma_wait3A_393 : memref<1x2x128xi32, #tpu.memory_space<hbm>> -> memref<2x128xi32, #tpu.memory_space<hbm>>
        %dma_wait3A_395 = arith.constant 0 : i32
        %dma_wait3A_396 = tpu.memref_slice %arg2[%arg1, %mul3A_391, %dma_wait3A_395] : memref<16x320x128xi32, #tpu.memory_space<hbm>> -> memref<1x2x128xi32, #tpu.memory_space<hbm>>
        %dma_wait3A_397 = tpu.memref_squeeze %dma_wait3A_396 : memref<1x2x128xi32, #tpu.memory_space<hbm>> -> memref<2x128xi32, #tpu.memory_space<hbm>>
        tpu.wait_dma2 semaphore(%arg24 : memref<!tpu.dma_semaphore, #tpu.memory_space<semaphore_mem>>) src(%dma_wait3A_397 : memref<2x128xi32, #tpu.memory_space<hbm>>) dst(%arg11 : memref<2x128xi32, #tpu.memory_space<vmem>>)
        %add3A_398 = arith.constant 2 : i32
        %add3A_399 = arith.addi %add3A_132, %add3A_398 : i32
        %eq3A_400 = arith.constant 0 : i32
        %eq3A_401 = arith.cmpi eq, %arg0, %eq3A_400 : i32
        %convert_element_type3A_402 = arith.extui %eq3A_401 : i1 to i32
        %cond3A_403 = arith.constant 0 : i32
        %cond3A_404 = arith.cmpi ne, %convert_element_type3A_402, %cond3A_403 : i32
        scf.if %cond3A_404 {
          %dma_start3A_410 = arith.constant 0 : i32
          %dma_start3A_411 = arith.constant 0 : i32
          %dma_start3A_412 = tpu.memref_slice %arg11[%dma_start3A_410, %dma_start3A_411] : memref<2x128xi32, #tpu.memory_space<vmem>> -> memref<1x128xi32, #tpu.memory_space<vmem>>
          %dma_start3A_413 = tpu.memref_squeeze %dma_start3A_412 : memref<1x128xi32, #tpu.memory_space<vmem>> -> memref<128xi32, #tpu.memory_space<vmem>>
          %dma_start3A_414 = arith.constant 0 : i32
          %dma_start3A_415 = arith.constant 0 : i32
          %dma_start3A_416 = tpu.memref_slice %arg3[%dma_start3A_414, %dma_start3A_415] : memref<10000x128xbf16, #tpu.memory_space<hbm>> -> memref<10000x128xbf16, #tpu.memory_space<hbm>>
          tpu.enqueue_indirect_dma source(%dma_start3A_416 : memref<10000x128xbf16, #tpu.memory_space<hbm>>) target(%arg19 : memref<128x128xbf16, #tpu.memory_space<vmem>>) offsets(%dma_start3A_413 : memref<128xi32, #tpu.memory_space<vmem>>) semaphore(%arg32 : memref<!tpu.dma_semaphore, #tpu.memory_space<semaphore_mem>>)
        } else {
        }
        %eq3A_405 = arith.constant 1 : i32
        %eq3A_406 = arith.cmpi eq, %arg0, %eq3A_405 : i32
        %convert_element_type3A_407 = arith.extui %eq3A_406 : i1 to i32
        %cond3A_408 = arith.constant 0 : i32
        %cond3A_409 = arith.cmpi ne, %convert_element_type3A_407, %cond3A_408 : i32
        scf.if %cond3A_409 {
          %dma_start3A_410 = arith.constant 0 : i32
          %dma_start3A_411 = arith.constant 0 : i32
          %dma_start3A_412 = tpu.memref_slice %arg11[%dma_start3A_410, %dma_start3A_411] : memref<2x128xi32, #tpu.memory_space<vmem>> -> memref<1x128xi32, #tpu.memory_space<vmem>>
          %dma_start3A_413 = tpu.memref_squeeze %dma_start3A_412 : memref<1x128xi32, #tpu.memory_space<vmem>> -> memref<128xi32, #tpu.memory_space<vmem>>
          %dma_start3A_414 = arith.constant 0 : i32
          %dma_start3A_415 = arith.constant 0 : i32
          %dma_start3A_416 = tpu.memref_slice %arg4[%dma_start3A_414, %dma_start3A_415] : memref<10000x128xbf16, #tpu.memory_space<hbm>> -> memref<10000x128xbf16, #tpu.memory_space<hbm>>
          tpu.enqueue_indirect_dma source(%dma_start3A_416 : memref<10000x128xbf16, #tpu.memory_space<hbm>>) target(%arg19 : memref<128x128xbf16, #tpu.memory_space<vmem>>) offsets(%dma_start3A_413 : memref<128xi32, #tpu.memory_space<vmem>>) semaphore(%arg32 : memref<!tpu.dma_semaphore, #tpu.memory_space<semaphore_mem>>)
        } else {
        }
      } else {
      }
      %mul3A_166 = arith.constant 8 : i32
      %mul3A_167 = arith.muli %scan3A_94, %mul3A_166 : i32
      %add3A_168 = arith.constant 2 : i32
      %add3A_169 = arith.addi %mul3A_167, %add3A_168 : i32
      %add3A_170 = arith.constant 4 : i32
      %add3A_171 = arith.addi %add3A_169, %add3A_170 : i32
      %lt3A_172 = arith.constant 160 : i32
      %lt3A_173 = arith.cmpi slt, %add3A_171, %lt3A_172 : i32
      %convert_element_type3A_174 = arith.extui %lt3A_173 : i1 to i32
      %cond3A_175 = arith.constant 0 : i32
      %cond3A_176 = arith.cmpi ne, %convert_element_type3A_174, %cond3A_175 : i32
      scf.if %cond3A_176 {
        %add3A_388 = arith.constant 4 : i32
        %add3A_389 = arith.addi %add3A_169, %add3A_388 : i32
        %mul3A_390 = arith.constant 2 : i32
        %mul3A_391 = arith.muli %mul3A_390, %add3A_389 : i32
        %dma_start3A_392 = arith.constant 0 : i32
        %dma_start3A_393 = tpu.memref_slice %arg2[%arg1, %mul3A_391, %dma_start3A_392] : memref<16x320x128xi32, #tpu.memory_space<hbm>> -> memref<1x2x128xi32, #tpu.memory_space<hbm>>
        %dma_start3A_394 = tpu.memref_squeeze %dma_start3A_393 : memref<1x2x128xi32, #tpu.memory_space<hbm>> -> memref<2x128xi32, #tpu.memory_space<hbm>>
        %dma_start3A_395 = arith.constant 0 : i32
        %dma_start3A_396 = tpu.memref_slice %arg2[%arg1, %mul3A_391, %dma_start3A_395] : memref<16x320x128xi32, #tpu.memory_space<hbm>> -> memref<1x2x128xi32, #tpu.memory_space<hbm>>
        %dma_start3A_397 = tpu.memref_squeeze %dma_start3A_396 : memref<1x2x128xi32, #tpu.memory_space<hbm>> -> memref<2x128xi32, #tpu.memory_space<hbm>>
        tpu.enqueue_dma source(%dma_start3A_397 : memref<2x128xi32, #tpu.memory_space<hbm>>) target(%arg14 : memref<2x128xi32, #tpu.memory_space<vmem>>) target_semaphore(%arg27 : memref<!tpu.dma_semaphore, #tpu.memory_space<semaphore_mem>>)
      } else {
      }
      %dma_wait3A_177 = arith.constant 0 : i32
      %dma_wait3A_178 = arith.constant 0 : i32
      %dma_wait3A_179 = tpu.memref_slice %arg10[%dma_wait3A_177, %dma_wait3A_178] : memref<2x128xi32, #tpu.memory_space<vmem>> -> memref<1x128xi32, #tpu.memory_space<vmem>>
      %dma_wait3A_180 = tpu.memref_squeeze %dma_wait3A_179 : memref<1x128xi32, #tpu.memory_space<vmem>> -> memref<128xi32, #tpu.memory_space<vmem>>
      %dma_wait3A_181 = arith.constant 0 : i32
      %dma_wait3A_182 = arith.constant 0 : i32
      %dma_wait3A_183 = tpu.memref_slice %arg3[%dma_wait3A_181, %dma_wait3A_182] : memref<10000x128xbf16, #tpu.memory_space<hbm>> -> memref<10000x128xbf16, #tpu.memory_space<hbm>>
      tpu.wait_indirect_dma semaphore(%arg31 : memref<!tpu.dma_semaphore, #tpu.memory_space<semaphore_mem>>) src(%dma_wait3A_183 : memref<10000x128xbf16, #tpu.memory_space<hbm>>) dst(%arg18 : memref<128x128xbf16, #tpu.memory_space<vmem>>)
      %dma_start3A_184 = arith.constant 1 : i32
      %dma_start3A_185 = arith.constant 0 : i32
      %dma_start3A_186 = tpu.memref_slice %arg10[%dma_start3A_184, %dma_start3A_185] : memref<2x128xi32, #tpu.memory_space<vmem>> -> memref<1x128xi32, #tpu.memory_space<vmem>>
      %dma_start3A_187 = tpu.memref_squeeze %dma_start3A_186 : memref<1x128xi32, #tpu.memory_space<vmem>> -> memref<128xi32, #tpu.memory_space<vmem>>
      %dma_start3A_188 = arith.constant 0 : i32
      %dma_start3A_189 = arith.constant 0 : i32
      %dma_start3A_190 = tpu.memref_slice %arg20[%dma_start3A_188, %dma_start3A_189] : memref<10112x128xbf16, #tpu.memory_space<vmem_shared>> -> memref<10112x128xbf16, #tpu.memory_space<vmem_shared>>
      tpu.enqueue_indirect_dma source(%arg18 : memref<128x128xbf16, #tpu.memory_space<vmem>>) target(%dma_start3A_190 : memref<10112x128xbf16, #tpu.memory_space<vmem_shared>>) offsets(%dma_start3A_187 : memref<128xi32, #tpu.memory_space<vmem>>) semaphore(%arg35 : memref<!tpu.dma_semaphore, #tpu.memory_space<semaphore_mem>>) {add = true}
      %ge3A_191 = arith.constant 2 : i32
      %ge3A_192 = arith.cmpi sge, %add3A_169, %ge3A_191 : i32
      %convert_element_type3A_193 = arith.extui %ge3A_192 : i1 to i32
      %cond3A_194 = arith.constant 0 : i32
      %cond3A_195 = arith.cmpi ne, %convert_element_type3A_193, %cond3A_194 : i32
      scf.if %cond3A_195 {
        %dma_wait3A_388 = arith.constant 1 : i32
        %dma_wait3A_389 = arith.constant 0 : i32
        %dma_wait3A_390 = tpu.memref_slice %arg8[%dma_wait3A_388, %dma_wait3A_389] : memref<2x128xi32, #tpu.memory_space<vmem>> -> memref<1x128xi32, #tpu.memory_space<vmem>>
        %dma_wait3A_391 = tpu.memref_squeeze %dma_wait3A_390 : memref<1x128xi32, #tpu.memory_space<vmem>> -> memref<128xi32, #tpu.memory_space<vmem>>
        %dma_wait3A_392 = arith.constant 0 : i32
        %dma_wait3A_393 = arith.constant 0 : i32
        %dma_wait3A_394 = tpu.memref_slice %arg20[%dma_wait3A_392, %dma_wait3A_393] : memref<10112x128xbf16, #tpu.memory_space<vmem_shared>> -> memref<10112x128xbf16, #tpu.memory_space<vmem_shared>>
        tpu.wait_indirect_dma semaphore(%arg33 : memref<!tpu.dma_semaphore, #tpu.memory_space<semaphore_mem>>) src(%arg16 : memref<128x128xbf16, #tpu.memory_space<vmem>>) dst(%dma_wait3A_394 : memref<10112x128xbf16, #tpu.memory_space<vmem_shared>>)
      } else {
      }
      %add3A_196 = arith.constant 2 : i32
      %add3A_197 = arith.addi %add3A_169, %add3A_196 : i32
      %lt3A_198 = arith.constant 160 : i32
      %lt3A_199 = arith.cmpi slt, %add3A_197, %lt3A_198 : i32
      %convert_element_type3A_200 = arith.extui %lt3A_199 : i1 to i32
      %cond3A_201 = arith.constant 0 : i32
      %cond3A_202 = arith.cmpi ne, %convert_element_type3A_200, %cond3A_201 : i32
      scf.if %cond3A_202 {
        %add3A_388 = arith.constant 2 : i32
        %add3A_389 = arith.addi %add3A_169, %add3A_388 : i32
        %mul3A_390 = arith.constant 2 : i32
        %mul3A_391 = arith.muli %mul3A_390, %add3A_389 : i32
        %dma_wait3A_392 = arith.constant 0 : i32
        %dma_wait3A_393 = tpu.memref_slice %arg2[%arg1, %mul3A_391, %dma_wait3A_392] : memref<16x320x128xi32, #tpu.memory_space<hbm>> -> memref<1x2x128xi32, #tpu.memory_space<hbm>>
        %dma_wait3A_394 = tpu.memref_squeeze %dma_wait3A_393 : memref<1x2x128xi32, #tpu.memory_space<hbm>> -> memref<2x128xi32, #tpu.memory_space<hbm>>
        %dma_wait3A_395 = arith.constant 0 : i32
        %dma_wait3A_396 = tpu.memref_slice %arg2[%arg1, %mul3A_391, %dma_wait3A_395] : memref<16x320x128xi32, #tpu.memory_space<hbm>> -> memref<1x2x128xi32, #tpu.memory_space<hbm>>
        %dma_wait3A_397 = tpu.memref_squeeze %dma_wait3A_396 : memref<1x2x128xi32, #tpu.memory_space<hbm>> -> memref<2x128xi32, #tpu.memory_space<hbm>>
        tpu.wait_dma2 semaphore(%arg25 : memref<!tpu.dma_semaphore, #tpu.memory_space<semaphore_mem>>) src(%dma_wait3A_397 : memref<2x128xi32, #tpu.memory_space<hbm>>) dst(%arg12 : memref<2x128xi32, #tpu.memory_space<vmem>>)
        %add3A_398 = arith.constant 2 : i32
        %add3A_399 = arith.addi %add3A_169, %add3A_398 : i32
        %eq3A_400 = arith.constant 0 : i32
        %eq3A_401 = arith.cmpi eq, %arg0, %eq3A_400 : i32
        %convert_element_type3A_402 = arith.extui %eq3A_401 : i1 to i32
        %cond3A_403 = arith.constant 0 : i32
        %cond3A_404 = arith.cmpi ne, %convert_element_type3A_402, %cond3A_403 : i32
        scf.if %cond3A_404 {
          %dma_start3A_410 = arith.constant 0 : i32
          %dma_start3A_411 = arith.constant 0 : i32
          %dma_start3A_412 = tpu.memref_slice %arg12[%dma_start3A_410, %dma_start3A_411] : memref<2x128xi32, #tpu.memory_space<vmem>> -> memref<1x128xi32, #tpu.memory_space<vmem>>
          %dma_start3A_413 = tpu.memref_squeeze %dma_start3A_412 : memref<1x128xi32, #tpu.memory_space<vmem>> -> memref<128xi32, #tpu.memory_space<vmem>>
          %dma_start3A_414 = arith.constant 0 : i32
          %dma_start3A_415 = arith.constant 0 : i32
          %dma_start3A_416 = tpu.memref_slice %arg3[%dma_start3A_414, %dma_start3A_415] : memref<10000x128xbf16, #tpu.memory_space<hbm>> -> memref<10000x128xbf16, #tpu.memory_space<hbm>>
          tpu.enqueue_indirect_dma source(%dma_start3A_416 : memref<10000x128xbf16, #tpu.memory_space<hbm>>) target(%arg16 : memref<128x128xbf16, #tpu.memory_space<vmem>>) offsets(%dma_start3A_413 : memref<128xi32, #tpu.memory_space<vmem>>) semaphore(%arg29 : memref<!tpu.dma_semaphore, #tpu.memory_space<semaphore_mem>>)
        } else {
        }
        %eq3A_405 = arith.constant 1 : i32
        %eq3A_406 = arith.cmpi eq, %arg0, %eq3A_405 : i32
        %convert_element_type3A_407 = arith.extui %eq3A_406 : i1 to i32
        %cond3A_408 = arith.constant 0 : i32
        %cond3A_409 = arith.cmpi ne, %convert_element_type3A_407, %cond3A_408 : i32
        scf.if %cond3A_409 {
          %dma_start3A_410 = arith.constant 0 : i32
          %dma_start3A_411 = arith.constant 0 : i32
          %dma_start3A_412 = tpu.memref_slice %arg12[%dma_start3A_410, %dma_start3A_411] : memref<2x128xi32, #tpu.memory_space<vmem>> -> memref<1x128xi32, #tpu.memory_space<vmem>>
          %dma_start3A_413 = tpu.memref_squeeze %dma_start3A_412 : memref<1x128xi32, #tpu.memory_space<vmem>> -> memref<128xi32, #tpu.memory_space<vmem>>
          %dma_start3A_414 = arith.constant 0 : i32
          %dma_start3A_415 = arith.constant 0 : i32
          %dma_start3A_416 = tpu.memref_slice %arg4[%dma_start3A_414, %dma_start3A_415] : memref<10000x128xbf16, #tpu.memory_space<hbm>> -> memref<10000x128xbf16, #tpu.memory_space<hbm>>
          tpu.enqueue_indirect_dma source(%dma_start3A_416 : memref<10000x128xbf16, #tpu.memory_space<hbm>>) target(%arg16 : memref<128x128xbf16, #tpu.memory_space<vmem>>) offsets(%dma_start3A_413 : memref<128xi32, #tpu.memory_space<vmem>>) semaphore(%arg29 : memref<!tpu.dma_semaphore, #tpu.memory_space<semaphore_mem>>)
        } else {
        }
      } else {
      }
      %mul3A_203 = arith.constant 8 : i32
      %mul3A_204 = arith.muli %scan3A_94, %mul3A_203 : i32
      %add3A_205 = arith.constant 3 : i32
      %add3A_206 = arith.addi %mul3A_204, %add3A_205 : i32
      %add3A_207 = arith.constant 4 : i32
      %add3A_208 = arith.addi %add3A_206, %add3A_207 : i32
      %lt3A_209 = arith.constant 160 : i32
      %lt3A_210 = arith.cmpi slt, %add3A_208, %lt3A_209 : i32
      %convert_element_type3A_211 = arith.extui %lt3A_210 : i1 to i32
      %cond3A_212 = arith.constant 0 : i32
      %cond3A_213 = arith.cmpi ne, %convert_element_type3A_211, %cond3A_212 : i32
      scf.if %cond3A_213 {
        %add3A_388 = arith.constant 4 : i32
        %add3A_389 = arith.addi %add3A_206, %add3A_388 : i32
        %mul3A_390 = arith.constant 2 : i32
        %mul3A_391 = arith.muli %mul3A_390, %add3A_389 : i32
        %dma_start3A_392 = arith.constant 0 : i32
        %dma_start3A_393 = tpu.memref_slice %arg2[%arg1, %mul3A_391, %dma_start3A_392] : memref<16x320x128xi32, #tpu.memory_space<hbm>> -> memref<1x2x128xi32, #tpu.memory_space<hbm>>
        %dma_start3A_394 = tpu.memref_squeeze %dma_start3A_393 : memref<1x2x128xi32, #tpu.memory_space<hbm>> -> memref<2x128xi32, #tpu.memory_space<hbm>>
        %dma_start3A_395 = arith.constant 0 : i32
        %dma_start3A_396 = tpu.memref_slice %arg2[%arg1, %mul3A_391, %dma_start3A_395] : memref<16x320x128xi32, #tpu.memory_space<hbm>> -> memref<1x2x128xi32, #tpu.memory_space<hbm>>
        %dma_start3A_397 = tpu.memref_squeeze %dma_start3A_396 : memref<1x2x128xi32, #tpu.memory_space<hbm>> -> memref<2x128xi32, #tpu.memory_space<hbm>>
        tpu.enqueue_dma source(%dma_start3A_397 : memref<2x128xi32, #tpu.memory_space<hbm>>) target(%arg15 : memref<2x128xi32, #tpu.memory_space<vmem>>) target_semaphore(%arg28 : memref<!tpu.dma_semaphore, #tpu.memory_space<semaphore_mem>>)
      } else {
      }
      %dma_wait3A_214 = arith.constant 0 : i32
      %dma_wait3A_215 = arith.constant 0 : i32
      %dma_wait3A_216 = tpu.memref_slice %arg11[%dma_wait3A_214, %dma_wait3A_215] : memref<2x128xi32, #tpu.memory_space<vmem>> -> memref<1x128xi32, #tpu.memory_space<vmem>>
      %dma_wait3A_217 = tpu.memref_squeeze %dma_wait3A_216 : memref<1x128xi32, #tpu.memory_space<vmem>> -> memref<128xi32, #tpu.memory_space<vmem>>
      %dma_wait3A_218 = arith.constant 0 : i32
      %dma_wait3A_219 = arith.constant 0 : i32
      %dma_wait3A_220 = tpu.memref_slice %arg3[%dma_wait3A_218, %dma_wait3A_219] : memref<10000x128xbf16, #tpu.memory_space<hbm>> -> memref<10000x128xbf16, #tpu.memory_space<hbm>>
      tpu.wait_indirect_dma semaphore(%arg32 : memref<!tpu.dma_semaphore, #tpu.memory_space<semaphore_mem>>) src(%dma_wait3A_220 : memref<10000x128xbf16, #tpu.memory_space<hbm>>) dst(%arg19 : memref<128x128xbf16, #tpu.memory_space<vmem>>)
      %dma_start3A_221 = arith.constant 1 : i32
      %dma_start3A_222 = arith.constant 0 : i32
      %dma_start3A_223 = tpu.memref_slice %arg11[%dma_start3A_221, %dma_start3A_222] : memref<2x128xi32, #tpu.memory_space<vmem>> -> memref<1x128xi32, #tpu.memory_space<vmem>>
      %dma_start3A_224 = tpu.memref_squeeze %dma_start3A_223 : memref<1x128xi32, #tpu.memory_space<vmem>> -> memref<128xi32, #tpu.memory_space<vmem>>
      %dma_start3A_225 = arith.constant 0 : i32
      %dma_start3A_226 = arith.constant 0 : i32
      %dma_start3A_227 = tpu.memref_slice %arg20[%dma_start3A_225, %dma_start3A_226] : memref<10112x128xbf16, #tpu.memory_space<vmem_shared>> -> memref<10112x128xbf16, #tpu.memory_space<vmem_shared>>
      tpu.enqueue_indirect_dma source(%arg19 : memref<128x128xbf16, #tpu.memory_space<vmem>>) target(%dma_start3A_227 : memref<10112x128xbf16, #tpu.memory_space<vmem_shared>>) offsets(%dma_start3A_224 : memref<128xi32, #tpu.memory_space<vmem>>) semaphore(%arg36 : memref<!tpu.dma_semaphore, #tpu.memory_space<semaphore_mem>>) {add = true}
      %ge3A_228 = arith.constant 2 : i32
      %ge3A_229 = arith.cmpi sge, %add3A_206, %ge3A_228 : i32
      %convert_element_type3A_230 = arith.extui %ge3A_229 : i1 to i32
      %cond3A_231 = arith.constant 0 : i32
      %cond3A_232 = arith.cmpi ne, %convert_element_type3A_230, %cond3A_231 : i32
      scf.if %cond3A_232 {
        %dma_wait3A_388 = arith.constant 1 : i32
        %dma_wait3A_389 = arith.constant 0 : i32
        %dma_wait3A_390 = tpu.memref_slice %arg9[%dma_wait3A_388, %dma_wait3A_389] : memref<2x128xi32, #tpu.memory_space<vmem>> -> memref<1x128xi32, #tpu.memory_space<vmem>>
        %dma_wait3A_391 = tpu.memref_squeeze %dma_wait3A_390 : memref<1x128xi32, #tpu.memory_space<vmem>> -> memref<128xi32, #tpu.memory_space<vmem>>
        %dma_wait3A_392 = arith.constant 0 : i32
        %dma_wait3A_393 = arith.constant 0 : i32
        %dma_wait3A_394 = tpu.memref_slice %arg20[%dma_wait3A_392, %dma_wait3A_393] : memref<10112x128xbf16, #tpu.memory_space<vmem_shared>> -> memref<10112x128xbf16, #tpu.memory_space<vmem_shared>>
        tpu.wait_indirect_dma semaphore(%arg34 : memref<!tpu.dma_semaphore, #tpu.memory_space<semaphore_mem>>) src(%arg17 : memref<128x128xbf16, #tpu.memory_space<vmem>>) dst(%dma_wait3A_394 : memref<10112x128xbf16, #tpu.memory_space<vmem_shared>>)
      } else {
      }
      %add3A_233 = arith.constant 2 : i32
      %add3A_234 = arith.addi %add3A_206, %add3A_233 : i32
      %lt3A_235 = arith.constant 160 : i32
      %lt3A_236 = arith.cmpi slt, %add3A_234, %lt3A_235 : i32
      %convert_element_type3A_237 = arith.extui %lt3A_236 : i1 to i32
      %cond3A_238 = arith.constant 0 : i32
      %cond3A_239 = arith.cmpi ne, %convert_element_type3A_237, %cond3A_238 : i32
      scf.if %cond3A_239 {
        %add3A_388 = arith.constant 2 : i32
        %add3A_389 = arith.addi %add3A_206, %add3A_388 : i32
        %mul3A_390 = arith.constant 2 : i32
        %mul3A_391 = arith.muli %mul3A_390, %add3A_389 : i32
        %dma_wait3A_392 = arith.constant 0 : i32
        %dma_wait3A_393 = tpu.memref_slice %arg2[%arg1, %mul3A_391, %dma_wait3A_392] : memref<16x320x128xi32, #tpu.memory_space<hbm>> -> memref<1x2x128xi32, #tpu.memory_space<hbm>>
        %dma_wait3A_394 = tpu.memref_squeeze %dma_wait3A_393 : memref<1x2x128xi32, #tpu.memory_space<hbm>> -> memref<2x128xi32, #tpu.memory_space<hbm>>
        %dma_wait3A_395 = arith.constant 0 : i32
        %dma_wait3A_396 = tpu.memref_slice %arg2[%arg1, %mul3A_391, %dma_wait3A_395] : memref<16x320x128xi32, #tpu.memory_space<hbm>> -> memref<1x2x128xi32, #tpu.memory_space<hbm>>
        %dma_wait3A_397 = tpu.memref_squeeze %dma_wait3A_396 : memref<1x2x128xi32, #tpu.memory_space<hbm>> -> memref<2x128xi32, #tpu.memory_space<hbm>>
        tpu.wait_dma2 semaphore(%arg26 : memref<!tpu.dma_semaphore, #tpu.memory_space<semaphore_mem>>) src(%dma_wait3A_397 : memref<2x128xi32, #tpu.memory_space<hbm>>) dst(%arg13 : memref<2x128xi32, #tpu.memory_space<vmem>>)
        %add3A_398 = arith.constant 2 : i32
        %add3A_399 = arith.addi %add3A_206, %add3A_398 : i32
        %eq3A_400 = arith.constant 0 : i32
        %eq3A_401 = arith.cmpi eq, %arg0, %eq3A_400 : i32
        %convert_element_type3A_402 = arith.extui %eq3A_401 : i1 to i32
        %cond3A_403 = arith.constant 0 : i32
        %cond3A_404 = arith.cmpi ne, %convert_element_type3A_402, %cond3A_403 : i32
        scf.if %cond3A_404 {
          %dma_start3A_410 = arith.constant 0 : i32
          %dma_start3A_411 = arith.constant 0 : i32
          %dma_start3A_412 = tpu.memref_slice %arg13[%dma_start3A_410, %dma_start3A_411] : memref<2x128xi32, #tpu.memory_space<vmem>> -> memref<1x128xi32, #tpu.memory_space<vmem>>
          %dma_start3A_413 = tpu.memref_squeeze %dma_start3A_412 : memref<1x128xi32, #tpu.memory_space<vmem>> -> memref<128xi32, #tpu.memory_space<vmem>>
          %dma_start3A_414 = arith.constant 0 : i32
          %dma_start3A_415 = arith.constant 0 : i32
          %dma_start3A_416 = tpu.memref_slice %arg3[%dma_start3A_414, %dma_start3A_415] : memref<10000x128xbf16, #tpu.memory_space<hbm>> -> memref<10000x128xbf16, #tpu.memory_space<hbm>>
          tpu.enqueue_indirect_dma source(%dma_start3A_416 : memref<10000x128xbf16, #tpu.memory_space<hbm>>) target(%arg17 : memref<128x128xbf16, #tpu.memory_space<vmem>>) offsets(%dma_start3A_413 : memref<128xi32, #tpu.memory_space<vmem>>) semaphore(%arg30 : memref<!tpu.dma_semaphore, #tpu.memory_space<semaphore_mem>>)
        } else {
        }
        %eq3A_405 = arith.constant 1 : i32
        %eq3A_406 = arith.cmpi eq, %arg0, %eq3A_405 : i32
        %convert_element_type3A_407 = arith.extui %eq3A_406 : i1 to i32
        %cond3A_408 = arith.constant 0 : i32
        %cond3A_409 = arith.cmpi ne, %convert_element_type3A_407, %cond3A_408 : i32
        scf.if %cond3A_409 {
          %dma_start3A_410 = arith.constant 0 : i32
          %dma_start3A_411 = arith.constant 0 : i32
          %dma_start3A_412 = tpu.memref_slice %arg13[%dma_start3A_410, %dma_start3A_411] : memref<2x128xi32, #tpu.memory_space<vmem>> -> memref<1x128xi32, #tpu.memory_space<vmem>>
          %dma_start3A_413 = tpu.memref_squeeze %dma_start3A_412 : memref<1x128xi32, #tpu.memory_space<vmem>> -> memref<128xi32, #tpu.memory_space<vmem>>
          %dma_start3A_414 = arith.constant 0 : i32
          %dma_start3A_415 = arith.constant 0 : i32
          %dma_start3A_416 = tpu.memref_slice %arg4[%dma_start3A_414, %dma_start3A_415] : memref<10000x128xbf16, #tpu.memory_space<hbm>> -> memref<10000x128xbf16, #tpu.memory_space<hbm>>
          tpu.enqueue_indirect_dma source(%dma_start3A_416 : memref<10000x128xbf16, #tpu.memory_space<hbm>>) target(%arg17 : memref<128x128xbf16, #tpu.memory_space<vmem>>) offsets(%dma_start3A_413 : memref<128xi32, #tpu.memory_space<vmem>>) semaphore(%arg30 : memref<!tpu.dma_semaphore, #tpu.memory_space<semaphore_mem>>)
        } else {
        }
      } else {
      }
      %mul3A_240 = arith.constant 8 : i32
      %mul3A_241 = arith.muli %scan3A_94, %mul3A_240 : i32
      %add3A_242 = arith.constant 4 : i32
      %add3A_243 = arith.addi %mul3A_241, %add3A_242 : i32
      %add3A_244 = arith.constant 4 : i32
      %add3A_245 = arith.addi %add3A_243, %add3A_244 : i32
      %lt3A_246 = arith.constant 160 : i32
      %lt3A_247 = arith.cmpi slt, %add3A_245, %lt3A_246 : i32
      %convert_element_type3A_248 = arith.extui %lt3A_247 : i1 to i32
      %cond3A_249 = arith.constant 0 : i32
      %cond3A_250 = arith.cmpi ne, %convert_element_type3A_248, %cond3A_249 : i32
      scf.if %cond3A_250 {
        %add3A_388 = arith.constant 4 : i32
        %add3A_389 = arith.addi %add3A_243, %add3A_388 : i32
        %mul3A_390 = arith.constant 2 : i32
        %mul3A_391 = arith.muli %mul3A_390, %add3A_389 : i32
        %dma_start3A_392 = arith.constant 0 : i32
        %dma_start3A_393 = tpu.memref_slice %arg2[%arg1, %mul3A_391, %dma_start3A_392] : memref<16x320x128xi32, #tpu.memory_space<hbm>> -> memref<1x2x128xi32, #tpu.memory_space<hbm>>
        %dma_start3A_394 = tpu.memref_squeeze %dma_start3A_393 : memref<1x2x128xi32, #tpu.memory_space<hbm>> -> memref<2x128xi32, #tpu.memory_space<hbm>>
        %dma_start3A_395 = arith.constant 0 : i32
        %dma_start3A_396 = tpu.memref_slice %arg2[%arg1, %mul3A_391, %dma_start3A_395] : memref<16x320x128xi32, #tpu.memory_space<hbm>> -> memref<1x2x128xi32, #tpu.memory_space<hbm>>
        %dma_start3A_397 = tpu.memref_squeeze %dma_start3A_396 : memref<1x2x128xi32, #tpu.memory_space<hbm>> -> memref<2x128xi32, #tpu.memory_space<hbm>>
        tpu.enqueue_dma source(%dma_start3A_397 : memref<2x128xi32, #tpu.memory_space<hbm>>) target(%arg8 : memref<2x128xi32, #tpu.memory_space<vmem>>) target_semaphore(%arg21 : memref<!tpu.dma_semaphore, #tpu.memory_space<semaphore_mem>>)
      } else {
      }
      %dma_wait3A_251 = arith.constant 0 : i32
      %dma_wait3A_252 = arith.constant 0 : i32
      %dma_wait3A_253 = tpu.memref_slice %arg12[%dma_wait3A_251, %dma_wait3A_252] : memref<2x128xi32, #tpu.memory_space<vmem>> -> memref<1x128xi32, #tpu.memory_space<vmem>>
      %dma_wait3A_254 = tpu.memref_squeeze %dma_wait3A_253 : memref<1x128xi32, #tpu.memory_space<vmem>> -> memref<128xi32, #tpu.memory_space<vmem>>
      %dma_wait3A_255 = arith.constant 0 : i32
      %dma_wait3A_256 = arith.constant 0 : i32
      %dma_wait3A_257 = tpu.memref_slice %arg3[%dma_wait3A_255, %dma_wait3A_256] : memref<10000x128xbf16, #tpu.memory_space<hbm>> -> memref<10000x128xbf16, #tpu.memory_space<hbm>>
      tpu.wait_indirect_dma semaphore(%arg29 : memref<!tpu.dma_semaphore, #tpu.memory_space<semaphore_mem>>) src(%dma_wait3A_257 : memref<10000x128xbf16, #tpu.memory_space<hbm>>) dst(%arg16 : memref<128x128xbf16, #tpu.memory_space<vmem>>)
      %dma_start3A_258 = arith.constant 1 : i32
      %dma_start3A_259 = arith.constant 0 : i32
      %dma_start3A_260 = tpu.memref_slice %arg12[%dma_start3A_258, %dma_start3A_259] : memref<2x128xi32, #tpu.memory_space<vmem>> -> memref<1x128xi32, #tpu.memory_space<vmem>>
      %dma_start3A_261 = tpu.memref_squeeze %dma_start3A_260 : memref<1x128xi32, #tpu.memory_space<vmem>> -> memref<128xi32, #tpu.memory_space<vmem>>
      %dma_start3A_262 = arith.constant 0 : i32
      %dma_start3A_263 = arith.constant 0 : i32
      %dma_start3A_264 = tpu.memref_slice %arg20[%dma_start3A_262, %dma_start3A_263] : memref<10112x128xbf16, #tpu.memory_space<vmem_shared>> -> memref<10112x128xbf16, #tpu.memory_space<vmem_shared>>
      tpu.enqueue_indirect_dma source(%arg16 : memref<128x128xbf16, #tpu.memory_space<vmem>>) target(%dma_start3A_264 : memref<10112x128xbf16, #tpu.memory_space<vmem_shared>>) offsets(%dma_start3A_261 : memref<128xi32, #tpu.memory_space<vmem>>) semaphore(%arg33 : memref<!tpu.dma_semaphore, #tpu.memory_space<semaphore_mem>>) {add = true}
      %ge3A_265 = arith.constant 2 : i32
      %ge3A_266 = arith.cmpi sge, %add3A_243, %ge3A_265 : i32
      %convert_element_type3A_267 = arith.extui %ge3A_266 : i1 to i32
      %cond3A_268 = arith.constant 0 : i32
      %cond3A_269 = arith.cmpi ne, %convert_element_type3A_267, %cond3A_268 : i32
      scf.if %cond3A_269 {
        %dma_wait3A_388 = arith.constant 1 : i32
        %dma_wait3A_389 = arith.constant 0 : i32
        %dma_wait3A_390 = tpu.memref_slice %arg10[%dma_wait3A_388, %dma_wait3A_389] : memref<2x128xi32, #tpu.memory_space<vmem>> -> memref<1x128xi32, #tpu.memory_space<vmem>>
        %dma_wait3A_391 = tpu.memref_squeeze %dma_wait3A_390 : memref<1x128xi32, #tpu.memory_space<vmem>> -> memref<128xi32, #tpu.memory_space<vmem>>
        %dma_wait3A_392 = arith.constant 0 : i32
        %dma_wait3A_393 = arith.constant 0 : i32
        %dma_wait3A_394 = tpu.memref_slice %arg20[%dma_wait3A_392, %dma_wait3A_393] : memref<10112x128xbf16, #tpu.memory_space<vmem_shared>> -> memref<10112x128xbf16, #tpu.memory_space<vmem_shared>>
        tpu.wait_indirect_dma semaphore(%arg35 : memref<!tpu.dma_semaphore, #tpu.memory_space<semaphore_mem>>) src(%arg18 : memref<128x128xbf16, #tpu.memory_space<vmem>>) dst(%dma_wait3A_394 : memref<10112x128xbf16, #tpu.memory_space<vmem_shared>>)
      } else {
      }
      %add3A_270 = arith.constant 2 : i32
      %add3A_271 = arith.addi %add3A_243, %add3A_270 : i32
      %lt3A_272 = arith.constant 160 : i32
      %lt3A_273 = arith.cmpi slt, %add3A_271, %lt3A_272 : i32
      %convert_element_type3A_274 = arith.extui %lt3A_273 : i1 to i32
      %cond3A_275 = arith.constant 0 : i32
      %cond3A_276 = arith.cmpi ne, %convert_element_type3A_274, %cond3A_275 : i32
      scf.if %cond3A_276 {
        %add3A_388 = arith.constant 2 : i32
        %add3A_389 = arith.addi %add3A_243, %add3A_388 : i32
        %mul3A_390 = arith.constant 2 : i32
        %mul3A_391 = arith.muli %mul3A_390, %add3A_389 : i32
        %dma_wait3A_392 = arith.constant 0 : i32
        %dma_wait3A_393 = tpu.memref_slice %arg2[%arg1, %mul3A_391, %dma_wait3A_392] : memref<16x320x128xi32, #tpu.memory_space<hbm>> -> memref<1x2x128xi32, #tpu.memory_space<hbm>>
        %dma_wait3A_394 = tpu.memref_squeeze %dma_wait3A_393 : memref<1x2x128xi32, #tpu.memory_space<hbm>> -> memref<2x128xi32, #tpu.memory_space<hbm>>
        %dma_wait3A_395 = arith.constant 0 : i32
        %dma_wait3A_396 = tpu.memref_slice %arg2[%arg1, %mul3A_391, %dma_wait3A_395] : memref<16x320x128xi32, #tpu.memory_space<hbm>> -> memref<1x2x128xi32, #tpu.memory_space<hbm>>
        %dma_wait3A_397 = tpu.memref_squeeze %dma_wait3A_396 : memref<1x2x128xi32, #tpu.memory_space<hbm>> -> memref<2x128xi32, #tpu.memory_space<hbm>>
        tpu.wait_dma2 semaphore(%arg27 : memref<!tpu.dma_semaphore, #tpu.memory_space<semaphore_mem>>) src(%dma_wait3A_397 : memref<2x128xi32, #tpu.memory_space<hbm>>) dst(%arg14 : memref<2x128xi32, #tpu.memory_space<vmem>>)
        %add3A_398 = arith.constant 2 : i32
        %add3A_399 = arith.addi %add3A_243, %add3A_398 : i32
        %eq3A_400 = arith.constant 0 : i32
        %eq3A_401 = arith.cmpi eq, %arg0, %eq3A_400 : i32
        %convert_element_type3A_402 = arith.extui %eq3A_401 : i1 to i32
        %cond3A_403 = arith.constant 0 : i32
        %cond3A_404 = arith.cmpi ne, %convert_element_type3A_402, %cond3A_403 : i32
        scf.if %cond3A_404 {
          %dma_start3A_410 = arith.constant 0 : i32
          %dma_start3A_411 = arith.constant 0 : i32
          %dma_start3A_412 = tpu.memref_slice %arg14[%dma_start3A_410, %dma_start3A_411] : memref<2x128xi32, #tpu.memory_space<vmem>> -> memref<1x128xi32, #tpu.memory_space<vmem>>
          %dma_start3A_413 = tpu.memref_squeeze %dma_start3A_412 : memref<1x128xi32, #tpu.memory_space<vmem>> -> memref<128xi32, #tpu.memory_space<vmem>>
          %dma_start3A_414 = arith.constant 0 : i32
          %dma_start3A_415 = arith.constant 0 : i32
          %dma_start3A_416 = tpu.memref_slice %arg3[%dma_start3A_414, %dma_start3A_415] : memref<10000x128xbf16, #tpu.memory_space<hbm>> -> memref<10000x128xbf16, #tpu.memory_space<hbm>>
          tpu.enqueue_indirect_dma source(%dma_start3A_416 : memref<10000x128xbf16, #tpu.memory_space<hbm>>) target(%arg18 : memref<128x128xbf16, #tpu.memory_space<vmem>>) offsets(%dma_start3A_413 : memref<128xi32, #tpu.memory_space<vmem>>) semaphore(%arg31 : memref<!tpu.dma_semaphore, #tpu.memory_space<semaphore_mem>>)
        } else {
        }
        %eq3A_405 = arith.constant 1 : i32
        %eq3A_406 = arith.cmpi eq, %arg0, %eq3A_405 : i32
        %convert_element_type3A_407 = arith.extui %eq3A_406 : i1 to i32
        %cond3A_408 = arith.constant 0 : i32
        %cond3A_409 = arith.cmpi ne, %convert_element_type3A_407, %cond3A_408 : i32
        scf.if %cond3A_409 {
          %dma_start3A_410 = arith.constant 0 : i32
          %dma_start3A_411 = arith.constant 0 : i32
          %dma_start3A_412 = tpu.memref_slice %arg14[%dma_start3A_410, %dma_start3A_411] : memref<2x128xi32, #tpu.memory_space<vmem>> -> memref<1x128xi32, #tpu.memory_space<vmem>>
          %dma_start3A_413 = tpu.memref_squeeze %dma_start3A_412 : memref<1x128xi32, #tpu.memory_space<vmem>> -> memref<128xi32, #tpu.memory_space<vmem>>
          %dma_start3A_414 = arith.constant 0 : i32
          %dma_start3A_415 = arith.constant 0 : i32
          %dma_start3A_416 = tpu.memref_slice %arg4[%dma_start3A_414, %dma_start3A_415] : memref<10000x128xbf16, #tpu.memory_space<hbm>> -> memref<10000x128xbf16, #tpu.memory_space<hbm>>
          tpu.enqueue_indirect_dma source(%dma_start3A_416 : memref<10000x128xbf16, #tpu.memory_space<hbm>>) target(%arg18 : memref<128x128xbf16, #tpu.memory_space<vmem>>) offsets(%dma_start3A_413 : memref<128xi32, #tpu.memory_space<vmem>>) semaphore(%arg31 : memref<!tpu.dma_semaphore, #tpu.memory_space<semaphore_mem>>)
        } else {
        }
      } else {
      }
      %mul3A_277 = arith.constant 8 : i32
      %mul3A_278 = arith.muli %scan3A_94, %mul3A_277 : i32
      %add3A_279 = arith.constant 5 : i32
      %add3A_280 = arith.addi %mul3A_278, %add3A_279 : i32
      %add3A_281 = arith.constant 4 : i32
      %add3A_282 = arith.addi %add3A_280, %add3A_281 : i32
      %lt3A_283 = arith.constant 160 : i32
      %lt3A_284 = arith.cmpi slt, %add3A_282, %lt3A_283 : i32
      %convert_element_type3A_285 = arith.extui %lt3A_284 : i1 to i32
      %cond3A_286 = arith.constant 0 : i32
      %cond3A_287 = arith.cmpi ne, %convert_element_type3A_285, %cond3A_286 : i32
      scf.if %cond3A_287 {
        %add3A_388 = arith.constant 4 : i32
        %add3A_389 = arith.addi %add3A_280, %add3A_388 : i32
        %mul3A_390 = arith.constant 2 : i32
        %mul3A_391 = arith.muli %mul3A_390, %add3A_389 : i32
        %dma_start3A_392 = arith.constant 0 : i32
        %dma_start3A_393 = tpu.memref_slice %arg2[%arg1, %mul3A_391, %dma_start3A_392] : memref<16x320x128xi32, #tpu.memory_space<hbm>> -> memref<1x2x128xi32, #tpu.memory_space<hbm>>
        %dma_start3A_394 = tpu.memref_squeeze %dma_start3A_393 : memref<1x2x128xi32, #tpu.memory_space<hbm>> -> memref<2x128xi32, #tpu.memory_space<hbm>>
        %dma_start3A_395 = arith.constant 0 : i32
        %dma_start3A_396 = tpu.memref_slice %arg2[%arg1, %mul3A_391, %dma_start3A_395] : memref<16x320x128xi32, #tpu.memory_space<hbm>> -> memref<1x2x128xi32, #tpu.memory_space<hbm>>
        %dma_start3A_397 = tpu.memref_squeeze %dma_start3A_396 : memref<1x2x128xi32, #tpu.memory_space<hbm>> -> memref<2x128xi32, #tpu.memory_space<hbm>>
        tpu.enqueue_dma source(%dma_start3A_397 : memref<2x128xi32, #tpu.memory_space<hbm>>) target(%arg9 : memref<2x128xi32, #tpu.memory_space<vmem>>) target_semaphore(%arg22 : memref<!tpu.dma_semaphore, #tpu.memory_space<semaphore_mem>>)
      } else {
      }
      %dma_wait3A_288 = arith.constant 0 : i32
      %dma_wait3A_289 = arith.constant 0 : i32
      %dma_wait3A_290 = tpu.memref_slice %arg13[%dma_wait3A_288, %dma_wait3A_289] : memref<2x128xi32, #tpu.memory_space<vmem>> -> memref<1x128xi32, #tpu.memory_space<vmem>>
      %dma_wait3A_291 = tpu.memref_squeeze %dma_wait3A_290 : memref<1x128xi32, #tpu.memory_space<vmem>> -> memref<128xi32, #tpu.memory_space<vmem>>
      %dma_wait3A_292 = arith.constant 0 : i32
      %dma_wait3A_293 = arith.constant 0 : i32
      %dma_wait3A_294 = tpu.memref_slice %arg3[%dma_wait3A_292, %dma_wait3A_293] : memref<10000x128xbf16, #tpu.memory_space<hbm>> -> memref<10000x128xbf16, #tpu.memory_space<hbm>>
      tpu.wait_indirect_dma semaphore(%arg30 : memref<!tpu.dma_semaphore, #tpu.memory_space<semaphore_mem>>) src(%dma_wait3A_294 : memref<10000x128xbf16, #tpu.memory_space<hbm>>) dst(%arg17 : memref<128x128xbf16, #tpu.memory_space<vmem>>)
      %dma_start3A_295 = arith.constant 1 : i32
      %dma_start3A_296 = arith.constant 0 : i32
      %dma_start3A_297 = tpu.memref_slice %arg13[%dma_start3A_295, %dma_start3A_296] : memref<2x128xi32, #tpu.memory_space<vmem>> -> memref<1x128xi32, #tpu.memory_space<vmem>>
      %dma_start3A_298 = tpu.memref_squeeze %dma_start3A_297 : memref<1x128xi32, #tpu.memory_space<vmem>> -> memref<128xi32, #tpu.memory_space<vmem>>
      %dma_start3A_299 = arith.constant 0 : i32
      %dma_start3A_300 = arith.constant 0 : i32
      %dma_start3A_301 = tpu.memref_slice %arg20[%dma_start3A_299, %dma_start3A_300] : memref<10112x128xbf16, #tpu.memory_space<vmem_shared>> -> memref<10112x128xbf16, #tpu.memory_space<vmem_shared>>
      tpu.enqueue_indirect_dma source(%arg17 : memref<128x128xbf16, #tpu.memory_space<vmem>>) target(%dma_start3A_301 : memref<10112x128xbf16, #tpu.memory_space<vmem_shared>>) offsets(%dma_start3A_298 : memref<128xi32, #tpu.memory_space<vmem>>) semaphore(%arg34 : memref<!tpu.dma_semaphore, #tpu.memory_space<semaphore_mem>>) {add = true}
      %ge3A_302 = arith.constant 2 : i32
      %ge3A_303 = arith.cmpi sge, %add3A_280, %ge3A_302 : i32
      %convert_element_type3A_304 = arith.extui %ge3A_303 : i1 to i32
      %cond3A_305 = arith.constant 0 : i32
      %cond3A_306 = arith.cmpi ne, %convert_element_type3A_304, %cond3A_305 : i32
      scf.if %cond3A_306 {
        %dma_wait3A_388 = arith.constant 1 : i32
        %dma_wait3A_389 = arith.constant 0 : i32
        %dma_wait3A_390 = tpu.memref_slice %arg11[%dma_wait3A_388, %dma_wait3A_389] : memref<2x128xi32, #tpu.memory_space<vmem>> -> memref<1x128xi32, #tpu.memory_space<vmem>>
        %dma_wait3A_391 = tpu.memref_squeeze %dma_wait3A_390 : memref<1x128xi32, #tpu.memory_space<vmem>> -> memref<128xi32, #tpu.memory_space<vmem>>
        %dma_wait3A_392 = arith.constant 0 : i32
        %dma_wait3A_393 = arith.constant 0 : i32
        %dma_wait3A_394 = tpu.memref_slice %arg20[%dma_wait3A_392, %dma_wait3A_393] : memref<10112x128xbf16, #tpu.memory_space<vmem_shared>> -> memref<10112x128xbf16, #tpu.memory_space<vmem_shared>>
        tpu.wait_indirect_dma semaphore(%arg36 : memref<!tpu.dma_semaphore, #tpu.memory_space<semaphore_mem>>) src(%arg19 : memref<128x128xbf16, #tpu.memory_space<vmem>>) dst(%dma_wait3A_394 : memref<10112x128xbf16, #tpu.memory_space<vmem_shared>>)
      } else {
      }
      %add3A_307 = arith.constant 2 : i32
      %add3A_308 = arith.addi %add3A_280, %add3A_307 : i32
      %lt3A_309 = arith.constant 160 : i32
      %lt3A_310 = arith.cmpi slt, %add3A_308, %lt3A_309 : i32
      %convert_element_type3A_311 = arith.extui %lt3A_310 : i1 to i32
      %cond3A_312 = arith.constant 0 : i32
      %cond3A_313 = arith.cmpi ne, %convert_element_type3A_311, %cond3A_312 : i32
      scf.if %cond3A_313 {
        %add3A_388 = arith.constant 2 : i32
        %add3A_389 = arith.addi %add3A_280, %add3A_388 : i32
        %mul3A_390 = arith.constant 2 : i32
        %mul3A_391 = arith.muli %mul3A_390, %add3A_389 : i32
        %dma_wait3A_392 = arith.constant 0 : i32
        %dma_wait3A_393 = tpu.memref_slice %arg2[%arg1, %mul3A_391, %dma_wait3A_392] : memref<16x320x128xi32, #tpu.memory_space<hbm>> -> memref<1x2x128xi32, #tpu.memory_space<hbm>>
        %dma_wait3A_394 = tpu.memref_squeeze %dma_wait3A_393 : memref<1x2x128xi32, #tpu.memory_space<hbm>> -> memref<2x128xi32, #tpu.memory_space<hbm>>
        %dma_wait3A_395 = arith.constant 0 : i32
        %dma_wait3A_396 = tpu.memref_slice %arg2[%arg1, %mul3A_391, %dma_wait3A_395] : memref<16x320x128xi32, #tpu.memory_space<hbm>> -> memref<1x2x128xi32, #tpu.memory_space<hbm>>
        %dma_wait3A_397 = tpu.memref_squeeze %dma_wait3A_396 : memref<1x2x128xi32, #tpu.memory_space<hbm>> -> memref<2x128xi32, #tpu.memory_space<hbm>>
        tpu.wait_dma2 semaphore(%arg28 : memref<!tpu.dma_semaphore, #tpu.memory_space<semaphore_mem>>) src(%dma_wait3A_397 : memref<2x128xi32, #tpu.memory_space<hbm>>) dst(%arg15 : memref<2x128xi32, #tpu.memory_space<vmem>>)
        %add3A_398 = arith.constant 2 : i32
        %add3A_399 = arith.addi %add3A_280, %add3A_398 : i32
        %eq3A_400 = arith.constant 0 : i32
        %eq3A_401 = arith.cmpi eq, %arg0, %eq3A_400 : i32
        %convert_element_type3A_402 = arith.extui %eq3A_401 : i1 to i32
        %cond3A_403 = arith.constant 0 : i32
        %cond3A_404 = arith.cmpi ne, %convert_element_type3A_402, %cond3A_403 : i32
        scf.if %cond3A_404 {
          %dma_start3A_410 = arith.constant 0 : i32
          %dma_start3A_411 = arith.constant 0 : i32
          %dma_start3A_412 = tpu.memref_slice %arg15[%dma_start3A_410, %dma_start3A_411] : memref<2x128xi32, #tpu.memory_space<vmem>> -> memref<1x128xi32, #tpu.memory_space<vmem>>
          %dma_start3A_413 = tpu.memref_squeeze %dma_start3A_412 : memref<1x128xi32, #tpu.memory_space<vmem>> -> memref<128xi32, #tpu.memory_space<vmem>>
          %dma_start3A_414 = arith.constant 0 : i32
          %dma_start3A_415 = arith.constant 0 : i32
          %dma_start3A_416 = tpu.memref_slice %arg3[%dma_start3A_414, %dma_start3A_415] : memref<10000x128xbf16, #tpu.memory_space<hbm>> -> memref<10000x128xbf16, #tpu.memory_space<hbm>>
          tpu.enqueue_indirect_dma source(%dma_start3A_416 : memref<10000x128xbf16, #tpu.memory_space<hbm>>) target(%arg19 : memref<128x128xbf16, #tpu.memory_space<vmem>>) offsets(%dma_start3A_413 : memref<128xi32, #tpu.memory_space<vmem>>) semaphore(%arg32 : memref<!tpu.dma_semaphore, #tpu.memory_space<semaphore_mem>>)
        } else {
        }
        %eq3A_405 = arith.constant 1 : i32
        %eq3A_406 = arith.cmpi eq, %arg0, %eq3A_405 : i32
        %convert_element_type3A_407 = arith.extui %eq3A_406 : i1 to i32
        %cond3A_408 = arith.constant 0 : i32
        %cond3A_409 = arith.cmpi ne, %convert_element_type3A_407, %cond3A_408 : i32
        scf.if %cond3A_409 {
          %dma_start3A_410 = arith.constant 0 : i32
          %dma_start3A_411 = arith.constant 0 : i32
          %dma_start3A_412 = tpu.memref_slice %arg15[%dma_start3A_410, %dma_start3A_411] : memref<2x128xi32, #tpu.memory_space<vmem>> -> memref<1x128xi32, #tpu.memory_space<vmem>>
          %dma_start3A_413 = tpu.memref_squeeze %dma_start3A_412 : memref<1x128xi32, #tpu.memory_space<vmem>> -> memref<128xi32, #tpu.memory_space<vmem>>
          %dma_start3A_414 = arith.constant 0 : i32
          %dma_start3A_415 = arith.constant 0 : i32
          %dma_start3A_416 = tpu.memref_slice %arg4[%dma_start3A_414, %dma_start3A_415] : memref<10000x128xbf16, #tpu.memory_space<hbm>> -> memref<10000x128xbf16, #tpu.memory_space<hbm>>
          tpu.enqueue_indirect_dma source(%dma_start3A_416 : memref<10000x128xbf16, #tpu.memory_space<hbm>>) target(%arg19 : memref<128x128xbf16, #tpu.memory_space<vmem>>) offsets(%dma_start3A_413 : memref<128xi32, #tpu.memory_space<vmem>>) semaphore(%arg32 : memref<!tpu.dma_semaphore, #tpu.memory_space<semaphore_mem>>)
        } else {
        }
      } else {
      }
      %mul3A_314 = arith.constant 8 : i32
      %mul3A_315 = arith.muli %scan3A_94, %mul3A_314 : i32
      %add3A_316 = arith.constant 6 : i32
      %add3A_317 = arith.addi %mul3A_315, %add3A_316 : i32
      %add3A_318 = arith.constant 4 : i32
      %add3A_319 = arith.addi %add3A_317, %add3A_318 : i32
      %lt3A_320 = arith.constant 160 : i32
      %lt3A_321 = arith.cmpi slt, %add3A_319, %lt3A_320 : i32
      %convert_element_type3A_322 = arith.extui %lt3A_321 : i1 to i32
      %cond3A_323 = arith.constant 0 : i32
      %cond3A_324 = arith.cmpi ne, %convert_element_type3A_322, %cond3A_323 : i32
      scf.if %cond3A_324 {
        %add3A_388 = arith.constant 4 : i32
        %add3A_389 = arith.addi %add3A_317, %add3A_388 : i32
        %mul3A_390 = arith.constant 2 : i32
        %mul3A_391 = arith.muli %mul3A_390, %add3A_389 : i32
        %dma_start3A_392 = arith.constant 0 : i32
        %dma_start3A_393 = tpu.memref_slice %arg2[%arg1, %mul3A_391, %dma_start3A_392] : memref<16x320x128xi32, #tpu.memory_space<hbm>> -> memref<1x2x128xi32, #tpu.memory_space<hbm>>
        %dma_start3A_394 = tpu.memref_squeeze %dma_start3A_393 : memref<1x2x128xi32, #tpu.memory_space<hbm>> -> memref<2x128xi32, #tpu.memory_space<hbm>>
        %dma_start3A_395 = arith.constant 0 : i32
        %dma_start3A_396 = tpu.memref_slice %arg2[%arg1, %mul3A_391, %dma_start3A_395] : memref<16x320x128xi32, #tpu.memory_space<hbm>> -> memref<1x2x128xi32, #tpu.memory_space<hbm>>
        %dma_start3A_397 = tpu.memref_squeeze %dma_start3A_396 : memref<1x2x128xi32, #tpu.memory_space<hbm>> -> memref<2x128xi32, #tpu.memory_space<hbm>>
        tpu.enqueue_dma source(%dma_start3A_397 : memref<2x128xi32, #tpu.memory_space<hbm>>) target(%arg10 : memref<2x128xi32, #tpu.memory_space<vmem>>) target_semaphore(%arg23 : memref<!tpu.dma_semaphore, #tpu.memory_space<semaphore_mem>>)
      } else {
      }
      %dma_wait3A_325 = arith.constant 0 : i32
      %dma_wait3A_326 = arith.constant 0 : i32
      %dma_wait3A_327 = tpu.memref_slice %arg14[%dma_wait3A_325, %dma_wait3A_326] : memref<2x128xi32, #tpu.memory_space<vmem>> -> memref<1x128xi32, #tpu.memory_space<vmem>>
      %dma_wait3A_328 = tpu.memref_squeeze %dma_wait3A_327 : memref<1x128xi32, #tpu.memory_space<vmem>> -> memref<128xi32, #tpu.memory_space<vmem>>
      %dma_wait3A_329 = arith.constant 0 : i32
      %dma_wait3A_330 = arith.constant 0 : i32
      %dma_wait3A_331 = tpu.memref_slice %arg3[%dma_wait3A_329, %dma_wait3A_330] : memref<10000x128xbf16, #tpu.memory_space<hbm>> -> memref<10000x128xbf16, #tpu.memory_space<hbm>>
      tpu.wait_indirect_dma semaphore(%arg31 : memref<!tpu.dma_semaphore, #tpu.memory_space<semaphore_mem>>) src(%dma_wait3A_331 : memref<10000x128xbf16, #tpu.memory_space<hbm>>) dst(%arg18 : memref<128x128xbf16, #tpu.memory_space<vmem>>)
      %dma_start3A_332 = arith.constant 1 : i32
      %dma_start3A_333 = arith.constant 0 : i32
      %dma_start3A_334 = tpu.memref_slice %arg14[%dma_start3A_332, %dma_start3A_333] : memref<2x128xi32, #tpu.memory_space<vmem>> -> memref<1x128xi32, #tpu.memory_space<vmem>>
      %dma_start3A_335 = tpu.memref_squeeze %dma_start3A_334 : memref<1x128xi32, #tpu.memory_space<vmem>> -> memref<128xi32, #tpu.memory_space<vmem>>
      %dma_start3A_336 = arith.constant 0 : i32
      %dma_start3A_337 = arith.constant 0 : i32
      %dma_start3A_338 = tpu.memref_slice %arg20[%dma_start3A_336, %dma_start3A_337] : memref<10112x128xbf16, #tpu.memory_space<vmem_shared>> -> memref<10112x128xbf16, #tpu.memory_space<vmem_shared>>
      tpu.enqueue_indirect_dma source(%arg18 : memref<128x128xbf16, #tpu.memory_space<vmem>>) target(%dma_start3A_338 : memref<10112x128xbf16, #tpu.memory_space<vmem_shared>>) offsets(%dma_start3A_335 : memref<128xi32, #tpu.memory_space<vmem>>) semaphore(%arg35 : memref<!tpu.dma_semaphore, #tpu.memory_space<semaphore_mem>>) {add = true}
      %ge3A_339 = arith.constant 2 : i32
      %ge3A_340 = arith.cmpi sge, %add3A_317, %ge3A_339 : i32
      %convert_element_type3A_341 = arith.extui %ge3A_340 : i1 to i32
      %cond3A_342 = arith.constant 0 : i32
      %cond3A_343 = arith.cmpi ne, %convert_element_type3A_341, %cond3A_342 : i32
      scf.if %cond3A_343 {
        %dma_wait3A_388 = arith.constant 1 : i32
        %dma_wait3A_389 = arith.constant 0 : i32
        %dma_wait3A_390 = tpu.memref_slice %arg12[%dma_wait3A_388, %dma_wait3A_389] : memref<2x128xi32, #tpu.memory_space<vmem>> -> memref<1x128xi32, #tpu.memory_space<vmem>>
        %dma_wait3A_391 = tpu.memref_squeeze %dma_wait3A_390 : memref<1x128xi32, #tpu.memory_space<vmem>> -> memref<128xi32, #tpu.memory_space<vmem>>
        %dma_wait3A_392 = arith.constant 0 : i32
        %dma_wait3A_393 = arith.constant 0 : i32
        %dma_wait3A_394 = tpu.memref_slice %arg20[%dma_wait3A_392, %dma_wait3A_393] : memref<10112x128xbf16, #tpu.memory_space<vmem_shared>> -> memref<10112x128xbf16, #tpu.memory_space<vmem_shared>>
        tpu.wait_indirect_dma semaphore(%arg33 : memref<!tpu.dma_semaphore, #tpu.memory_space<semaphore_mem>>) src(%arg16 : memref<128x128xbf16, #tpu.memory_space<vmem>>) dst(%dma_wait3A_394 : memref<10112x128xbf16, #tpu.memory_space<vmem_shared>>)
      } else {
      }
      %add3A_344 = arith.constant 2 : i32
      %add3A_345 = arith.addi %add3A_317, %add3A_344 : i32
      %lt3A_346 = arith.constant 160 : i32
      %lt3A_347 = arith.cmpi slt, %add3A_345, %lt3A_346 : i32
      %convert_element_type3A_348 = arith.extui %lt3A_347 : i1 to i32
      %cond3A_349 = arith.constant 0 : i32
      %cond3A_350 = arith.cmpi ne, %convert_element_type3A_348, %cond3A_349 : i32
      scf.if %cond3A_350 {
        %add3A_388 = arith.constant 2 : i32
        %add3A_389 = arith.addi %add3A_317, %add3A_388 : i32
        %mul3A_390 = arith.constant 2 : i32
        %mul3A_391 = arith.muli %mul3A_390, %add3A_389 : i32
        %dma_wait3A_392 = arith.constant 0 : i32
        %dma_wait3A_393 = tpu.memref_slice %arg2[%arg1, %mul3A_391, %dma_wait3A_392] : memref<16x320x128xi32, #tpu.memory_space<hbm>> -> memref<1x2x128xi32, #tpu.memory_space<hbm>>
        %dma_wait3A_394 = tpu.memref_squeeze %dma_wait3A_393 : memref<1x2x128xi32, #tpu.memory_space<hbm>> -> memref<2x128xi32, #tpu.memory_space<hbm>>
        %dma_wait3A_395 = arith.constant 0 : i32
        %dma_wait3A_396 = tpu.memref_slice %arg2[%arg1, %mul3A_391, %dma_wait3A_395] : memref<16x320x128xi32, #tpu.memory_space<hbm>> -> memref<1x2x128xi32, #tpu.memory_space<hbm>>
        %dma_wait3A_397 = tpu.memref_squeeze %dma_wait3A_396 : memref<1x2x128xi32, #tpu.memory_space<hbm>> -> memref<2x128xi32, #tpu.memory_space<hbm>>
        tpu.wait_dma2 semaphore(%arg21 : memref<!tpu.dma_semaphore, #tpu.memory_space<semaphore_mem>>) src(%dma_wait3A_397 : memref<2x128xi32, #tpu.memory_space<hbm>>) dst(%arg8 : memref<2x128xi32, #tpu.memory_space<vmem>>)
        %add3A_398 = arith.constant 2 : i32
        %add3A_399 = arith.addi %add3A_317, %add3A_398 : i32
        %eq3A_400 = arith.constant 0 : i32
        %eq3A_401 = arith.cmpi eq, %arg0, %eq3A_400 : i32
        %convert_element_type3A_402 = arith.extui %eq3A_401 : i1 to i32
        %cond3A_403 = arith.constant 0 : i32
        %cond3A_404 = arith.cmpi ne, %convert_element_type3A_402, %cond3A_403 : i32
        scf.if %cond3A_404 {
          %dma_start3A_410 = arith.constant 0 : i32
          %dma_start3A_411 = arith.constant 0 : i32
          %dma_start3A_412 = tpu.memref_slice %arg8[%dma_start3A_410, %dma_start3A_411] : memref<2x128xi32, #tpu.memory_space<vmem>> -> memref<1x128xi32, #tpu.memory_space<vmem>>
          %dma_start3A_413 = tpu.memref_squeeze %dma_start3A_412 : memref<1x128xi32, #tpu.memory_space<vmem>> -> memref<128xi32, #tpu.memory_space<vmem>>
          %dma_start3A_414 = arith.constant 0 : i32
          %dma_start3A_415 = arith.constant 0 : i32
          %dma_start3A_416 = tpu.memref_slice %arg3[%dma_start3A_414, %dma_start3A_415] : memref<10000x128xbf16, #tpu.memory_space<hbm>> -> memref<10000x128xbf16, #tpu.memory_space<hbm>>
          tpu.enqueue_indirect_dma source(%dma_start3A_416 : memref<10000x128xbf16, #tpu.memory_space<hbm>>) target(%arg16 : memref<128x128xbf16, #tpu.memory_space<vmem>>) offsets(%dma_start3A_413 : memref<128xi32, #tpu.memory_space<vmem>>) semaphore(%arg29 : memref<!tpu.dma_semaphore, #tpu.memory_space<semaphore_mem>>)
        } else {
        }
        %eq3A_405 = arith.constant 1 : i32
        %eq3A_406 = arith.cmpi eq, %arg0, %eq3A_405 : i32
        %convert_element_type3A_407 = arith.extui %eq3A_406 : i1 to i32
        %cond3A_408 = arith.constant 0 : i32
        %cond3A_409 = arith.cmpi ne, %convert_element_type3A_407, %cond3A_408 : i32
        scf.if %cond3A_409 {
          %dma_start3A_410 = arith.constant 0 : i32
          %dma_start3A_411 = arith.constant 0 : i32
          %dma_start3A_412 = tpu.memref_slice %arg8[%dma_start3A_410, %dma_start3A_411] : memref<2x128xi32, #tpu.memory_space<vmem>> -> memref<1x128xi32, #tpu.memory_space<vmem>>
          %dma_start3A_413 = tpu.memref_squeeze %dma_start3A_412 : memref<1x128xi32, #tpu.memory_space<vmem>> -> memref<128xi32, #tpu.memory_space<vmem>>
          %dma_start3A_414 = arith.constant 0 : i32
          %dma_start3A_415 = arith.constant 0 : i32
          %dma_start3A_416 = tpu.memref_slice %arg4[%dma_start3A_414, %dma_start3A_415] : memref<10000x128xbf16, #tpu.memory_space<hbm>> -> memref<10000x128xbf16, #tpu.memory_space<hbm>>
          tpu.enqueue_indirect_dma source(%dma_start3A_416 : memref<10000x128xbf16, #tpu.memory_space<hbm>>) target(%arg16 : memref<128x128xbf16, #tpu.memory_space<vmem>>) offsets(%dma_start3A_413 : memref<128xi32, #tpu.memory_space<vmem>>) semaphore(%arg29 : memref<!tpu.dma_semaphore, #tpu.memory_space<semaphore_mem>>)
        } else {
        }
      } else {
      }
      %mul3A_351 = arith.constant 8 : i32
      %mul3A_352 = arith.muli %scan3A_94, %mul3A_351 : i32
      %add3A_353 = arith.constant 7 : i32
      %add3A_354 = arith.addi %mul3A_352, %add3A_353 : i32
      %add3A_355 = arith.constant 4 : i32
      %add3A_356 = arith.addi %add3A_354, %add3A_355 : i32
      %lt3A_357 = arith.constant 160 : i32
      %lt3A_358 = arith.cmpi slt, %add3A_356, %lt3A_357 : i32
      %convert_element_type3A_359 = arith.extui %lt3A_358 : i1 to i32
      %cond3A_360 = arith.constant 0 : i32
      %cond3A_361 = arith.cmpi ne, %convert_element_type3A_359, %cond3A_360 : i32
      scf.if %cond3A_361 {
        %add3A_388 = arith.constant 4 : i32
        %add3A_389 = arith.addi %add3A_354, %add3A_388 : i32
        %mul3A_390 = arith.constant 2 : i32
        %mul3A_391 = arith.muli %mul3A_390, %add3A_389 : i32
        %dma_start3A_392 = arith.constant 0 : i32
        %dma_start3A_393 = tpu.memref_slice %arg2[%arg1, %mul3A_391, %dma_start3A_392] : memref<16x320x128xi32, #tpu.memory_space<hbm>> -> memref<1x2x128xi32, #tpu.memory_space<hbm>>
        %dma_start3A_394 = tpu.memref_squeeze %dma_start3A_393 : memref<1x2x128xi32, #tpu.memory_space<hbm>> -> memref<2x128xi32, #tpu.memory_space<hbm>>
        %dma_start3A_395 = arith.constant 0 : i32
        %dma_start3A_396 = tpu.memref_slice %arg2[%arg1, %mul3A_391, %dma_start3A_395] : memref<16x320x128xi32, #tpu.memory_space<hbm>> -> memref<1x2x128xi32, #tpu.memory_space<hbm>>
        %dma_start3A_397 = tpu.memref_squeeze %dma_start3A_396 : memref<1x2x128xi32, #tpu.memory_space<hbm>> -> memref<2x128xi32, #tpu.memory_space<hbm>>
        tpu.enqueue_dma source(%dma_start3A_397 : memref<2x128xi32, #tpu.memory_space<hbm>>) target(%arg11 : memref<2x128xi32, #tpu.memory_space<vmem>>) target_semaphore(%arg24 : memref<!tpu.dma_semaphore, #tpu.memory_space<semaphore_mem>>)
      } else {
      }
      %dma_wait3A_362 = arith.constant 0 : i32
      %dma_wait3A_363 = arith.constant 0 : i32
      %dma_wait3A_364 = tpu.memref_slice %arg15[%dma_wait3A_362, %dma_wait3A_363] : memref<2x128xi32, #tpu.memory_space<vmem>> -> memref<1x128xi32, #tpu.memory_space<vmem>>
      %dma_wait3A_365 = tpu.memref_squeeze %dma_wait3A_364 : memref<1x128xi32, #tpu.memory_space<vmem>> -> memref<128xi32, #tpu.memory_space<vmem>>
      %dma_wait3A_366 = arith.constant 0 : i32
      %dma_wait3A_367 = arith.constant 0 : i32
      %dma_wait3A_368 = tpu.memref_slice %arg3[%dma_wait3A_366, %dma_wait3A_367] : memref<10000x128xbf16, #tpu.memory_space<hbm>> -> memref<10000x128xbf16, #tpu.memory_space<hbm>>
      tpu.wait_indirect_dma semaphore(%arg32 : memref<!tpu.dma_semaphore, #tpu.memory_space<semaphore_mem>>) src(%dma_wait3A_368 : memref<10000x128xbf16, #tpu.memory_space<hbm>>) dst(%arg19 : memref<128x128xbf16, #tpu.memory_space<vmem>>)
      %dma_start3A_369 = arith.constant 1 : i32
      %dma_start3A_370 = arith.constant 0 : i32
      %dma_start3A_371 = tpu.memref_slice %arg15[%dma_start3A_369, %dma_start3A_370] : memref<2x128xi32, #tpu.memory_space<vmem>> -> memref<1x128xi32, #tpu.memory_space<vmem>>
      %dma_start3A_372 = tpu.memref_squeeze %dma_start3A_371 : memref<1x128xi32, #tpu.memory_space<vmem>> -> memref<128xi32, #tpu.memory_space<vmem>>
      %dma_start3A_373 = arith.constant 0 : i32
      %dma_start3A_374 = arith.constant 0 : i32
      %dma_start3A_375 = tpu.memref_slice %arg20[%dma_start3A_373, %dma_start3A_374] : memref<10112x128xbf16, #tpu.memory_space<vmem_shared>> -> memref<10112x128xbf16, #tpu.memory_space<vmem_shared>>
      tpu.enqueue_indirect_dma source(%arg19 : memref<128x128xbf16, #tpu.memory_space<vmem>>) target(%dma_start3A_375 : memref<10112x128xbf16, #tpu.memory_space<vmem_shared>>) offsets(%dma_start3A_372 : memref<128xi32, #tpu.memory_space<vmem>>) semaphore(%arg36 : memref<!tpu.dma_semaphore, #tpu.memory_space<semaphore_mem>>) {add = true}
      %ge3A_376 = arith.constant 2 : i32
      %ge3A_377 = arith.cmpi sge, %add3A_354, %ge3A_376 : i32
      %convert_element_type3A_378 = arith.extui %ge3A_377 : i1 to i32
      %cond3A_379 = arith.constant 0 : i32
      %cond3A_380 = arith.cmpi ne, %convert_element_type3A_378, %cond3A_379 : i32
      scf.if %cond3A_380 {
        %dma_wait3A_388 = arith.constant 1 : i32
        %dma_wait3A_389 = arith.constant 0 : i32
        %dma_wait3A_390 = tpu.memref_slice %arg13[%dma_wait3A_388, %dma_wait3A_389] : memref<2x128xi32, #tpu.memory_space<vmem>> -> memref<1x128xi32, #tpu.memory_space<vmem>>
        %dma_wait3A_391 = tpu.memref_squeeze %dma_wait3A_390 : memref<1x128xi32, #tpu.memory_space<vmem>> -> memref<128xi32, #tpu.memory_space<vmem>>
        %dma_wait3A_392 = arith.constant 0 : i32
        %dma_wait3A_393 = arith.constant 0 : i32
        %dma_wait3A_394 = tpu.memref_slice %arg20[%dma_wait3A_392, %dma_wait3A_393] : memref<10112x128xbf16, #tpu.memory_space<vmem_shared>> -> memref<10112x128xbf16, #tpu.memory_space<vmem_shared>>
        tpu.wait_indirect_dma semaphore(%arg34 : memref<!tpu.dma_semaphore, #tpu.memory_space<semaphore_mem>>) src(%arg17 : memref<128x128xbf16, #tpu.memory_space<vmem>>) dst(%dma_wait3A_394 : memref<10112x128xbf16, #tpu.memory_space<vmem_shared>>)
      } else {
      }
      %add3A_381 = arith.constant 2 : i32
      %add3A_382 = arith.addi %add3A_354, %add3A_381 : i32
      %lt3A_383 = arith.constant 160 : i32
      %lt3A_384 = arith.cmpi slt, %add3A_382, %lt3A_383 : i32
      %convert_element_type3A_385 = arith.extui %lt3A_384 : i1 to i32
      %cond3A_386 = arith.constant 0 : i32
      %cond3A_387 = arith.cmpi ne, %convert_element_type3A_385, %cond3A_386 : i32
      scf.if %cond3A_387 {
        %add3A_388 = arith.constant 2 : i32
        %add3A_389 = arith.addi %add3A_354, %add3A_388 : i32
        %mul3A_390 = arith.constant 2 : i32
        %mul3A_391 = arith.muli %mul3A_390, %add3A_389 : i32
        %dma_wait3A_392 = arith.constant 0 : i32
        %dma_wait3A_393 = tpu.memref_slice %arg2[%arg1, %mul3A_391, %dma_wait3A_392] : memref<16x320x128xi32, #tpu.memory_space<hbm>> -> memref<1x2x128xi32, #tpu.memory_space<hbm>>
        %dma_wait3A_394 = tpu.memref_squeeze %dma_wait3A_393 : memref<1x2x128xi32, #tpu.memory_space<hbm>> -> memref<2x128xi32, #tpu.memory_space<hbm>>
        %dma_wait3A_395 = arith.constant 0 : i32
        %dma_wait3A_396 = tpu.memref_slice %arg2[%arg1, %mul3A_391, %dma_wait3A_395] : memref<16x320x128xi32, #tpu.memory_space<hbm>> -> memref<1x2x128xi32, #tpu.memory_space<hbm>>
        %dma_wait3A_397 = tpu.memref_squeeze %dma_wait3A_396 : memref<1x2x128xi32, #tpu.memory_space<hbm>> -> memref<2x128xi32, #tpu.memory_space<hbm>>
        tpu.wait_dma2 semaphore(%arg22 : memref<!tpu.dma_semaphore, #tpu.memory_space<semaphore_mem>>) src(%dma_wait3A_397 : memref<2x128xi32, #tpu.memory_space<hbm>>) dst(%arg9 : memref<2x128xi32, #tpu.memory_space<vmem>>)
        %add3A_398 = arith.constant 2 : i32
        %add3A_399 = arith.addi %add3A_354, %add3A_398 : i32
        %eq3A_400 = arith.constant 0 : i32
        %eq3A_401 = arith.cmpi eq, %arg0, %eq3A_400 : i32
        %convert_element_type3A_402 = arith.extui %eq3A_401 : i1 to i32
        %cond3A_403 = arith.constant 0 : i32
        %cond3A_404 = arith.cmpi ne, %convert_element_type3A_402, %cond3A_403 : i32
        scf.if %cond3A_404 {
          %dma_start3A_410 = arith.constant 0 : i32
          %dma_start3A_411 = arith.constant 0 : i32
          %dma_start3A_412 = tpu.memref_slice %arg9[%dma_start3A_410, %dma_start3A_411] : memref<2x128xi32, #tpu.memory_space<vmem>> -> memref<1x128xi32, #tpu.memory_space<vmem>>
          %dma_start3A_413 = tpu.memref_squeeze %dma_start3A_412 : memref<1x128xi32, #tpu.memory_space<vmem>> -> memref<128xi32, #tpu.memory_space<vmem>>
          %dma_start3A_414 = arith.constant 0 : i32
          %dma_start3A_415 = arith.constant 0 : i32
          %dma_start3A_416 = tpu.memref_slice %arg3[%dma_start3A_414, %dma_start3A_415] : memref<10000x128xbf16, #tpu.memory_space<hbm>> -> memref<10000x128xbf16, #tpu.memory_space<hbm>>
          tpu.enqueue_indirect_dma source(%dma_start3A_416 : memref<10000x128xbf16, #tpu.memory_space<hbm>>) target(%arg17 : memref<128x128xbf16, #tpu.memory_space<vmem>>) offsets(%dma_start3A_413 : memref<128xi32, #tpu.memory_space<vmem>>) semaphore(%arg30 : memref<!tpu.dma_semaphore, #tpu.memory_space<semaphore_mem>>)
        } else {
        }
        %eq3A_405 = arith.constant 1 : i32
        %eq3A_406 = arith.cmpi eq, %arg0, %eq3A_405 : i32
        %convert_element_type3A_407 = arith.extui %eq3A_406 : i1 to i32
        %cond3A_408 = arith.constant 0 : i32
        %cond3A_409 = arith.cmpi ne, %convert_element_type3A_407, %cond3A_408 : i32
        scf.if %cond3A_409 {
          %dma_start3A_410 = arith.constant 0 : i32
          %dma_start3A_411 = arith.constant 0 : i32
          %dma_start3A_412 = tpu.memref_slice %arg9[%dma_start3A_410, %dma_start3A_411] : memref<2x128xi32, #tpu.memory_space<vmem>> -> memref<1x128xi32, #tpu.memory_space<vmem>>
          %dma_start3A_413 = tpu.memref_squeeze %dma_start3A_412 : memref<1x128xi32, #tpu.memory_space<vmem>> -> memref<128xi32, #tpu.memory_space<vmem>>
          %dma_start3A_414 = arith.constant 0 : i32
          %dma_start3A_415 = arith.constant 0 : i32
          %dma_start3A_416 = tpu.memref_slice %arg4[%dma_start3A_414, %dma_start3A_415] : memref<10000x128xbf16, #tpu.memory_space<hbm>> -> memref<10000x128xbf16, #tpu.memory_space<hbm>>
          tpu.enqueue_indirect_dma source(%dma_start3A_416 : memref<10000x128xbf16, #tpu.memory_space<hbm>>) target(%arg17 : memref<128x128xbf16, #tpu.memory_space<vmem>>) offsets(%dma_start3A_413 : memref<128xi32, #tpu.memory_space<vmem>>) semaphore(%arg30 : memref<!tpu.dma_semaphore, #tpu.memory_space<semaphore_mem>>)
        } else {
        }
      } else {
      }
    }
    %scan3A_68 = arith.constant 20 : i32
    %dma_wait3A_69 = arith.constant 1 : i32
    %dma_wait3A_70 = arith.constant 0 : i32
    %dma_wait3A_71 = tpu.memref_slice %arg14[%dma_wait3A_69, %dma_wait3A_70] : memref<2x128xi32, #tpu.memory_space<vmem>> -> memref<1x128xi32, #tpu.memory_space<vmem>>
    %dma_wait3A_72 = tpu.memref_squeeze %dma_wait3A_71 : memref<1x128xi32, #tpu.memory_space<vmem>> -> memref<128xi32, #tpu.memory_space<vmem>>
    %dma_wait3A_73 = arith.constant 0 : i32
    %dma_wait3A_74 = arith.constant 0 : i32
    %dma_wait3A_75 = tpu.memref_slice %arg20[%dma_wait3A_73, %dma_wait3A_74] : memref<10112x128xbf16, #tpu.memory_space<vmem_shared>> -> memref<10112x128xbf16, #tpu.memory_space<vmem_shared>>
    tpu.wait_indirect_dma semaphore(%arg35 : memref<!tpu.dma_semaphore, #tpu.memory_space<semaphore_mem>>) src(%arg18 : memref<128x128xbf16, #tpu.memory_space<vmem>>) dst(%dma_wait3A_75 : memref<10112x128xbf16, #tpu.memory_space<vmem_shared>>)
    %dma_wait3A_76 = arith.constant 1 : i32
    %dma_wait3A_77 = arith.constant 0 : i32
    %dma_wait3A_78 = tpu.memref_slice %arg15[%dma_wait3A_76, %dma_wait3A_77] : memref<2x128xi32, #tpu.memory_space<vmem>> -> memref<1x128xi32, #tpu.memory_space<vmem>>
    %dma_wait3A_79 = tpu.memref_squeeze %dma_wait3A_78 : memref<1x128xi32, #tpu.memory_space<vmem>> -> memref<128xi32, #tpu.memory_space<vmem>>
    %dma_wait3A_80 = arith.constant 0 : i32
    %dma_wait3A_81 = arith.constant 0 : i32
    %dma_wait3A_82 = tpu.memref_slice %arg20[%dma_wait3A_80, %dma_wait3A_81] : memref<10112x128xbf16, #tpu.memory_space<vmem_shared>> -> memref<10112x128xbf16, #tpu.memory_space<vmem_shared>>
    tpu.wait_indirect_dma semaphore(%arg36 : memref<!tpu.dma_semaphore, #tpu.memory_space<semaphore_mem>>) src(%arg19 : memref<128x128xbf16, #tpu.memory_space<vmem>>) dst(%dma_wait3A_82 : memref<10112x128xbf16, #tpu.memory_space<vmem_shared>>)
    %barrier3A_83 = arith.constant 0 : index
    tpu.barrier barrier_id(%barrier3A_83)
    %eq3A_84 = arith.constant 0 : i32
    %eq3A_85 = arith.cmpi eq, %arg0, %eq3A_84 : i32
    %convert_element_type3A_86 = arith.extui %eq3A_85 : i1 to i32
    %cond3A_87 = arith.constant 0 : i32
    %cond3A_88 = arith.cmpi ne, %convert_element_type3A_86, %cond3A_87 : i32
    scf.if %cond3A_88 {
      "tpu.region"() ({
        %run_scoped3A = tpu.sem_alloc : memref<!tpu.dma_semaphore, #tpu.memory_space<semaphore_mem>>
        %dma_start3A_94 = arith.constant 0 : i32
        %dma_start3A_95 = tpu.memref_slice %arg6[%mul3A_0, %dma_start3A_94] : memref<10112x128xbf16, #tpu.memory_space<hbm>> -> memref<632x128xbf16, #tpu.memory_space<hbm>>
        %dma_start3A_96 = arith.constant 0 : i32
        %dma_start3A_97 = tpu.memref_slice %arg20[%mul3A_0, %dma_start3A_96] : memref<10112x128xbf16, #tpu.memory_space<vmem_shared>> -> memref<632x128xbf16, #tpu.memory_space<vmem_shared>>
        tpu.enqueue_dma source(%dma_start3A_97 : memref<632x128xbf16, #tpu.memory_space<vmem_shared>>) target(%dma_start3A_95 : memref<632x128xbf16, #tpu.memory_space<hbm>>) target_semaphore(%run_scoped3A : memref<!tpu.dma_semaphore, #tpu.memory_space<semaphore_mem>>)
        %dma_wait3A_98 = arith.constant 0 : i32
        %dma_wait3A_99 = tpu.memref_slice %arg6[%mul3A_0, %dma_wait3A_98] : memref<10112x128xbf16, #tpu.memory_space<hbm>> -> memref<632x128xbf16, #tpu.memory_space<hbm>>
        %dma_wait3A_100 = arith.constant 0 : i32
        %dma_wait3A_101 = tpu.memref_slice %arg20[%mul3A_0, %dma_wait3A_100] : memref<10112x128xbf16, #tpu.memory_space<vmem_shared>> -> memref<632x128xbf16, #tpu.memory_space<vmem_shared>>
        tpu.wait_dma2 semaphore(%run_scoped3A : memref<!tpu.dma_semaphore, #tpu.memory_space<semaphore_mem>>) src(%dma_wait3A_101 : memref<632x128xbf16, #tpu.memory_space<vmem_shared>>) dst(%dma_wait3A_99 : memref<632x128xbf16, #tpu.memory_space<hbm>>)
        tpu.yield
      }) : () -> ()
    } else {
    }
    %eq3A_89 = arith.constant 1 : i32
    %eq3A_90 = arith.cmpi eq, %arg0, %eq3A_89 : i32
    %convert_element_type3A_91 = arith.extui %eq3A_90 : i1 to i32
    %cond3A_92 = arith.constant 0 : i32
    %cond3A_93 = arith.cmpi ne, %convert_element_type3A_91, %cond3A_92 : i32
    scf.if %cond3A_93 {
      "tpu.region"() ({
        %run_scoped3A = tpu.sem_alloc : memref<!tpu.dma_semaphore, #tpu.memory_space<semaphore_mem>>
        %dma_start3A_94 = arith.constant 0 : i32
        %dma_start3A_95 = tpu.memref_slice %arg7[%mul3A_0, %dma_start3A_94] : memref<10112x128xbf16, #tpu.memory_space<hbm>> -> memref<632x128xbf16, #tpu.memory_space<hbm>>
        %dma_start3A_96 = arith.constant 0 : i32
        %dma_start3A_97 = tpu.memref_slice %arg20[%mul3A_0, %dma_start3A_96] : memref<10112x128xbf16, #tpu.memory_space<vmem_shared>> -> memref<632x128xbf16, #tpu.memory_space<vmem_shared>>
        tpu.enqueue_dma source(%dma_start3A_97 : memref<632x128xbf16, #tpu.memory_space<vmem_shared>>) target(%dma_start3A_95 : memref<632x128xbf16, #tpu.memory_space<hbm>>) target_semaphore(%run_scoped3A : memref<!tpu.dma_semaphore, #tpu.memory_space<semaphore_mem>>)
        %dma_wait3A_98 = arith.constant 0 : i32
        %dma_wait3A_99 = tpu.memref_slice %arg7[%mul3A_0, %dma_wait3A_98] : memref<10112x128xbf16, #tpu.memory_space<hbm>> -> memref<632x128xbf16, #tpu.memory_space<hbm>>
        %dma_wait3A_100 = arith.constant 0 : i32
        %dma_wait3A_101 = tpu.memref_slice %arg20[%mul3A_0, %dma_wait3A_100] : memref<10112x128xbf16, #tpu.memory_space<vmem_shared>> -> memref<632x128xbf16, #tpu.memory_space<vmem_shared>>
        tpu.wait_dma2 semaphore(%run_scoped3A : memref<!tpu.dma_semaphore, #tpu.memory_space<semaphore_mem>>) src(%dma_wait3A_101 : memref<632x128xbf16, #tpu.memory_space<vmem_shared>>) dst(%dma_wait3A_99 : memref<632x128xbf16, #tpu.memory_space<hbm>>)
        tpu.yield
      }) : () -> ()
    } else {
    }
    return
  }
}

#map = affine_map<(d0, d1) -> (0, 0, 0)>
#map1 = affine_map<(d0, d1) -> (0, 0)>
module attributes {stable_mosaic.version = 14 : i64} {
  func.func @_sc_agg_body(%arg0: i32, %arg1: i32, %arg2: memref<16x320x128xi32, #tpu.memory_space<hbm>>, %arg3: memref<10000x64xbf16, #tpu.memory_space<hbm>>, %arg4: memref<10000x64xbf16, #tpu.memory_space<hbm>>, %arg5: memref<10112x64xbf16, #tpu.memory_space<hbm>>, %arg6: memref<10112x8xf32, #tpu.memory_space<hbm>>, %arg7: memref<128x8xf32, #tpu.memory_space<hbm>>, %arg8: memref<10112x64xbf16, #tpu.memory_space<hbm>>, %arg9: memref<10112x64xbf16, #tpu.memory_space<hbm>>, %arg10: memref<10112x8xf32, #tpu.memory_space<hbm>>, %arg11: memref<2x128xi32, #tpu.memory_space<vmem>>, %arg12: memref<2x128xi32, #tpu.memory_space<vmem>>, %arg13: memref<2x128xi32, #tpu.memory_space<vmem>>, %arg14: memref<2x128xi32, #tpu.memory_space<vmem>>, %arg15: memref<2x128xi32, #tpu.memory_space<vmem>>, %arg16: memref<2x128xi32, #tpu.memory_space<vmem>>, %arg17: memref<2x128xi32, #tpu.memory_space<vmem>>, %arg18: memref<2x128xi32, #tpu.memory_space<vmem>>, %arg19: memref<128x64xbf16, #tpu.memory_space<vmem>>, %arg20: memref<128x64xbf16, #tpu.memory_space<vmem>>, %arg21: memref<128x64xbf16, #tpu.memory_space<vmem>>, %arg22: memref<128x64xbf16, #tpu.memory_space<vmem>>, %arg23: memref<10112x64xbf16, #tpu.memory_space<vmem_shared>>, %arg24: memref<!tpu.dma_semaphore, #tpu.memory_space<semaphore_mem>>, %arg25: memref<!tpu.dma_semaphore, #tpu.memory_space<semaphore_mem>>, %arg26: memref<!tpu.dma_semaphore, #tpu.memory_space<semaphore_mem>>, %arg27: memref<!tpu.dma_semaphore, #tpu.memory_space<semaphore_mem>>, %arg28: memref<!tpu.dma_semaphore, #tpu.memory_space<semaphore_mem>>, %arg29: memref<!tpu.dma_semaphore, #tpu.memory_space<semaphore_mem>>, %arg30: memref<!tpu.dma_semaphore, #tpu.memory_space<semaphore_mem>>, %arg31: memref<!tpu.dma_semaphore, #tpu.memory_space<semaphore_mem>>, %arg32: memref<!tpu.dma_semaphore, #tpu.memory_space<semaphore_mem>>, %arg33: memref<!tpu.dma_semaphore, #tpu.memory_space<semaphore_mem>>, %arg34: memref<!tpu.dma_semaphore, #tpu.memory_space<semaphore_mem>>, %arg35: memref<!tpu.dma_semaphore, #tpu.memory_space<semaphore_mem>>, %arg36: memref<!tpu.dma_semaphore, #tpu.memory_space<semaphore_mem>>, %arg37: memref<!tpu.dma_semaphore, #tpu.memory_space<semaphore_mem>>, %arg38: memref<!tpu.dma_semaphore, #tpu.memory_space<semaphore_mem>>, %arg39: memref<!tpu.dma_semaphore, #tpu.memory_space<semaphore_mem>>, %arg40: memref<!tpu.dma_semaphore, #tpu.memory_space<semaphore_mem>>, %arg41: memref<128x8xf32, #tpu.memory_space<vmem>>, %arg42: memref<10112x8xf32, #tpu.memory_space<vmem_shared>>) attributes {dimension_semantics = [#tpu.dimension_semantics<core_parallel>, #tpu.dimension_semantics<subcore_parallel>], iteration_bounds = array<i64: 2, 16>, scalar_prefetch = 0 : i64, scratch_operands = 32 : i64, tpu.core_type = #tpu.core_type<sc_vector_subcore>, window_params = [{transform_indices = #map}, {transform_indices = #map1}, {transform_indices = #map1}, {transform_indices = #map1}, {transform_indices = #map1}, {transform_indices = #map1}, {transform_indices = #map1}, {transform_indices = #map1}, {transform_indices = #map1}]} {
    %mul3A = arith.constant 632 : i32
    %mul3A_0 = arith.muli %arg1, %mul3A : i32
    "tpu.region"() ({
      %run_scoped3A = tpu.sem_alloc : memref<!tpu.dma_semaphore, #tpu.memory_space<semaphore_mem>>
      %dma_start3A_108 = arith.constant 0 : i32
      %dma_start3A_109 = tpu.memref_slice %arg23[%mul3A_0, %dma_start3A_108] : memref<10112x64xbf16, #tpu.memory_space<vmem_shared>> -> memref<632x64xbf16, #tpu.memory_space<vmem_shared>>
      %dma_start3A_110 = arith.constant 0 : i32
      %dma_start3A_111 = tpu.memref_slice %arg5[%mul3A_0, %dma_start3A_110] : memref<10112x64xbf16, #tpu.memory_space<hbm>> -> memref<632x64xbf16, #tpu.memory_space<hbm>>
      tpu.enqueue_dma source(%dma_start3A_111 : memref<632x64xbf16, #tpu.memory_space<hbm>>) target(%dma_start3A_109 : memref<632x64xbf16, #tpu.memory_space<vmem_shared>>) target_semaphore(%run_scoped3A : memref<!tpu.dma_semaphore, #tpu.memory_space<semaphore_mem>>)
      %dma_wait3A_112 = arith.constant 0 : i32
      %dma_wait3A_113 = tpu.memref_slice %arg23[%mul3A_0, %dma_wait3A_112] : memref<10112x64xbf16, #tpu.memory_space<vmem_shared>> -> memref<632x64xbf16, #tpu.memory_space<vmem_shared>>
      %dma_wait3A_114 = arith.constant 0 : i32
      %dma_wait3A_115 = tpu.memref_slice %arg5[%mul3A_0, %dma_wait3A_114] : memref<10112x64xbf16, #tpu.memory_space<hbm>> -> memref<632x64xbf16, #tpu.memory_space<hbm>>
      tpu.wait_dma2 semaphore(%run_scoped3A : memref<!tpu.dma_semaphore, #tpu.memory_space<semaphore_mem>>) src(%dma_wait3A_115 : memref<632x64xbf16, #tpu.memory_space<hbm>>) dst(%dma_wait3A_113 : memref<632x64xbf16, #tpu.memory_space<vmem_shared>>)
      tpu.yield
    }) : () -> ()
    "tpu.region"() ({
      %run_scoped3A = tpu.sem_alloc : memref<!tpu.dma_semaphore, #tpu.memory_space<semaphore_mem>>
      %dma_start3A_108 = arith.constant 0 : i32
      %dma_start3A_109 = tpu.memref_slice %arg42[%mul3A_0, %dma_start3A_108] : memref<10112x8xf32, #tpu.memory_space<vmem_shared>> -> memref<632x8xf32, #tpu.memory_space<vmem_shared>>
      %dma_start3A_110 = arith.constant 0 : i32
      %dma_start3A_111 = tpu.memref_slice %arg6[%mul3A_0, %dma_start3A_110] : memref<10112x8xf32, #tpu.memory_space<hbm>> -> memref<632x8xf32, #tpu.memory_space<hbm>>
      tpu.enqueue_dma source(%dma_start3A_111 : memref<632x8xf32, #tpu.memory_space<hbm>>) target(%dma_start3A_109 : memref<632x8xf32, #tpu.memory_space<vmem_shared>>) target_semaphore(%run_scoped3A : memref<!tpu.dma_semaphore, #tpu.memory_space<semaphore_mem>>)
      %dma_wait3A_112 = arith.constant 0 : i32
      %dma_wait3A_113 = tpu.memref_slice %arg42[%mul3A_0, %dma_wait3A_112] : memref<10112x8xf32, #tpu.memory_space<vmem_shared>> -> memref<632x8xf32, #tpu.memory_space<vmem_shared>>
      %dma_wait3A_114 = arith.constant 0 : i32
      %dma_wait3A_115 = tpu.memref_slice %arg6[%mul3A_0, %dma_wait3A_114] : memref<10112x8xf32, #tpu.memory_space<hbm>> -> memref<632x8xf32, #tpu.memory_space<hbm>>
      tpu.wait_dma2 semaphore(%run_scoped3A : memref<!tpu.dma_semaphore, #tpu.memory_space<semaphore_mem>>) src(%dma_wait3A_115 : memref<632x8xf32, #tpu.memory_space<hbm>>) dst(%dma_wait3A_113 : memref<632x8xf32, #tpu.memory_space<vmem_shared>>)
      tpu.yield
    }) : () -> ()
    "tpu.region"() ({
      %run_scoped3A = tpu.sem_alloc : memref<!tpu.dma_semaphore, #tpu.memory_space<semaphore_mem>>
      tpu.enqueue_dma source(%arg7 : memref<128x8xf32, #tpu.memory_space<hbm>>) target(%arg41 : memref<128x8xf32, #tpu.memory_space<vmem>>) target_semaphore(%run_scoped3A : memref<!tpu.dma_semaphore, #tpu.memory_space<semaphore_mem>>)
      tpu.wait_dma2 semaphore(%run_scoped3A : memref<!tpu.dma_semaphore, #tpu.memory_space<semaphore_mem>>) src(%arg7 : memref<128x8xf32, #tpu.memory_space<hbm>>) dst(%arg41 : memref<128x8xf32, #tpu.memory_space<vmem>>)
      tpu.yield
    }) : () -> ()
    %barrier3A = arith.constant 0 : index
    tpu.barrier barrier_id(%barrier3A)
    %dma_start3A = arith.constant 0 : i32
    %dma_start3A_1 = arith.constant 0 : i32
    %dma_start3A_2 = tpu.memref_slice %arg2[%arg1, %dma_start3A, %dma_start3A_1] : memref<16x320x128xi32, #tpu.memory_space<hbm>> -> memref<1x2x128xi32, #tpu.memory_space<hbm>>
    %dma_start3A_3 = tpu.memref_squeeze %dma_start3A_2 : memref<1x2x128xi32, #tpu.memory_space<hbm>> -> memref<2x128xi32, #tpu.memory_space<hbm>>
    %dma_start3A_4 = arith.constant 0 : i32
    %dma_start3A_5 = arith.constant 0 : i32
    %dma_start3A_6 = tpu.memref_slice %arg2[%arg1, %dma_start3A_4, %dma_start3A_5] : memref<16x320x128xi32, #tpu.memory_space<hbm>> -> memref<1x2x128xi32, #tpu.memory_space<hbm>>
    %dma_start3A_7 = tpu.memref_squeeze %dma_start3A_6 : memref<1x2x128xi32, #tpu.memory_space<hbm>> -> memref<2x128xi32, #tpu.memory_space<hbm>>
    tpu.enqueue_dma source(%dma_start3A_7 : memref<2x128xi32, #tpu.memory_space<hbm>>) target(%arg11 : memref<2x128xi32, #tpu.memory_space<vmem>>) target_semaphore(%arg24 : memref<!tpu.dma_semaphore, #tpu.memory_space<semaphore_mem>>)
    %dma_start3A_8 = arith.constant 2 : i32
    %dma_start3A_9 = arith.constant 0 : i32
    %dma_start3A_10 = tpu.memref_slice %arg2[%arg1, %dma_start3A_8, %dma_start3A_9] : memref<16x320x128xi32, #tpu.memory_space<hbm>> -> memref<1x2x128xi32, #tpu.memory_space<hbm>>
    %dma_start3A_11 = tpu.memref_squeeze %dma_start3A_10 : memref<1x2x128xi32, #tpu.memory_space<hbm>> -> memref<2x128xi32, #tpu.memory_space<hbm>>
    %dma_start3A_12 = arith.constant 2 : i32
    %dma_start3A_13 = arith.constant 0 : i32
    %dma_start3A_14 = tpu.memref_slice %arg2[%arg1, %dma_start3A_12, %dma_start3A_13] : memref<16x320x128xi32, #tpu.memory_space<hbm>> -> memref<1x2x128xi32, #tpu.memory_space<hbm>>
    %dma_start3A_15 = tpu.memref_squeeze %dma_start3A_14 : memref<1x2x128xi32, #tpu.memory_space<hbm>> -> memref<2x128xi32, #tpu.memory_space<hbm>>
    tpu.enqueue_dma source(%dma_start3A_15 : memref<2x128xi32, #tpu.memory_space<hbm>>) target(%arg12 : memref<2x128xi32, #tpu.memory_space<vmem>>) target_semaphore(%arg25 : memref<!tpu.dma_semaphore, #tpu.memory_space<semaphore_mem>>)
    %dma_start3A_16 = arith.constant 4 : i32
    %dma_start3A_17 = arith.constant 0 : i32
    %dma_start3A_18 = tpu.memref_slice %arg2[%arg1, %dma_start3A_16, %dma_start3A_17] : memref<16x320x128xi32, #tpu.memory_space<hbm>> -> memref<1x2x128xi32, #tpu.memory_space<hbm>>
    %dma_start3A_19 = tpu.memref_squeeze %dma_start3A_18 : memref<1x2x128xi32, #tpu.memory_space<hbm>> -> memref<2x128xi32, #tpu.memory_space<hbm>>
    %dma_start3A_20 = arith.constant 4 : i32
    %dma_start3A_21 = arith.constant 0 : i32
    %dma_start3A_22 = tpu.memref_slice %arg2[%arg1, %dma_start3A_20, %dma_start3A_21] : memref<16x320x128xi32, #tpu.memory_space<hbm>> -> memref<1x2x128xi32, #tpu.memory_space<hbm>>
    %dma_start3A_23 = tpu.memref_squeeze %dma_start3A_22 : memref<1x2x128xi32, #tpu.memory_space<hbm>> -> memref<2x128xi32, #tpu.memory_space<hbm>>
    tpu.enqueue_dma source(%dma_start3A_23 : memref<2x128xi32, #tpu.memory_space<hbm>>) target(%arg13 : memref<2x128xi32, #tpu.memory_space<vmem>>) target_semaphore(%arg26 : memref<!tpu.dma_semaphore, #tpu.memory_space<semaphore_mem>>)
    %dma_start3A_24 = arith.constant 6 : i32
    %dma_start3A_25 = arith.constant 0 : i32
    %dma_start3A_26 = tpu.memref_slice %arg2[%arg1, %dma_start3A_24, %dma_start3A_25] : memref<16x320x128xi32, #tpu.memory_space<hbm>> -> memref<1x2x128xi32, #tpu.memory_space<hbm>>
    %dma_start3A_27 = tpu.memref_squeeze %dma_start3A_26 : memref<1x2x128xi32, #tpu.memory_space<hbm>> -> memref<2x128xi32, #tpu.memory_space<hbm>>
    %dma_start3A_28 = arith.constant 6 : i32
    %dma_start3A_29 = arith.constant 0 : i32
    %dma_start3A_30 = tpu.memref_slice %arg2[%arg1, %dma_start3A_28, %dma_start3A_29] : memref<16x320x128xi32, #tpu.memory_space<hbm>> -> memref<1x2x128xi32, #tpu.memory_space<hbm>>
    %dma_start3A_31 = tpu.memref_squeeze %dma_start3A_30 : memref<1x2x128xi32, #tpu.memory_space<hbm>> -> memref<2x128xi32, #tpu.memory_space<hbm>>
    tpu.enqueue_dma source(%dma_start3A_31 : memref<2x128xi32, #tpu.memory_space<hbm>>) target(%arg14 : memref<2x128xi32, #tpu.memory_space<vmem>>) target_semaphore(%arg27 : memref<!tpu.dma_semaphore, #tpu.memory_space<semaphore_mem>>)
    %dma_wait3A = arith.constant 0 : i32
    %dma_wait3A_32 = arith.constant 0 : i32
    %dma_wait3A_33 = tpu.memref_slice %arg2[%arg1, %dma_wait3A, %dma_wait3A_32] : memref<16x320x128xi32, #tpu.memory_space<hbm>> -> memref<1x2x128xi32, #tpu.memory_space<hbm>>
    %dma_wait3A_34 = tpu.memref_squeeze %dma_wait3A_33 : memref<1x2x128xi32, #tpu.memory_space<hbm>> -> memref<2x128xi32, #tpu.memory_space<hbm>>
    %dma_wait3A_35 = arith.constant 0 : i32
    %dma_wait3A_36 = arith.constant 0 : i32
    %dma_wait3A_37 = tpu.memref_slice %arg2[%arg1, %dma_wait3A_35, %dma_wait3A_36] : memref<16x320x128xi32, #tpu.memory_space<hbm>> -> memref<1x2x128xi32, #tpu.memory_space<hbm>>
    %dma_wait3A_38 = tpu.memref_squeeze %dma_wait3A_37 : memref<1x2x128xi32, #tpu.memory_space<hbm>> -> memref<2x128xi32, #tpu.memory_space<hbm>>
    tpu.wait_dma2 semaphore(%arg24 : memref<!tpu.dma_semaphore, #tpu.memory_space<semaphore_mem>>) src(%dma_wait3A_38 : memref<2x128xi32, #tpu.memory_space<hbm>>) dst(%arg11 : memref<2x128xi32, #tpu.memory_space<vmem>>)
    %eq3A = arith.constant 0 : i32
    %eq3A_39 = arith.cmpi eq, %arg0, %eq3A : i32
    %convert_element_type3A = arith.extui %eq3A_39 : i1 to i32
    %cond3A = arith.constant 0 : i32
    %cond3A_40 = arith.cmpi ne, %convert_element_type3A, %cond3A : i32
    scf.if %cond3A_40 {
      %dma_start3A_108 = arith.constant 0 : i32
      %dma_start3A_109 = arith.constant 0 : i32
      %dma_start3A_110 = tpu.memref_slice %arg11[%dma_start3A_108, %dma_start3A_109] : memref<2x128xi32, #tpu.memory_space<vmem>> -> memref<1x128xi32, #tpu.memory_space<vmem>>
      %dma_start3A_111 = tpu.memref_squeeze %dma_start3A_110 : memref<1x128xi32, #tpu.memory_space<vmem>> -> memref<128xi32, #tpu.memory_space<vmem>>
      %dma_start3A_112 = arith.constant 0 : i32
      %dma_start3A_113 = arith.constant 0 : i32
      %dma_start3A_114 = tpu.memref_slice %arg3[%dma_start3A_112, %dma_start3A_113] : memref<10000x64xbf16, #tpu.memory_space<hbm>> -> memref<10000x64xbf16, #tpu.memory_space<hbm>>
      tpu.enqueue_indirect_dma source(%dma_start3A_114 : memref<10000x64xbf16, #tpu.memory_space<hbm>>) target(%arg19 : memref<128x64xbf16, #tpu.memory_space<vmem>>) offsets(%dma_start3A_111 : memref<128xi32, #tpu.memory_space<vmem>>) semaphore(%arg32 : memref<!tpu.dma_semaphore, #tpu.memory_space<semaphore_mem>>)
    } else {
    }
    %eq3A_41 = arith.constant 1 : i32
    %eq3A_42 = arith.cmpi eq, %arg0, %eq3A_41 : i32
    %convert_element_type3A_43 = arith.extui %eq3A_42 : i1 to i32
    %cond3A_44 = arith.constant 0 : i32
    %cond3A_45 = arith.cmpi ne, %convert_element_type3A_43, %cond3A_44 : i32
    scf.if %cond3A_45 {
      %dma_start3A_108 = arith.constant 0 : i32
      %dma_start3A_109 = arith.constant 0 : i32
      %dma_start3A_110 = tpu.memref_slice %arg11[%dma_start3A_108, %dma_start3A_109] : memref<2x128xi32, #tpu.memory_space<vmem>> -> memref<1x128xi32, #tpu.memory_space<vmem>>
      %dma_start3A_111 = tpu.memref_squeeze %dma_start3A_110 : memref<1x128xi32, #tpu.memory_space<vmem>> -> memref<128xi32, #tpu.memory_space<vmem>>
      %dma_start3A_112 = arith.constant 0 : i32
      %dma_start3A_113 = arith.constant 0 : i32
      %dma_start3A_114 = tpu.memref_slice %arg4[%dma_start3A_112, %dma_start3A_113] : memref<10000x64xbf16, #tpu.memory_space<hbm>> -> memref<10000x64xbf16, #tpu.memory_space<hbm>>
      tpu.enqueue_indirect_dma source(%dma_start3A_114 : memref<10000x64xbf16, #tpu.memory_space<hbm>>) target(%arg19 : memref<128x64xbf16, #tpu.memory_space<vmem>>) offsets(%dma_start3A_111 : memref<128xi32, #tpu.memory_space<vmem>>) semaphore(%arg32 : memref<!tpu.dma_semaphore, #tpu.memory_space<semaphore_mem>>)
    } else {
    }
    %dma_wait3A_46 = arith.constant 2 : i32
    %dma_wait3A_47 = arith.constant 0 : i32
    %dma_wait3A_48 = tpu.memref_slice %arg2[%arg1, %dma_wait3A_46, %dma_wait3A_47] : memref<16x320x128xi32, #tpu.memory_space<hbm>> -> memref<1x2x128xi32, #tpu.memory_space<hbm>>
    %dma_wait3A_49 = tpu.memref_squeeze %dma_wait3A_48 : memref<1x2x128xi32, #tpu.memory_space<hbm>> -> memref<2x128xi32, #tpu.memory_space<hbm>>
    %dma_wait3A_50 = arith.constant 2 : i32
    %dma_wait3A_51 = arith.constant 0 : i32
    %dma_wait3A_52 = tpu.memref_slice %arg2[%arg1, %dma_wait3A_50, %dma_wait3A_51] : memref<16x320x128xi32, #tpu.memory_space<hbm>> -> memref<1x2x128xi32, #tpu.memory_space<hbm>>
    %dma_wait3A_53 = tpu.memref_squeeze %dma_wait3A_52 : memref<1x2x128xi32, #tpu.memory_space<hbm>> -> memref<2x128xi32, #tpu.memory_space<hbm>>
    tpu.wait_dma2 semaphore(%arg25 : memref<!tpu.dma_semaphore, #tpu.memory_space<semaphore_mem>>) src(%dma_wait3A_53 : memref<2x128xi32, #tpu.memory_space<hbm>>) dst(%arg12 : memref<2x128xi32, #tpu.memory_space<vmem>>)
    %eq3A_54 = arith.constant 0 : i32
    %eq3A_55 = arith.cmpi eq, %arg0, %eq3A_54 : i32
    %convert_element_type3A_56 = arith.extui %eq3A_55 : i1 to i32
    %cond3A_57 = arith.constant 0 : i32
    %cond3A_58 = arith.cmpi ne, %convert_element_type3A_56, %cond3A_57 : i32
    scf.if %cond3A_58 {
      %dma_start3A_108 = arith.constant 0 : i32
      %dma_start3A_109 = arith.constant 0 : i32
      %dma_start3A_110 = tpu.memref_slice %arg12[%dma_start3A_108, %dma_start3A_109] : memref<2x128xi32, #tpu.memory_space<vmem>> -> memref<1x128xi32, #tpu.memory_space<vmem>>
      %dma_start3A_111 = tpu.memref_squeeze %dma_start3A_110 : memref<1x128xi32, #tpu.memory_space<vmem>> -> memref<128xi32, #tpu.memory_space<vmem>>
      %dma_start3A_112 = arith.constant 0 : i32
      %dma_start3A_113 = arith.constant 0 : i32
      %dma_start3A_114 = tpu.memref_slice %arg3[%dma_start3A_112, %dma_start3A_113] : memref<10000x64xbf16, #tpu.memory_space<hbm>> -> memref<10000x64xbf16, #tpu.memory_space<hbm>>
      tpu.enqueue_indirect_dma source(%dma_start3A_114 : memref<10000x64xbf16, #tpu.memory_space<hbm>>) target(%arg20 : memref<128x64xbf16, #tpu.memory_space<vmem>>) offsets(%dma_start3A_111 : memref<128xi32, #tpu.memory_space<vmem>>) semaphore(%arg33 : memref<!tpu.dma_semaphore, #tpu.memory_space<semaphore_mem>>)
    } else {
    }
    %eq3A_59 = arith.constant 1 : i32
    %eq3A_60 = arith.cmpi eq, %arg0, %eq3A_59 : i32
    %convert_element_type3A_61 = arith.extui %eq3A_60 : i1 to i32
    %cond3A_62 = arith.constant 0 : i32
    %cond3A_63 = arith.cmpi ne, %convert_element_type3A_61, %cond3A_62 : i32
    scf.if %cond3A_63 {
      %dma_start3A_108 = arith.constant 0 : i32
      %dma_start3A_109 = arith.constant 0 : i32
      %dma_start3A_110 = tpu.memref_slice %arg12[%dma_start3A_108, %dma_start3A_109] : memref<2x128xi32, #tpu.memory_space<vmem>> -> memref<1x128xi32, #tpu.memory_space<vmem>>
      %dma_start3A_111 = tpu.memref_squeeze %dma_start3A_110 : memref<1x128xi32, #tpu.memory_space<vmem>> -> memref<128xi32, #tpu.memory_space<vmem>>
      %dma_start3A_112 = arith.constant 0 : i32
      %dma_start3A_113 = arith.constant 0 : i32
      %dma_start3A_114 = tpu.memref_slice %arg4[%dma_start3A_112, %dma_start3A_113] : memref<10000x64xbf16, #tpu.memory_space<hbm>> -> memref<10000x64xbf16, #tpu.memory_space<hbm>>
      tpu.enqueue_indirect_dma source(%dma_start3A_114 : memref<10000x64xbf16, #tpu.memory_space<hbm>>) target(%arg20 : memref<128x64xbf16, #tpu.memory_space<vmem>>) offsets(%dma_start3A_111 : memref<128xi32, #tpu.memory_space<vmem>>) semaphore(%arg33 : memref<!tpu.dma_semaphore, #tpu.memory_space<semaphore_mem>>)
    } else {
    }
    %scan3A = arith.constant 0 : i32
    %scan3A_64 = arith.constant 0 : i32
    %scan3A_65 = arith.constant 20 : i32
    %scan3A_66 = arith.addi %scan3A_64, %scan3A_65 : i32
    %scan3A_67 = arith.constant 1 : i32
    scf.for %scan3A_108 = %scan3A_64 to %scan3A_66 step %scan3A_67  : i32 {
      %mul3A_109 = arith.constant 8 : i32
      %mul3A_110 = arith.muli %scan3A_108, %mul3A_109 : i32
      %add3A = arith.constant 0 : i32
      %add3A_111 = arith.addi %mul3A_110, %add3A : i32
      %add3A_112 = arith.constant 4 : i32
      %add3A_113 = arith.addi %add3A_111, %add3A_112 : i32
      %lt3A = arith.constant 160 : i32
      %lt3A_114 = arith.cmpi slt, %add3A_113, %lt3A : i32
      %convert_element_type3A_115 = arith.extui %lt3A_114 : i1 to i32
      %cond3A_116 = arith.constant 0 : i32
      %cond3A_117 = arith.cmpi ne, %convert_element_type3A_115, %cond3A_116 : i32
      scf.if %cond3A_117 {
        %add3A_498 = arith.constant 4 : i32
        %add3A_499 = arith.addi %add3A_111, %add3A_498 : i32
        %mul3A_500 = arith.constant 2 : i32
        %mul3A_501 = arith.muli %mul3A_500, %add3A_499 : i32
        %dma_start3A_502 = arith.constant 0 : i32
        %dma_start3A_503 = tpu.memref_slice %arg2[%arg1, %mul3A_501, %dma_start3A_502] : memref<16x320x128xi32, #tpu.memory_space<hbm>> -> memref<1x2x128xi32, #tpu.memory_space<hbm>>
        %dma_start3A_504 = tpu.memref_squeeze %dma_start3A_503 : memref<1x2x128xi32, #tpu.memory_space<hbm>> -> memref<2x128xi32, #tpu.memory_space<hbm>>
        %dma_start3A_505 = arith.constant 0 : i32
        %dma_start3A_506 = tpu.memref_slice %arg2[%arg1, %mul3A_501, %dma_start3A_505] : memref<16x320x128xi32, #tpu.memory_space<hbm>> -> memref<1x2x128xi32, #tpu.memory_space<hbm>>
        %dma_start3A_507 = tpu.memref_squeeze %dma_start3A_506 : memref<1x2x128xi32, #tpu.memory_space<hbm>> -> memref<2x128xi32, #tpu.memory_space<hbm>>
        tpu.enqueue_dma source(%dma_start3A_507 : memref<2x128xi32, #tpu.memory_space<hbm>>) target(%arg15 : memref<2x128xi32, #tpu.memory_space<vmem>>) target_semaphore(%arg28 : memref<!tpu.dma_semaphore, #tpu.memory_space<semaphore_mem>>)
      } else {
      }
      %dma_wait3A_118 = arith.constant 0 : i32
      %dma_wait3A_119 = arith.constant 0 : i32
      %dma_wait3A_120 = tpu.memref_slice %arg11[%dma_wait3A_118, %dma_wait3A_119] : memref<2x128xi32, #tpu.memory_space<vmem>> -> memref<1x128xi32, #tpu.memory_space<vmem>>
      %dma_wait3A_121 = tpu.memref_squeeze %dma_wait3A_120 : memref<1x128xi32, #tpu.memory_space<vmem>> -> memref<128xi32, #tpu.memory_space<vmem>>
      %dma_wait3A_122 = arith.constant 0 : i32
      %dma_wait3A_123 = arith.constant 0 : i32
      %dma_wait3A_124 = tpu.memref_slice %arg3[%dma_wait3A_122, %dma_wait3A_123] : memref<10000x64xbf16, #tpu.memory_space<hbm>> -> memref<10000x64xbf16, #tpu.memory_space<hbm>>
      tpu.wait_indirect_dma semaphore(%arg32 : memref<!tpu.dma_semaphore, #tpu.memory_space<semaphore_mem>>) src(%dma_wait3A_124 : memref<10000x64xbf16, #tpu.memory_space<hbm>>) dst(%arg19 : memref<128x64xbf16, #tpu.memory_space<vmem>>)
      %dma_start3A_125 = arith.constant 1 : i32
      %dma_start3A_126 = arith.constant 0 : i32
      %dma_start3A_127 = tpu.memref_slice %arg11[%dma_start3A_125, %dma_start3A_126] : memref<2x128xi32, #tpu.memory_space<vmem>> -> memref<1x128xi32, #tpu.memory_space<vmem>>
      %dma_start3A_128 = tpu.memref_squeeze %dma_start3A_127 : memref<1x128xi32, #tpu.memory_space<vmem>> -> memref<128xi32, #tpu.memory_space<vmem>>
      %dma_start3A_129 = arith.constant 0 : i32
      %dma_start3A_130 = arith.constant 0 : i32
      %dma_start3A_131 = tpu.memref_slice %arg23[%dma_start3A_129, %dma_start3A_130] : memref<10112x64xbf16, #tpu.memory_space<vmem_shared>> -> memref<10112x64xbf16, #tpu.memory_space<vmem_shared>>
      tpu.enqueue_indirect_dma source(%arg19 : memref<128x64xbf16, #tpu.memory_space<vmem>>) target(%dma_start3A_131 : memref<10112x64xbf16, #tpu.memory_space<vmem_shared>>) offsets(%dma_start3A_128 : memref<128xi32, #tpu.memory_space<vmem>>) semaphore(%arg36 : memref<!tpu.dma_semaphore, #tpu.memory_space<semaphore_mem>>) {add = true}
      %dma_start3A_132 = arith.constant 1 : i32
      %dma_start3A_133 = arith.constant 0 : i32
      %dma_start3A_134 = tpu.memref_slice %arg11[%dma_start3A_132, %dma_start3A_133] : memref<2x128xi32, #tpu.memory_space<vmem>> -> memref<1x128xi32, #tpu.memory_space<vmem>>
      %dma_start3A_135 = tpu.memref_squeeze %dma_start3A_134 : memref<1x128xi32, #tpu.memory_space<vmem>> -> memref<128xi32, #tpu.memory_space<vmem>>
      %dma_start3A_136 = arith.constant 0 : i32
      %dma_start3A_137 = arith.constant 0 : i32
      %dma_start3A_138 = tpu.memref_slice %arg42[%dma_start3A_136, %dma_start3A_137] : memref<10112x8xf32, #tpu.memory_space<vmem_shared>> -> memref<10112x8xf32, #tpu.memory_space<vmem_shared>>
      tpu.enqueue_indirect_dma source(%arg41 : memref<128x8xf32, #tpu.memory_space<vmem>>) target(%dma_start3A_138 : memref<10112x8xf32, #tpu.memory_space<vmem_shared>>) offsets(%dma_start3A_135 : memref<128xi32, #tpu.memory_space<vmem>>) semaphore(%arg40 : memref<!tpu.dma_semaphore, #tpu.memory_space<semaphore_mem>>) {add = true}
      %ge3A = arith.constant 2 : i32
      %ge3A_139 = arith.cmpi sge, %add3A_111, %ge3A : i32
      %convert_element_type3A_140 = arith.extui %ge3A_139 : i1 to i32
      %cond3A_141 = arith.constant 0 : i32
      %cond3A_142 = arith.cmpi ne, %convert_element_type3A_140, %cond3A_141 : i32
      scf.if %cond3A_142 {
        %dma_wait3A_498 = arith.constant 1 : i32
        %dma_wait3A_499 = arith.constant 0 : i32
        %dma_wait3A_500 = tpu.memref_slice %arg17[%dma_wait3A_498, %dma_wait3A_499] : memref<2x128xi32, #tpu.memory_space<vmem>> -> memref<1x128xi32, #tpu.memory_space<vmem>>
        %dma_wait3A_501 = tpu.memref_squeeze %dma_wait3A_500 : memref<1x128xi32, #tpu.memory_space<vmem>> -> memref<128xi32, #tpu.memory_space<vmem>>
        %dma_wait3A_502 = arith.constant 0 : i32
        %dma_wait3A_503 = arith.constant 0 : i32
        %dma_wait3A_504 = tpu.memref_slice %arg42[%dma_wait3A_502, %dma_wait3A_503] : memref<10112x8xf32, #tpu.memory_space<vmem_shared>> -> memref<10112x8xf32, #tpu.memory_space<vmem_shared>>
        tpu.wait_indirect_dma semaphore(%arg40 : memref<!tpu.dma_semaphore, #tpu.memory_space<semaphore_mem>>) src(%arg41 : memref<128x8xf32, #tpu.memory_space<vmem>>) dst(%dma_wait3A_504 : memref<10112x8xf32, #tpu.memory_space<vmem_shared>>)
      } else {
      }
      %ge3A_143 = arith.constant 2 : i32
      %ge3A_144 = arith.cmpi sge, %add3A_111, %ge3A_143 : i32
      %convert_element_type3A_145 = arith.extui %ge3A_144 : i1 to i32
      %cond3A_146 = arith.constant 0 : i32
      %cond3A_147 = arith.cmpi ne, %convert_element_type3A_145, %cond3A_146 : i32
      scf.if %cond3A_147 {
        %dma_wait3A_498 = arith.constant 1 : i32
        %dma_wait3A_499 = arith.constant 0 : i32
        %dma_wait3A_500 = tpu.memref_slice %arg17[%dma_wait3A_498, %dma_wait3A_499] : memref<2x128xi32, #tpu.memory_space<vmem>> -> memref<1x128xi32, #tpu.memory_space<vmem>>
        %dma_wait3A_501 = tpu.memref_squeeze %dma_wait3A_500 : memref<1x128xi32, #tpu.memory_space<vmem>> -> memref<128xi32, #tpu.memory_space<vmem>>
        %dma_wait3A_502 = arith.constant 0 : i32
        %dma_wait3A_503 = arith.constant 0 : i32
        %dma_wait3A_504 = tpu.memref_slice %arg23[%dma_wait3A_502, %dma_wait3A_503] : memref<10112x64xbf16, #tpu.memory_space<vmem_shared>> -> memref<10112x64xbf16, #tpu.memory_space<vmem_shared>>
        tpu.wait_indirect_dma semaphore(%arg38 : memref<!tpu.dma_semaphore, #tpu.memory_space<semaphore_mem>>) src(%arg21 : memref<128x64xbf16, #tpu.memory_space<vmem>>) dst(%dma_wait3A_504 : memref<10112x64xbf16, #tpu.memory_space<vmem_shared>>)
      } else {
      }
      %add3A_148 = arith.constant 2 : i32
      %add3A_149 = arith.addi %add3A_111, %add3A_148 : i32
      %lt3A_150 = arith.constant 160 : i32
      %lt3A_151 = arith.cmpi slt, %add3A_149, %lt3A_150 : i32
      %convert_element_type3A_152 = arith.extui %lt3A_151 : i1 to i32
      %cond3A_153 = arith.constant 0 : i32
      %cond3A_154 = arith.cmpi ne, %convert_element_type3A_152, %cond3A_153 : i32
      scf.if %cond3A_154 {
        %add3A_498 = arith.constant 2 : i32
        %add3A_499 = arith.addi %add3A_111, %add3A_498 : i32
        %mul3A_500 = arith.constant 2 : i32
        %mul3A_501 = arith.muli %mul3A_500, %add3A_499 : i32
        %dma_wait3A_502 = arith.constant 0 : i32
        %dma_wait3A_503 = tpu.memref_slice %arg2[%arg1, %mul3A_501, %dma_wait3A_502] : memref<16x320x128xi32, #tpu.memory_space<hbm>> -> memref<1x2x128xi32, #tpu.memory_space<hbm>>
        %dma_wait3A_504 = tpu.memref_squeeze %dma_wait3A_503 : memref<1x2x128xi32, #tpu.memory_space<hbm>> -> memref<2x128xi32, #tpu.memory_space<hbm>>
        %dma_wait3A_505 = arith.constant 0 : i32
        %dma_wait3A_506 = tpu.memref_slice %arg2[%arg1, %mul3A_501, %dma_wait3A_505] : memref<16x320x128xi32, #tpu.memory_space<hbm>> -> memref<1x2x128xi32, #tpu.memory_space<hbm>>
        %dma_wait3A_507 = tpu.memref_squeeze %dma_wait3A_506 : memref<1x2x128xi32, #tpu.memory_space<hbm>> -> memref<2x128xi32, #tpu.memory_space<hbm>>
        tpu.wait_dma2 semaphore(%arg26 : memref<!tpu.dma_semaphore, #tpu.memory_space<semaphore_mem>>) src(%dma_wait3A_507 : memref<2x128xi32, #tpu.memory_space<hbm>>) dst(%arg13 : memref<2x128xi32, #tpu.memory_space<vmem>>)
        %add3A_508 = arith.constant 2 : i32
        %add3A_509 = arith.addi %add3A_111, %add3A_508 : i32
        %eq3A_510 = arith.constant 0 : i32
        %eq3A_511 = arith.cmpi eq, %arg0, %eq3A_510 : i32
        %convert_element_type3A_512 = arith.extui %eq3A_511 : i1 to i32
        %cond3A_513 = arith.constant 0 : i32
        %cond3A_514 = arith.cmpi ne, %convert_element_type3A_512, %cond3A_513 : i32
        scf.if %cond3A_514 {
          %dma_start3A_520 = arith.constant 0 : i32
          %dma_start3A_521 = arith.constant 0 : i32
          %dma_start3A_522 = tpu.memref_slice %arg13[%dma_start3A_520, %dma_start3A_521] : memref<2x128xi32, #tpu.memory_space<vmem>> -> memref<1x128xi32, #tpu.memory_space<vmem>>
          %dma_start3A_523 = tpu.memref_squeeze %dma_start3A_522 : memref<1x128xi32, #tpu.memory_space<vmem>> -> memref<128xi32, #tpu.memory_space<vmem>>
          %dma_start3A_524 = arith.constant 0 : i32
          %dma_start3A_525 = arith.constant 0 : i32
          %dma_start3A_526 = tpu.memref_slice %arg3[%dma_start3A_524, %dma_start3A_525] : memref<10000x64xbf16, #tpu.memory_space<hbm>> -> memref<10000x64xbf16, #tpu.memory_space<hbm>>
          tpu.enqueue_indirect_dma source(%dma_start3A_526 : memref<10000x64xbf16, #tpu.memory_space<hbm>>) target(%arg21 : memref<128x64xbf16, #tpu.memory_space<vmem>>) offsets(%dma_start3A_523 : memref<128xi32, #tpu.memory_space<vmem>>) semaphore(%arg34 : memref<!tpu.dma_semaphore, #tpu.memory_space<semaphore_mem>>)
        } else {
        }
        %eq3A_515 = arith.constant 1 : i32
        %eq3A_516 = arith.cmpi eq, %arg0, %eq3A_515 : i32
        %convert_element_type3A_517 = arith.extui %eq3A_516 : i1 to i32
        %cond3A_518 = arith.constant 0 : i32
        %cond3A_519 = arith.cmpi ne, %convert_element_type3A_517, %cond3A_518 : i32
        scf.if %cond3A_519 {
          %dma_start3A_520 = arith.constant 0 : i32
          %dma_start3A_521 = arith.constant 0 : i32
          %dma_start3A_522 = tpu.memref_slice %arg13[%dma_start3A_520, %dma_start3A_521] : memref<2x128xi32, #tpu.memory_space<vmem>> -> memref<1x128xi32, #tpu.memory_space<vmem>>
          %dma_start3A_523 = tpu.memref_squeeze %dma_start3A_522 : memref<1x128xi32, #tpu.memory_space<vmem>> -> memref<128xi32, #tpu.memory_space<vmem>>
          %dma_start3A_524 = arith.constant 0 : i32
          %dma_start3A_525 = arith.constant 0 : i32
          %dma_start3A_526 = tpu.memref_slice %arg4[%dma_start3A_524, %dma_start3A_525] : memref<10000x64xbf16, #tpu.memory_space<hbm>> -> memref<10000x64xbf16, #tpu.memory_space<hbm>>
          tpu.enqueue_indirect_dma source(%dma_start3A_526 : memref<10000x64xbf16, #tpu.memory_space<hbm>>) target(%arg21 : memref<128x64xbf16, #tpu.memory_space<vmem>>) offsets(%dma_start3A_523 : memref<128xi32, #tpu.memory_space<vmem>>) semaphore(%arg34 : memref<!tpu.dma_semaphore, #tpu.memory_space<semaphore_mem>>)
        } else {
        }
      } else {
      }
      %mul3A_155 = arith.constant 8 : i32
      %mul3A_156 = arith.muli %scan3A_108, %mul3A_155 : i32
      %add3A_157 = arith.constant 1 : i32
      %add3A_158 = arith.addi %mul3A_156, %add3A_157 : i32
      %add3A_159 = arith.constant 4 : i32
      %add3A_160 = arith.addi %add3A_158, %add3A_159 : i32
      %lt3A_161 = arith.constant 160 : i32
      %lt3A_162 = arith.cmpi slt, %add3A_160, %lt3A_161 : i32
      %convert_element_type3A_163 = arith.extui %lt3A_162 : i1 to i32
      %cond3A_164 = arith.constant 0 : i32
      %cond3A_165 = arith.cmpi ne, %convert_element_type3A_163, %cond3A_164 : i32
      scf.if %cond3A_165 {
        %add3A_498 = arith.constant 4 : i32
        %add3A_499 = arith.addi %add3A_158, %add3A_498 : i32
        %mul3A_500 = arith.constant 2 : i32
        %mul3A_501 = arith.muli %mul3A_500, %add3A_499 : i32
        %dma_start3A_502 = arith.constant 0 : i32
        %dma_start3A_503 = tpu.memref_slice %arg2[%arg1, %mul3A_501, %dma_start3A_502] : memref<16x320x128xi32, #tpu.memory_space<hbm>> -> memref<1x2x128xi32, #tpu.memory_space<hbm>>
        %dma_start3A_504 = tpu.memref_squeeze %dma_start3A_503 : memref<1x2x128xi32, #tpu.memory_space<hbm>> -> memref<2x128xi32, #tpu.memory_space<hbm>>
        %dma_start3A_505 = arith.constant 0 : i32
        %dma_start3A_506 = tpu.memref_slice %arg2[%arg1, %mul3A_501, %dma_start3A_505] : memref<16x320x128xi32, #tpu.memory_space<hbm>> -> memref<1x2x128xi32, #tpu.memory_space<hbm>>
        %dma_start3A_507 = tpu.memref_squeeze %dma_start3A_506 : memref<1x2x128xi32, #tpu.memory_space<hbm>> -> memref<2x128xi32, #tpu.memory_space<hbm>>
        tpu.enqueue_dma source(%dma_start3A_507 : memref<2x128xi32, #tpu.memory_space<hbm>>) target(%arg16 : memref<2x128xi32, #tpu.memory_space<vmem>>) target_semaphore(%arg29 : memref<!tpu.dma_semaphore, #tpu.memory_space<semaphore_mem>>)
      } else {
      }
      %dma_wait3A_166 = arith.constant 0 : i32
      %dma_wait3A_167 = arith.constant 0 : i32
      %dma_wait3A_168 = tpu.memref_slice %arg12[%dma_wait3A_166, %dma_wait3A_167] : memref<2x128xi32, #tpu.memory_space<vmem>> -> memref<1x128xi32, #tpu.memory_space<vmem>>
      %dma_wait3A_169 = tpu.memref_squeeze %dma_wait3A_168 : memref<1x128xi32, #tpu.memory_space<vmem>> -> memref<128xi32, #tpu.memory_space<vmem>>
      %dma_wait3A_170 = arith.constant 0 : i32
      %dma_wait3A_171 = arith.constant 0 : i32
      %dma_wait3A_172 = tpu.memref_slice %arg3[%dma_wait3A_170, %dma_wait3A_171] : memref<10000x64xbf16, #tpu.memory_space<hbm>> -> memref<10000x64xbf16, #tpu.memory_space<hbm>>
      tpu.wait_indirect_dma semaphore(%arg33 : memref<!tpu.dma_semaphore, #tpu.memory_space<semaphore_mem>>) src(%dma_wait3A_172 : memref<10000x64xbf16, #tpu.memory_space<hbm>>) dst(%arg20 : memref<128x64xbf16, #tpu.memory_space<vmem>>)
      %dma_start3A_173 = arith.constant 1 : i32
      %dma_start3A_174 = arith.constant 0 : i32
      %dma_start3A_175 = tpu.memref_slice %arg12[%dma_start3A_173, %dma_start3A_174] : memref<2x128xi32, #tpu.memory_space<vmem>> -> memref<1x128xi32, #tpu.memory_space<vmem>>
      %dma_start3A_176 = tpu.memref_squeeze %dma_start3A_175 : memref<1x128xi32, #tpu.memory_space<vmem>> -> memref<128xi32, #tpu.memory_space<vmem>>
      %dma_start3A_177 = arith.constant 0 : i32
      %dma_start3A_178 = arith.constant 0 : i32
      %dma_start3A_179 = tpu.memref_slice %arg23[%dma_start3A_177, %dma_start3A_178] : memref<10112x64xbf16, #tpu.memory_space<vmem_shared>> -> memref<10112x64xbf16, #tpu.memory_space<vmem_shared>>
      tpu.enqueue_indirect_dma source(%arg20 : memref<128x64xbf16, #tpu.memory_space<vmem>>) target(%dma_start3A_179 : memref<10112x64xbf16, #tpu.memory_space<vmem_shared>>) offsets(%dma_start3A_176 : memref<128xi32, #tpu.memory_space<vmem>>) semaphore(%arg37 : memref<!tpu.dma_semaphore, #tpu.memory_space<semaphore_mem>>) {add = true}
      %dma_start3A_180 = arith.constant 1 : i32
      %dma_start3A_181 = arith.constant 0 : i32
      %dma_start3A_182 = tpu.memref_slice %arg12[%dma_start3A_180, %dma_start3A_181] : memref<2x128xi32, #tpu.memory_space<vmem>> -> memref<1x128xi32, #tpu.memory_space<vmem>>
      %dma_start3A_183 = tpu.memref_squeeze %dma_start3A_182 : memref<1x128xi32, #tpu.memory_space<vmem>> -> memref<128xi32, #tpu.memory_space<vmem>>
      %dma_start3A_184 = arith.constant 0 : i32
      %dma_start3A_185 = arith.constant 0 : i32
      %dma_start3A_186 = tpu.memref_slice %arg42[%dma_start3A_184, %dma_start3A_185] : memref<10112x8xf32, #tpu.memory_space<vmem_shared>> -> memref<10112x8xf32, #tpu.memory_space<vmem_shared>>
      tpu.enqueue_indirect_dma source(%arg41 : memref<128x8xf32, #tpu.memory_space<vmem>>) target(%dma_start3A_186 : memref<10112x8xf32, #tpu.memory_space<vmem_shared>>) offsets(%dma_start3A_183 : memref<128xi32, #tpu.memory_space<vmem>>) semaphore(%arg40 : memref<!tpu.dma_semaphore, #tpu.memory_space<semaphore_mem>>) {add = true}
      %ge3A_187 = arith.constant 2 : i32
      %ge3A_188 = arith.cmpi sge, %add3A_158, %ge3A_187 : i32
      %convert_element_type3A_189 = arith.extui %ge3A_188 : i1 to i32
      %cond3A_190 = arith.constant 0 : i32
      %cond3A_191 = arith.cmpi ne, %convert_element_type3A_189, %cond3A_190 : i32
      scf.if %cond3A_191 {
        %dma_wait3A_498 = arith.constant 1 : i32
        %dma_wait3A_499 = arith.constant 0 : i32
        %dma_wait3A_500 = tpu.memref_slice %arg18[%dma_wait3A_498, %dma_wait3A_499] : memref<2x128xi32, #tpu.memory_space<vmem>> -> memref<1x128xi32, #tpu.memory_space<vmem>>
        %dma_wait3A_501 = tpu.memref_squeeze %dma_wait3A_500 : memref<1x128xi32, #tpu.memory_space<vmem>> -> memref<128xi32, #tpu.memory_space<vmem>>
        %dma_wait3A_502 = arith.constant 0 : i32
        %dma_wait3A_503 = arith.constant 0 : i32
        %dma_wait3A_504 = tpu.memref_slice %arg42[%dma_wait3A_502, %dma_wait3A_503] : memref<10112x8xf32, #tpu.memory_space<vmem_shared>> -> memref<10112x8xf32, #tpu.memory_space<vmem_shared>>
        tpu.wait_indirect_dma semaphore(%arg40 : memref<!tpu.dma_semaphore, #tpu.memory_space<semaphore_mem>>) src(%arg41 : memref<128x8xf32, #tpu.memory_space<vmem>>) dst(%dma_wait3A_504 : memref<10112x8xf32, #tpu.memory_space<vmem_shared>>)
      } else {
      }
      %ge3A_192 = arith.constant 2 : i32
      %ge3A_193 = arith.cmpi sge, %add3A_158, %ge3A_192 : i32
      %convert_element_type3A_194 = arith.extui %ge3A_193 : i1 to i32
      %cond3A_195 = arith.constant 0 : i32
      %cond3A_196 = arith.cmpi ne, %convert_element_type3A_194, %cond3A_195 : i32
      scf.if %cond3A_196 {
        %dma_wait3A_498 = arith.constant 1 : i32
        %dma_wait3A_499 = arith.constant 0 : i32
        %dma_wait3A_500 = tpu.memref_slice %arg18[%dma_wait3A_498, %dma_wait3A_499] : memref<2x128xi32, #tpu.memory_space<vmem>> -> memref<1x128xi32, #tpu.memory_space<vmem>>
        %dma_wait3A_501 = tpu.memref_squeeze %dma_wait3A_500 : memref<1x128xi32, #tpu.memory_space<vmem>> -> memref<128xi32, #tpu.memory_space<vmem>>
        %dma_wait3A_502 = arith.constant 0 : i32
        %dma_wait3A_503 = arith.constant 0 : i32
        %dma_wait3A_504 = tpu.memref_slice %arg23[%dma_wait3A_502, %dma_wait3A_503] : memref<10112x64xbf16, #tpu.memory_space<vmem_shared>> -> memref<10112x64xbf16, #tpu.memory_space<vmem_shared>>
        tpu.wait_indirect_dma semaphore(%arg39 : memref<!tpu.dma_semaphore, #tpu.memory_space<semaphore_mem>>) src(%arg22 : memref<128x64xbf16, #tpu.memory_space<vmem>>) dst(%dma_wait3A_504 : memref<10112x64xbf16, #tpu.memory_space<vmem_shared>>)
      } else {
      }
      %add3A_197 = arith.constant 2 : i32
      %add3A_198 = arith.addi %add3A_158, %add3A_197 : i32
      %lt3A_199 = arith.constant 160 : i32
      %lt3A_200 = arith.cmpi slt, %add3A_198, %lt3A_199 : i32
      %convert_element_type3A_201 = arith.extui %lt3A_200 : i1 to i32
      %cond3A_202 = arith.constant 0 : i32
      %cond3A_203 = arith.cmpi ne, %convert_element_type3A_201, %cond3A_202 : i32
      scf.if %cond3A_203 {
        %add3A_498 = arith.constant 2 : i32
        %add3A_499 = arith.addi %add3A_158, %add3A_498 : i32
        %mul3A_500 = arith.constant 2 : i32
        %mul3A_501 = arith.muli %mul3A_500, %add3A_499 : i32
        %dma_wait3A_502 = arith.constant 0 : i32
        %dma_wait3A_503 = tpu.memref_slice %arg2[%arg1, %mul3A_501, %dma_wait3A_502] : memref<16x320x128xi32, #tpu.memory_space<hbm>> -> memref<1x2x128xi32, #tpu.memory_space<hbm>>
        %dma_wait3A_504 = tpu.memref_squeeze %dma_wait3A_503 : memref<1x2x128xi32, #tpu.memory_space<hbm>> -> memref<2x128xi32, #tpu.memory_space<hbm>>
        %dma_wait3A_505 = arith.constant 0 : i32
        %dma_wait3A_506 = tpu.memref_slice %arg2[%arg1, %mul3A_501, %dma_wait3A_505] : memref<16x320x128xi32, #tpu.memory_space<hbm>> -> memref<1x2x128xi32, #tpu.memory_space<hbm>>
        %dma_wait3A_507 = tpu.memref_squeeze %dma_wait3A_506 : memref<1x2x128xi32, #tpu.memory_space<hbm>> -> memref<2x128xi32, #tpu.memory_space<hbm>>
        tpu.wait_dma2 semaphore(%arg27 : memref<!tpu.dma_semaphore, #tpu.memory_space<semaphore_mem>>) src(%dma_wait3A_507 : memref<2x128xi32, #tpu.memory_space<hbm>>) dst(%arg14 : memref<2x128xi32, #tpu.memory_space<vmem>>)
        %add3A_508 = arith.constant 2 : i32
        %add3A_509 = arith.addi %add3A_158, %add3A_508 : i32
        %eq3A_510 = arith.constant 0 : i32
        %eq3A_511 = arith.cmpi eq, %arg0, %eq3A_510 : i32
        %convert_element_type3A_512 = arith.extui %eq3A_511 : i1 to i32
        %cond3A_513 = arith.constant 0 : i32
        %cond3A_514 = arith.cmpi ne, %convert_element_type3A_512, %cond3A_513 : i32
        scf.if %cond3A_514 {
          %dma_start3A_520 = arith.constant 0 : i32
          %dma_start3A_521 = arith.constant 0 : i32
          %dma_start3A_522 = tpu.memref_slice %arg14[%dma_start3A_520, %dma_start3A_521] : memref<2x128xi32, #tpu.memory_space<vmem>> -> memref<1x128xi32, #tpu.memory_space<vmem>>
          %dma_start3A_523 = tpu.memref_squeeze %dma_start3A_522 : memref<1x128xi32, #tpu.memory_space<vmem>> -> memref<128xi32, #tpu.memory_space<vmem>>
          %dma_start3A_524 = arith.constant 0 : i32
          %dma_start3A_525 = arith.constant 0 : i32
          %dma_start3A_526 = tpu.memref_slice %arg3[%dma_start3A_524, %dma_start3A_525] : memref<10000x64xbf16, #tpu.memory_space<hbm>> -> memref<10000x64xbf16, #tpu.memory_space<hbm>>
          tpu.enqueue_indirect_dma source(%dma_start3A_526 : memref<10000x64xbf16, #tpu.memory_space<hbm>>) target(%arg22 : memref<128x64xbf16, #tpu.memory_space<vmem>>) offsets(%dma_start3A_523 : memref<128xi32, #tpu.memory_space<vmem>>) semaphore(%arg35 : memref<!tpu.dma_semaphore, #tpu.memory_space<semaphore_mem>>)
        } else {
        }
        %eq3A_515 = arith.constant 1 : i32
        %eq3A_516 = arith.cmpi eq, %arg0, %eq3A_515 : i32
        %convert_element_type3A_517 = arith.extui %eq3A_516 : i1 to i32
        %cond3A_518 = arith.constant 0 : i32
        %cond3A_519 = arith.cmpi ne, %convert_element_type3A_517, %cond3A_518 : i32
        scf.if %cond3A_519 {
          %dma_start3A_520 = arith.constant 0 : i32
          %dma_start3A_521 = arith.constant 0 : i32
          %dma_start3A_522 = tpu.memref_slice %arg14[%dma_start3A_520, %dma_start3A_521] : memref<2x128xi32, #tpu.memory_space<vmem>> -> memref<1x128xi32, #tpu.memory_space<vmem>>
          %dma_start3A_523 = tpu.memref_squeeze %dma_start3A_522 : memref<1x128xi32, #tpu.memory_space<vmem>> -> memref<128xi32, #tpu.memory_space<vmem>>
          %dma_start3A_524 = arith.constant 0 : i32
          %dma_start3A_525 = arith.constant 0 : i32
          %dma_start3A_526 = tpu.memref_slice %arg4[%dma_start3A_524, %dma_start3A_525] : memref<10000x64xbf16, #tpu.memory_space<hbm>> -> memref<10000x64xbf16, #tpu.memory_space<hbm>>
          tpu.enqueue_indirect_dma source(%dma_start3A_526 : memref<10000x64xbf16, #tpu.memory_space<hbm>>) target(%arg22 : memref<128x64xbf16, #tpu.memory_space<vmem>>) offsets(%dma_start3A_523 : memref<128xi32, #tpu.memory_space<vmem>>) semaphore(%arg35 : memref<!tpu.dma_semaphore, #tpu.memory_space<semaphore_mem>>)
        } else {
        }
      } else {
      }
      %mul3A_204 = arith.constant 8 : i32
      %mul3A_205 = arith.muli %scan3A_108, %mul3A_204 : i32
      %add3A_206 = arith.constant 2 : i32
      %add3A_207 = arith.addi %mul3A_205, %add3A_206 : i32
      %add3A_208 = arith.constant 4 : i32
      %add3A_209 = arith.addi %add3A_207, %add3A_208 : i32
      %lt3A_210 = arith.constant 160 : i32
      %lt3A_211 = arith.cmpi slt, %add3A_209, %lt3A_210 : i32
      %convert_element_type3A_212 = arith.extui %lt3A_211 : i1 to i32
      %cond3A_213 = arith.constant 0 : i32
      %cond3A_214 = arith.cmpi ne, %convert_element_type3A_212, %cond3A_213 : i32
      scf.if %cond3A_214 {
        %add3A_498 = arith.constant 4 : i32
        %add3A_499 = arith.addi %add3A_207, %add3A_498 : i32
        %mul3A_500 = arith.constant 2 : i32
        %mul3A_501 = arith.muli %mul3A_500, %add3A_499 : i32
        %dma_start3A_502 = arith.constant 0 : i32
        %dma_start3A_503 = tpu.memref_slice %arg2[%arg1, %mul3A_501, %dma_start3A_502] : memref<16x320x128xi32, #tpu.memory_space<hbm>> -> memref<1x2x128xi32, #tpu.memory_space<hbm>>
        %dma_start3A_504 = tpu.memref_squeeze %dma_start3A_503 : memref<1x2x128xi32, #tpu.memory_space<hbm>> -> memref<2x128xi32, #tpu.memory_space<hbm>>
        %dma_start3A_505 = arith.constant 0 : i32
        %dma_start3A_506 = tpu.memref_slice %arg2[%arg1, %mul3A_501, %dma_start3A_505] : memref<16x320x128xi32, #tpu.memory_space<hbm>> -> memref<1x2x128xi32, #tpu.memory_space<hbm>>
        %dma_start3A_507 = tpu.memref_squeeze %dma_start3A_506 : memref<1x2x128xi32, #tpu.memory_space<hbm>> -> memref<2x128xi32, #tpu.memory_space<hbm>>
        tpu.enqueue_dma source(%dma_start3A_507 : memref<2x128xi32, #tpu.memory_space<hbm>>) target(%arg17 : memref<2x128xi32, #tpu.memory_space<vmem>>) target_semaphore(%arg30 : memref<!tpu.dma_semaphore, #tpu.memory_space<semaphore_mem>>)
      } else {
      }
      %dma_wait3A_215 = arith.constant 0 : i32
      %dma_wait3A_216 = arith.constant 0 : i32
      %dma_wait3A_217 = tpu.memref_slice %arg13[%dma_wait3A_215, %dma_wait3A_216] : memref<2x128xi32, #tpu.memory_space<vmem>> -> memref<1x128xi32, #tpu.memory_space<vmem>>
      %dma_wait3A_218 = tpu.memref_squeeze %dma_wait3A_217 : memref<1x128xi32, #tpu.memory_space<vmem>> -> memref<128xi32, #tpu.memory_space<vmem>>
      %dma_wait3A_219 = arith.constant 0 : i32
      %dma_wait3A_220 = arith.constant 0 : i32
      %dma_wait3A_221 = tpu.memref_slice %arg3[%dma_wait3A_219, %dma_wait3A_220] : memref<10000x64xbf16, #tpu.memory_space<hbm>> -> memref<10000x64xbf16, #tpu.memory_space<hbm>>
      tpu.wait_indirect_dma semaphore(%arg34 : memref<!tpu.dma_semaphore, #tpu.memory_space<semaphore_mem>>) src(%dma_wait3A_221 : memref<10000x64xbf16, #tpu.memory_space<hbm>>) dst(%arg21 : memref<128x64xbf16, #tpu.memory_space<vmem>>)
      %dma_start3A_222 = arith.constant 1 : i32
      %dma_start3A_223 = arith.constant 0 : i32
      %dma_start3A_224 = tpu.memref_slice %arg13[%dma_start3A_222, %dma_start3A_223] : memref<2x128xi32, #tpu.memory_space<vmem>> -> memref<1x128xi32, #tpu.memory_space<vmem>>
      %dma_start3A_225 = tpu.memref_squeeze %dma_start3A_224 : memref<1x128xi32, #tpu.memory_space<vmem>> -> memref<128xi32, #tpu.memory_space<vmem>>
      %dma_start3A_226 = arith.constant 0 : i32
      %dma_start3A_227 = arith.constant 0 : i32
      %dma_start3A_228 = tpu.memref_slice %arg23[%dma_start3A_226, %dma_start3A_227] : memref<10112x64xbf16, #tpu.memory_space<vmem_shared>> -> memref<10112x64xbf16, #tpu.memory_space<vmem_shared>>
      tpu.enqueue_indirect_dma source(%arg21 : memref<128x64xbf16, #tpu.memory_space<vmem>>) target(%dma_start3A_228 : memref<10112x64xbf16, #tpu.memory_space<vmem_shared>>) offsets(%dma_start3A_225 : memref<128xi32, #tpu.memory_space<vmem>>) semaphore(%arg38 : memref<!tpu.dma_semaphore, #tpu.memory_space<semaphore_mem>>) {add = true}
      %dma_start3A_229 = arith.constant 1 : i32
      %dma_start3A_230 = arith.constant 0 : i32
      %dma_start3A_231 = tpu.memref_slice %arg13[%dma_start3A_229, %dma_start3A_230] : memref<2x128xi32, #tpu.memory_space<vmem>> -> memref<1x128xi32, #tpu.memory_space<vmem>>
      %dma_start3A_232 = tpu.memref_squeeze %dma_start3A_231 : memref<1x128xi32, #tpu.memory_space<vmem>> -> memref<128xi32, #tpu.memory_space<vmem>>
      %dma_start3A_233 = arith.constant 0 : i32
      %dma_start3A_234 = arith.constant 0 : i32
      %dma_start3A_235 = tpu.memref_slice %arg42[%dma_start3A_233, %dma_start3A_234] : memref<10112x8xf32, #tpu.memory_space<vmem_shared>> -> memref<10112x8xf32, #tpu.memory_space<vmem_shared>>
      tpu.enqueue_indirect_dma source(%arg41 : memref<128x8xf32, #tpu.memory_space<vmem>>) target(%dma_start3A_235 : memref<10112x8xf32, #tpu.memory_space<vmem_shared>>) offsets(%dma_start3A_232 : memref<128xi32, #tpu.memory_space<vmem>>) semaphore(%arg40 : memref<!tpu.dma_semaphore, #tpu.memory_space<semaphore_mem>>) {add = true}
      %ge3A_236 = arith.constant 2 : i32
      %ge3A_237 = arith.cmpi sge, %add3A_207, %ge3A_236 : i32
      %convert_element_type3A_238 = arith.extui %ge3A_237 : i1 to i32
      %cond3A_239 = arith.constant 0 : i32
      %cond3A_240 = arith.cmpi ne, %convert_element_type3A_238, %cond3A_239 : i32
      scf.if %cond3A_240 {
        %dma_wait3A_498 = arith.constant 1 : i32
        %dma_wait3A_499 = arith.constant 0 : i32
        %dma_wait3A_500 = tpu.memref_slice %arg11[%dma_wait3A_498, %dma_wait3A_499] : memref<2x128xi32, #tpu.memory_space<vmem>> -> memref<1x128xi32, #tpu.memory_space<vmem>>
        %dma_wait3A_501 = tpu.memref_squeeze %dma_wait3A_500 : memref<1x128xi32, #tpu.memory_space<vmem>> -> memref<128xi32, #tpu.memory_space<vmem>>
        %dma_wait3A_502 = arith.constant 0 : i32
        %dma_wait3A_503 = arith.constant 0 : i32
        %dma_wait3A_504 = tpu.memref_slice %arg42[%dma_wait3A_502, %dma_wait3A_503] : memref<10112x8xf32, #tpu.memory_space<vmem_shared>> -> memref<10112x8xf32, #tpu.memory_space<vmem_shared>>
        tpu.wait_indirect_dma semaphore(%arg40 : memref<!tpu.dma_semaphore, #tpu.memory_space<semaphore_mem>>) src(%arg41 : memref<128x8xf32, #tpu.memory_space<vmem>>) dst(%dma_wait3A_504 : memref<10112x8xf32, #tpu.memory_space<vmem_shared>>)
      } else {
      }
      %ge3A_241 = arith.constant 2 : i32
      %ge3A_242 = arith.cmpi sge, %add3A_207, %ge3A_241 : i32
      %convert_element_type3A_243 = arith.extui %ge3A_242 : i1 to i32
      %cond3A_244 = arith.constant 0 : i32
      %cond3A_245 = arith.cmpi ne, %convert_element_type3A_243, %cond3A_244 : i32
      scf.if %cond3A_245 {
        %dma_wait3A_498 = arith.constant 1 : i32
        %dma_wait3A_499 = arith.constant 0 : i32
        %dma_wait3A_500 = tpu.memref_slice %arg11[%dma_wait3A_498, %dma_wait3A_499] : memref<2x128xi32, #tpu.memory_space<vmem>> -> memref<1x128xi32, #tpu.memory_space<vmem>>
        %dma_wait3A_501 = tpu.memref_squeeze %dma_wait3A_500 : memref<1x128xi32, #tpu.memory_space<vmem>> -> memref<128xi32, #tpu.memory_space<vmem>>
        %dma_wait3A_502 = arith.constant 0 : i32
        %dma_wait3A_503 = arith.constant 0 : i32
        %dma_wait3A_504 = tpu.memref_slice %arg23[%dma_wait3A_502, %dma_wait3A_503] : memref<10112x64xbf16, #tpu.memory_space<vmem_shared>> -> memref<10112x64xbf16, #tpu.memory_space<vmem_shared>>
        tpu.wait_indirect_dma semaphore(%arg36 : memref<!tpu.dma_semaphore, #tpu.memory_space<semaphore_mem>>) src(%arg19 : memref<128x64xbf16, #tpu.memory_space<vmem>>) dst(%dma_wait3A_504 : memref<10112x64xbf16, #tpu.memory_space<vmem_shared>>)
      } else {
      }
      %add3A_246 = arith.constant 2 : i32
      %add3A_247 = arith.addi %add3A_207, %add3A_246 : i32
      %lt3A_248 = arith.constant 160 : i32
      %lt3A_249 = arith.cmpi slt, %add3A_247, %lt3A_248 : i32
      %convert_element_type3A_250 = arith.extui %lt3A_249 : i1 to i32
      %cond3A_251 = arith.constant 0 : i32
      %cond3A_252 = arith.cmpi ne, %convert_element_type3A_250, %cond3A_251 : i32
      scf.if %cond3A_252 {
        %add3A_498 = arith.constant 2 : i32
        %add3A_499 = arith.addi %add3A_207, %add3A_498 : i32
        %mul3A_500 = arith.constant 2 : i32
        %mul3A_501 = arith.muli %mul3A_500, %add3A_499 : i32
        %dma_wait3A_502 = arith.constant 0 : i32
        %dma_wait3A_503 = tpu.memref_slice %arg2[%arg1, %mul3A_501, %dma_wait3A_502] : memref<16x320x128xi32, #tpu.memory_space<hbm>> -> memref<1x2x128xi32, #tpu.memory_space<hbm>>
        %dma_wait3A_504 = tpu.memref_squeeze %dma_wait3A_503 : memref<1x2x128xi32, #tpu.memory_space<hbm>> -> memref<2x128xi32, #tpu.memory_space<hbm>>
        %dma_wait3A_505 = arith.constant 0 : i32
        %dma_wait3A_506 = tpu.memref_slice %arg2[%arg1, %mul3A_501, %dma_wait3A_505] : memref<16x320x128xi32, #tpu.memory_space<hbm>> -> memref<1x2x128xi32, #tpu.memory_space<hbm>>
        %dma_wait3A_507 = tpu.memref_squeeze %dma_wait3A_506 : memref<1x2x128xi32, #tpu.memory_space<hbm>> -> memref<2x128xi32, #tpu.memory_space<hbm>>
        tpu.wait_dma2 semaphore(%arg28 : memref<!tpu.dma_semaphore, #tpu.memory_space<semaphore_mem>>) src(%dma_wait3A_507 : memref<2x128xi32, #tpu.memory_space<hbm>>) dst(%arg15 : memref<2x128xi32, #tpu.memory_space<vmem>>)
        %add3A_508 = arith.constant 2 : i32
        %add3A_509 = arith.addi %add3A_207, %add3A_508 : i32
        %eq3A_510 = arith.constant 0 : i32
        %eq3A_511 = arith.cmpi eq, %arg0, %eq3A_510 : i32
        %convert_element_type3A_512 = arith.extui %eq3A_511 : i1 to i32
        %cond3A_513 = arith.constant 0 : i32
        %cond3A_514 = arith.cmpi ne, %convert_element_type3A_512, %cond3A_513 : i32
        scf.if %cond3A_514 {
          %dma_start3A_520 = arith.constant 0 : i32
          %dma_start3A_521 = arith.constant 0 : i32
          %dma_start3A_522 = tpu.memref_slice %arg15[%dma_start3A_520, %dma_start3A_521] : memref<2x128xi32, #tpu.memory_space<vmem>> -> memref<1x128xi32, #tpu.memory_space<vmem>>
          %dma_start3A_523 = tpu.memref_squeeze %dma_start3A_522 : memref<1x128xi32, #tpu.memory_space<vmem>> -> memref<128xi32, #tpu.memory_space<vmem>>
          %dma_start3A_524 = arith.constant 0 : i32
          %dma_start3A_525 = arith.constant 0 : i32
          %dma_start3A_526 = tpu.memref_slice %arg3[%dma_start3A_524, %dma_start3A_525] : memref<10000x64xbf16, #tpu.memory_space<hbm>> -> memref<10000x64xbf16, #tpu.memory_space<hbm>>
          tpu.enqueue_indirect_dma source(%dma_start3A_526 : memref<10000x64xbf16, #tpu.memory_space<hbm>>) target(%arg19 : memref<128x64xbf16, #tpu.memory_space<vmem>>) offsets(%dma_start3A_523 : memref<128xi32, #tpu.memory_space<vmem>>) semaphore(%arg32 : memref<!tpu.dma_semaphore, #tpu.memory_space<semaphore_mem>>)
        } else {
        }
        %eq3A_515 = arith.constant 1 : i32
        %eq3A_516 = arith.cmpi eq, %arg0, %eq3A_515 : i32
        %convert_element_type3A_517 = arith.extui %eq3A_516 : i1 to i32
        %cond3A_518 = arith.constant 0 : i32
        %cond3A_519 = arith.cmpi ne, %convert_element_type3A_517, %cond3A_518 : i32
        scf.if %cond3A_519 {
          %dma_start3A_520 = arith.constant 0 : i32
          %dma_start3A_521 = arith.constant 0 : i32
          %dma_start3A_522 = tpu.memref_slice %arg15[%dma_start3A_520, %dma_start3A_521] : memref<2x128xi32, #tpu.memory_space<vmem>> -> memref<1x128xi32, #tpu.memory_space<vmem>>
          %dma_start3A_523 = tpu.memref_squeeze %dma_start3A_522 : memref<1x128xi32, #tpu.memory_space<vmem>> -> memref<128xi32, #tpu.memory_space<vmem>>
          %dma_start3A_524 = arith.constant 0 : i32
          %dma_start3A_525 = arith.constant 0 : i32
          %dma_start3A_526 = tpu.memref_slice %arg4[%dma_start3A_524, %dma_start3A_525] : memref<10000x64xbf16, #tpu.memory_space<hbm>> -> memref<10000x64xbf16, #tpu.memory_space<hbm>>
          tpu.enqueue_indirect_dma source(%dma_start3A_526 : memref<10000x64xbf16, #tpu.memory_space<hbm>>) target(%arg19 : memref<128x64xbf16, #tpu.memory_space<vmem>>) offsets(%dma_start3A_523 : memref<128xi32, #tpu.memory_space<vmem>>) semaphore(%arg32 : memref<!tpu.dma_semaphore, #tpu.memory_space<semaphore_mem>>)
        } else {
        }
      } else {
      }
      %mul3A_253 = arith.constant 8 : i32
      %mul3A_254 = arith.muli %scan3A_108, %mul3A_253 : i32
      %add3A_255 = arith.constant 3 : i32
      %add3A_256 = arith.addi %mul3A_254, %add3A_255 : i32
      %add3A_257 = arith.constant 4 : i32
      %add3A_258 = arith.addi %add3A_256, %add3A_257 : i32
      %lt3A_259 = arith.constant 160 : i32
      %lt3A_260 = arith.cmpi slt, %add3A_258, %lt3A_259 : i32
      %convert_element_type3A_261 = arith.extui %lt3A_260 : i1 to i32
      %cond3A_262 = arith.constant 0 : i32
      %cond3A_263 = arith.cmpi ne, %convert_element_type3A_261, %cond3A_262 : i32
      scf.if %cond3A_263 {
        %add3A_498 = arith.constant 4 : i32
        %add3A_499 = arith.addi %add3A_256, %add3A_498 : i32
        %mul3A_500 = arith.constant 2 : i32
        %mul3A_501 = arith.muli %mul3A_500, %add3A_499 : i32
        %dma_start3A_502 = arith.constant 0 : i32
        %dma_start3A_503 = tpu.memref_slice %arg2[%arg1, %mul3A_501, %dma_start3A_502] : memref<16x320x128xi32, #tpu.memory_space<hbm>> -> memref<1x2x128xi32, #tpu.memory_space<hbm>>
        %dma_start3A_504 = tpu.memref_squeeze %dma_start3A_503 : memref<1x2x128xi32, #tpu.memory_space<hbm>> -> memref<2x128xi32, #tpu.memory_space<hbm>>
        %dma_start3A_505 = arith.constant 0 : i32
        %dma_start3A_506 = tpu.memref_slice %arg2[%arg1, %mul3A_501, %dma_start3A_505] : memref<16x320x128xi32, #tpu.memory_space<hbm>> -> memref<1x2x128xi32, #tpu.memory_space<hbm>>
        %dma_start3A_507 = tpu.memref_squeeze %dma_start3A_506 : memref<1x2x128xi32, #tpu.memory_space<hbm>> -> memref<2x128xi32, #tpu.memory_space<hbm>>
        tpu.enqueue_dma source(%dma_start3A_507 : memref<2x128xi32, #tpu.memory_space<hbm>>) target(%arg18 : memref<2x128xi32, #tpu.memory_space<vmem>>) target_semaphore(%arg31 : memref<!tpu.dma_semaphore, #tpu.memory_space<semaphore_mem>>)
      } else {
      }
      %dma_wait3A_264 = arith.constant 0 : i32
      %dma_wait3A_265 = arith.constant 0 : i32
      %dma_wait3A_266 = tpu.memref_slice %arg14[%dma_wait3A_264, %dma_wait3A_265] : memref<2x128xi32, #tpu.memory_space<vmem>> -> memref<1x128xi32, #tpu.memory_space<vmem>>
      %dma_wait3A_267 = tpu.memref_squeeze %dma_wait3A_266 : memref<1x128xi32, #tpu.memory_space<vmem>> -> memref<128xi32, #tpu.memory_space<vmem>>
      %dma_wait3A_268 = arith.constant 0 : i32
      %dma_wait3A_269 = arith.constant 0 : i32
      %dma_wait3A_270 = tpu.memref_slice %arg3[%dma_wait3A_268, %dma_wait3A_269] : memref<10000x64xbf16, #tpu.memory_space<hbm>> -> memref<10000x64xbf16, #tpu.memory_space<hbm>>
      tpu.wait_indirect_dma semaphore(%arg35 : memref<!tpu.dma_semaphore, #tpu.memory_space<semaphore_mem>>) src(%dma_wait3A_270 : memref<10000x64xbf16, #tpu.memory_space<hbm>>) dst(%arg22 : memref<128x64xbf16, #tpu.memory_space<vmem>>)
      %dma_start3A_271 = arith.constant 1 : i32
      %dma_start3A_272 = arith.constant 0 : i32
      %dma_start3A_273 = tpu.memref_slice %arg14[%dma_start3A_271, %dma_start3A_272] : memref<2x128xi32, #tpu.memory_space<vmem>> -> memref<1x128xi32, #tpu.memory_space<vmem>>
      %dma_start3A_274 = tpu.memref_squeeze %dma_start3A_273 : memref<1x128xi32, #tpu.memory_space<vmem>> -> memref<128xi32, #tpu.memory_space<vmem>>
      %dma_start3A_275 = arith.constant 0 : i32
      %dma_start3A_276 = arith.constant 0 : i32
      %dma_start3A_277 = tpu.memref_slice %arg23[%dma_start3A_275, %dma_start3A_276] : memref<10112x64xbf16, #tpu.memory_space<vmem_shared>> -> memref<10112x64xbf16, #tpu.memory_space<vmem_shared>>
      tpu.enqueue_indirect_dma source(%arg22 : memref<128x64xbf16, #tpu.memory_space<vmem>>) target(%dma_start3A_277 : memref<10112x64xbf16, #tpu.memory_space<vmem_shared>>) offsets(%dma_start3A_274 : memref<128xi32, #tpu.memory_space<vmem>>) semaphore(%arg39 : memref<!tpu.dma_semaphore, #tpu.memory_space<semaphore_mem>>) {add = true}
      %dma_start3A_278 = arith.constant 1 : i32
      %dma_start3A_279 = arith.constant 0 : i32
      %dma_start3A_280 = tpu.memref_slice %arg14[%dma_start3A_278, %dma_start3A_279] : memref<2x128xi32, #tpu.memory_space<vmem>> -> memref<1x128xi32, #tpu.memory_space<vmem>>
      %dma_start3A_281 = tpu.memref_squeeze %dma_start3A_280 : memref<1x128xi32, #tpu.memory_space<vmem>> -> memref<128xi32, #tpu.memory_space<vmem>>
      %dma_start3A_282 = arith.constant 0 : i32
      %dma_start3A_283 = arith.constant 0 : i32
      %dma_start3A_284 = tpu.memref_slice %arg42[%dma_start3A_282, %dma_start3A_283] : memref<10112x8xf32, #tpu.memory_space<vmem_shared>> -> memref<10112x8xf32, #tpu.memory_space<vmem_shared>>
      tpu.enqueue_indirect_dma source(%arg41 : memref<128x8xf32, #tpu.memory_space<vmem>>) target(%dma_start3A_284 : memref<10112x8xf32, #tpu.memory_space<vmem_shared>>) offsets(%dma_start3A_281 : memref<128xi32, #tpu.memory_space<vmem>>) semaphore(%arg40 : memref<!tpu.dma_semaphore, #tpu.memory_space<semaphore_mem>>) {add = true}
      %ge3A_285 = arith.constant 2 : i32
      %ge3A_286 = arith.cmpi sge, %add3A_256, %ge3A_285 : i32
      %convert_element_type3A_287 = arith.extui %ge3A_286 : i1 to i32
      %cond3A_288 = arith.constant 0 : i32
      %cond3A_289 = arith.cmpi ne, %convert_element_type3A_287, %cond3A_288 : i32
      scf.if %cond3A_289 {
        %dma_wait3A_498 = arith.constant 1 : i32
        %dma_wait3A_499 = arith.constant 0 : i32
        %dma_wait3A_500 = tpu.memref_slice %arg12[%dma_wait3A_498, %dma_wait3A_499] : memref<2x128xi32, #tpu.memory_space<vmem>> -> memref<1x128xi32, #tpu.memory_space<vmem>>
        %dma_wait3A_501 = tpu.memref_squeeze %dma_wait3A_500 : memref<1x128xi32, #tpu.memory_space<vmem>> -> memref<128xi32, #tpu.memory_space<vmem>>
        %dma_wait3A_502 = arith.constant 0 : i32
        %dma_wait3A_503 = arith.constant 0 : i32
        %dma_wait3A_504 = tpu.memref_slice %arg42[%dma_wait3A_502, %dma_wait3A_503] : memref<10112x8xf32, #tpu.memory_space<vmem_shared>> -> memref<10112x8xf32, #tpu.memory_space<vmem_shared>>
        tpu.wait_indirect_dma semaphore(%arg40 : memref<!tpu.dma_semaphore, #tpu.memory_space<semaphore_mem>>) src(%arg41 : memref<128x8xf32, #tpu.memory_space<vmem>>) dst(%dma_wait3A_504 : memref<10112x8xf32, #tpu.memory_space<vmem_shared>>)
      } else {
      }
      %ge3A_290 = arith.constant 2 : i32
      %ge3A_291 = arith.cmpi sge, %add3A_256, %ge3A_290 : i32
      %convert_element_type3A_292 = arith.extui %ge3A_291 : i1 to i32
      %cond3A_293 = arith.constant 0 : i32
      %cond3A_294 = arith.cmpi ne, %convert_element_type3A_292, %cond3A_293 : i32
      scf.if %cond3A_294 {
        %dma_wait3A_498 = arith.constant 1 : i32
        %dma_wait3A_499 = arith.constant 0 : i32
        %dma_wait3A_500 = tpu.memref_slice %arg12[%dma_wait3A_498, %dma_wait3A_499] : memref<2x128xi32, #tpu.memory_space<vmem>> -> memref<1x128xi32, #tpu.memory_space<vmem>>
        %dma_wait3A_501 = tpu.memref_squeeze %dma_wait3A_500 : memref<1x128xi32, #tpu.memory_space<vmem>> -> memref<128xi32, #tpu.memory_space<vmem>>
        %dma_wait3A_502 = arith.constant 0 : i32
        %dma_wait3A_503 = arith.constant 0 : i32
        %dma_wait3A_504 = tpu.memref_slice %arg23[%dma_wait3A_502, %dma_wait3A_503] : memref<10112x64xbf16, #tpu.memory_space<vmem_shared>> -> memref<10112x64xbf16, #tpu.memory_space<vmem_shared>>
        tpu.wait_indirect_dma semaphore(%arg37 : memref<!tpu.dma_semaphore, #tpu.memory_space<semaphore_mem>>) src(%arg20 : memref<128x64xbf16, #tpu.memory_space<vmem>>) dst(%dma_wait3A_504 : memref<10112x64xbf16, #tpu.memory_space<vmem_shared>>)
      } else {
      }
      %add3A_295 = arith.constant 2 : i32
      %add3A_296 = arith.addi %add3A_256, %add3A_295 : i32
      %lt3A_297 = arith.constant 160 : i32
      %lt3A_298 = arith.cmpi slt, %add3A_296, %lt3A_297 : i32
      %convert_element_type3A_299 = arith.extui %lt3A_298 : i1 to i32
      %cond3A_300 = arith.constant 0 : i32
      %cond3A_301 = arith.cmpi ne, %convert_element_type3A_299, %cond3A_300 : i32
      scf.if %cond3A_301 {
        %add3A_498 = arith.constant 2 : i32
        %add3A_499 = arith.addi %add3A_256, %add3A_498 : i32
        %mul3A_500 = arith.constant 2 : i32
        %mul3A_501 = arith.muli %mul3A_500, %add3A_499 : i32
        %dma_wait3A_502 = arith.constant 0 : i32
        %dma_wait3A_503 = tpu.memref_slice %arg2[%arg1, %mul3A_501, %dma_wait3A_502] : memref<16x320x128xi32, #tpu.memory_space<hbm>> -> memref<1x2x128xi32, #tpu.memory_space<hbm>>
        %dma_wait3A_504 = tpu.memref_squeeze %dma_wait3A_503 : memref<1x2x128xi32, #tpu.memory_space<hbm>> -> memref<2x128xi32, #tpu.memory_space<hbm>>
        %dma_wait3A_505 = arith.constant 0 : i32
        %dma_wait3A_506 = tpu.memref_slice %arg2[%arg1, %mul3A_501, %dma_wait3A_505] : memref<16x320x128xi32, #tpu.memory_space<hbm>> -> memref<1x2x128xi32, #tpu.memory_space<hbm>>
        %dma_wait3A_507 = tpu.memref_squeeze %dma_wait3A_506 : memref<1x2x128xi32, #tpu.memory_space<hbm>> -> memref<2x128xi32, #tpu.memory_space<hbm>>
        tpu.wait_dma2 semaphore(%arg29 : memref<!tpu.dma_semaphore, #tpu.memory_space<semaphore_mem>>) src(%dma_wait3A_507 : memref<2x128xi32, #tpu.memory_space<hbm>>) dst(%arg16 : memref<2x128xi32, #tpu.memory_space<vmem>>)
        %add3A_508 = arith.constant 2 : i32
        %add3A_509 = arith.addi %add3A_256, %add3A_508 : i32
        %eq3A_510 = arith.constant 0 : i32
        %eq3A_511 = arith.cmpi eq, %arg0, %eq3A_510 : i32
        %convert_element_type3A_512 = arith.extui %eq3A_511 : i1 to i32
        %cond3A_513 = arith.constant 0 : i32
        %cond3A_514 = arith.cmpi ne, %convert_element_type3A_512, %cond3A_513 : i32
        scf.if %cond3A_514 {
          %dma_start3A_520 = arith.constant 0 : i32
          %dma_start3A_521 = arith.constant 0 : i32
          %dma_start3A_522 = tpu.memref_slice %arg16[%dma_start3A_520, %dma_start3A_521] : memref<2x128xi32, #tpu.memory_space<vmem>> -> memref<1x128xi32, #tpu.memory_space<vmem>>
          %dma_start3A_523 = tpu.memref_squeeze %dma_start3A_522 : memref<1x128xi32, #tpu.memory_space<vmem>> -> memref<128xi32, #tpu.memory_space<vmem>>
          %dma_start3A_524 = arith.constant 0 : i32
          %dma_start3A_525 = arith.constant 0 : i32
          %dma_start3A_526 = tpu.memref_slice %arg3[%dma_start3A_524, %dma_start3A_525] : memref<10000x64xbf16, #tpu.memory_space<hbm>> -> memref<10000x64xbf16, #tpu.memory_space<hbm>>
          tpu.enqueue_indirect_dma source(%dma_start3A_526 : memref<10000x64xbf16, #tpu.memory_space<hbm>>) target(%arg20 : memref<128x64xbf16, #tpu.memory_space<vmem>>) offsets(%dma_start3A_523 : memref<128xi32, #tpu.memory_space<vmem>>) semaphore(%arg33 : memref<!tpu.dma_semaphore, #tpu.memory_space<semaphore_mem>>)
        } else {
        }
        %eq3A_515 = arith.constant 1 : i32
        %eq3A_516 = arith.cmpi eq, %arg0, %eq3A_515 : i32
        %convert_element_type3A_517 = arith.extui %eq3A_516 : i1 to i32
        %cond3A_518 = arith.constant 0 : i32
        %cond3A_519 = arith.cmpi ne, %convert_element_type3A_517, %cond3A_518 : i32
        scf.if %cond3A_519 {
          %dma_start3A_520 = arith.constant 0 : i32
          %dma_start3A_521 = arith.constant 0 : i32
          %dma_start3A_522 = tpu.memref_slice %arg16[%dma_start3A_520, %dma_start3A_521] : memref<2x128xi32, #tpu.memory_space<vmem>> -> memref<1x128xi32, #tpu.memory_space<vmem>>
          %dma_start3A_523 = tpu.memref_squeeze %dma_start3A_522 : memref<1x128xi32, #tpu.memory_space<vmem>> -> memref<128xi32, #tpu.memory_space<vmem>>
          %dma_start3A_524 = arith.constant 0 : i32
          %dma_start3A_525 = arith.constant 0 : i32
          %dma_start3A_526 = tpu.memref_slice %arg4[%dma_start3A_524, %dma_start3A_525] : memref<10000x64xbf16, #tpu.memory_space<hbm>> -> memref<10000x64xbf16, #tpu.memory_space<hbm>>
          tpu.enqueue_indirect_dma source(%dma_start3A_526 : memref<10000x64xbf16, #tpu.memory_space<hbm>>) target(%arg20 : memref<128x64xbf16, #tpu.memory_space<vmem>>) offsets(%dma_start3A_523 : memref<128xi32, #tpu.memory_space<vmem>>) semaphore(%arg33 : memref<!tpu.dma_semaphore, #tpu.memory_space<semaphore_mem>>)
        } else {
        }
      } else {
      }
      %mul3A_302 = arith.constant 8 : i32
      %mul3A_303 = arith.muli %scan3A_108, %mul3A_302 : i32
      %add3A_304 = arith.constant 4 : i32
      %add3A_305 = arith.addi %mul3A_303, %add3A_304 : i32
      %add3A_306 = arith.constant 4 : i32
      %add3A_307 = arith.addi %add3A_305, %add3A_306 : i32
      %lt3A_308 = arith.constant 160 : i32
      %lt3A_309 = arith.cmpi slt, %add3A_307, %lt3A_308 : i32
      %convert_element_type3A_310 = arith.extui %lt3A_309 : i1 to i32
      %cond3A_311 = arith.constant 0 : i32
      %cond3A_312 = arith.cmpi ne, %convert_element_type3A_310, %cond3A_311 : i32
      scf.if %cond3A_312 {
        %add3A_498 = arith.constant 4 : i32
        %add3A_499 = arith.addi %add3A_305, %add3A_498 : i32
        %mul3A_500 = arith.constant 2 : i32
        %mul3A_501 = arith.muli %mul3A_500, %add3A_499 : i32
        %dma_start3A_502 = arith.constant 0 : i32
        %dma_start3A_503 = tpu.memref_slice %arg2[%arg1, %mul3A_501, %dma_start3A_502] : memref<16x320x128xi32, #tpu.memory_space<hbm>> -> memref<1x2x128xi32, #tpu.memory_space<hbm>>
        %dma_start3A_504 = tpu.memref_squeeze %dma_start3A_503 : memref<1x2x128xi32, #tpu.memory_space<hbm>> -> memref<2x128xi32, #tpu.memory_space<hbm>>
        %dma_start3A_505 = arith.constant 0 : i32
        %dma_start3A_506 = tpu.memref_slice %arg2[%arg1, %mul3A_501, %dma_start3A_505] : memref<16x320x128xi32, #tpu.memory_space<hbm>> -> memref<1x2x128xi32, #tpu.memory_space<hbm>>
        %dma_start3A_507 = tpu.memref_squeeze %dma_start3A_506 : memref<1x2x128xi32, #tpu.memory_space<hbm>> -> memref<2x128xi32, #tpu.memory_space<hbm>>
        tpu.enqueue_dma source(%dma_start3A_507 : memref<2x128xi32, #tpu.memory_space<hbm>>) target(%arg11 : memref<2x128xi32, #tpu.memory_space<vmem>>) target_semaphore(%arg24 : memref<!tpu.dma_semaphore, #tpu.memory_space<semaphore_mem>>)
      } else {
      }
      %dma_wait3A_313 = arith.constant 0 : i32
      %dma_wait3A_314 = arith.constant 0 : i32
      %dma_wait3A_315 = tpu.memref_slice %arg15[%dma_wait3A_313, %dma_wait3A_314] : memref<2x128xi32, #tpu.memory_space<vmem>> -> memref<1x128xi32, #tpu.memory_space<vmem>>
      %dma_wait3A_316 = tpu.memref_squeeze %dma_wait3A_315 : memref<1x128xi32, #tpu.memory_space<vmem>> -> memref<128xi32, #tpu.memory_space<vmem>>
      %dma_wait3A_317 = arith.constant 0 : i32
      %dma_wait3A_318 = arith.constant 0 : i32
      %dma_wait3A_319 = tpu.memref_slice %arg3[%dma_wait3A_317, %dma_wait3A_318] : memref<10000x64xbf16, #tpu.memory_space<hbm>> -> memref<10000x64xbf16, #tpu.memory_space<hbm>>
      tpu.wait_indirect_dma semaphore(%arg32 : memref<!tpu.dma_semaphore, #tpu.memory_space<semaphore_mem>>) src(%dma_wait3A_319 : memref<10000x64xbf16, #tpu.memory_space<hbm>>) dst(%arg19 : memref<128x64xbf16, #tpu.memory_space<vmem>>)
      %dma_start3A_320 = arith.constant 1 : i32
      %dma_start3A_321 = arith.constant 0 : i32
      %dma_start3A_322 = tpu.memref_slice %arg15[%dma_start3A_320, %dma_start3A_321] : memref<2x128xi32, #tpu.memory_space<vmem>> -> memref<1x128xi32, #tpu.memory_space<vmem>>
      %dma_start3A_323 = tpu.memref_squeeze %dma_start3A_322 : memref<1x128xi32, #tpu.memory_space<vmem>> -> memref<128xi32, #tpu.memory_space<vmem>>
      %dma_start3A_324 = arith.constant 0 : i32
      %dma_start3A_325 = arith.constant 0 : i32
      %dma_start3A_326 = tpu.memref_slice %arg23[%dma_start3A_324, %dma_start3A_325] : memref<10112x64xbf16, #tpu.memory_space<vmem_shared>> -> memref<10112x64xbf16, #tpu.memory_space<vmem_shared>>
      tpu.enqueue_indirect_dma source(%arg19 : memref<128x64xbf16, #tpu.memory_space<vmem>>) target(%dma_start3A_326 : memref<10112x64xbf16, #tpu.memory_space<vmem_shared>>) offsets(%dma_start3A_323 : memref<128xi32, #tpu.memory_space<vmem>>) semaphore(%arg36 : memref<!tpu.dma_semaphore, #tpu.memory_space<semaphore_mem>>) {add = true}
      %dma_start3A_327 = arith.constant 1 : i32
      %dma_start3A_328 = arith.constant 0 : i32
      %dma_start3A_329 = tpu.memref_slice %arg15[%dma_start3A_327, %dma_start3A_328] : memref<2x128xi32, #tpu.memory_space<vmem>> -> memref<1x128xi32, #tpu.memory_space<vmem>>
      %dma_start3A_330 = tpu.memref_squeeze %dma_start3A_329 : memref<1x128xi32, #tpu.memory_space<vmem>> -> memref<128xi32, #tpu.memory_space<vmem>>
      %dma_start3A_331 = arith.constant 0 : i32
      %dma_start3A_332 = arith.constant 0 : i32
      %dma_start3A_333 = tpu.memref_slice %arg42[%dma_start3A_331, %dma_start3A_332] : memref<10112x8xf32, #tpu.memory_space<vmem_shared>> -> memref<10112x8xf32, #tpu.memory_space<vmem_shared>>
      tpu.enqueue_indirect_dma source(%arg41 : memref<128x8xf32, #tpu.memory_space<vmem>>) target(%dma_start3A_333 : memref<10112x8xf32, #tpu.memory_space<vmem_shared>>) offsets(%dma_start3A_330 : memref<128xi32, #tpu.memory_space<vmem>>) semaphore(%arg40 : memref<!tpu.dma_semaphore, #tpu.memory_space<semaphore_mem>>) {add = true}
      %ge3A_334 = arith.constant 2 : i32
      %ge3A_335 = arith.cmpi sge, %add3A_305, %ge3A_334 : i32
      %convert_element_type3A_336 = arith.extui %ge3A_335 : i1 to i32
      %cond3A_337 = arith.constant 0 : i32
      %cond3A_338 = arith.cmpi ne, %convert_element_type3A_336, %cond3A_337 : i32
      scf.if %cond3A_338 {
        %dma_wait3A_498 = arith.constant 1 : i32
        %dma_wait3A_499 = arith.constant 0 : i32
        %dma_wait3A_500 = tpu.memref_slice %arg13[%dma_wait3A_498, %dma_wait3A_499] : memref<2x128xi32, #tpu.memory_space<vmem>> -> memref<1x128xi32, #tpu.memory_space<vmem>>
        %dma_wait3A_501 = tpu.memref_squeeze %dma_wait3A_500 : memref<1x128xi32, #tpu.memory_space<vmem>> -> memref<128xi32, #tpu.memory_space<vmem>>
        %dma_wait3A_502 = arith.constant 0 : i32
        %dma_wait3A_503 = arith.constant 0 : i32
        %dma_wait3A_504 = tpu.memref_slice %arg42[%dma_wait3A_502, %dma_wait3A_503] : memref<10112x8xf32, #tpu.memory_space<vmem_shared>> -> memref<10112x8xf32, #tpu.memory_space<vmem_shared>>
        tpu.wait_indirect_dma semaphore(%arg40 : memref<!tpu.dma_semaphore, #tpu.memory_space<semaphore_mem>>) src(%arg41 : memref<128x8xf32, #tpu.memory_space<vmem>>) dst(%dma_wait3A_504 : memref<10112x8xf32, #tpu.memory_space<vmem_shared>>)
      } else {
      }
      %ge3A_339 = arith.constant 2 : i32
      %ge3A_340 = arith.cmpi sge, %add3A_305, %ge3A_339 : i32
      %convert_element_type3A_341 = arith.extui %ge3A_340 : i1 to i32
      %cond3A_342 = arith.constant 0 : i32
      %cond3A_343 = arith.cmpi ne, %convert_element_type3A_341, %cond3A_342 : i32
      scf.if %cond3A_343 {
        %dma_wait3A_498 = arith.constant 1 : i32
        %dma_wait3A_499 = arith.constant 0 : i32
        %dma_wait3A_500 = tpu.memref_slice %arg13[%dma_wait3A_498, %dma_wait3A_499] : memref<2x128xi32, #tpu.memory_space<vmem>> -> memref<1x128xi32, #tpu.memory_space<vmem>>
        %dma_wait3A_501 = tpu.memref_squeeze %dma_wait3A_500 : memref<1x128xi32, #tpu.memory_space<vmem>> -> memref<128xi32, #tpu.memory_space<vmem>>
        %dma_wait3A_502 = arith.constant 0 : i32
        %dma_wait3A_503 = arith.constant 0 : i32
        %dma_wait3A_504 = tpu.memref_slice %arg23[%dma_wait3A_502, %dma_wait3A_503] : memref<10112x64xbf16, #tpu.memory_space<vmem_shared>> -> memref<10112x64xbf16, #tpu.memory_space<vmem_shared>>
        tpu.wait_indirect_dma semaphore(%arg38 : memref<!tpu.dma_semaphore, #tpu.memory_space<semaphore_mem>>) src(%arg21 : memref<128x64xbf16, #tpu.memory_space<vmem>>) dst(%dma_wait3A_504 : memref<10112x64xbf16, #tpu.memory_space<vmem_shared>>)
      } else {
      }
      %add3A_344 = arith.constant 2 : i32
      %add3A_345 = arith.addi %add3A_305, %add3A_344 : i32
      %lt3A_346 = arith.constant 160 : i32
      %lt3A_347 = arith.cmpi slt, %add3A_345, %lt3A_346 : i32
      %convert_element_type3A_348 = arith.extui %lt3A_347 : i1 to i32
      %cond3A_349 = arith.constant 0 : i32
      %cond3A_350 = arith.cmpi ne, %convert_element_type3A_348, %cond3A_349 : i32
      scf.if %cond3A_350 {
        %add3A_498 = arith.constant 2 : i32
        %add3A_499 = arith.addi %add3A_305, %add3A_498 : i32
        %mul3A_500 = arith.constant 2 : i32
        %mul3A_501 = arith.muli %mul3A_500, %add3A_499 : i32
        %dma_wait3A_502 = arith.constant 0 : i32
        %dma_wait3A_503 = tpu.memref_slice %arg2[%arg1, %mul3A_501, %dma_wait3A_502] : memref<16x320x128xi32, #tpu.memory_space<hbm>> -> memref<1x2x128xi32, #tpu.memory_space<hbm>>
        %dma_wait3A_504 = tpu.memref_squeeze %dma_wait3A_503 : memref<1x2x128xi32, #tpu.memory_space<hbm>> -> memref<2x128xi32, #tpu.memory_space<hbm>>
        %dma_wait3A_505 = arith.constant 0 : i32
        %dma_wait3A_506 = tpu.memref_slice %arg2[%arg1, %mul3A_501, %dma_wait3A_505] : memref<16x320x128xi32, #tpu.memory_space<hbm>> -> memref<1x2x128xi32, #tpu.memory_space<hbm>>
        %dma_wait3A_507 = tpu.memref_squeeze %dma_wait3A_506 : memref<1x2x128xi32, #tpu.memory_space<hbm>> -> memref<2x128xi32, #tpu.memory_space<hbm>>
        tpu.wait_dma2 semaphore(%arg30 : memref<!tpu.dma_semaphore, #tpu.memory_space<semaphore_mem>>) src(%dma_wait3A_507 : memref<2x128xi32, #tpu.memory_space<hbm>>) dst(%arg17 : memref<2x128xi32, #tpu.memory_space<vmem>>)
        %add3A_508 = arith.constant 2 : i32
        %add3A_509 = arith.addi %add3A_305, %add3A_508 : i32
        %eq3A_510 = arith.constant 0 : i32
        %eq3A_511 = arith.cmpi eq, %arg0, %eq3A_510 : i32
        %convert_element_type3A_512 = arith.extui %eq3A_511 : i1 to i32
        %cond3A_513 = arith.constant 0 : i32
        %cond3A_514 = arith.cmpi ne, %convert_element_type3A_512, %cond3A_513 : i32
        scf.if %cond3A_514 {
          %dma_start3A_520 = arith.constant 0 : i32
          %dma_start3A_521 = arith.constant 0 : i32
          %dma_start3A_522 = tpu.memref_slice %arg17[%dma_start3A_520, %dma_start3A_521] : memref<2x128xi32, #tpu.memory_space<vmem>> -> memref<1x128xi32, #tpu.memory_space<vmem>>
          %dma_start3A_523 = tpu.memref_squeeze %dma_start3A_522 : memref<1x128xi32, #tpu.memory_space<vmem>> -> memref<128xi32, #tpu.memory_space<vmem>>
          %dma_start3A_524 = arith.constant 0 : i32
          %dma_start3A_525 = arith.constant 0 : i32
          %dma_start3A_526 = tpu.memref_slice %arg3[%dma_start3A_524, %dma_start3A_525] : memref<10000x64xbf16, #tpu.memory_space<hbm>> -> memref<10000x64xbf16, #tpu.memory_space<hbm>>
          tpu.enqueue_indirect_dma source(%dma_start3A_526 : memref<10000x64xbf16, #tpu.memory_space<hbm>>) target(%arg21 : memref<128x64xbf16, #tpu.memory_space<vmem>>) offsets(%dma_start3A_523 : memref<128xi32, #tpu.memory_space<vmem>>) semaphore(%arg34 : memref<!tpu.dma_semaphore, #tpu.memory_space<semaphore_mem>>)
        } else {
        }
        %eq3A_515 = arith.constant 1 : i32
        %eq3A_516 = arith.cmpi eq, %arg0, %eq3A_515 : i32
        %convert_element_type3A_517 = arith.extui %eq3A_516 : i1 to i32
        %cond3A_518 = arith.constant 0 : i32
        %cond3A_519 = arith.cmpi ne, %convert_element_type3A_517, %cond3A_518 : i32
        scf.if %cond3A_519 {
          %dma_start3A_520 = arith.constant 0 : i32
          %dma_start3A_521 = arith.constant 0 : i32
          %dma_start3A_522 = tpu.memref_slice %arg17[%dma_start3A_520, %dma_start3A_521] : memref<2x128xi32, #tpu.memory_space<vmem>> -> memref<1x128xi32, #tpu.memory_space<vmem>>
          %dma_start3A_523 = tpu.memref_squeeze %dma_start3A_522 : memref<1x128xi32, #tpu.memory_space<vmem>> -> memref<128xi32, #tpu.memory_space<vmem>>
          %dma_start3A_524 = arith.constant 0 : i32
          %dma_start3A_525 = arith.constant 0 : i32
          %dma_start3A_526 = tpu.memref_slice %arg4[%dma_start3A_524, %dma_start3A_525] : memref<10000x64xbf16, #tpu.memory_space<hbm>> -> memref<10000x64xbf16, #tpu.memory_space<hbm>>
          tpu.enqueue_indirect_dma source(%dma_start3A_526 : memref<10000x64xbf16, #tpu.memory_space<hbm>>) target(%arg21 : memref<128x64xbf16, #tpu.memory_space<vmem>>) offsets(%dma_start3A_523 : memref<128xi32, #tpu.memory_space<vmem>>) semaphore(%arg34 : memref<!tpu.dma_semaphore, #tpu.memory_space<semaphore_mem>>)
        } else {
        }
      } else {
      }
      %mul3A_351 = arith.constant 8 : i32
      %mul3A_352 = arith.muli %scan3A_108, %mul3A_351 : i32
      %add3A_353 = arith.constant 5 : i32
      %add3A_354 = arith.addi %mul3A_352, %add3A_353 : i32
      %add3A_355 = arith.constant 4 : i32
      %add3A_356 = arith.addi %add3A_354, %add3A_355 : i32
      %lt3A_357 = arith.constant 160 : i32
      %lt3A_358 = arith.cmpi slt, %add3A_356, %lt3A_357 : i32
      %convert_element_type3A_359 = arith.extui %lt3A_358 : i1 to i32
      %cond3A_360 = arith.constant 0 : i32
      %cond3A_361 = arith.cmpi ne, %convert_element_type3A_359, %cond3A_360 : i32
      scf.if %cond3A_361 {
        %add3A_498 = arith.constant 4 : i32
        %add3A_499 = arith.addi %add3A_354, %add3A_498 : i32
        %mul3A_500 = arith.constant 2 : i32
        %mul3A_501 = arith.muli %mul3A_500, %add3A_499 : i32
        %dma_start3A_502 = arith.constant 0 : i32
        %dma_start3A_503 = tpu.memref_slice %arg2[%arg1, %mul3A_501, %dma_start3A_502] : memref<16x320x128xi32, #tpu.memory_space<hbm>> -> memref<1x2x128xi32, #tpu.memory_space<hbm>>
        %dma_start3A_504 = tpu.memref_squeeze %dma_start3A_503 : memref<1x2x128xi32, #tpu.memory_space<hbm>> -> memref<2x128xi32, #tpu.memory_space<hbm>>
        %dma_start3A_505 = arith.constant 0 : i32
        %dma_start3A_506 = tpu.memref_slice %arg2[%arg1, %mul3A_501, %dma_start3A_505] : memref<16x320x128xi32, #tpu.memory_space<hbm>> -> memref<1x2x128xi32, #tpu.memory_space<hbm>>
        %dma_start3A_507 = tpu.memref_squeeze %dma_start3A_506 : memref<1x2x128xi32, #tpu.memory_space<hbm>> -> memref<2x128xi32, #tpu.memory_space<hbm>>
        tpu.enqueue_dma source(%dma_start3A_507 : memref<2x128xi32, #tpu.memory_space<hbm>>) target(%arg12 : memref<2x128xi32, #tpu.memory_space<vmem>>) target_semaphore(%arg25 : memref<!tpu.dma_semaphore, #tpu.memory_space<semaphore_mem>>)
      } else {
      }
      %dma_wait3A_362 = arith.constant 0 : i32
      %dma_wait3A_363 = arith.constant 0 : i32
      %dma_wait3A_364 = tpu.memref_slice %arg16[%dma_wait3A_362, %dma_wait3A_363] : memref<2x128xi32, #tpu.memory_space<vmem>> -> memref<1x128xi32, #tpu.memory_space<vmem>>
      %dma_wait3A_365 = tpu.memref_squeeze %dma_wait3A_364 : memref<1x128xi32, #tpu.memory_space<vmem>> -> memref<128xi32, #tpu.memory_space<vmem>>
      %dma_wait3A_366 = arith.constant 0 : i32
      %dma_wait3A_367 = arith.constant 0 : i32
      %dma_wait3A_368 = tpu.memref_slice %arg3[%dma_wait3A_366, %dma_wait3A_367] : memref<10000x64xbf16, #tpu.memory_space<hbm>> -> memref<10000x64xbf16, #tpu.memory_space<hbm>>
      tpu.wait_indirect_dma semaphore(%arg33 : memref<!tpu.dma_semaphore, #tpu.memory_space<semaphore_mem>>) src(%dma_wait3A_368 : memref<10000x64xbf16, #tpu.memory_space<hbm>>) dst(%arg20 : memref<128x64xbf16, #tpu.memory_space<vmem>>)
      %dma_start3A_369 = arith.constant 1 : i32
      %dma_start3A_370 = arith.constant 0 : i32
      %dma_start3A_371 = tpu.memref_slice %arg16[%dma_start3A_369, %dma_start3A_370] : memref<2x128xi32, #tpu.memory_space<vmem>> -> memref<1x128xi32, #tpu.memory_space<vmem>>
      %dma_start3A_372 = tpu.memref_squeeze %dma_start3A_371 : memref<1x128xi32, #tpu.memory_space<vmem>> -> memref<128xi32, #tpu.memory_space<vmem>>
      %dma_start3A_373 = arith.constant 0 : i32
      %dma_start3A_374 = arith.constant 0 : i32
      %dma_start3A_375 = tpu.memref_slice %arg23[%dma_start3A_373, %dma_start3A_374] : memref<10112x64xbf16, #tpu.memory_space<vmem_shared>> -> memref<10112x64xbf16, #tpu.memory_space<vmem_shared>>
      tpu.enqueue_indirect_dma source(%arg20 : memref<128x64xbf16, #tpu.memory_space<vmem>>) target(%dma_start3A_375 : memref<10112x64xbf16, #tpu.memory_space<vmem_shared>>) offsets(%dma_start3A_372 : memref<128xi32, #tpu.memory_space<vmem>>) semaphore(%arg37 : memref<!tpu.dma_semaphore, #tpu.memory_space<semaphore_mem>>) {add = true}
      %dma_start3A_376 = arith.constant 1 : i32
      %dma_start3A_377 = arith.constant 0 : i32
      %dma_start3A_378 = tpu.memref_slice %arg16[%dma_start3A_376, %dma_start3A_377] : memref<2x128xi32, #tpu.memory_space<vmem>> -> memref<1x128xi32, #tpu.memory_space<vmem>>
      %dma_start3A_379 = tpu.memref_squeeze %dma_start3A_378 : memref<1x128xi32, #tpu.memory_space<vmem>> -> memref<128xi32, #tpu.memory_space<vmem>>
      %dma_start3A_380 = arith.constant 0 : i32
      %dma_start3A_381 = arith.constant 0 : i32
      %dma_start3A_382 = tpu.memref_slice %arg42[%dma_start3A_380, %dma_start3A_381] : memref<10112x8xf32, #tpu.memory_space<vmem_shared>> -> memref<10112x8xf32, #tpu.memory_space<vmem_shared>>
      tpu.enqueue_indirect_dma source(%arg41 : memref<128x8xf32, #tpu.memory_space<vmem>>) target(%dma_start3A_382 : memref<10112x8xf32, #tpu.memory_space<vmem_shared>>) offsets(%dma_start3A_379 : memref<128xi32, #tpu.memory_space<vmem>>) semaphore(%arg40 : memref<!tpu.dma_semaphore, #tpu.memory_space<semaphore_mem>>) {add = true}
      %ge3A_383 = arith.constant 2 : i32
      %ge3A_384 = arith.cmpi sge, %add3A_354, %ge3A_383 : i32
      %convert_element_type3A_385 = arith.extui %ge3A_384 : i1 to i32
      %cond3A_386 = arith.constant 0 : i32
      %cond3A_387 = arith.cmpi ne, %convert_element_type3A_385, %cond3A_386 : i32
      scf.if %cond3A_387 {
        %dma_wait3A_498 = arith.constant 1 : i32
        %dma_wait3A_499 = arith.constant 0 : i32
        %dma_wait3A_500 = tpu.memref_slice %arg14[%dma_wait3A_498, %dma_wait3A_499] : memref<2x128xi32, #tpu.memory_space<vmem>> -> memref<1x128xi32, #tpu.memory_space<vmem>>
        %dma_wait3A_501 = tpu.memref_squeeze %dma_wait3A_500 : memref<1x128xi32, #tpu.memory_space<vmem>> -> memref<128xi32, #tpu.memory_space<vmem>>
        %dma_wait3A_502 = arith.constant 0 : i32
        %dma_wait3A_503 = arith.constant 0 : i32
        %dma_wait3A_504 = tpu.memref_slice %arg42[%dma_wait3A_502, %dma_wait3A_503] : memref<10112x8xf32, #tpu.memory_space<vmem_shared>> -> memref<10112x8xf32, #tpu.memory_space<vmem_shared>>
        tpu.wait_indirect_dma semaphore(%arg40 : memref<!tpu.dma_semaphore, #tpu.memory_space<semaphore_mem>>) src(%arg41 : memref<128x8xf32, #tpu.memory_space<vmem>>) dst(%dma_wait3A_504 : memref<10112x8xf32, #tpu.memory_space<vmem_shared>>)
      } else {
      }
      %ge3A_388 = arith.constant 2 : i32
      %ge3A_389 = arith.cmpi sge, %add3A_354, %ge3A_388 : i32
      %convert_element_type3A_390 = arith.extui %ge3A_389 : i1 to i32
      %cond3A_391 = arith.constant 0 : i32
      %cond3A_392 = arith.cmpi ne, %convert_element_type3A_390, %cond3A_391 : i32
      scf.if %cond3A_392 {
        %dma_wait3A_498 = arith.constant 1 : i32
        %dma_wait3A_499 = arith.constant 0 : i32
        %dma_wait3A_500 = tpu.memref_slice %arg14[%dma_wait3A_498, %dma_wait3A_499] : memref<2x128xi32, #tpu.memory_space<vmem>> -> memref<1x128xi32, #tpu.memory_space<vmem>>
        %dma_wait3A_501 = tpu.memref_squeeze %dma_wait3A_500 : memref<1x128xi32, #tpu.memory_space<vmem>> -> memref<128xi32, #tpu.memory_space<vmem>>
        %dma_wait3A_502 = arith.constant 0 : i32
        %dma_wait3A_503 = arith.constant 0 : i32
        %dma_wait3A_504 = tpu.memref_slice %arg23[%dma_wait3A_502, %dma_wait3A_503] : memref<10112x64xbf16, #tpu.memory_space<vmem_shared>> -> memref<10112x64xbf16, #tpu.memory_space<vmem_shared>>
        tpu.wait_indirect_dma semaphore(%arg39 : memref<!tpu.dma_semaphore, #tpu.memory_space<semaphore_mem>>) src(%arg22 : memref<128x64xbf16, #tpu.memory_space<vmem>>) dst(%dma_wait3A_504 : memref<10112x64xbf16, #tpu.memory_space<vmem_shared>>)
      } else {
      }
      %add3A_393 = arith.constant 2 : i32
      %add3A_394 = arith.addi %add3A_354, %add3A_393 : i32
      %lt3A_395 = arith.constant 160 : i32
      %lt3A_396 = arith.cmpi slt, %add3A_394, %lt3A_395 : i32
      %convert_element_type3A_397 = arith.extui %lt3A_396 : i1 to i32
      %cond3A_398 = arith.constant 0 : i32
      %cond3A_399 = arith.cmpi ne, %convert_element_type3A_397, %cond3A_398 : i32
      scf.if %cond3A_399 {
        %add3A_498 = arith.constant 2 : i32
        %add3A_499 = arith.addi %add3A_354, %add3A_498 : i32
        %mul3A_500 = arith.constant 2 : i32
        %mul3A_501 = arith.muli %mul3A_500, %add3A_499 : i32
        %dma_wait3A_502 = arith.constant 0 : i32
        %dma_wait3A_503 = tpu.memref_slice %arg2[%arg1, %mul3A_501, %dma_wait3A_502] : memref<16x320x128xi32, #tpu.memory_space<hbm>> -> memref<1x2x128xi32, #tpu.memory_space<hbm>>
        %dma_wait3A_504 = tpu.memref_squeeze %dma_wait3A_503 : memref<1x2x128xi32, #tpu.memory_space<hbm>> -> memref<2x128xi32, #tpu.memory_space<hbm>>
        %dma_wait3A_505 = arith.constant 0 : i32
        %dma_wait3A_506 = tpu.memref_slice %arg2[%arg1, %mul3A_501, %dma_wait3A_505] : memref<16x320x128xi32, #tpu.memory_space<hbm>> -> memref<1x2x128xi32, #tpu.memory_space<hbm>>
        %dma_wait3A_507 = tpu.memref_squeeze %dma_wait3A_506 : memref<1x2x128xi32, #tpu.memory_space<hbm>> -> memref<2x128xi32, #tpu.memory_space<hbm>>
        tpu.wait_dma2 semaphore(%arg31 : memref<!tpu.dma_semaphore, #tpu.memory_space<semaphore_mem>>) src(%dma_wait3A_507 : memref<2x128xi32, #tpu.memory_space<hbm>>) dst(%arg18 : memref<2x128xi32, #tpu.memory_space<vmem>>)
        %add3A_508 = arith.constant 2 : i32
        %add3A_509 = arith.addi %add3A_354, %add3A_508 : i32
        %eq3A_510 = arith.constant 0 : i32
        %eq3A_511 = arith.cmpi eq, %arg0, %eq3A_510 : i32
        %convert_element_type3A_512 = arith.extui %eq3A_511 : i1 to i32
        %cond3A_513 = arith.constant 0 : i32
        %cond3A_514 = arith.cmpi ne, %convert_element_type3A_512, %cond3A_513 : i32
        scf.if %cond3A_514 {
          %dma_start3A_520 = arith.constant 0 : i32
          %dma_start3A_521 = arith.constant 0 : i32
          %dma_start3A_522 = tpu.memref_slice %arg18[%dma_start3A_520, %dma_start3A_521] : memref<2x128xi32, #tpu.memory_space<vmem>> -> memref<1x128xi32, #tpu.memory_space<vmem>>
          %dma_start3A_523 = tpu.memref_squeeze %dma_start3A_522 : memref<1x128xi32, #tpu.memory_space<vmem>> -> memref<128xi32, #tpu.memory_space<vmem>>
          %dma_start3A_524 = arith.constant 0 : i32
          %dma_start3A_525 = arith.constant 0 : i32
          %dma_start3A_526 = tpu.memref_slice %arg3[%dma_start3A_524, %dma_start3A_525] : memref<10000x64xbf16, #tpu.memory_space<hbm>> -> memref<10000x64xbf16, #tpu.memory_space<hbm>>
          tpu.enqueue_indirect_dma source(%dma_start3A_526 : memref<10000x64xbf16, #tpu.memory_space<hbm>>) target(%arg22 : memref<128x64xbf16, #tpu.memory_space<vmem>>) offsets(%dma_start3A_523 : memref<128xi32, #tpu.memory_space<vmem>>) semaphore(%arg35 : memref<!tpu.dma_semaphore, #tpu.memory_space<semaphore_mem>>)
        } else {
        }
        %eq3A_515 = arith.constant 1 : i32
        %eq3A_516 = arith.cmpi eq, %arg0, %eq3A_515 : i32
        %convert_element_type3A_517 = arith.extui %eq3A_516 : i1 to i32
        %cond3A_518 = arith.constant 0 : i32
        %cond3A_519 = arith.cmpi ne, %convert_element_type3A_517, %cond3A_518 : i32
        scf.if %cond3A_519 {
          %dma_start3A_520 = arith.constant 0 : i32
          %dma_start3A_521 = arith.constant 0 : i32
          %dma_start3A_522 = tpu.memref_slice %arg18[%dma_start3A_520, %dma_start3A_521] : memref<2x128xi32, #tpu.memory_space<vmem>> -> memref<1x128xi32, #tpu.memory_space<vmem>>
          %dma_start3A_523 = tpu.memref_squeeze %dma_start3A_522 : memref<1x128xi32, #tpu.memory_space<vmem>> -> memref<128xi32, #tpu.memory_space<vmem>>
          %dma_start3A_524 = arith.constant 0 : i32
          %dma_start3A_525 = arith.constant 0 : i32
          %dma_start3A_526 = tpu.memref_slice %arg4[%dma_start3A_524, %dma_start3A_525] : memref<10000x64xbf16, #tpu.memory_space<hbm>> -> memref<10000x64xbf16, #tpu.memory_space<hbm>>
          tpu.enqueue_indirect_dma source(%dma_start3A_526 : memref<10000x64xbf16, #tpu.memory_space<hbm>>) target(%arg22 : memref<128x64xbf16, #tpu.memory_space<vmem>>) offsets(%dma_start3A_523 : memref<128xi32, #tpu.memory_space<vmem>>) semaphore(%arg35 : memref<!tpu.dma_semaphore, #tpu.memory_space<semaphore_mem>>)
        } else {
        }
      } else {
      }
      %mul3A_400 = arith.constant 8 : i32
      %mul3A_401 = arith.muli %scan3A_108, %mul3A_400 : i32
      %add3A_402 = arith.constant 6 : i32
      %add3A_403 = arith.addi %mul3A_401, %add3A_402 : i32
      %add3A_404 = arith.constant 4 : i32
      %add3A_405 = arith.addi %add3A_403, %add3A_404 : i32
      %lt3A_406 = arith.constant 160 : i32
      %lt3A_407 = arith.cmpi slt, %add3A_405, %lt3A_406 : i32
      %convert_element_type3A_408 = arith.extui %lt3A_407 : i1 to i32
      %cond3A_409 = arith.constant 0 : i32
      %cond3A_410 = arith.cmpi ne, %convert_element_type3A_408, %cond3A_409 : i32
      scf.if %cond3A_410 {
        %add3A_498 = arith.constant 4 : i32
        %add3A_499 = arith.addi %add3A_403, %add3A_498 : i32
        %mul3A_500 = arith.constant 2 : i32
        %mul3A_501 = arith.muli %mul3A_500, %add3A_499 : i32
        %dma_start3A_502 = arith.constant 0 : i32
        %dma_start3A_503 = tpu.memref_slice %arg2[%arg1, %mul3A_501, %dma_start3A_502] : memref<16x320x128xi32, #tpu.memory_space<hbm>> -> memref<1x2x128xi32, #tpu.memory_space<hbm>>
        %dma_start3A_504 = tpu.memref_squeeze %dma_start3A_503 : memref<1x2x128xi32, #tpu.memory_space<hbm>> -> memref<2x128xi32, #tpu.memory_space<hbm>>
        %dma_start3A_505 = arith.constant 0 : i32
        %dma_start3A_506 = tpu.memref_slice %arg2[%arg1, %mul3A_501, %dma_start3A_505] : memref<16x320x128xi32, #tpu.memory_space<hbm>> -> memref<1x2x128xi32, #tpu.memory_space<hbm>>
        %dma_start3A_507 = tpu.memref_squeeze %dma_start3A_506 : memref<1x2x128xi32, #tpu.memory_space<hbm>> -> memref<2x128xi32, #tpu.memory_space<hbm>>
        tpu.enqueue_dma source(%dma_start3A_507 : memref<2x128xi32, #tpu.memory_space<hbm>>) target(%arg13 : memref<2x128xi32, #tpu.memory_space<vmem>>) target_semaphore(%arg26 : memref<!tpu.dma_semaphore, #tpu.memory_space<semaphore_mem>>)
      } else {
      }
      %dma_wait3A_411 = arith.constant 0 : i32
      %dma_wait3A_412 = arith.constant 0 : i32
      %dma_wait3A_413 = tpu.memref_slice %arg17[%dma_wait3A_411, %dma_wait3A_412] : memref<2x128xi32, #tpu.memory_space<vmem>> -> memref<1x128xi32, #tpu.memory_space<vmem>>
      %dma_wait3A_414 = tpu.memref_squeeze %dma_wait3A_413 : memref<1x128xi32, #tpu.memory_space<vmem>> -> memref<128xi32, #tpu.memory_space<vmem>>
      %dma_wait3A_415 = arith.constant 0 : i32
      %dma_wait3A_416 = arith.constant 0 : i32
      %dma_wait3A_417 = tpu.memref_slice %arg3[%dma_wait3A_415, %dma_wait3A_416] : memref<10000x64xbf16, #tpu.memory_space<hbm>> -> memref<10000x64xbf16, #tpu.memory_space<hbm>>
      tpu.wait_indirect_dma semaphore(%arg34 : memref<!tpu.dma_semaphore, #tpu.memory_space<semaphore_mem>>) src(%dma_wait3A_417 : memref<10000x64xbf16, #tpu.memory_space<hbm>>) dst(%arg21 : memref<128x64xbf16, #tpu.memory_space<vmem>>)
      %dma_start3A_418 = arith.constant 1 : i32
      %dma_start3A_419 = arith.constant 0 : i32
      %dma_start3A_420 = tpu.memref_slice %arg17[%dma_start3A_418, %dma_start3A_419] : memref<2x128xi32, #tpu.memory_space<vmem>> -> memref<1x128xi32, #tpu.memory_space<vmem>>
      %dma_start3A_421 = tpu.memref_squeeze %dma_start3A_420 : memref<1x128xi32, #tpu.memory_space<vmem>> -> memref<128xi32, #tpu.memory_space<vmem>>
      %dma_start3A_422 = arith.constant 0 : i32
      %dma_start3A_423 = arith.constant 0 : i32
      %dma_start3A_424 = tpu.memref_slice %arg23[%dma_start3A_422, %dma_start3A_423] : memref<10112x64xbf16, #tpu.memory_space<vmem_shared>> -> memref<10112x64xbf16, #tpu.memory_space<vmem_shared>>
      tpu.enqueue_indirect_dma source(%arg21 : memref<128x64xbf16, #tpu.memory_space<vmem>>) target(%dma_start3A_424 : memref<10112x64xbf16, #tpu.memory_space<vmem_shared>>) offsets(%dma_start3A_421 : memref<128xi32, #tpu.memory_space<vmem>>) semaphore(%arg38 : memref<!tpu.dma_semaphore, #tpu.memory_space<semaphore_mem>>) {add = true}
      %dma_start3A_425 = arith.constant 1 : i32
      %dma_start3A_426 = arith.constant 0 : i32
      %dma_start3A_427 = tpu.memref_slice %arg17[%dma_start3A_425, %dma_start3A_426] : memref<2x128xi32, #tpu.memory_space<vmem>> -> memref<1x128xi32, #tpu.memory_space<vmem>>
      %dma_start3A_428 = tpu.memref_squeeze %dma_start3A_427 : memref<1x128xi32, #tpu.memory_space<vmem>> -> memref<128xi32, #tpu.memory_space<vmem>>
      %dma_start3A_429 = arith.constant 0 : i32
      %dma_start3A_430 = arith.constant 0 : i32
      %dma_start3A_431 = tpu.memref_slice %arg42[%dma_start3A_429, %dma_start3A_430] : memref<10112x8xf32, #tpu.memory_space<vmem_shared>> -> memref<10112x8xf32, #tpu.memory_space<vmem_shared>>
      tpu.enqueue_indirect_dma source(%arg41 : memref<128x8xf32, #tpu.memory_space<vmem>>) target(%dma_start3A_431 : memref<10112x8xf32, #tpu.memory_space<vmem_shared>>) offsets(%dma_start3A_428 : memref<128xi32, #tpu.memory_space<vmem>>) semaphore(%arg40 : memref<!tpu.dma_semaphore, #tpu.memory_space<semaphore_mem>>) {add = true}
      %ge3A_432 = arith.constant 2 : i32
      %ge3A_433 = arith.cmpi sge, %add3A_403, %ge3A_432 : i32
      %convert_element_type3A_434 = arith.extui %ge3A_433 : i1 to i32
      %cond3A_435 = arith.constant 0 : i32
      %cond3A_436 = arith.cmpi ne, %convert_element_type3A_434, %cond3A_435 : i32
      scf.if %cond3A_436 {
        %dma_wait3A_498 = arith.constant 1 : i32
        %dma_wait3A_499 = arith.constant 0 : i32
        %dma_wait3A_500 = tpu.memref_slice %arg15[%dma_wait3A_498, %dma_wait3A_499] : memref<2x128xi32, #tpu.memory_space<vmem>> -> memref<1x128xi32, #tpu.memory_space<vmem>>
        %dma_wait3A_501 = tpu.memref_squeeze %dma_wait3A_500 : memref<1x128xi32, #tpu.memory_space<vmem>> -> memref<128xi32, #tpu.memory_space<vmem>>
        %dma_wait3A_502 = arith.constant 0 : i32
        %dma_wait3A_503 = arith.constant 0 : i32
        %dma_wait3A_504 = tpu.memref_slice %arg42[%dma_wait3A_502, %dma_wait3A_503] : memref<10112x8xf32, #tpu.memory_space<vmem_shared>> -> memref<10112x8xf32, #tpu.memory_space<vmem_shared>>
        tpu.wait_indirect_dma semaphore(%arg40 : memref<!tpu.dma_semaphore, #tpu.memory_space<semaphore_mem>>) src(%arg41 : memref<128x8xf32, #tpu.memory_space<vmem>>) dst(%dma_wait3A_504 : memref<10112x8xf32, #tpu.memory_space<vmem_shared>>)
      } else {
      }
      %ge3A_437 = arith.constant 2 : i32
      %ge3A_438 = arith.cmpi sge, %add3A_403, %ge3A_437 : i32
      %convert_element_type3A_439 = arith.extui %ge3A_438 : i1 to i32
      %cond3A_440 = arith.constant 0 : i32
      %cond3A_441 = arith.cmpi ne, %convert_element_type3A_439, %cond3A_440 : i32
      scf.if %cond3A_441 {
        %dma_wait3A_498 = arith.constant 1 : i32
        %dma_wait3A_499 = arith.constant 0 : i32
        %dma_wait3A_500 = tpu.memref_slice %arg15[%dma_wait3A_498, %dma_wait3A_499] : memref<2x128xi32, #tpu.memory_space<vmem>> -> memref<1x128xi32, #tpu.memory_space<vmem>>
        %dma_wait3A_501 = tpu.memref_squeeze %dma_wait3A_500 : memref<1x128xi32, #tpu.memory_space<vmem>> -> memref<128xi32, #tpu.memory_space<vmem>>
        %dma_wait3A_502 = arith.constant 0 : i32
        %dma_wait3A_503 = arith.constant 0 : i32
        %dma_wait3A_504 = tpu.memref_slice %arg23[%dma_wait3A_502, %dma_wait3A_503] : memref<10112x64xbf16, #tpu.memory_space<vmem_shared>> -> memref<10112x64xbf16, #tpu.memory_space<vmem_shared>>
        tpu.wait_indirect_dma semaphore(%arg36 : memref<!tpu.dma_semaphore, #tpu.memory_space<semaphore_mem>>) src(%arg19 : memref<128x64xbf16, #tpu.memory_space<vmem>>) dst(%dma_wait3A_504 : memref<10112x64xbf16, #tpu.memory_space<vmem_shared>>)
      } else {
      }
      %add3A_442 = arith.constant 2 : i32
      %add3A_443 = arith.addi %add3A_403, %add3A_442 : i32
      %lt3A_444 = arith.constant 160 : i32
      %lt3A_445 = arith.cmpi slt, %add3A_443, %lt3A_444 : i32
      %convert_element_type3A_446 = arith.extui %lt3A_445 : i1 to i32
      %cond3A_447 = arith.constant 0 : i32
      %cond3A_448 = arith.cmpi ne, %convert_element_type3A_446, %cond3A_447 : i32
      scf.if %cond3A_448 {
        %add3A_498 = arith.constant 2 : i32
        %add3A_499 = arith.addi %add3A_403, %add3A_498 : i32
        %mul3A_500 = arith.constant 2 : i32
        %mul3A_501 = arith.muli %mul3A_500, %add3A_499 : i32
        %dma_wait3A_502 = arith.constant 0 : i32
        %dma_wait3A_503 = tpu.memref_slice %arg2[%arg1, %mul3A_501, %dma_wait3A_502] : memref<16x320x128xi32, #tpu.memory_space<hbm>> -> memref<1x2x128xi32, #tpu.memory_space<hbm>>
        %dma_wait3A_504 = tpu.memref_squeeze %dma_wait3A_503 : memref<1x2x128xi32, #tpu.memory_space<hbm>> -> memref<2x128xi32, #tpu.memory_space<hbm>>
        %dma_wait3A_505 = arith.constant 0 : i32
        %dma_wait3A_506 = tpu.memref_slice %arg2[%arg1, %mul3A_501, %dma_wait3A_505] : memref<16x320x128xi32, #tpu.memory_space<hbm>> -> memref<1x2x128xi32, #tpu.memory_space<hbm>>
        %dma_wait3A_507 = tpu.memref_squeeze %dma_wait3A_506 : memref<1x2x128xi32, #tpu.memory_space<hbm>> -> memref<2x128xi32, #tpu.memory_space<hbm>>
        tpu.wait_dma2 semaphore(%arg24 : memref<!tpu.dma_semaphore, #tpu.memory_space<semaphore_mem>>) src(%dma_wait3A_507 : memref<2x128xi32, #tpu.memory_space<hbm>>) dst(%arg11 : memref<2x128xi32, #tpu.memory_space<vmem>>)
        %add3A_508 = arith.constant 2 : i32
        %add3A_509 = arith.addi %add3A_403, %add3A_508 : i32
        %eq3A_510 = arith.constant 0 : i32
        %eq3A_511 = arith.cmpi eq, %arg0, %eq3A_510 : i32
        %convert_element_type3A_512 = arith.extui %eq3A_511 : i1 to i32
        %cond3A_513 = arith.constant 0 : i32
        %cond3A_514 = arith.cmpi ne, %convert_element_type3A_512, %cond3A_513 : i32
        scf.if %cond3A_514 {
          %dma_start3A_520 = arith.constant 0 : i32
          %dma_start3A_521 = arith.constant 0 : i32
          %dma_start3A_522 = tpu.memref_slice %arg11[%dma_start3A_520, %dma_start3A_521] : memref<2x128xi32, #tpu.memory_space<vmem>> -> memref<1x128xi32, #tpu.memory_space<vmem>>
          %dma_start3A_523 = tpu.memref_squeeze %dma_start3A_522 : memref<1x128xi32, #tpu.memory_space<vmem>> -> memref<128xi32, #tpu.memory_space<vmem>>
          %dma_start3A_524 = arith.constant 0 : i32
          %dma_start3A_525 = arith.constant 0 : i32
          %dma_start3A_526 = tpu.memref_slice %arg3[%dma_start3A_524, %dma_start3A_525] : memref<10000x64xbf16, #tpu.memory_space<hbm>> -> memref<10000x64xbf16, #tpu.memory_space<hbm>>
          tpu.enqueue_indirect_dma source(%dma_start3A_526 : memref<10000x64xbf16, #tpu.memory_space<hbm>>) target(%arg19 : memref<128x64xbf16, #tpu.memory_space<vmem>>) offsets(%dma_start3A_523 : memref<128xi32, #tpu.memory_space<vmem>>) semaphore(%arg32 : memref<!tpu.dma_semaphore, #tpu.memory_space<semaphore_mem>>)
        } else {
        }
        %eq3A_515 = arith.constant 1 : i32
        %eq3A_516 = arith.cmpi eq, %arg0, %eq3A_515 : i32
        %convert_element_type3A_517 = arith.extui %eq3A_516 : i1 to i32
        %cond3A_518 = arith.constant 0 : i32
        %cond3A_519 = arith.cmpi ne, %convert_element_type3A_517, %cond3A_518 : i32
        scf.if %cond3A_519 {
          %dma_start3A_520 = arith.constant 0 : i32
          %dma_start3A_521 = arith.constant 0 : i32
          %dma_start3A_522 = tpu.memref_slice %arg11[%dma_start3A_520, %dma_start3A_521] : memref<2x128xi32, #tpu.memory_space<vmem>> -> memref<1x128xi32, #tpu.memory_space<vmem>>
          %dma_start3A_523 = tpu.memref_squeeze %dma_start3A_522 : memref<1x128xi32, #tpu.memory_space<vmem>> -> memref<128xi32, #tpu.memory_space<vmem>>
          %dma_start3A_524 = arith.constant 0 : i32
          %dma_start3A_525 = arith.constant 0 : i32
          %dma_start3A_526 = tpu.memref_slice %arg4[%dma_start3A_524, %dma_start3A_525] : memref<10000x64xbf16, #tpu.memory_space<hbm>> -> memref<10000x64xbf16, #tpu.memory_space<hbm>>
          tpu.enqueue_indirect_dma source(%dma_start3A_526 : memref<10000x64xbf16, #tpu.memory_space<hbm>>) target(%arg19 : memref<128x64xbf16, #tpu.memory_space<vmem>>) offsets(%dma_start3A_523 : memref<128xi32, #tpu.memory_space<vmem>>) semaphore(%arg32 : memref<!tpu.dma_semaphore, #tpu.memory_space<semaphore_mem>>)
        } else {
        }
      } else {
      }
      %mul3A_449 = arith.constant 8 : i32
      %mul3A_450 = arith.muli %scan3A_108, %mul3A_449 : i32
      %add3A_451 = arith.constant 7 : i32
      %add3A_452 = arith.addi %mul3A_450, %add3A_451 : i32
      %add3A_453 = arith.constant 4 : i32
      %add3A_454 = arith.addi %add3A_452, %add3A_453 : i32
      %lt3A_455 = arith.constant 160 : i32
      %lt3A_456 = arith.cmpi slt, %add3A_454, %lt3A_455 : i32
      %convert_element_type3A_457 = arith.extui %lt3A_456 : i1 to i32
      %cond3A_458 = arith.constant 0 : i32
      %cond3A_459 = arith.cmpi ne, %convert_element_type3A_457, %cond3A_458 : i32
      scf.if %cond3A_459 {
        %add3A_498 = arith.constant 4 : i32
        %add3A_499 = arith.addi %add3A_452, %add3A_498 : i32
        %mul3A_500 = arith.constant 2 : i32
        %mul3A_501 = arith.muli %mul3A_500, %add3A_499 : i32
        %dma_start3A_502 = arith.constant 0 : i32
        %dma_start3A_503 = tpu.memref_slice %arg2[%arg1, %mul3A_501, %dma_start3A_502] : memref<16x320x128xi32, #tpu.memory_space<hbm>> -> memref<1x2x128xi32, #tpu.memory_space<hbm>>
        %dma_start3A_504 = tpu.memref_squeeze %dma_start3A_503 : memref<1x2x128xi32, #tpu.memory_space<hbm>> -> memref<2x128xi32, #tpu.memory_space<hbm>>
        %dma_start3A_505 = arith.constant 0 : i32
        %dma_start3A_506 = tpu.memref_slice %arg2[%arg1, %mul3A_501, %dma_start3A_505] : memref<16x320x128xi32, #tpu.memory_space<hbm>> -> memref<1x2x128xi32, #tpu.memory_space<hbm>>
        %dma_start3A_507 = tpu.memref_squeeze %dma_start3A_506 : memref<1x2x128xi32, #tpu.memory_space<hbm>> -> memref<2x128xi32, #tpu.memory_space<hbm>>
        tpu.enqueue_dma source(%dma_start3A_507 : memref<2x128xi32, #tpu.memory_space<hbm>>) target(%arg14 : memref<2x128xi32, #tpu.memory_space<vmem>>) target_semaphore(%arg27 : memref<!tpu.dma_semaphore, #tpu.memory_space<semaphore_mem>>)
      } else {
      }
      %dma_wait3A_460 = arith.constant 0 : i32
      %dma_wait3A_461 = arith.constant 0 : i32
      %dma_wait3A_462 = tpu.memref_slice %arg18[%dma_wait3A_460, %dma_wait3A_461] : memref<2x128xi32, #tpu.memory_space<vmem>> -> memref<1x128xi32, #tpu.memory_space<vmem>>
      %dma_wait3A_463 = tpu.memref_squeeze %dma_wait3A_462 : memref<1x128xi32, #tpu.memory_space<vmem>> -> memref<128xi32, #tpu.memory_space<vmem>>
      %dma_wait3A_464 = arith.constant 0 : i32
      %dma_wait3A_465 = arith.constant 0 : i32
      %dma_wait3A_466 = tpu.memref_slice %arg3[%dma_wait3A_464, %dma_wait3A_465] : memref<10000x64xbf16, #tpu.memory_space<hbm>> -> memref<10000x64xbf16, #tpu.memory_space<hbm>>
      tpu.wait_indirect_dma semaphore(%arg35 : memref<!tpu.dma_semaphore, #tpu.memory_space<semaphore_mem>>) src(%dma_wait3A_466 : memref<10000x64xbf16, #tpu.memory_space<hbm>>) dst(%arg22 : memref<128x64xbf16, #tpu.memory_space<vmem>>)
      %dma_start3A_467 = arith.constant 1 : i32
      %dma_start3A_468 = arith.constant 0 : i32
      %dma_start3A_469 = tpu.memref_slice %arg18[%dma_start3A_467, %dma_start3A_468] : memref<2x128xi32, #tpu.memory_space<vmem>> -> memref<1x128xi32, #tpu.memory_space<vmem>>
      %dma_start3A_470 = tpu.memref_squeeze %dma_start3A_469 : memref<1x128xi32, #tpu.memory_space<vmem>> -> memref<128xi32, #tpu.memory_space<vmem>>
      %dma_start3A_471 = arith.constant 0 : i32
      %dma_start3A_472 = arith.constant 0 : i32
      %dma_start3A_473 = tpu.memref_slice %arg23[%dma_start3A_471, %dma_start3A_472] : memref<10112x64xbf16, #tpu.memory_space<vmem_shared>> -> memref<10112x64xbf16, #tpu.memory_space<vmem_shared>>
      tpu.enqueue_indirect_dma source(%arg22 : memref<128x64xbf16, #tpu.memory_space<vmem>>) target(%dma_start3A_473 : memref<10112x64xbf16, #tpu.memory_space<vmem_shared>>) offsets(%dma_start3A_470 : memref<128xi32, #tpu.memory_space<vmem>>) semaphore(%arg39 : memref<!tpu.dma_semaphore, #tpu.memory_space<semaphore_mem>>) {add = true}
      %dma_start3A_474 = arith.constant 1 : i32
      %dma_start3A_475 = arith.constant 0 : i32
      %dma_start3A_476 = tpu.memref_slice %arg18[%dma_start3A_474, %dma_start3A_475] : memref<2x128xi32, #tpu.memory_space<vmem>> -> memref<1x128xi32, #tpu.memory_space<vmem>>
      %dma_start3A_477 = tpu.memref_squeeze %dma_start3A_476 : memref<1x128xi32, #tpu.memory_space<vmem>> -> memref<128xi32, #tpu.memory_space<vmem>>
      %dma_start3A_478 = arith.constant 0 : i32
      %dma_start3A_479 = arith.constant 0 : i32
      %dma_start3A_480 = tpu.memref_slice %arg42[%dma_start3A_478, %dma_start3A_479] : memref<10112x8xf32, #tpu.memory_space<vmem_shared>> -> memref<10112x8xf32, #tpu.memory_space<vmem_shared>>
      tpu.enqueue_indirect_dma source(%arg41 : memref<128x8xf32, #tpu.memory_space<vmem>>) target(%dma_start3A_480 : memref<10112x8xf32, #tpu.memory_space<vmem_shared>>) offsets(%dma_start3A_477 : memref<128xi32, #tpu.memory_space<vmem>>) semaphore(%arg40 : memref<!tpu.dma_semaphore, #tpu.memory_space<semaphore_mem>>) {add = true}
      %ge3A_481 = arith.constant 2 : i32
      %ge3A_482 = arith.cmpi sge, %add3A_452, %ge3A_481 : i32
      %convert_element_type3A_483 = arith.extui %ge3A_482 : i1 to i32
      %cond3A_484 = arith.constant 0 : i32
      %cond3A_485 = arith.cmpi ne, %convert_element_type3A_483, %cond3A_484 : i32
      scf.if %cond3A_485 {
        %dma_wait3A_498 = arith.constant 1 : i32
        %dma_wait3A_499 = arith.constant 0 : i32
        %dma_wait3A_500 = tpu.memref_slice %arg16[%dma_wait3A_498, %dma_wait3A_499] : memref<2x128xi32, #tpu.memory_space<vmem>> -> memref<1x128xi32, #tpu.memory_space<vmem>>
        %dma_wait3A_501 = tpu.memref_squeeze %dma_wait3A_500 : memref<1x128xi32, #tpu.memory_space<vmem>> -> memref<128xi32, #tpu.memory_space<vmem>>
        %dma_wait3A_502 = arith.constant 0 : i32
        %dma_wait3A_503 = arith.constant 0 : i32
        %dma_wait3A_504 = tpu.memref_slice %arg42[%dma_wait3A_502, %dma_wait3A_503] : memref<10112x8xf32, #tpu.memory_space<vmem_shared>> -> memref<10112x8xf32, #tpu.memory_space<vmem_shared>>
        tpu.wait_indirect_dma semaphore(%arg40 : memref<!tpu.dma_semaphore, #tpu.memory_space<semaphore_mem>>) src(%arg41 : memref<128x8xf32, #tpu.memory_space<vmem>>) dst(%dma_wait3A_504 : memref<10112x8xf32, #tpu.memory_space<vmem_shared>>)
      } else {
      }
      %ge3A_486 = arith.constant 2 : i32
      %ge3A_487 = arith.cmpi sge, %add3A_452, %ge3A_486 : i32
      %convert_element_type3A_488 = arith.extui %ge3A_487 : i1 to i32
      %cond3A_489 = arith.constant 0 : i32
      %cond3A_490 = arith.cmpi ne, %convert_element_type3A_488, %cond3A_489 : i32
      scf.if %cond3A_490 {
        %dma_wait3A_498 = arith.constant 1 : i32
        %dma_wait3A_499 = arith.constant 0 : i32
        %dma_wait3A_500 = tpu.memref_slice %arg16[%dma_wait3A_498, %dma_wait3A_499] : memref<2x128xi32, #tpu.memory_space<vmem>> -> memref<1x128xi32, #tpu.memory_space<vmem>>
        %dma_wait3A_501 = tpu.memref_squeeze %dma_wait3A_500 : memref<1x128xi32, #tpu.memory_space<vmem>> -> memref<128xi32, #tpu.memory_space<vmem>>
        %dma_wait3A_502 = arith.constant 0 : i32
        %dma_wait3A_503 = arith.constant 0 : i32
        %dma_wait3A_504 = tpu.memref_slice %arg23[%dma_wait3A_502, %dma_wait3A_503] : memref<10112x64xbf16, #tpu.memory_space<vmem_shared>> -> memref<10112x64xbf16, #tpu.memory_space<vmem_shared>>
        tpu.wait_indirect_dma semaphore(%arg37 : memref<!tpu.dma_semaphore, #tpu.memory_space<semaphore_mem>>) src(%arg20 : memref<128x64xbf16, #tpu.memory_space<vmem>>) dst(%dma_wait3A_504 : memref<10112x64xbf16, #tpu.memory_space<vmem_shared>>)
      } else {
      }
      %add3A_491 = arith.constant 2 : i32
      %add3A_492 = arith.addi %add3A_452, %add3A_491 : i32
      %lt3A_493 = arith.constant 160 : i32
      %lt3A_494 = arith.cmpi slt, %add3A_492, %lt3A_493 : i32
      %convert_element_type3A_495 = arith.extui %lt3A_494 : i1 to i32
      %cond3A_496 = arith.constant 0 : i32
      %cond3A_497 = arith.cmpi ne, %convert_element_type3A_495, %cond3A_496 : i32
      scf.if %cond3A_497 {
        %add3A_498 = arith.constant 2 : i32
        %add3A_499 = arith.addi %add3A_452, %add3A_498 : i32
        %mul3A_500 = arith.constant 2 : i32
        %mul3A_501 = arith.muli %mul3A_500, %add3A_499 : i32
        %dma_wait3A_502 = arith.constant 0 : i32
        %dma_wait3A_503 = tpu.memref_slice %arg2[%arg1, %mul3A_501, %dma_wait3A_502] : memref<16x320x128xi32, #tpu.memory_space<hbm>> -> memref<1x2x128xi32, #tpu.memory_space<hbm>>
        %dma_wait3A_504 = tpu.memref_squeeze %dma_wait3A_503 : memref<1x2x128xi32, #tpu.memory_space<hbm>> -> memref<2x128xi32, #tpu.memory_space<hbm>>
        %dma_wait3A_505 = arith.constant 0 : i32
        %dma_wait3A_506 = tpu.memref_slice %arg2[%arg1, %mul3A_501, %dma_wait3A_505] : memref<16x320x128xi32, #tpu.memory_space<hbm>> -> memref<1x2x128xi32, #tpu.memory_space<hbm>>
        %dma_wait3A_507 = tpu.memref_squeeze %dma_wait3A_506 : memref<1x2x128xi32, #tpu.memory_space<hbm>> -> memref<2x128xi32, #tpu.memory_space<hbm>>
        tpu.wait_dma2 semaphore(%arg25 : memref<!tpu.dma_semaphore, #tpu.memory_space<semaphore_mem>>) src(%dma_wait3A_507 : memref<2x128xi32, #tpu.memory_space<hbm>>) dst(%arg12 : memref<2x128xi32, #tpu.memory_space<vmem>>)
        %add3A_508 = arith.constant 2 : i32
        %add3A_509 = arith.addi %add3A_452, %add3A_508 : i32
        %eq3A_510 = arith.constant 0 : i32
        %eq3A_511 = arith.cmpi eq, %arg0, %eq3A_510 : i32
        %convert_element_type3A_512 = arith.extui %eq3A_511 : i1 to i32
        %cond3A_513 = arith.constant 0 : i32
        %cond3A_514 = arith.cmpi ne, %convert_element_type3A_512, %cond3A_513 : i32
        scf.if %cond3A_514 {
          %dma_start3A_520 = arith.constant 0 : i32
          %dma_start3A_521 = arith.constant 0 : i32
          %dma_start3A_522 = tpu.memref_slice %arg12[%dma_start3A_520, %dma_start3A_521] : memref<2x128xi32, #tpu.memory_space<vmem>> -> memref<1x128xi32, #tpu.memory_space<vmem>>
          %dma_start3A_523 = tpu.memref_squeeze %dma_start3A_522 : memref<1x128xi32, #tpu.memory_space<vmem>> -> memref<128xi32, #tpu.memory_space<vmem>>
          %dma_start3A_524 = arith.constant 0 : i32
          %dma_start3A_525 = arith.constant 0 : i32
          %dma_start3A_526 = tpu.memref_slice %arg3[%dma_start3A_524, %dma_start3A_525] : memref<10000x64xbf16, #tpu.memory_space<hbm>> -> memref<10000x64xbf16, #tpu.memory_space<hbm>>
          tpu.enqueue_indirect_dma source(%dma_start3A_526 : memref<10000x64xbf16, #tpu.memory_space<hbm>>) target(%arg20 : memref<128x64xbf16, #tpu.memory_space<vmem>>) offsets(%dma_start3A_523 : memref<128xi32, #tpu.memory_space<vmem>>) semaphore(%arg33 : memref<!tpu.dma_semaphore, #tpu.memory_space<semaphore_mem>>)
        } else {
        }
        %eq3A_515 = arith.constant 1 : i32
        %eq3A_516 = arith.cmpi eq, %arg0, %eq3A_515 : i32
        %convert_element_type3A_517 = arith.extui %eq3A_516 : i1 to i32
        %cond3A_518 = arith.constant 0 : i32
        %cond3A_519 = arith.cmpi ne, %convert_element_type3A_517, %cond3A_518 : i32
        scf.if %cond3A_519 {
          %dma_start3A_520 = arith.constant 0 : i32
          %dma_start3A_521 = arith.constant 0 : i32
          %dma_start3A_522 = tpu.memref_slice %arg12[%dma_start3A_520, %dma_start3A_521] : memref<2x128xi32, #tpu.memory_space<vmem>> -> memref<1x128xi32, #tpu.memory_space<vmem>>
          %dma_start3A_523 = tpu.memref_squeeze %dma_start3A_522 : memref<1x128xi32, #tpu.memory_space<vmem>> -> memref<128xi32, #tpu.memory_space<vmem>>
          %dma_start3A_524 = arith.constant 0 : i32
          %dma_start3A_525 = arith.constant 0 : i32
          %dma_start3A_526 = tpu.memref_slice %arg4[%dma_start3A_524, %dma_start3A_525] : memref<10000x64xbf16, #tpu.memory_space<hbm>> -> memref<10000x64xbf16, #tpu.memory_space<hbm>>
          tpu.enqueue_indirect_dma source(%dma_start3A_526 : memref<10000x64xbf16, #tpu.memory_space<hbm>>) target(%arg20 : memref<128x64xbf16, #tpu.memory_space<vmem>>) offsets(%dma_start3A_523 : memref<128xi32, #tpu.memory_space<vmem>>) semaphore(%arg33 : memref<!tpu.dma_semaphore, #tpu.memory_space<semaphore_mem>>)
        } else {
        }
      } else {
      }
    }
    %scan3A_68 = arith.constant 20 : i32
    %dma_wait3A_69 = arith.constant 1 : i32
    %dma_wait3A_70 = arith.constant 0 : i32
    %dma_wait3A_71 = tpu.memref_slice %arg17[%dma_wait3A_69, %dma_wait3A_70] : memref<2x128xi32, #tpu.memory_space<vmem>> -> memref<1x128xi32, #tpu.memory_space<vmem>>
    %dma_wait3A_72 = tpu.memref_squeeze %dma_wait3A_71 : memref<1x128xi32, #tpu.memory_space<vmem>> -> memref<128xi32, #tpu.memory_space<vmem>>
    %dma_wait3A_73 = arith.constant 0 : i32
    %dma_wait3A_74 = arith.constant 0 : i32
    %dma_wait3A_75 = tpu.memref_slice %arg23[%dma_wait3A_73, %dma_wait3A_74] : memref<10112x64xbf16, #tpu.memory_space<vmem_shared>> -> memref<10112x64xbf16, #tpu.memory_space<vmem_shared>>
    tpu.wait_indirect_dma semaphore(%arg38 : memref<!tpu.dma_semaphore, #tpu.memory_space<semaphore_mem>>) src(%arg21 : memref<128x64xbf16, #tpu.memory_space<vmem>>) dst(%dma_wait3A_75 : memref<10112x64xbf16, #tpu.memory_space<vmem_shared>>)
    %dma_wait3A_76 = arith.constant 1 : i32
    %dma_wait3A_77 = arith.constant 0 : i32
    %dma_wait3A_78 = tpu.memref_slice %arg17[%dma_wait3A_76, %dma_wait3A_77] : memref<2x128xi32, #tpu.memory_space<vmem>> -> memref<1x128xi32, #tpu.memory_space<vmem>>
    %dma_wait3A_79 = tpu.memref_squeeze %dma_wait3A_78 : memref<1x128xi32, #tpu.memory_space<vmem>> -> memref<128xi32, #tpu.memory_space<vmem>>
    %dma_wait3A_80 = arith.constant 0 : i32
    %dma_wait3A_81 = arith.constant 0 : i32
    %dma_wait3A_82 = tpu.memref_slice %arg42[%dma_wait3A_80, %dma_wait3A_81] : memref<10112x8xf32, #tpu.memory_space<vmem_shared>> -> memref<10112x8xf32, #tpu.memory_space<vmem_shared>>
    tpu.wait_indirect_dma semaphore(%arg40 : memref<!tpu.dma_semaphore, #tpu.memory_space<semaphore_mem>>) src(%arg41 : memref<128x8xf32, #tpu.memory_space<vmem>>) dst(%dma_wait3A_82 : memref<10112x8xf32, #tpu.memory_space<vmem_shared>>)
    %dma_wait3A_83 = arith.constant 1 : i32
    %dma_wait3A_84 = arith.constant 0 : i32
    %dma_wait3A_85 = tpu.memref_slice %arg18[%dma_wait3A_83, %dma_wait3A_84] : memref<2x128xi32, #tpu.memory_space<vmem>> -> memref<1x128xi32, #tpu.memory_space<vmem>>
    %dma_wait3A_86 = tpu.memref_squeeze %dma_wait3A_85 : memref<1x128xi32, #tpu.memory_space<vmem>> -> memref<128xi32, #tpu.memory_space<vmem>>
    %dma_wait3A_87 = arith.constant 0 : i32
    %dma_wait3A_88 = arith.constant 0 : i32
    %dma_wait3A_89 = tpu.memref_slice %arg23[%dma_wait3A_87, %dma_wait3A_88] : memref<10112x64xbf16, #tpu.memory_space<vmem_shared>> -> memref<10112x64xbf16, #tpu.memory_space<vmem_shared>>
    tpu.wait_indirect_dma semaphore(%arg39 : memref<!tpu.dma_semaphore, #tpu.memory_space<semaphore_mem>>) src(%arg22 : memref<128x64xbf16, #tpu.memory_space<vmem>>) dst(%dma_wait3A_89 : memref<10112x64xbf16, #tpu.memory_space<vmem_shared>>)
    %dma_wait3A_90 = arith.constant 1 : i32
    %dma_wait3A_91 = arith.constant 0 : i32
    %dma_wait3A_92 = tpu.memref_slice %arg18[%dma_wait3A_90, %dma_wait3A_91] : memref<2x128xi32, #tpu.memory_space<vmem>> -> memref<1x128xi32, #tpu.memory_space<vmem>>
    %dma_wait3A_93 = tpu.memref_squeeze %dma_wait3A_92 : memref<1x128xi32, #tpu.memory_space<vmem>> -> memref<128xi32, #tpu.memory_space<vmem>>
    %dma_wait3A_94 = arith.constant 0 : i32
    %dma_wait3A_95 = arith.constant 0 : i32
    %dma_wait3A_96 = tpu.memref_slice %arg42[%dma_wait3A_94, %dma_wait3A_95] : memref<10112x8xf32, #tpu.memory_space<vmem_shared>> -> memref<10112x8xf32, #tpu.memory_space<vmem_shared>>
    tpu.wait_indirect_dma semaphore(%arg40 : memref<!tpu.dma_semaphore, #tpu.memory_space<semaphore_mem>>) src(%arg41 : memref<128x8xf32, #tpu.memory_space<vmem>>) dst(%dma_wait3A_96 : memref<10112x8xf32, #tpu.memory_space<vmem_shared>>)
    %barrier3A_97 = arith.constant 0 : index
    tpu.barrier barrier_id(%barrier3A_97)
    %eq3A_98 = arith.constant 0 : i32
    %eq3A_99 = arith.cmpi eq, %arg0, %eq3A_98 : i32
    %convert_element_type3A_100 = arith.extui %eq3A_99 : i1 to i32
    %cond3A_101 = arith.constant 0 : i32
    %cond3A_102 = arith.cmpi ne, %convert_element_type3A_100, %cond3A_101 : i32
    scf.if %cond3A_102 {
      "tpu.region"() ({
        %run_scoped3A = tpu.sem_alloc : memref<!tpu.dma_semaphore, #tpu.memory_space<semaphore_mem>>
        %dma_start3A_108 = arith.constant 0 : i32
        %dma_start3A_109 = tpu.memref_slice %arg8[%mul3A_0, %dma_start3A_108] : memref<10112x64xbf16, #tpu.memory_space<hbm>> -> memref<632x64xbf16, #tpu.memory_space<hbm>>
        %dma_start3A_110 = arith.constant 0 : i32
        %dma_start3A_111 = tpu.memref_slice %arg23[%mul3A_0, %dma_start3A_110] : memref<10112x64xbf16, #tpu.memory_space<vmem_shared>> -> memref<632x64xbf16, #tpu.memory_space<vmem_shared>>
        tpu.enqueue_dma source(%dma_start3A_111 : memref<632x64xbf16, #tpu.memory_space<vmem_shared>>) target(%dma_start3A_109 : memref<632x64xbf16, #tpu.memory_space<hbm>>) target_semaphore(%run_scoped3A : memref<!tpu.dma_semaphore, #tpu.memory_space<semaphore_mem>>)
        %dma_wait3A_112 = arith.constant 0 : i32
        %dma_wait3A_113 = tpu.memref_slice %arg8[%mul3A_0, %dma_wait3A_112] : memref<10112x64xbf16, #tpu.memory_space<hbm>> -> memref<632x64xbf16, #tpu.memory_space<hbm>>
        %dma_wait3A_114 = arith.constant 0 : i32
        %dma_wait3A_115 = tpu.memref_slice %arg23[%mul3A_0, %dma_wait3A_114] : memref<10112x64xbf16, #tpu.memory_space<vmem_shared>> -> memref<632x64xbf16, #tpu.memory_space<vmem_shared>>
        tpu.wait_dma2 semaphore(%run_scoped3A : memref<!tpu.dma_semaphore, #tpu.memory_space<semaphore_mem>>) src(%dma_wait3A_115 : memref<632x64xbf16, #tpu.memory_space<vmem_shared>>) dst(%dma_wait3A_113 : memref<632x64xbf16, #tpu.memory_space<hbm>>)
        tpu.yield
      }) : () -> ()
      "tpu.region"() ({
        %run_scoped3A = tpu.sem_alloc : memref<!tpu.dma_semaphore, #tpu.memory_space<semaphore_mem>>
        %dma_start3A_108 = arith.constant 0 : i32
        %dma_start3A_109 = tpu.memref_slice %arg10[%mul3A_0, %dma_start3A_108] : memref<10112x8xf32, #tpu.memory_space<hbm>> -> memref<632x8xf32, #tpu.memory_space<hbm>>
        %dma_start3A_110 = arith.constant 0 : i32
        %dma_start3A_111 = tpu.memref_slice %arg42[%mul3A_0, %dma_start3A_110] : memref<10112x8xf32, #tpu.memory_space<vmem_shared>> -> memref<632x8xf32, #tpu.memory_space<vmem_shared>>
        tpu.enqueue_dma source(%dma_start3A_111 : memref<632x8xf32, #tpu.memory_space<vmem_shared>>) target(%dma_start3A_109 : memref<632x8xf32, #tpu.memory_space<hbm>>) target_semaphore(%run_scoped3A : memref<!tpu.dma_semaphore, #tpu.memory_space<semaphore_mem>>)
        %dma_wait3A_112 = arith.constant 0 : i32
        %dma_wait3A_113 = tpu.memref_slice %arg10[%mul3A_0, %dma_wait3A_112] : memref<10112x8xf32, #tpu.memory_space<hbm>> -> memref<632x8xf32, #tpu.memory_space<hbm>>
        %dma_wait3A_114 = arith.constant 0 : i32
        %dma_wait3A_115 = tpu.memref_slice %arg42[%mul3A_0, %dma_wait3A_114] : memref<10112x8xf32, #tpu.memory_space<vmem_shared>> -> memref<632x8xf32, #tpu.memory_space<vmem_shared>>
        tpu.wait_dma2 semaphore(%run_scoped3A : memref<!tpu.dma_semaphore, #tpu.memory_space<semaphore_mem>>) src(%dma_wait3A_115 : memref<632x8xf32, #tpu.memory_space<vmem_shared>>) dst(%dma_wait3A_113 : memref<632x8xf32, #tpu.memory_space<hbm>>)
        tpu.yield
      }) : () -> ()
    } else {
    }
    %eq3A_103 = arith.constant 1 : i32
    %eq3A_104 = arith.cmpi eq, %arg0, %eq3A_103 : i32
    %convert_element_type3A_105 = arith.extui %eq3A_104 : i1 to i32
    %cond3A_106 = arith.constant 0 : i32
    %cond3A_107 = arith.cmpi ne, %convert_element_type3A_105, %cond3A_106 : i32
    scf.if %cond3A_107 {
      "tpu.region"() ({
        %run_scoped3A = tpu.sem_alloc : memref<!tpu.dma_semaphore, #tpu.memory_space<semaphore_mem>>
        %dma_start3A_108 = arith.constant 0 : i32
        %dma_start3A_109 = tpu.memref_slice %arg9[%mul3A_0, %dma_start3A_108] : memref<10112x64xbf16, #tpu.memory_space<hbm>> -> memref<632x64xbf16, #tpu.memory_space<hbm>>
        %dma_start3A_110 = arith.constant 0 : i32
        %dma_start3A_111 = tpu.memref_slice %arg23[%mul3A_0, %dma_start3A_110] : memref<10112x64xbf16, #tpu.memory_space<vmem_shared>> -> memref<632x64xbf16, #tpu.memory_space<vmem_shared>>
        tpu.enqueue_dma source(%dma_start3A_111 : memref<632x64xbf16, #tpu.memory_space<vmem_shared>>) target(%dma_start3A_109 : memref<632x64xbf16, #tpu.memory_space<hbm>>) target_semaphore(%run_scoped3A : memref<!tpu.dma_semaphore, #tpu.memory_space<semaphore_mem>>)
        %dma_wait3A_112 = arith.constant 0 : i32
        %dma_wait3A_113 = tpu.memref_slice %arg9[%mul3A_0, %dma_wait3A_112] : memref<10112x64xbf16, #tpu.memory_space<hbm>> -> memref<632x64xbf16, #tpu.memory_space<hbm>>
        %dma_wait3A_114 = arith.constant 0 : i32
        %dma_wait3A_115 = tpu.memref_slice %arg23[%mul3A_0, %dma_wait3A_114] : memref<10112x64xbf16, #tpu.memory_space<vmem_shared>> -> memref<632x64xbf16, #tpu.memory_space<vmem_shared>>
        tpu.wait_dma2 semaphore(%run_scoped3A : memref<!tpu.dma_semaphore, #tpu.memory_space<semaphore_mem>>) src(%dma_wait3A_115 : memref<632x64xbf16, #tpu.memory_space<vmem_shared>>) dst(%dma_wait3A_113 : memref<632x64xbf16, #tpu.memory_space<hbm>>)
        tpu.yield
      }) : () -> ()
    } else {
    }
    return
  }
}

module attributes {stable_mosaic.version = 14 : i64} {
  func.func @_tc1_body(%arg0: memref<10000x128xbf16, #tpu.memory_space<vmem>>, %arg1: memref<10112x64xbf16, #tpu.memory_space<vmem>>, %arg2: memref<10112x64xbf16, #tpu.memory_space<vmem>>, %arg3: memref<10112x8xf32, #tpu.memory_space<vmem>>, %arg4: memref<128x256xbf16, #tpu.memory_space<vmem>>, %arg5: memref<2x64x256xbf16, #tpu.memory_space<vmem>>, %arg6: memref<1x256xf32, #tpu.memory_space<vmem>>, %arg7: memref<1x256xf32, #tpu.memory_space<vmem>>, %arg8: memref<1x256xf32, #tpu.memory_space<vmem>>, %arg9: memref<10000x128xbf16, #tpu.memory_space<vmem>>, %arg10: memref<10000x128xbf16, #tpu.memory_space<vmem>>) attributes {dimension_semantics = [], scalar_prefetch = 0 : i64, scratch_operands = 0 : i64, tpu.core_type = #tpu.core_type<tc>} {
    %get3A = arith.constant 0 : index
    %get3A_0 = arith.constant 0 : index
    %get3A_1 = vector.load %arg3[%get3A, %get3A_0] : memref<10112x8xf32, #tpu.memory_space<vmem>>, vector<10000x1xf32>
    %max3A = arith.constant 1.000000e+00 : f32
    %max3A_2 = vector.broadcast %max3A : f32 to vector<10000x1xf32>
    %max3A_3 = arith.maximumf %get3A_1, %max3A_2 : vector<10000x1xf32>
    %div3A = arith.constant 1.000000e+00 : f32
    %div3A_4 = vector.broadcast %div3A : f32 to vector<10000x1xf32>
    %div3A_5 = arith.divf %div3A_4, %max3A_3 : vector<10000x1xf32>
    %get3A_6 = arith.constant 0 : index
    %get3A_7 = arith.constant 0 : index
    %get3A_8 = vector.load %arg0[%get3A_6, %get3A_7] : memref<10000x128xbf16, #tpu.memory_space<vmem>>, vector<10000x128xbf16>
    %get3A_9 = arith.constant 0 : index
    %get3A_10 = arith.constant 0 : index
    %get3A_11 = vector.load %arg4[%get3A_9, %get3A_10] : memref<128x256xbf16, #tpu.memory_space<vmem>>, vector<128x256xbf16>
    %dot_general3A = arith.constant dense<0.000000e+00> : vector<10000x256xf32>
    %dot_general3A_12 = tpu.matmul %get3A_8, %get3A_11, %dot_general3A {dimension_numbers = #tpu.dot_dimension_numbers<[1], [0], [0], [1], [0, 0, 1, 1], [], []>, transpose_lhs_hint = false} : vector<10000x128xbf16>, vector<128x256xbf16>, vector<10000x256xf32> -> vector<10000x256xf32>
    %get3A_13 = arith.constant 0 : index
    %get3A_14 = arith.constant 0 : index
    %get3A_15 = vector.load %arg1[%get3A_13, %get3A_14] : memref<10112x64xbf16, #tpu.memory_space<vmem>>, vector<10000x64xbf16>
    %convert_element_type3A = arith.extf %get3A_15 : vector<10000x64xbf16> to vector<10000x64xf32>
    %mul3A = vector.broadcast %div3A_5 : vector<10000x1xf32> to vector<10000x64xf32>
    %mul3A_16 = arith.mulf %convert_element_type3A, %mul3A : vector<10000x64xf32>
    %convert_element_type3A_17 = arith.truncf %mul3A_16 : vector<10000x64xf32> to vector<10000x64xbf16>
    %get3A_18 = arith.constant 0 : index
    %get3A_19 = arith.constant 0 : index
    %get3A_20 = arith.constant 0 : index
    %get3A_21 = vector.load %arg5[%get3A_18, %get3A_19, %get3A_20] : memref<2x64x256xbf16, #tpu.memory_space<vmem>>, vector<1x64x256xbf16>
    %get3A_22 = vector.shape_cast %get3A_21 : vector<1x64x256xbf16> to vector<64x256xbf16>
    %dot_general3A_23 = arith.constant dense<0.000000e+00> : vector<10000x256xf32>
    %dot_general3A_24 = tpu.matmul %convert_element_type3A_17, %get3A_22, %dot_general3A_23 {dimension_numbers = #tpu.dot_dimension_numbers<[1], [0], [0], [1], [0, 0, 1, 1], [], []>, transpose_lhs_hint = false} : vector<10000x64xbf16>, vector<64x256xbf16>, vector<10000x256xf32> -> vector<10000x256xf32>
    %add3A = arith.addf %dot_general3A_12, %dot_general3A_24 : vector<10000x256xf32>
    %get3A_25 = arith.constant 0 : index
    %get3A_26 = arith.constant 0 : index
    %get3A_27 = vector.load %arg2[%get3A_25, %get3A_26] : memref<10112x64xbf16, #tpu.memory_space<vmem>>, vector<10000x64xbf16>
    %convert_element_type3A_28 = arith.extf %get3A_27 : vector<10000x64xbf16> to vector<10000x64xf32>
    %mul3A_29 = vector.broadcast %div3A_5 : vector<10000x1xf32> to vector<10000x64xf32>
    %mul3A_30 = arith.mulf %convert_element_type3A_28, %mul3A_29 : vector<10000x64xf32>
    %convert_element_type3A_31 = arith.truncf %mul3A_30 : vector<10000x64xf32> to vector<10000x64xbf16>
    %get3A_32 = arith.constant 1 : index
    %get3A_33 = arith.constant 0 : index
    %get3A_34 = arith.constant 0 : index
    %get3A_35 = vector.load %arg5[%get3A_32, %get3A_33, %get3A_34] : memref<2x64x256xbf16, #tpu.memory_space<vmem>>, vector<1x64x256xbf16>
    %get3A_36 = vector.shape_cast %get3A_35 : vector<1x64x256xbf16> to vector<64x256xbf16>
    %dot_general3A_37 = arith.constant dense<0.000000e+00> : vector<10000x256xf32>
    %dot_general3A_38 = tpu.matmul %convert_element_type3A_31, %get3A_36, %dot_general3A_37 {dimension_numbers = #tpu.dot_dimension_numbers<[1], [0], [0], [1], [0, 0, 1, 1], [], []>, transpose_lhs_hint = false} : vector<10000x64xbf16>, vector<64x256xbf16>, vector<10000x256xf32> -> vector<10000x256xf32>
    %add3A_39 = arith.addf %add3A, %dot_general3A_38 : vector<10000x256xf32>
    %get3A_40 = arith.constant 0 : index
    %get3A_41 = arith.constant 0 : index
    %get3A_42 = vector.load %arg6[%get3A_40, %get3A_41] : memref<1x256xf32, #tpu.memory_space<vmem>>, vector<1x256xf32>
    %add3A_43 = vector.broadcast %get3A_42 : vector<1x256xf32> to vector<10000x256xf32>
    %add3A_44 = arith.addf %add3A_39, %add3A_43 : vector<10000x256xf32>
    %reduce_sum3A = arith.constant dense<0.000000e+00> : vector<256xf32>
    %reduce_sum3A_45 = vector.multi_reduction <add>, %add3A_44, %reduce_sum3A [0] : vector<10000x256xf32> to vector<256xf32>
    %broadcast_in_dim3A = vector.shape_cast %reduce_sum3A_45 : vector<256xf32> to vector<1x256xf32>
    %div3A_46 = arith.constant 1.000000e+04 : f32
    %div3A_47 = vector.broadcast %div3A_46 : f32 to vector<1x256xf32>
    %div3A_48 = arith.divf %broadcast_in_dim3A, %div3A_47 : vector<1x256xf32>
    %sub3A = vector.broadcast %div3A_48 : vector<1x256xf32> to vector<10000x256xf32>
    %sub3A_49 = arith.subf %add3A_44, %sub3A : vector<10000x256xf32>
    %sub3A_50 = vector.broadcast %div3A_48 : vector<1x256xf32> to vector<10000x256xf32>
    %sub3A_51 = arith.subf %add3A_44, %sub3A_50 : vector<10000x256xf32>
    %mul3A_52 = arith.mulf %sub3A_49, %sub3A_51 : vector<10000x256xf32>
    %reduce_sum3A_53 = arith.constant dense<0.000000e+00> : vector<256xf32>
    %reduce_sum3A_54 = vector.multi_reduction <add>, %mul3A_52, %reduce_sum3A_53 [0] : vector<10000x256xf32> to vector<256xf32>
    %broadcast_in_dim3A_55 = vector.shape_cast %reduce_sum3A_54 : vector<256xf32> to vector<1x256xf32>
    %div3A_56 = arith.constant 1.000000e+04 : f32
    %div3A_57 = vector.broadcast %div3A_56 : f32 to vector<1x256xf32>
    %div3A_58 = arith.divf %broadcast_in_dim3A_55, %div3A_57 : vector<1x256xf32>
    %get3A_59 = arith.constant 0 : index
    %get3A_60 = arith.constant 0 : index
    %get3A_61 = vector.load %arg7[%get3A_59, %get3A_60] : memref<1x256xf32, #tpu.memory_space<vmem>>, vector<1x256xf32>
    %sub3A_62 = vector.broadcast %div3A_48 : vector<1x256xf32> to vector<10000x256xf32>
    %sub3A_63 = arith.subf %add3A_44, %sub3A_62 : vector<10000x256xf32>
    %mul3A_64 = vector.broadcast %get3A_61 : vector<1x256xf32> to vector<10000x256xf32>
    %mul3A_65 = arith.mulf %mul3A_64, %sub3A_63 : vector<10000x256xf32>
    %add3A_66 = arith.constant 9.99999974E-6 : f32
    %add3A_67 = vector.broadcast %add3A_66 : f32 to vector<1x256xf32>
    %add3A_68 = arith.addf %div3A_58, %add3A_67 : vector<1x256xf32>
    %rsqrt3A = math.rsqrt %add3A_68 : vector<1x256xf32>
    %mul3A_69 = vector.broadcast %rsqrt3A : vector<1x256xf32> to vector<10000x256xf32>
    %mul3A_70 = arith.mulf %mul3A_65, %mul3A_69 : vector<10000x256xf32>
    %get3A_71 = arith.constant 0 : index
    %get3A_72 = arith.constant 0 : index
    %get3A_73 = vector.load %arg8[%get3A_71, %get3A_72] : memref<1x256xf32, #tpu.memory_space<vmem>>, vector<1x256xf32>
    %add3A_74 = vector.broadcast %get3A_73 : vector<1x256xf32> to vector<10000x256xf32>
    %add3A_75 = arith.addf %mul3A_70, %add3A_74 : vector<10000x256xf32>
    %max3A_76 = arith.constant 0.000000e+00 : f32
    %max3A_77 = vector.broadcast %max3A_76 : f32 to vector<10000x256xf32>
    %max3A_78 = arith.maximumf %add3A_75, %max3A_77 : vector<10000x256xf32>
    %slice3A = vector.extract_strided_slice %max3A_78 {offsets = [0, 0], sizes = [10000, 128], strides = [1, 1]} : vector<10000x256xf32> to vector<10000x128xf32>
    %convert_element_type3A_79 = arith.truncf %slice3A : vector<10000x128xf32> to vector<10000x128xbf16>
    %swap3A = arith.constant 0 : index
    %swap3A_80 = arith.constant 0 : index
    %swap3A_81 = vector.load %arg9[%swap3A, %swap3A_80] : memref<10000x128xbf16, #tpu.memory_space<vmem>>, vector<10000x128xbf16>
    tpu.vector_store %arg9[%swap3A, %swap3A_80], %convert_element_type3A_79 {strides = array<i32>} : memref<10000x128xbf16, #tpu.memory_space<vmem>>, vector<10000x128xbf16>,
    %slice3A_82 = vector.extract_strided_slice %max3A_78 {offsets = [0, 128], sizes = [10000, 128], strides = [1, 1]} : vector<10000x256xf32> to vector<10000x128xf32>
    %convert_element_type3A_83 = arith.truncf %slice3A_82 : vector<10000x128xf32> to vector<10000x128xbf16>
    %swap3A_84 = arith.constant 0 : index
    %swap3A_85 = arith.constant 0 : index
    %swap3A_86 = vector.load %arg10[%swap3A_84, %swap3A_85] : memref<10000x128xbf16, #tpu.memory_space<vmem>>, vector<10000x128xbf16>
    tpu.vector_store %arg10[%swap3A_84, %swap3A_85], %convert_element_type3A_83 {strides = array<i32>} : memref<10000x128xbf16, #tpu.memory_space<vmem>>, vector<10000x128xbf16>,
    return
  }
}

module attributes {stable_mosaic.version = 14 : i64} {
  func.func @_tc2_body(%arg0: memref<10000x128xbf16, #tpu.memory_space<vmem>>, %arg1: memref<10000x128xbf16, #tpu.memory_space<vmem>>, %arg2: memref<10112x128xbf16, #tpu.memory_space<vmem>>, %arg3: memref<10112x128xbf16, #tpu.memory_space<vmem>>, %arg4: memref<10112x8xf32, #tpu.memory_space<vmem>>, %arg5: memref<2x128x256xbf16, #tpu.memory_space<vmem>>, %arg6: memref<2x128x256xbf16, #tpu.memory_space<vmem>>, %arg7: memref<1x256xf32, #tpu.memory_space<vmem>>, %arg8: memref<1x256xf32, #tpu.memory_space<vmem>>, %arg9: memref<1x256xf32, #tpu.memory_space<vmem>>, %arg10: memref<2x128x64xbf16, #tpu.memory_space<vmem>>, %arg11: memref<10000x128xbf16, #tpu.memory_space<vmem>>, %arg12: memref<10000x128xbf16, #tpu.memory_space<vmem>>, %arg13: memref<10000x64xbf16, #tpu.memory_space<vmem>>) attributes {dimension_semantics = [], scalar_prefetch = 0 : i64, scratch_operands = 0 : i64, tpu.core_type = #tpu.core_type<tc>} {
    %get3A = arith.constant 0 : index
    %get3A_0 = arith.constant 0 : index
    %get3A_1 = vector.load %arg4[%get3A, %get3A_0] : memref<10112x8xf32, #tpu.memory_space<vmem>>, vector<10000x1xf32>
    %max3A = arith.constant 1.000000e+00 : f32
    %max3A_2 = vector.broadcast %max3A : f32 to vector<10000x1xf32>
    %max3A_3 = arith.maximumf %get3A_1, %max3A_2 : vector<10000x1xf32>
    %div3A = arith.constant 1.000000e+00 : f32
    %div3A_4 = vector.broadcast %div3A : f32 to vector<10000x1xf32>
    %div3A_5 = arith.divf %div3A_4, %max3A_3 : vector<10000x1xf32>
    %get3A_6 = arith.constant 0 : index
    %get3A_7 = arith.constant 0 : index
    %get3A_8 = vector.load %arg0[%get3A_6, %get3A_7] : memref<10000x128xbf16, #tpu.memory_space<vmem>>, vector<10000x128xbf16>
    %get3A_9 = arith.constant 0 : index
    %get3A_10 = arith.constant 0 : index
    %get3A_11 = arith.constant 0 : index
    %get3A_12 = vector.load %arg5[%get3A_9, %get3A_10, %get3A_11] : memref<2x128x256xbf16, #tpu.memory_space<vmem>>, vector<1x128x256xbf16>
    %get3A_13 = vector.shape_cast %get3A_12 : vector<1x128x256xbf16> to vector<128x256xbf16>
    %dot_general3A = arith.constant dense<0.000000e+00> : vector<10000x256xf32>
    %dot_general3A_14 = tpu.matmul %get3A_8, %get3A_13, %dot_general3A {dimension_numbers = #tpu.dot_dimension_numbers<[1], [0], [0], [1], [0, 0, 1, 1], [], []>, transpose_lhs_hint = false} : vector<10000x128xbf16>, vector<128x256xbf16>, vector<10000x256xf32> -> vector<10000x256xf32>
    %get3A_15 = arith.constant 0 : index
    %get3A_16 = arith.constant 0 : index
    %get3A_17 = vector.load %arg1[%get3A_15, %get3A_16] : memref<10000x128xbf16, #tpu.memory_space<vmem>>, vector<10000x128xbf16>
    %get3A_18 = arith.constant 1 : index
    %get3A_19 = arith.constant 0 : index
    %get3A_20 = arith.constant 0 : index
    %get3A_21 = vector.load %arg5[%get3A_18, %get3A_19, %get3A_20] : memref<2x128x256xbf16, #tpu.memory_space<vmem>>, vector<1x128x256xbf16>
    %get3A_22 = vector.shape_cast %get3A_21 : vector<1x128x256xbf16> to vector<128x256xbf16>
    %dot_general3A_23 = arith.constant dense<0.000000e+00> : vector<10000x256xf32>
    %dot_general3A_24 = tpu.matmul %get3A_17, %get3A_22, %dot_general3A_23 {dimension_numbers = #tpu.dot_dimension_numbers<[1], [0], [0], [1], [0, 0, 1, 1], [], []>, transpose_lhs_hint = false} : vector<10000x128xbf16>, vector<128x256xbf16>, vector<10000x256xf32> -> vector<10000x256xf32>
    %add3A = arith.addf %dot_general3A_14, %dot_general3A_24 : vector<10000x256xf32>
    %get3A_25 = arith.constant 0 : index
    %get3A_26 = arith.constant 0 : index
    %get3A_27 = vector.load %arg2[%get3A_25, %get3A_26] : memref<10112x128xbf16, #tpu.memory_space<vmem>>, vector<10000x128xbf16>
    %convert_element_type3A = arith.extf %get3A_27 : vector<10000x128xbf16> to vector<10000x128xf32>
    %mul3A = vector.broadcast %div3A_5 : vector<10000x1xf32> to vector<10000x128xf32>
    %mul3A_28 = arith.mulf %convert_element_type3A, %mul3A : vector<10000x128xf32>
    %convert_element_type3A_29 = arith.truncf %mul3A_28 : vector<10000x128xf32> to vector<10000x128xbf16>
    %get3A_30 = arith.constant 0 : index
    %get3A_31 = arith.constant 0 : index
    %get3A_32 = arith.constant 0 : index
    %get3A_33 = vector.load %arg6[%get3A_30, %get3A_31, %get3A_32] : memref<2x128x256xbf16, #tpu.memory_space<vmem>>, vector<1x128x256xbf16>
    %get3A_34 = vector.shape_cast %get3A_33 : vector<1x128x256xbf16> to vector<128x256xbf16>
    %dot_general3A_35 = arith.constant dense<0.000000e+00> : vector<10000x256xf32>
    %dot_general3A_36 = tpu.matmul %convert_element_type3A_29, %get3A_34, %dot_general3A_35 {dimension_numbers = #tpu.dot_dimension_numbers<[1], [0], [0], [1], [0, 0, 1, 1], [], []>, transpose_lhs_hint = false} : vector<10000x128xbf16>, vector<128x256xbf16>, vector<10000x256xf32> -> vector<10000x256xf32>
    %add3A_37 = arith.addf %add3A, %dot_general3A_36 : vector<10000x256xf32>
    %get3A_38 = arith.constant 0 : index
    %get3A_39 = arith.constant 0 : index
    %get3A_40 = vector.load %arg3[%get3A_38, %get3A_39] : memref<10112x128xbf16, #tpu.memory_space<vmem>>, vector<10000x128xbf16>
    %convert_element_type3A_41 = arith.extf %get3A_40 : vector<10000x128xbf16> to vector<10000x128xf32>
    %mul3A_42 = vector.broadcast %div3A_5 : vector<10000x1xf32> to vector<10000x128xf32>
    %mul3A_43 = arith.mulf %convert_element_type3A_41, %mul3A_42 : vector<10000x128xf32>
    %convert_element_type3A_44 = arith.truncf %mul3A_43 : vector<10000x128xf32> to vector<10000x128xbf16>
    %get3A_45 = arith.constant 1 : index
    %get3A_46 = arith.constant 0 : index
    %get3A_47 = arith.constant 0 : index
    %get3A_48 = vector.load %arg6[%get3A_45, %get3A_46, %get3A_47] : memref<2x128x256xbf16, #tpu.memory_space<vmem>>, vector<1x128x256xbf16>
    %get3A_49 = vector.shape_cast %get3A_48 : vector<1x128x256xbf16> to vector<128x256xbf16>
    %dot_general3A_50 = arith.constant dense<0.000000e+00> : vector<10000x256xf32>
    %dot_general3A_51 = tpu.matmul %convert_element_type3A_44, %get3A_49, %dot_general3A_50 {dimension_numbers = #tpu.dot_dimension_numbers<[1], [0], [0], [1], [0, 0, 1, 1], [], []>, transpose_lhs_hint = false} : vector<10000x128xbf16>, vector<128x256xbf16>, vector<10000x256xf32> -> vector<10000x256xf32>
    %add3A_52 = arith.addf %add3A_37, %dot_general3A_51 : vector<10000x256xf32>
    %get3A_53 = arith.constant 0 : index
    %get3A_54 = arith.constant 0 : index
    %get3A_55 = vector.load %arg7[%get3A_53, %get3A_54] : memref<1x256xf32, #tpu.memory_space<vmem>>, vector<1x256xf32>
    %add3A_56 = vector.broadcast %get3A_55 : vector<1x256xf32> to vector<10000x256xf32>
    %add3A_57 = arith.addf %add3A_52, %add3A_56 : vector<10000x256xf32>
    %reduce_sum3A = arith.constant dense<0.000000e+00> : vector<256xf32>
    %reduce_sum3A_58 = vector.multi_reduction <add>, %add3A_57, %reduce_sum3A [0] : vector<10000x256xf32> to vector<256xf32>
    %broadcast_in_dim3A = vector.shape_cast %reduce_sum3A_58 : vector<256xf32> to vector<1x256xf32>
    %div3A_59 = arith.constant 1.000000e+04 : f32
    %div3A_60 = vector.broadcast %div3A_59 : f32 to vector<1x256xf32>
    %div3A_61 = arith.divf %broadcast_in_dim3A, %div3A_60 : vector<1x256xf32>
    %sub3A = vector.broadcast %div3A_61 : vector<1x256xf32> to vector<10000x256xf32>
    %sub3A_62 = arith.subf %add3A_57, %sub3A : vector<10000x256xf32>
    %sub3A_63 = vector.broadcast %div3A_61 : vector<1x256xf32> to vector<10000x256xf32>
    %sub3A_64 = arith.subf %add3A_57, %sub3A_63 : vector<10000x256xf32>
    %mul3A_65 = arith.mulf %sub3A_62, %sub3A_64 : vector<10000x256xf32>
    %reduce_sum3A_66 = arith.constant dense<0.000000e+00> : vector<256xf32>
    %reduce_sum3A_67 = vector.multi_reduction <add>, %mul3A_65, %reduce_sum3A_66 [0] : vector<10000x256xf32> to vector<256xf32>
    %broadcast_in_dim3A_68 = vector.shape_cast %reduce_sum3A_67 : vector<256xf32> to vector<1x256xf32>
    %div3A_69 = arith.constant 1.000000e+04 : f32
    %div3A_70 = vector.broadcast %div3A_69 : f32 to vector<1x256xf32>
    %div3A_71 = arith.divf %broadcast_in_dim3A_68, %div3A_70 : vector<1x256xf32>
    %get3A_72 = arith.constant 0 : index
    %get3A_73 = arith.constant 0 : index
    %get3A_74 = vector.load %arg8[%get3A_72, %get3A_73] : memref<1x256xf32, #tpu.memory_space<vmem>>, vector<1x256xf32>
    %sub3A_75 = vector.broadcast %div3A_61 : vector<1x256xf32> to vector<10000x256xf32>
    %sub3A_76 = arith.subf %add3A_57, %sub3A_75 : vector<10000x256xf32>
    %mul3A_77 = vector.broadcast %get3A_74 : vector<1x256xf32> to vector<10000x256xf32>
    %mul3A_78 = arith.mulf %mul3A_77, %sub3A_76 : vector<10000x256xf32>
    %add3A_79 = arith.constant 9.99999974E-6 : f32
    %add3A_80 = vector.broadcast %add3A_79 : f32 to vector<1x256xf32>
    %add3A_81 = arith.addf %div3A_71, %add3A_80 : vector<1x256xf32>
    %rsqrt3A = math.rsqrt %add3A_81 : vector<1x256xf32>
    %mul3A_82 = vector.broadcast %rsqrt3A : vector<1x256xf32> to vector<10000x256xf32>
    %mul3A_83 = arith.mulf %mul3A_78, %mul3A_82 : vector<10000x256xf32>
    %get3A_84 = arith.constant 0 : index
    %get3A_85 = arith.constant 0 : index
    %get3A_86 = vector.load %arg9[%get3A_84, %get3A_85] : memref<1x256xf32, #tpu.memory_space<vmem>>, vector<1x256xf32>
    %add3A_87 = vector.broadcast %get3A_86 : vector<1x256xf32> to vector<10000x256xf32>
    %add3A_88 = arith.addf %mul3A_83, %add3A_87 : vector<10000x256xf32>
    %max3A_89 = arith.constant 0.000000e+00 : f32
    %max3A_90 = vector.broadcast %max3A_89 : f32 to vector<10000x256xf32>
    %max3A_91 = arith.maximumf %add3A_88, %max3A_90 : vector<10000x256xf32>
    %slice3A = vector.extract_strided_slice %max3A_91 {offsets = [0, 0], sizes = [10000, 128], strides = [1, 1]} : vector<10000x256xf32> to vector<10000x128xf32>
    %convert_element_type3A_92 = arith.truncf %slice3A : vector<10000x128xf32> to vector<10000x128xbf16>
    %slice3A_93 = vector.extract_strided_slice %max3A_91 {offsets = [0, 128], sizes = [10000, 128], strides = [1, 1]} : vector<10000x256xf32> to vector<10000x128xf32>
    %convert_element_type3A_94 = arith.truncf %slice3A_93 : vector<10000x128xf32> to vector<10000x128xbf16>
    %swap3A = arith.constant 0 : index
    %swap3A_95 = arith.constant 0 : index
    %swap3A_96 = vector.load %arg11[%swap3A, %swap3A_95] : memref<10000x128xbf16, #tpu.memory_space<vmem>>, vector<10000x128xbf16>
    tpu.vector_store %arg11[%swap3A, %swap3A_95], %convert_element_type3A_92 {strides = array<i32>} : memref<10000x128xbf16, #tpu.memory_space<vmem>>, vector<10000x128xbf16>,
    %swap3A_97 = arith.constant 0 : index
    %swap3A_98 = arith.constant 0 : index
    %swap3A_99 = vector.load %arg12[%swap3A_97, %swap3A_98] : memref<10000x128xbf16, #tpu.memory_space<vmem>>, vector<10000x128xbf16>
    tpu.vector_store %arg12[%swap3A_97, %swap3A_98], %convert_element_type3A_94 {strides = array<i32>} : memref<10000x128xbf16, #tpu.memory_space<vmem>>, vector<10000x128xbf16>,
    %get3A_100 = arith.constant 0 : index
    %get3A_101 = arith.constant 0 : index
    %get3A_102 = arith.constant 0 : index
    %get3A_103 = vector.load %arg10[%get3A_100, %get3A_101, %get3A_102] : memref<2x128x64xbf16, #tpu.memory_space<vmem>>, vector<1x128x64xbf16>
    %get3A_104 = vector.shape_cast %get3A_103 : vector<1x128x64xbf16> to vector<128x64xbf16>
    %dot_general3A_105 = arith.constant dense<0.000000e+00> : vector<10000x64xf32>
    %dot_general3A_106 = tpu.matmul %convert_element_type3A_92, %get3A_104, %dot_general3A_105 {dimension_numbers = #tpu.dot_dimension_numbers<[1], [0], [0], [1], [0, 0, 1, 1], [], []>, transpose_lhs_hint = false} : vector<10000x128xbf16>, vector<128x64xbf16>, vector<10000x64xf32> -> vector<10000x64xf32>
    %get3A_107 = arith.constant 1 : index
    %get3A_108 = arith.constant 0 : index
    %get3A_109 = arith.constant 0 : index
    %get3A_110 = vector.load %arg10[%get3A_107, %get3A_108, %get3A_109] : memref<2x128x64xbf16, #tpu.memory_space<vmem>>, vector<1x128x64xbf16>
    %get3A_111 = vector.shape_cast %get3A_110 : vector<1x128x64xbf16> to vector<128x64xbf16>
    %dot_general3A_112 = arith.constant dense<0.000000e+00> : vector<10000x64xf32>
    %dot_general3A_113 = tpu.matmul %convert_element_type3A_94, %get3A_111, %dot_general3A_112 {dimension_numbers = #tpu.dot_dimension_numbers<[1], [0], [0], [1], [0, 0, 1, 1], [], []>, transpose_lhs_hint = false} : vector<10000x128xbf16>, vector<128x64xbf16>, vector<10000x64xf32> -> vector<10000x64xf32>
    %add3A_114 = arith.addf %dot_general3A_106, %dot_general3A_113 : vector<10000x64xf32>
    %convert_element_type3A_115 = arith.truncf %add3A_114 : vector<10000x64xf32> to vector<10000x64xbf16>
    %swap3A_116 = arith.constant 0 : index
    %swap3A_117 = arith.constant 0 : index
    %swap3A_118 = vector.load %arg13[%swap3A_116, %swap3A_117] : memref<10000x64xbf16, #tpu.memory_space<vmem>>, vector<10000x64xbf16>
    tpu.vector_store %arg13[%swap3A_116, %swap3A_117], %convert_element_type3A_115 {strides = array<i32>} : memref<10000x64xbf16, #tpu.memory_space<vmem>>, vector<10000x64xbf16>,
    return
  }
}

module attributes {stable_mosaic.version = 14 : i64} {
  func.func @_tc3_body(%arg0: memref<10000x128xbf16, #tpu.memory_space<vmem>>, %arg1: memref<10000x128xbf16, #tpu.memory_space<vmem>>, %arg2: memref<10112x32xbf16, #tpu.memory_space<vmem>>, %arg3: memref<10112x32xbf16, #tpu.memory_space<vmem>>, %arg4: memref<10112x8xf32, #tpu.memory_space<vmem>>, %arg5: memref<2x128x40xbf16, #tpu.memory_space<vmem>>, %arg6: memref<1x40xf32, #tpu.memory_space<vmem>>, %arg7: memref<10000x40xf32, #tpu.memory_space<vmem>>) attributes {dimension_semantics = [], scalar_prefetch = 0 : i64, scratch_operands = 0 : i64, tpu.core_type = #tpu.core_type<tc>} {
    %get3A = arith.constant 0 : index
    %get3A_0 = arith.constant 0 : index
    %get3A_1 = vector.load %arg4[%get3A, %get3A_0] : memref<10112x8xf32, #tpu.memory_space<vmem>>, vector<10000x1xf32>
    %max3A = arith.constant 1.000000e+00 : f32
    %max3A_2 = vector.broadcast %max3A : f32 to vector<10000x1xf32>
    %max3A_3 = arith.maximumf %get3A_1, %max3A_2 : vector<10000x1xf32>
    %div3A = arith.constant 1.000000e+00 : f32
    %div3A_4 = vector.broadcast %div3A : f32 to vector<10000x1xf32>
    %div3A_5 = arith.divf %div3A_4, %max3A_3 : vector<10000x1xf32>
    %get3A_6 = arith.constant 0 : index
    %get3A_7 = arith.constant 0 : index
    %get3A_8 = vector.load %arg2[%get3A_6, %get3A_7] : memref<10112x32xbf16, #tpu.memory_space<vmem>>, vector<10000x32xbf16>
    %convert_element_type3A = arith.extf %get3A_8 : vector<10000x32xbf16> to vector<10000x32xf32>
    %get3A_9 = arith.constant 0 : index
    %get3A_10 = arith.constant 0 : index
    %get3A_11 = vector.load %arg3[%get3A_9, %get3A_10] : memref<10112x32xbf16, #tpu.memory_space<vmem>>, vector<10000x8xbf16>
    %convert_element_type3A_12 = arith.extf %get3A_11 : vector<10000x8xbf16> to vector<10000x8xf32>
    %concatenate3A = tpu.concatenate %convert_element_type3A, %convert_element_type3A_12 in 1 : vector<10000x32xf32>, vector<10000x8xf32> -> vector<10000x40xf32>
    %mul3A = vector.broadcast %div3A_5 : vector<10000x1xf32> to vector<10000x40xf32>
    %mul3A_13 = arith.mulf %concatenate3A, %mul3A : vector<10000x40xf32>
    %get3A_14 = arith.constant 0 : index
    %get3A_15 = arith.constant 0 : index
    %get3A_16 = vector.load %arg0[%get3A_14, %get3A_15] : memref<10000x128xbf16, #tpu.memory_space<vmem>>, vector<10000x128xbf16>
    %get3A_17 = arith.constant 0 : index
    %get3A_18 = arith.constant 0 : index
    %get3A_19 = arith.constant 0 : index
    %get3A_20 = vector.load %arg5[%get3A_17, %get3A_18, %get3A_19] : memref<2x128x40xbf16, #tpu.memory_space<vmem>>, vector<1x128x40xbf16>
    %get3A_21 = vector.shape_cast %get3A_20 : vector<1x128x40xbf16> to vector<128x40xbf16>
    %dot_general3A = arith.constant dense<0.000000e+00> : vector<10000x40xf32>
    %dot_general3A_22 = tpu.matmul %get3A_16, %get3A_21, %dot_general3A {dimension_numbers = #tpu.dot_dimension_numbers<[1], [0], [0], [1], [0, 0, 1, 1], [], []>, transpose_lhs_hint = false} : vector<10000x128xbf16>, vector<128x40xbf16>, vector<10000x40xf32> -> vector<10000x40xf32>
    %get3A_23 = arith.constant 0 : index
    %get3A_24 = arith.constant 0 : index
    %get3A_25 = vector.load %arg1[%get3A_23, %get3A_24] : memref<10000x128xbf16, #tpu.memory_space<vmem>>, vector<10000x128xbf16>
    %get3A_26 = arith.constant 1 : index
    %get3A_27 = arith.constant 0 : index
    %get3A_28 = arith.constant 0 : index
    %get3A_29 = vector.load %arg5[%get3A_26, %get3A_27, %get3A_28] : memref<2x128x40xbf16, #tpu.memory_space<vmem>>, vector<1x128x40xbf16>
    %get3A_30 = vector.shape_cast %get3A_29 : vector<1x128x40xbf16> to vector<128x40xbf16>
    %dot_general3A_31 = arith.constant dense<0.000000e+00> : vector<10000x40xf32>
    %dot_general3A_32 = tpu.matmul %get3A_25, %get3A_30, %dot_general3A_31 {dimension_numbers = #tpu.dot_dimension_numbers<[1], [0], [0], [1], [0, 0, 1, 1], [], []>, transpose_lhs_hint = false} : vector<10000x128xbf16>, vector<128x40xbf16>, vector<10000x40xf32> -> vector<10000x40xf32>
    %add3A = arith.addf %dot_general3A_22, %dot_general3A_32 : vector<10000x40xf32>
    %get3A_33 = arith.constant 0 : index
    %get3A_34 = arith.constant 0 : index
    %get3A_35 = vector.load %arg6[%get3A_33, %get3A_34] : memref<1x40xf32, #tpu.memory_space<vmem>>, vector<1x40xf32>
    %add3A_36 = vector.broadcast %get3A_35 : vector<1x40xf32> to vector<10000x40xf32>
    %add3A_37 = arith.addf %mul3A_13, %add3A_36 : vector<10000x40xf32>
    %add3A_38 = arith.addf %add3A, %add3A_37 : vector<10000x40xf32>
    %reduce_max3A = arith.constant dense<0xFF800000> : vector<10000xf32>
    %reduce_max3A_39 = vector.multi_reduction <maximumf>, %add3A_38, %reduce_max3A [1] : vector<10000x40xf32> to vector<10000xf32>
    %broadcast_in_dim3A = vector.shape_cast %reduce_max3A_39 : vector<10000xf32> to vector<10000x1xf32>
    %sub3A = vector.broadcast %broadcast_in_dim3A : vector<10000x1xf32> to vector<10000x40xf32>
    %sub3A_40 = arith.subf %add3A_38, %sub3A : vector<10000x40xf32>
    %exp3A = math.exp %sub3A_40 : vector<10000x40xf32>
    %reduce_sum3A = arith.constant dense<0.000000e+00> : vector<10000xf32>
    %reduce_sum3A_41 = vector.multi_reduction <add>, %exp3A, %reduce_sum3A [1] : vector<10000x40xf32> to vector<10000xf32>
    %broadcast_in_dim3A_42 = vector.shape_cast %reduce_sum3A_41 : vector<10000xf32> to vector<10000x1xf32>
    %log3A = math.log %broadcast_in_dim3A_42 : vector<10000x1xf32>
    %sub3A_43 = vector.broadcast %log3A : vector<10000x1xf32> to vector<10000x40xf32>
    %sub3A_44 = arith.subf %sub3A_40, %sub3A_43 : vector<10000x40xf32>
    %swap3A = arith.constant 0 : index
    %swap3A_45 = arith.constant 0 : index
    %swap3A_46 = vector.load %arg7[%swap3A, %swap3A_45] : memref<10000x40xf32, #tpu.memory_space<vmem>>, vector<10000x40xf32>
    tpu.vector_store %arg7[%swap3A, %swap3A_45], %sub3A_44 {strides = array<i32>} : memref<10000x40xf32, #tpu.memory_space<vmem>>, vector<10000x40xf32>,
    return
  }
}

</mosaic_0001>

<sc_bundles>
// kernel: kernel.11.cloned.1.call-start
scs
__scs_entry_jumppad:
0x0: {  	(pc) =	sbr.rel $0x88, $3  }
0x1: {  	(tag) =	ssettag $0x0;
	lr =	simm.s32 $0x1  }
0x2: {  	[smem:$0x3F92] =	sst lr;
	_ =	strace $0xD0000000  }
0x3: {  	_ = 	snop  }
0x4: {  	_ = 	snop  }
0x5: {  	_ = 	snop  }
0x6: {  	_ = 	snop  }
0x7: {  	_ = 	snop  }
__scs_overlays_trampoline_lowered:
0x8: {  	[smem:$0x3FA1] =	sst s0  }
0x9: {  	[smem:$0x3FA2] =	sst s1  }
0xa: {  	[smem:$0x3FA3] =	sst s2  }
0xb: {  	[smem:$0x3FA4] =	sst s3  }
0xc: {  	[smem:$0x3FA5] =	sst s4  }
0xd: {  	[smem:$0x3FA6] =	sst s5  }
0xe: {  	[smem:$0x3FA7] =	sst s6  }
0xf: {  	[smem:$0x3FA8] =	sst s7  }
0x10: {  	[smem:$0x3FA9] =	sst s8  }
0x11: {  	[smem:$0x3FAA] =	sst s9;
	s0 =	simm.s32 @!p0 $0x0  }
0x12: {  	s1 =	sld [smem:$0x3F90];
	s0 =	simm.s32 @p0 $0x1  }
0x13: {  	[smem:$0x3FAB] =	sst s0;
	s0 =	simm.s32 @!p1 $0x0  }
0x14: {  	s2 =	sld [smem:$0x3F8F];
	s0 =	simm.s32 @p1 $0x1  }
0x15: {  	[smem:$0x3FAC] =	sst s0;
	s0 =	simm.s32 @!p2 $0x0  }
0x16: {  	s3 =	sld [smem:$0x3FDB];
	s0 =	simm.s32 @p2 $0x1  }
0x17: {  	s4 =	simm.s32 $0x1BF5;
	[smem:$0x3FAE] =	sst s0  }
0x18: {  	s0 =	sld [smem:$0x3F91];
	_ =	swait.ge [sflag:s4], $0x0  }
0x19: {  	s7 =	sld [smem:$0x3F92]  }
0x1a: {  	s8 =	sadd.s32 $0xFFFFE003, lr  }
0x1b: {  	s9 =	sadd.s32 $0xFFFFFEF7, lr;
	s5 =	simm.s32 $0xFFFFFFFF;
	p2 =	slt.u32 s8, $0xFFFFF086  }
0x1c: {  	p1 =	slt.u32 s9, $0xF7A;
	s5 =	simm.s32 @!p2 $0x0  }
0x1d: {  	s5 =	simm.s32 @p1 $0x1;
	p0 =	seq.s32 s7, s2  }
0x1e: {  	s7 =	smul.u32 @!p0 $0xF7A, s2;
	p2 =	seq.s32 @!p0 s5, $0x0  }
0x1f: {  	s9 =	smul.u32 $0xF7A, s1;
	s8 =	simm.s32 @!p0 $0x1BF5;
	p2 =	por !p2, p0  }
0x20: {  	[sflag:s8] =	ssyncset.s32 @!p0 $0xFFFFF086;
	s6 =	sadd.s32 @!p0 s3, s7;
	s7 =	simm.s32 @!p0 $0x108  }
0x21: {  	s3 =	sadd.s32 s3, s9;
	s6 =	sadd.s32 @!p0 $0x88, s6;
	s7 =	simm.s32 @p2 $0x1082  }
0x22: {  	[simem:s7], [sflag:s8] =	dma.local @!p0 [hbm:s6], $0xF7A  }
0x23: {  	s9 =	sor.u32 $0xD0000000, s2;
	s6 =	simm.s32 $0x108;
	_ =	swait.ge @!p0 [sflag:s8], $0x0  }
0x24: {  	s3 =	sadd.s32 $0x88, s3;
	s6 =	simm.s32 @!p1 $0x1082;
	[sflag:s4] =	ssyncset.s32 $0xFFFFF086  }
0x25: {  	[simem:s6], [sflag:s4] =	dma.local [hbm:s3], $0xF7A  }
0x26: {  	[smem:$0x3F92] =	sst s1;
	(tag) =	ssettag s2;
	_ =	strace s9  }
0x27: {  	s1 =	sld [smem:$0x3FA2]  }
0x28: {  	s2 =	sld [smem:$0x3FA3]  }
0x29: {  	s4 =	sld [smem:$0x3FA5]  }
0x2a: {  	p0 =	seq.s32 s5, $0x0;
	s5 =	sld [smem:$0x3FA6]  }
0x2b: {  	s6 =	sld [smem:$0x3FA7]  }
0x2c: {  	s7 =	sld [smem:$0x3FA8]  }
0x2d: {  	s3 =	simm.s32 $0x108;
	s8 =	sld [smem:$0x3FA9]  }
0x2e: {  	s3 =	simm.s32 @!p0 $0x1082;
	s9 =	sld [smem:$0x3FAA]  }
0x2f: {  	lr =	sadd.s32 s0, s3;
	s0 =	sld [smem:$0x3FA1]  }
0x30: {  	s3 =	sld [smem:$0x3FA4]  }
0x31: {  	[smem:$0x3FAD] =	sst s10  }
0x32: {  	s10 =	sld [smem:$0x3FAB];
	_ =	sdelay $0x3  }
0x33: {  	p0 =	seq.s32 s10, $0x1;
	s10 =	sld [smem:$0x3FAD];
	_ =	sdelay $0x3  }
0x34: {  	[smem:$0x3FAD] =	sst s10  }
0x35: {  	s10 =	sld [smem:$0x3FAC];
	_ =	sdelay $0x3  }
0x36: {  	p1 =	seq.s32 s10, $0x1;
	s10 =	sld [smem:$0x3FAD];
	_ =	sdelay $0x3  }
0x37: {  	[smem:$0x3FAD] =	sst s10  }
0x38: {  	s10 =	sld [smem:$0x3FAE]  }
0x39: {  	_ = 	snop;
	(pc) =	sbr.ind lr, $3  }
0x3a: {  	_ = 	snop  }
0x3b: {  	_ = 	snop  }
0x3c: {  	p2 =	seq.s32 s10, $0x1;
	s10 =	sld [smem:$0x3FAD]  }
0x3d: {  	_ =	shalt  }
0x3e: {  	_ =	shalt  }
0x3f: {  	_ =	shalt  }
0x40: {  	_ =	shalt  }
0x41: {  	_ =	shalt  }
0x42: {  	_ =	shalt  }
0x43: {  	_ =	shalt  }
0x44: {  	_ =	shalt  }
0x45: {  	_ =	shalt  }
0x46: {  	_ =	shalt  }
0x47: {  	_ =	shalt  }
0x48: {  	_ =	shalt  }
0x49: {  	_ =	shalt  }
0x4a: {  	_ =	shalt  }
0x4b: {  	_ =	shalt  }
0x4c: {  	_ =	shalt  }
0x4d: {  	_ =	shalt  }
0x4e: {  	_ =	shalt  }
0x4f: {  	_ =	shalt  }
0x50: {  	_ =	shalt  }
0x51: {  	_ =	shalt  }
0x52: {  	_ =	shalt  }
0x53: {  	_ =	shalt  }
0x54: {  	_ =	shalt  }
0x55: {  	_ =	shalt  }
0x56: {  	_ =	shalt  }
0x57: {  	_ =	shalt  }
0x58: {  	_ =	shalt  }
0x59: {  	_ =	shalt  }
0x5a: {  	_ =	shalt  }
0x5b: {  	_ =	shalt  }
0x5c: {  	_ =	shalt  }
0x5d: {  	_ =	shalt  }
0x5e: {  	_ =	shalt  }
0x5f: {  	_ =	shalt  }
0x60: {  	_ =	shalt  }
0x61: {  	_ =	shalt  }
0x62: {  	_ =	shalt  }
0x63: {  	_ =	shalt  }
0x64: {  	_ =	shalt  }
0x65: {  	_ =	shalt  }
0x66: {  	_ =	shalt  }
0x67: {  	_ =	shalt  }
0x68: {  	_ =	shalt  }
0x69: {  	_ =	shalt  }
0x6a: {  	_ =	shalt  }
0x6b: {  	_ =	shalt  }
0x6c: {  	_ =	shalt  }
0x6d: {  	_ =	shalt  }
0x6e: {  	_ =	shalt  }
0x6f: {  	_ =	shalt  }
0x70: {  	_ =	shalt  }
0x71: {  	_ =	shalt  }
0x72: {  	_ =	shalt  }
0x73: {  	_ =	shalt  }
0x74: {  	_ =	shalt  }
0x75: {  	_ =	shalt  }
0x76: {  	_ =	shalt  }
0x77: {  	_ =	shalt  }
0x78: {  	_ =	shalt  }
0x79: {  	_ =	shalt  }
0x7a: {  	_ =	shalt  }
0x7b: {  	_ =	shalt  }
0x7c: {  	_ =	shalt  }
0x7d: {  	_ =	shalt  }
0x7e: {  	_ =	shalt  }
0x7f: {  	_ =	shalt  }
0x80: {  	_ =	shalt  }
0x81: {  	_ =	shalt  }
0x82: {  	_ =	shalt  }
0x83: {  	_ =	shalt  }
0x84: {  	_ =	shalt  }
0x85: {  	_ =	shalt  }
0x86: {  	_ =	shalt  }
0x87: {  	_ =	shalt  }
.Lfunc_end0:
.L_simem_size_0:
called_computation.1_lowered:
.L_overlay_start_0:
0x88: {  	s2 =	sld [smem:$0x3FD9]  }
0x89: {  	s3 =	sld [smem:$0x3FFE];
	_ =	sdelay $0x1  }
0x8a: {  	s1 =	srdreg.scid  }
0x8b: {  	s0 =	sand.u32 $0x1, s1  }
0x8c: {  	s16 =	sshll.u32 s0, $0xA;
	s2 =	sadd.s32 s3, s2  }
0x8d: {  	s2 =	sadd.s32 s2, s16  }
0x8e: {  	[smem:$0x3FB9] =	sst s2  }
0x8f: {  	_ = 	snop  }
0x90: {  	(tm) =	ssettm $0x1  }
0x91: {  	s17 =	sld [smem:$0x3FFB];
	_ =	sdelay $0x3  }
0x92: {  	_ =	strace s17  }
0x93: {  	s2 =	sld [smem:$0x3FFC];
	_ =	sdelay $0x3  }
0x94: {  	_ =	strace s2  }
0x95: {  	s2 =	sld [smem:$0x3FFD];
	_ =	sdelay $0x3  }
0x96: {  	_ =	strace s2  }
0x97: {  	_ =	strace $0x8FFFFFFF  }
0x98: {  	s18 =	sld [smem:$0x3FDB];
	_ =	sdelay $0x1  }
0x99: {  	s19 =	simm.s32 $_scs_section_size  }
0x9a: {  	s4 =	simm.s32 $_size__tile_overlayer_lowered;
	s5 =	simm.s32 $_tile_overlayer_lowered  }
0x9b: {  	s22 =	simm.s32 $0x1BFF;
	s21 =	sshll.u32 s5, $0x1;
	s2 =	sadd.s32 s19, s18  }
0x9c: {  	s6 =	simm.s32 $0x0;
	s20 =	sshll.u32 s4, $0x1;
	s4 =	sadd.s32 s21, s2  }
0x9d: {  	[timem:s6], [sflag:s22] =	dma.local [hbm:s4], s20  }
0x9e: {  	_ =	swait.ge [sflag:s22], s20  }
0x9f: {  	s3 =	ssub.s32 $0x0, s20;
	[sflag:s22] =	ssyncset.done $0x0  }
0xa0: {  	[sflag:s22] =	ssyncadd.s32 s3;
	_ =	sdelay $0x1  }
0xa1: {  	s23 =	simm.s32 $0x1B8B  }
0xa2: {  	_ =	swait.ge [sflag:s23], $0x1  }
0xa3: {  	[sflag:s23] =	ssyncset.done $0x0  }
0xa4: {  	s25 =	simm.s32 $0x1B8E;
	s24 =	sld [smem:$0x3FFE];
	[sflag:s23] =	ssyncadd.s32 $0xFFFFFFFF  }
0xa5: {  	s26 =	simm.s32 $execute0_lowered;
	[smem:$0x3FD2] =	sst s25  }
0xa6: {  	s4 =	sshll.u32 s26, $0x1;
	_ =	strace $0x80000049;
	[dreg:$0x1] =	wrdreg $0xFFFFFFFF  }
0xa7: {  	s28 =	simm.s32 $_size_execute0_lowered;
	s2 =	sadd.s32 s2, s4;
	[dreg:$0x0] =	wrdreg $0x0  }
0xa8: {  	s4 =	sshll.u32 s28, $0x1;
	[dreg:$0x2] =	wrdreg s2  }
0xa9: {  	[dreg:$0x3] =	wrdreg s4  }
0xaa: {  	[dreg:$0x4] =	wrdreg $0xC0  }
0xab: {  	_ =	task [dreg:s6], $0x5FFFF  }
0xac: {  	[dreg:$0x1] =	wrdreg $0xFFFFFFFF  }
0xad: {  	[dreg:$0x0] =	wrdreg $0x60  }
0xae: {  	[dreg:$0x2] =	wrdreg s24  }
0xaf: {  	[dreg:$0x3] =	wrdreg $0x88000  }
0xb0: {  	[dreg:$0x4] =	wrdreg $0x9  }
0xb1: {  	_ =	task.clear_ibuf [dreg:s6], $0x5FFFF;
	_ =	strace $0x90000049  }
0xb2: {  	s29 =	simm.s32 $0x9;
	_ =	strace $0x8000004B  }
0xb3: {  	_ =	swait.ge [sflag:s29], $0x1  }
0xb4: {  	[sflag:s29] =	ssyncadd.s32 $0xFFFFFFFF  }
0xb5: {  	_ =	strace $0x9000004B  }
0xb6: {  	_ =	sfence  }
0xb7: {  	s30 =	sld [smem:$0x0];
	_ =	sdelay $0x2  }
0xb8: {  	s31 =	sshll.u32 s1, $0xD;
	s1 =	sshrl.u32 s1, $0x2  }
0xb9: {  	s3 =	sand.u32 $0x4000, s31;
	s1 =	sadd.s32 s1, s30  }
0xba: {  	s0 =	sor.u32 s3, s0;
	s1 =	sshll.u32 s1, $0x11  }
0xbb: {  	s0 =	sor.u32 s1, s0  }
0xbc: {  	s0 =	sadd.s32 $0x8F2B, s0  }
0xbd: {  	[sflag:s0] =	ssyncadd.remote.s32 $0x1  }
0xbe: {  	_ =	sfence.sel $0xFFFF  }
0xbf: {  	[dreg:$0x0] =	wrdreg $0xFFFFFFFF;
	(pc) =	sbr.abs _section_cstart, $3  }
0xc0: {  	[dreg:$0x1] =	wrdreg $0xFFFFFFFF  }
0xc1: {  	_ =	task.clear_ibuf [dreg:s6], $0x2FFFF;
	_ =	strace $0x9FFFFFFF  }
0xc2: {  	(tm) =	ssettm $0x7FFFFFFF  }
0xc3: {  	_ =	shalt  }
tec
execute0_lowered:
.L_overlay_start_1:
0x0: {  	(tag) =	ssettag $0x1  }
0x1: {  	s0 =	rddreg [dreg:$0x0]  }
0x2: {  	s2 =	rddreg [dreg:$0x1]  }
0x3: {  	s3 =	simm.s32 $0x0;
	s14 =	stileid.u32;
	s8 =	srdreg.scid  }
0x4: {  	s19 =	simm.s32 $0x11;
	s20 =	simm.s32 $0x80;
	s21 =	simm.s32 $0x800  }
0x5: {  	s28 =	simm.s32 $0x4800;
	s30 =	simm.s32 $0xA;
	s16 =	simm.s32 $0xF  }
0x6: {  	s17 =	simm.s32 $0x7;
	s31 =	simm.s32 $0x10;
	[smem:$0x7FF] =	sst s3  }
0x7: {  	s1 =	smul.u32 $0x13C00, s14;
	s5 =	sadd.s32 $0x18200, s0;
	s6 =	sadd.s32 $0x2C200, s0  }
0x8: {  	s4 =	sadd.s32 $0x4600, s0;
	s8 =	sand.u32 $0x1, s8;
	s12 =	smul.u32 $0xA000, s14  }
0x9: {  	s10 =	sadd.s32 $0x94000, s0;
	s22 =	sshll.u32 s14, $0x6;
	s26 =	smul.u32 $0x1400, s14  }
0xa: {  	s14 =	simm.s32 $0x6;
	_ =	strace $0x8000004A;
	s11 =	ssub.s32 $0x2, s8  }
0xb: {  	s15 =	sor.u32 $0x1C11, s22;
	p0 =	seq.s32 s8, $0x0;
	s22 =	simm.s32 $0x2  }
0xc: {  	s8 =	simm.s32 $0xB;
	s7 =	sshrl.u32 s1, $0x4;
	s13 =	sshrl.u32 s11, $0x1  }
0xd: {  	s1 =	sshrl.u32 s1, $0x1;
	s12 =	sshrl.u32 s12, $0x3;
	s4 =	smov.u32 @p0 s6  }
0xe: {  	s6 =	simm.s32 $0xC;
	[dreg:$0x5] =	wrdreg s15;
	s9 =	sadd.s32 s7, s0  }
0xf: {  	s0 =	sadd.s32 $0x80400, s0;
	s11 =	ssub.s32 s11, s13;
	s1 =	sadd.s32 s1, s2  }
0x10: {  	s12 =	sadd.s32 s5, s12;
	s13 =	sadd.s32 s26, s5;
	s26 =	simm.s32 $0x3  }
0x11: {  	s9 =	sadd.s32 $0x45000, s9;
	s23 =	sadd.s32 $0x20, s12;
	[dreg:$0x4] =	wrdreg s12  }
0x12: {  	s24 =	sadd.s32 $0x40, s12;
	s25 =	sadd.s32 $0x60, s12;
	[dreg:$0x3] =	wrdreg s9  }
0x13: {  	s29 =	smax.u32 s11, $0x1;
	s0 =	smov.u32 @p0 s10;
	[dreg:$0x6] =	wrdreg s23  }
0x14: {  	s18 =	sshrl.u32 s1, $0x3;
	s1 =	simm.s32 $0x6800;
	[dreg:$0x7] =	wrdreg s24  }
.Ltmp0:
0x15: {  	s10 =	simm.s32 $0xD;
	[dreg:$0x8] =	wrdreg s25;
	(pc) =	sbr.rel .LBB2_1-.Ltmp0, $4  }
0x16: {  	s11 =	simm.s32 $0x5;
	s12 =	simm.s32 $0x700;
	[dreg:$0x9] =	wrdreg s29  }
0x17: {  	s0 =	sadd.s32 s0, s7;
	s23 =	simm.s32 $0x2800;
	s25 =	simm.s32 $0x9  }
0x18: {  	s7 =	simm.s32 $0xE;
	s9 =	simm.s32 $0x8;
	[dreg:$0xb] =	wrdreg s18  }
0x19: {  	s24 =	simm.s32 $0x0;
	[dreg:$0xa] =	wrdreg s0;
	s0 =	simm.s32 $0x4  }
.LBB2_4:
0x1a: {  	_ =	swait.ge [sflag:s16], $0x2000  }
0x1b: {  	[sflag:s16] =	ssyncset.done $0x0  }
0x1c: {  	[sflag:s16] =	ssyncadd.s32 $0xFFFFE000  }
0x1d: {  	_ =	swait.ge [sflag:s31], $0x2000  }
0x1e: {  	[sflag:s31] =	ssyncset.done $0x0  }
0x1f: {  	[sflag:s31] =	ssyncadd.s32 $0xFFFFE000  }
0x20: {  	[bflag:$0x0] =	sbarrier.arrive $0xFFFF  }
0x21: {  	s15 =	rddreg [dreg:$0x5]  }
0x22: {  	s5 =	rddreg [dreg:$0xa]  }
0x23: {  	s19 =	simm.s32 $0x11;
	s18 =	rddreg [dreg:$0xb]  }
0x24: {  	[hbm:s5], [sflag:s15] =	dma.local [spmem:s18], $0x13C0  }
0x25: {  	_ =	swait.ge [sflag:s19], $0x13C0  }
0x26: {  	s24 =	rddreg [dreg:$0xc]  }
0x27: {  	s29 =	rddreg [dreg:$0x9];
	s24 =	sadd.s32 $0x1, s24  }
0x28: {  	p0 =	sne.s32 s24, s29  }
.Ltmp1:
0x29: {  	_ = 	snop;
	(pc) =	sbr.rel @!p0 .LBB2_5-.Ltmp1, $3  }
0x2a: {  	_ =	sdelay $0x1  }
0x2b: {  	[sflag:s19] =	ssyncset.done $0x0  }
0x2c: {  	[sflag:s19] =	ssyncadd.s32 $0xFFFFEC40  }
.LBB2_1:
0x2d: {  	[dreg:$0xc] =	wrdreg s24  }
0x2e: {  	s5 =	rddreg [dreg:$0x3]  }
0x2f: {  	[spmem:s18], [sflag:s15] =	dma.local [hbm:s5], $0x13C0  }
0x30: {  	_ =	swait.ge [sflag:s19], $0x13C0  }
0x31: {  	[sflag:s19] =	ssyncset.done $0x0  }
0x32: {  	[sflag:s19] =	ssyncadd.s32 $0xFFFFEC40  }
0x33: {  	[bflag:$0x0] =	sbarrier.arrive $0xFFFF  }
0x34: {  	s18 =	rddreg [dreg:$0x4]  }
0x35: {  	[tilespmem:s3], [sflag:$0x1] =	stream.linear.gather [hbm4b:s18+s3], $0x100, $0x38;
	[tilespmem:$0x12600] =	vst v63  }
0x36: {  	s15 =	simm.s32 $0x100;
	s19 =	rddreg [dreg:$0x6]  }
0x37: {  	[tilespmem:s15], [sflag:$0x2] =	stream.linear.gather [hbm4b:s19+s3], $0x100, $0x38;
	[tilespmem:$0x12600] =	vst v63  }
0x38: {  	s29 =	simm.s32 $0x200;
	s24 =	rddreg [dreg:$0x7]  }
0x39: {  	[tilespmem:s29], [sflag:$0x3] =	stream.linear.gather [hbm4b:s24+s3], $0x100, $0x38;
	[tilespmem:$0x12600] =	vst v63  }
0x3a: {  	s19 =	rddreg [dreg:$0x8];
	s24 =	simm.s32 $0x300;
	s29 =	simm.s32 $0x1  }
0x3b: {  	[tilespmem:s24], [sflag:$0x4] =	stream.linear.gather [hbm4b:s19+s3], $0x100, $0x38;
	[tilespmem:$0x12600] =	vst v63  }
0x3c: {  	_ =	swait.ge [sflag:s29], $0x100  }
0x3d: {  	[sflag:s29] =	ssyncset.done $0x0  }
0x3e: {  	[sflag:s29] =	ssyncadd.s32 $0xFFFFFF00  }
0x3f: {  	[tilespmem:s21], [sflag:$0x9] =	stream.indirect.gather [hbm4b:s4+s20], $0x40, s3, s20, $0xb8;
	[tilespmem:$0x12600] =	vst v63  }
0x40: {  	_ =	swait.ge [sflag:s22], $0x100  }
0x41: {  	[sflag:s22] =	ssyncset.done $0x0  }
0x42: {  	[sflag:s22] =	ssyncadd.s32 $0xFFFFFF00  }
0x43: {  	[tilespmem:s23], [sflag:$0xA] =	stream.indirect.gather [hbm4b:s4+s20], $0x40, s15, s20, $0xb8;
	[tilespmem:$0x12600] =	vst v63  }
0x44: {  	s15 =	simm.s32 $0x0  }
.LBB2_2:
0x45: {  	s18 =	sadd.s32 s15, s13  }
0x46: {  	s24 =	simm.s32 $0x400;
	s19 =	sadd.s32 $0x80, s18  }
0x47: {  	[tilespmem:s24], [sflag:$0x5] =	stream.linear.gather [hbm4b:s19+s3], $0x100, $0x38;
	[tilespmem:$0x12600] =	vst v63  }
0x48: {  	_ =	swait.ge [sflag:s25], $0x2000  }
0x49: {  	p0 =	seq.s32 s15, $0x0;
	[sflag:s25] =	ssyncset.done $0x0  }
0x4a: {  	s19 =	simm.s32 @!p0 $0xF;
	[sflag:s25] =	ssyncadd.s32 $0xFFFFE000  }
0x4b: {  	[spmem:s2] =	stream.indirect.scatter.add.bf16 [tilespmem:s21], [sflag:$0xD], $0x40, s20, s20, $0xb8;
	[tilespmem:$0x12600] =	vst v63  }
0x4c: {  	_ =	swait.ge @!p0 [sflag:s19], $0x2000  }
0x4d: {  	[sflag:s19] =	ssyncset.done @!p0 $0x0  }
0x4e: {  	[sflag:s19] =	ssyncadd.s32 @!p0 $0xFFFFE000  }
0x4f: {  	_ =	swait.ge [sflag:s26], $0x100  }
0x50: {  	[sflag:s26] =	ssyncset.done $0x0  }
0x51: {  	s5 =	simm.s32 $0x200;
	[sflag:s26] =	ssyncadd.s32 $0xFFFFFF00  }
0x52: {  	[tilespmem:s28], [sflag:$0xB] =	stream.indirect.gather [hbm4b:s4+s20], $0x40, s5, s20, $0xb8;
	[tilespmem:$0x12600] =	vst v63  }
0x53: {  	s29 =	simm.s32 $0x500;
	s5 =	sadd.s32 $0xA0, s18  }
0x54: {  	[tilespmem:s29], [sflag:$0x6] =	stream.linear.gather [hbm4b:s5+s3], $0x100, $0x38;
	[tilespmem:$0x12600] =	vst v63  }
0x55: {  	_ =	swait.ge [sflag:s30], $0x2000  }
0x56: {  	[sflag:s30] =	ssyncset.done $0x0  }
0x57: {  	s19 =	simm.s32 $0x180;
	[sflag:s30] =	ssyncadd.s32 $0xFFFFE000  }
0x58: {  	[spmem:s2] =	stream.indirect.scatter.add.bf16 [tilespmem:s23], [sflag:$0xE], $0x40, s19, s20, $0xb8;
	[tilespmem:$0x12600] =	vst v63  }
0x59: {  	s19 =	simm.s32 @!p0 $0x10  }
0x5a: {  	_ =	swait.ge @!p0 [sflag:s19], $0x2000  }
0x5b: {  	[sflag:s19] =	ssyncset.done @!p0 $0x0  }
0x5c: {  	[sflag:s19] =	ssyncadd.s32 @!p0 $0xFFFFE000  }
0x5d: {  	_ =	swait.ge [sflag:s0], $0x100  }
0x5e: {  	[sflag:s0] =	ssyncset.done $0x0  }
0x5f: {  	s19 =	simm.s32 $0x300;
	[sflag:s0] =	ssyncadd.s32 $0xFFFFFF00  }
0x60: {  	[tilespmem:s1], [sflag:$0xC] =	stream.indirect.gather [hbm4b:s4+s20], $0x40, s19, s20, $0xb8;
	[tilespmem:$0x12600] =	vst v63  }
0x61: {  	s5 =	simm.s32 $0x600;
	s19 =	sadd.s32 $0xC0, s18  }
0x62: {  	[tilespmem:s5], [sflag:$0x7] =	stream.linear.gather [hbm4b:s19+s3], $0x100, $0x38;
	[tilespmem:$0x12600] =	vst v63  }
0x63: {  	_ =	swait.ge [sflag:s8], $0x2000  }
0x64: {  	[sflag:s8] =	ssyncset.done $0x0  }
0x65: {  	s19 =	simm.s32 $0x280;
	[sflag:s8] =	ssyncadd.s32 $0xFFFFE000  }
0x66: {  	[spmem:s2] =	stream.indirect.scatter.add.bf16 [tilespmem:s28], [sflag:$0xF], $0x40, s19, s20, $0xb8;
	[tilespmem:$0x12600] =	vst v63  }
0x67: {  	_ =	swait.ge [sflag:s10], $0x2000  }
0x68: {  	[sflag:s10] =	ssyncset.done $0x0  }
0x69: {  	[sflag:s10] =	ssyncadd.s32 $0xFFFFE000  }
0x6a: {  	_ =	swait.ge [sflag:s11], $0x100  }
0x6b: {  	[sflag:s11] =	ssyncset.done $0x0  }
0x6c: {  	[sflag:s11] =	ssyncadd.s32 $0xFFFFFF00  }
0x6d: {  	[tilespmem:s21], [sflag:$0x9] =	stream.indirect.gather [hbm4b:s4+s20], $0x40, s24, s20, $0xb8;
	[tilespmem:$0x12600] =	vst v63  }
0x6e: {  	s18 =	sadd.s32 $0xE0, s18  }
0x6f: {  	[tilespmem:s12], [sflag:$0x8] =	stream.linear.gather [hbm4b:s18+s3], $0x100, $0x38;
	[tilespmem:$0x12600] =	vst v63  }
0x70: {  	_ =	swait.ge [sflag:s6], $0x2000  }
0x71: {  	[sflag:s6] =	ssyncset.done $0x0  }
0x72: {  	s24 =	simm.s32 $0x380;
	[sflag:s6] =	ssyncadd.s32 $0xFFFFE000  }
0x73: {  	[spmem:s2] =	stream.indirect.scatter.add.bf16 [tilespmem:s1], [sflag:$0x10], $0x40, s24, s20, $0xb8;
	[tilespmem:$0x12600] =	vst v63  }
0x74: {  	_ =	swait.ge [sflag:s7], $0x2000  }
0x75: {  	[sflag:s7] =	ssyncset.done $0x0  }
0x76: {  	[sflag:s7] =	ssyncadd.s32 $0xFFFFE000  }
0x77: {  	_ =	swait.ge [sflag:s14], $0x100  }
0x78: {  	p0 =	seq.s32 s15, $0x1300;
	[sflag:s14] =	ssyncset.done $0x0  }
0x79: {  	s18 =	sadd.s32 @!p0 s15, s13;
	[sflag:s14] =	ssyncadd.s32 $0xFFFFFF00  }
0x7a: {  	[tilespmem:s23], [sflag:$0xA] =	stream.indirect.gather [hbm4b:s4+s20], $0x40, s29, s20, $0xb8;
	[tilespmem:$0x12600] =	vst v63  }
0x7b: {  	s19 =	sadd.s32 @!p0 $0x100, s18;
	s24 =	simm.s32 @!p0 $0x0  }
0x7c: {  	[tilespmem:s24], [sflag:$0x1] =	stream.linear.gather @!p0 [hbm4b:s19+s24], $0x100, $0x38;
	[tilespmem:$0x12600] =	vst v63  }
0x7d: {  	_ =	swait.ge [sflag:s25], $0x2000  }
0x7e: {  	[sflag:s25] =	ssyncset.done $0x0  }
0x7f: {  	s29 =	simm.s32 $0x480;
	[sflag:s25] =	ssyncadd.s32 $0xFFFFE000  }
0x80: {  	[spmem:s2] =	stream.indirect.scatter.add.bf16 [tilespmem:s21], [sflag:$0xD], $0x40, s29, s20, $0xb8;
	[tilespmem:$0x12600] =	vst v63  }
0x81: {  	_ =	swait.ge [sflag:s16], $0x2000  }
0x82: {  	[sflag:s16] =	ssyncset.done $0x0  }
0x83: {  	[sflag:s16] =	ssyncadd.s32 $0xFFFFE000  }
0x84: {  	_ =	swait.ge [sflag:s17], $0x100  }
0x85: {  	[sflag:s17] =	ssyncset.done $0x0  }
0x86: {  	[sflag:s17] =	ssyncadd.s32 $0xFFFFFF00  }
0x87: {  	[tilespmem:s28], [sflag:$0xB] =	stream.indirect.gather [hbm4b:s4+s20], $0x40, s5, s20, $0xb8;
	[tilespmem:$0x12600] =	vst v63  }
0x88: {  	s19 =	sadd.s32 @!p0 $0x120, s18;
	s29 =	simm.s32 @!p0 $0x100  }
0x89: {  	[tilespmem:s29], [sflag:$0x2] =	stream.linear.gather @!p0 [hbm4b:s19+s24], $0x100, $0x38;
	[tilespmem:$0x12600] =	vst v63  }
0x8a: {  	_ =	swait.ge [sflag:s30], $0x2000  }
0x8b: {  	[sflag:s30] =	ssyncset.done $0x0  }
0x8c: {  	s19 =	simm.s32 $0x580;
	[sflag:s30] =	ssyncadd.s32 $0xFFFFE000  }
0x8d: {  	[spmem:s2] =	stream.indirect.scatter.add.bf16 [tilespmem:s23], [sflag:$0xE], $0x40, s19, s20, $0xb8;
	[tilespmem:$0x12600] =	vst v63  }
0x8e: {  	_ =	swait.ge [sflag:s31], $0x2000  }
0x8f: {  	[sflag:s31] =	ssyncset.done $0x0  }
0x90: {  	[sflag:s31] =	ssyncadd.s32 $0xFFFFE000  }
0x91: {  	_ =	swait.ge [sflag:s9], $0x100  }
0x92: {  	[sflag:s9] =	ssyncset.done $0x0  }
0x93: {  	s19 =	simm.s32 @p0 $0xB;
	[sflag:s9] =	ssyncadd.s32 $0xFFFFFF00  }
0x94: {  	[tilespmem:s1], [sflag:$0xC] =	stream.indirect.gather [hbm4b:s4+s20], $0x40, s12, s20, $0xb8;
	[tilespmem:$0x12600] =	vst v63  }
0x95: {  	_ =	swait.ge @p0 [sflag:s19], $0x2000  }
0x96: {  	s5 =	simm.s32 @p0 $0x4800;
	[sflag:s19] =	ssyncset.done @p0 $0x0  }
0x97: {  	s29 =	simm.s32 @p0 $0x680;
	[sflag:s19] =	ssyncadd.s32 @p0 $0xFFFFE000;
	s19 =	simm.s32 @p0 $0x80  }
0x98: {  	[spmem:s2] =	stream.indirect.scatter.add.bf16 @p0 [tilespmem:s5], [sflag:$0xF], $0x40, s29, s19, $0xb8;
	[tilespmem:$0x12600] =	vst v63  }
0x99: {  	s5 =	simm.s32 @p0 $0xD  }
0x9a: {  	_ =	swait.ge @p0 [sflag:s5], $0x2000  }
0x9b: {  	[sflag:s5] =	ssyncset.done @p0 $0x0  }
0x9c: {  	s19 =	simm.s32 @!p0 $0x200;
	[sflag:s5] =	ssyncadd.s32 @p0 $0xFFFFE000;
	s5 =	sadd.s32 @!p0 $0x140, s18  }
0x9d: {  	[tilespmem:s19], [sflag:$0x3] =	stream.linear.gather @!p0 [hbm4b:s5+s24], $0x100, $0x38;
	[tilespmem:$0x12600] =	vst v63  }
0x9e: {  	s5 =	simm.s32 @!p0 $0xB  }
0x9f: {  	_ =	swait.ge @!p0 [sflag:s5], $0x2000  }
0xa0: {  	s29 =	simm.s32 @!p0 $0x4800;
	[sflag:s5] =	ssyncset.done @!p0 $0x0  }
0xa1: {  	s19 =	simm.s32 @!p0 $0x680;
	[sflag:s5] =	ssyncadd.s32 @!p0 $0xFFFFE000;
	s5 =	simm.s32 @!p0 $0x80  }
0xa2: {  	[spmem:s2] =	stream.indirect.scatter.add.bf16 @!p0 [tilespmem:s29], [sflag:$0xF], $0x40, s19, s5, $0xb8;
	[tilespmem:$0x12600] =	vst v63  }
0xa3: {  	s19 =	simm.s32 @!p0 $0xD  }
0xa4: {  	_ =	swait.ge @!p0 [sflag:s19], $0x2000  }
0xa5: {  	[sflag:s19] =	ssyncset.done @!p0 $0x0  }
0xa6: {  	[sflag:s19] =	ssyncadd.s32 @!p0 $0xFFFFE000;
	s19 =	simm.s32 @!p0 $0x1  }
0xa7: {  	_ =	swait.ge @!p0 [sflag:s19], $0x100  }
0xa8: {  	[sflag:s19] =	ssyncset.done @!p0 $0x0  }
0xa9: {  	[sflag:s19] =	ssyncadd.s32 @!p0 $0xFFFFFF00;
	s19 =	simm.s32 @!p0 $0x800  }
0xaa: {  	[tilespmem:s19], [sflag:$0x9] =	stream.indirect.gather @!p0 [hbm4b:s4+s5], $0x40, s24, s5, $0xb8;
	[tilespmem:$0x12600] =	vst v63  }
0xab: {  	s5 =	sadd.s32 @!p0 $0x160, s18;
	s18 =	simm.s32 @!p0 $0x300  }
0xac: {  	[tilespmem:s18], [sflag:$0x4] =	stream.linear.gather @!p0 [hbm4b:s5+s24], $0x100, $0x38;
	[tilespmem:$0x12600] =	vst v63  }
0xad: {  	_ =	swait.ge [sflag:s6], $0x2000  }
0xae: {  	[sflag:s6] =	ssyncset.done $0x0  }
.Ltmp2:
0xaf: {  	s29 =	simm.s32 $0x780;
	[sflag:s6] =	ssyncadd.s32 $0xFFFFE000;
	(pc) =	sbr.rel @p0 .LBB2_4-.Ltmp2, $4  }
0xb0: {  	[spmem:s2] =	stream.indirect.scatter.add.bf16 [tilespmem:s1], [sflag:$0x10], $0x40, s29, s20, $0xb8;
	[tilespmem:$0x12600] =	vst v63  }
0xb1: {  	_ =	swait.ge [sflag:s7], $0x2000  }
0xb2: {  	[sflag:s7] =	ssyncset.done $0x0  }
0xb3: {  	[sflag:s7] =	ssyncadd.s32 $0xFFFFE000  }
.Ltmp3:
0xb4: {  	(pc) =	sbr.rel .LBB2_2-.Ltmp3, $4  }
0xb5: {  	_ =	swait.ge [sflag:s22], $0x100  }
0xb6: {  	[sflag:s22] =	ssyncset.done $0x0  }
0xb7: {  	s5 =	simm.s32 $0x100;
	s15 =	sadd.s32 $0x100, s15;
	[sflag:s22] =	ssyncadd.s32 $0xFFFFFF00  }
0xb8: {  	[tilespmem:s23], [sflag:$0xA] =	stream.indirect.gather [hbm4b:s4+s20], $0x40, s5, s20, $0xb8;
	[tilespmem:$0x12600] =	vst v63  }
.LBB2_5:
0xb9: {  	_ =	sfence.sel $0x180000  }
0xba: {  	[bflag:$0x0] =	sbarrier.arrive $0xFFFF  }
0xbb: {  	_ =	strace $0x9000004A  }
0xbc: {  	s0 =	stileid.u32;
	[bflag:$0x2] =	sbarrier.arrive $0xFFFF  }
0xbd: {  	p0 =	sne.s32 s0, $0x0;
	s0 =	rddreg [dreg:$0x2]  }
0xbe: {  	s0 =	sadd.s32 @!p0 $0x100000, s0  }
0xbf: {  	[sflag:s0] =	ssyncadd.tile.s32 @!p0 $0x1;
	_ =	shalt  }
.Lfunc_end2:
_tile_overlayer_lowered:
.L_overlay_start_2:
0xc0: {  	(tag) =	ssettag $0x2  }
0xc1: {  	s0 =	rddreg [dreg:$0x0];
	s2 =	stileid.u32  }
0xc2: {  	s1 =	rddreg [dreg:$0x1];
	p0 =	sne.s32 s2, $0x0  }
0xc3: {  	s3 =	rddreg [dreg:$0x2];
	[bflag:$0x3] =	sbarrier.arrive $0xFFFF;
	s2 =	simm.s32 @!p0 $0x1C11  }
0xc4: {  	[timem:s3], [sflag:s2] =	dma.local @!p0 [hbm:s0], s1  }
0xc5: {  	s0 =	simm.s32 @!p0 $0x11  }
0xc6: {  	_ =	swait.ge @!p0 [sflag:s0], s1  }
0xc7: {  	s1 =	ssub.s32 @!p0 $0x0, s1;
	[sflag:s0] =	ssyncset.done @!p0 $0x0  }
0xc8: {  	[sflag:s0] =	ssyncadd.s32 @!p0 s1  }
0xc9: {  	[bflag:$0x3] =	sbarrier.arrive $0xFFFF  }
0xca: {  	_ =	shalt  }

// kernel: kernel.14.cloned.1.call-start
scs
__scs_entry_jumppad:
0x0: {  	(pc) =	sbr.rel $0x88, $3  }
0x1: {  	(tag) =	ssettag $0x0;
	lr =	simm.s32 $0x1  }
0x2: {  	[smem:$0x3F92] =	sst lr;
	_ =	strace $0xD0000000  }
0x3: {  	_ = 	snop  }
0x4: {  	_ = 	snop  }
0x5: {  	_ = 	snop  }
0x6: {  	_ = 	snop  }
0x7: {  	_ = 	snop  }
__scs_overlays_trampoline_lowered:
0x8: {  	[smem:$0x3FA1] =	sst s0  }
0x9: {  	[smem:$0x3FA2] =	sst s1  }
0xa: {  	[smem:$0x3FA3] =	sst s2  }
0xb: {  	[smem:$0x3FA4] =	sst s3  }
0xc: {  	[smem:$0x3FA5] =	sst s4  }
0xd: {  	[smem:$0x3FA6] =	sst s5  }
0xe: {  	[smem:$0x3FA7] =	sst s6  }
0xf: {  	[smem:$0x3FA8] =	sst s7  }
0x10: {  	[smem:$0x3FA9] =	sst s8  }
0x11: {  	[smem:$0x3FAA] =	sst s9;
	s0 =	simm.s32 @!p0 $0x0  }
0x12: {  	s1 =	sld [smem:$0x3F90];
	s0 =	simm.s32 @p0 $0x1  }
0x13: {  	[smem:$0x3FAB] =	sst s0;
	s0 =	simm.s32 @!p1 $0x0  }
0x14: {  	s2 =	sld [smem:$0x3F8F];
	s0 =	simm.s32 @p1 $0x1  }
0x15: {  	[smem:$0x3FAC] =	sst s0;
	s0 =	simm.s32 @!p2 $0x0  }
0x16: {  	s3 =	sld [smem:$0x3FDB];
	s0 =	simm.s32 @p2 $0x1  }
0x17: {  	s4 =	simm.s32 $0x1BF5;
	[smem:$0x3FAE] =	sst s0  }
0x18: {  	s0 =	sld [smem:$0x3F91];
	_ =	swait.ge [sflag:s4], $0x0  }
0x19: {  	s7 =	sld [smem:$0x3F92]  }
0x1a: {  	s8 =	sadd.s32 $0xFFFFE003, lr  }
0x1b: {  	s9 =	sadd.s32 $0xFFFFFEF7, lr;
	s5 =	simm.s32 $0xFFFFFFFF;
	p2 =	slt.u32 s8, $0xFFFFF086  }
0x1c: {  	p1 =	slt.u32 s9, $0xF7A;
	s5 =	simm.s32 @!p2 $0x0  }
0x1d: {  	s5 =	simm.s32 @p1 $0x1;
	p0 =	seq.s32 s7, s2  }
0x1e: {  	s7 =	smul.u32 @!p0 $0xF7A, s2;
	p2 =	seq.s32 @!p0 s5, $0x0  }
0x1f: {  	s9 =	smul.u32 $0xF7A, s1;
	s8 =	simm.s32 @!p0 $0x1BF5;
	p2 =	por !p2, p0  }
0x20: {  	[sflag:s8] =	ssyncset.s32 @!p0 $0xFFFFF086;
	s6 =	sadd.s32 @!p0 s3, s7;
	s7 =	simm.s32 @!p0 $0x108  }
0x21: {  	s3 =	sadd.s32 s3, s9;
	s6 =	sadd.s32 @!p0 $0x88, s6;
	s7 =	simm.s32 @p2 $0x1082  }
0x22: {  	[simem:s7], [sflag:s8] =	dma.local @!p0 [hbm:s6], $0xF7A  }
0x23: {  	s9 =	sor.u32 $0xD0000000, s2;
	s6 =	simm.s32 $0x108;
	_ =	swait.ge @!p0 [sflag:s8], $0x0  }
0x24: {  	s3 =	sadd.s32 $0x88, s3;
	s6 =	simm.s32 @!p1 $0x1082;
	[sflag:s4] =	ssyncset.s32 $0xFFFFF086  }
0x25: {  	[simem:s6], [sflag:s4] =	dma.local [hbm:s3], $0xF7A  }
0x26: {  	[smem:$0x3F92] =	sst s1;
	(tag) =	ssettag s2;
	_ =	strace s9  }
0x27: {  	s1 =	sld [smem:$0x3FA2]  }
0x28: {  	s2 =	sld [smem:$0x3FA3]  }
0x29: {  	s4 =	sld [smem:$0x3FA5]  }
0x2a: {  	p0 =	seq.s32 s5, $0x0;
	s5 =	sld [smem:$0x3FA6]  }
0x2b: {  	s6 =	sld [smem:$0x3FA7]  }
0x2c: {  	s7 =	sld [smem:$0x3FA8]  }
0x2d: {  	s3 =	simm.s32 $0x108;
	s8 =	sld [smem:$0x3FA9]  }
0x2e: {  	s3 =	simm.s32 @!p0 $0x1082;
	s9 =	sld [smem:$0x3FAA]  }
0x2f: {  	lr =	sadd.s32 s0, s3;
	s0 =	sld [smem:$0x3FA1]  }
0x30: {  	s3 =	sld [smem:$0x3FA4]  }
0x31: {  	[smem:$0x3FAD] =	sst s10  }
0x32: {  	s10 =	sld [smem:$0x3FAB];
	_ =	sdelay $0x3  }
0x33: {  	p0 =	seq.s32 s10, $0x1;
	s10 =	sld [smem:$0x3FAD];
	_ =	sdelay $0x3  }
0x34: {  	[smem:$0x3FAD] =	sst s10  }
0x35: {  	s10 =	sld [smem:$0x3FAC];
	_ =	sdelay $0x3  }
0x36: {  	p1 =	seq.s32 s10, $0x1;
	s10 =	sld [smem:$0x3FAD];
	_ =	sdelay $0x3  }
0x37: {  	[smem:$0x3FAD] =	sst s10  }
0x38: {  	s10 =	sld [smem:$0x3FAE]  }
0x39: {  	_ = 	snop;
	(pc) =	sbr.ind lr, $3  }
0x3a: {  	_ = 	snop  }
0x3b: {  	_ = 	snop  }
0x3c: {  	p2 =	seq.s32 s10, $0x1;
	s10 =	sld [smem:$0x3FAD]  }
0x3d: {  	_ =	shalt  }
0x3e: {  	_ =	shalt  }
0x3f: {  	_ =	shalt  }
0x40: {  	_ =	shalt  }
0x41: {  	_ =	shalt  }
0x42: {  	_ =	shalt  }
0x43: {  	_ =	shalt  }
0x44: {  	_ =	shalt  }
0x45: {  	_ =	shalt  }
0x46: {  	_ =	shalt  }
0x47: {  	_ =	shalt  }
0x48: {  	_ =	shalt  }
0x49: {  	_ =	shalt  }
0x4a: {  	_ =	shalt  }
0x4b: {  	_ =	shalt  }
0x4c: {  	_ =	shalt  }
0x4d: {  	_ =	shalt  }
0x4e: {  	_ =	shalt  }
0x4f: {  	_ =	shalt  }
0x50: {  	_ =	shalt  }
0x51: {  	_ =	shalt  }
0x52: {  	_ =	shalt  }
0x53: {  	_ =	shalt  }
0x54: {  	_ =	shalt  }
0x55: {  	_ =	shalt  }
0x56: {  	_ =	shalt  }
0x57: {  	_ =	shalt  }
0x58: {  	_ =	shalt  }
0x59: {  	_ =	shalt  }
0x5a: {  	_ =	shalt  }
0x5b: {  	_ =	shalt  }
0x5c: {  	_ =	shalt  }
0x5d: {  	_ =	shalt  }
0x5e: {  	_ =	shalt  }
0x5f: {  	_ =	shalt  }
0x60: {  	_ =	shalt  }
0x61: {  	_ =	shalt  }
0x62: {  	_ =	shalt  }
0x63: {  	_ =	shalt  }
0x64: {  	_ =	shalt  }
0x65: {  	_ =	shalt  }
0x66: {  	_ =	shalt  }
0x67: {  	_ =	shalt  }
0x68: {  	_ =	shalt  }
0x69: {  	_ =	shalt  }
0x6a: {  	_ =	shalt  }
0x6b: {  	_ =	shalt  }
0x6c: {  	_ =	shalt  }
0x6d: {  	_ =	shalt  }
0x6e: {  	_ =	shalt  }
0x6f: {  	_ =	shalt  }
0x70: {  	_ =	shalt  }
0x71: {  	_ =	shalt  }
0x72: {  	_ =	shalt  }
0x73: {  	_ =	shalt  }
0x74: {  	_ =	shalt  }
0x75: {  	_ =	shalt  }
0x76: {  	_ =	shalt  }
0x77: {  	_ =	shalt  }
0x78: {  	_ =	shalt  }
0x79: {  	_ =	shalt  }
0x7a: {  	_ =	shalt  }
0x7b: {  	_ =	shalt  }
0x7c: {  	_ =	shalt  }
0x7d: {  	_ =	shalt  }
0x7e: {  	_ =	shalt  }
0x7f: {  	_ =	shalt  }
0x80: {  	_ =	shalt  }
0x81: {  	_ =	shalt  }
0x82: {  	_ =	shalt  }
0x83: {  	_ =	shalt  }
0x84: {  	_ =	shalt  }
0x85: {  	_ =	shalt  }
0x86: {  	_ =	shalt  }
0x87: {  	_ =	shalt  }
.Lfunc_end0:
.L_simem_size_0:
called_computation.2_lowered:
.L_overlay_start_0:
0x88: {  	s2 =	sld [smem:$0x3FD9]  }
0x89: {  	s3 =	sld [smem:$0x3FFE];
	_ =	sdelay $0x1  }
0x8a: {  	s1 =	srdreg.scid  }
0x8b: {  	s0 =	sand.u32 $0x1, s1  }
0x8c: {  	s17 =	sshll.u32 s0, $0xA;
	s2 =	sadd.s32 s3, s2  }
0x8d: {  	s2 =	sadd.s32 s2, s17  }
0x8e: {  	[smem:$0x3FB9] =	sst s2  }
0x8f: {  	_ = 	snop  }
0x90: {  	s2 =	sld [smem:$0x3FD0];
	(tm) =	ssettm $0x1  }
0x91: {  	s18 =	sld [smem:$0x3FFB];
	_ =	sdelay $0x3  }
0x92: {  	_ =	strace s18  }
0x93: {  	s3 =	sld [smem:$0x3FFC];
	_ =	sdelay $0x3  }
0x94: {  	_ =	strace s3  }
0x95: {  	s3 =	sld [smem:$0x3FFD];
	_ =	sdelay $0x3  }
0x96: {  	_ =	strace s3  }
0x97: {  	_ =	strace $0x8FFFFFFF  }
0x98: {  	s19 =	sld [smem:$0x3FDB];
	_ =	sdelay $0x1  }
0x99: {  	s4 =	simm.s32 $_scs_section_size  }
0x9a: {  	s5 =	simm.s32 $_size__tile_overlayer_lowered;
	s6 =	simm.s32 $_tile_overlayer_lowered  }
0x9b: {  	s22 =	simm.s32 $0x1BFF;
	s21 =	sshll.u32 s6, $0x1;
	s3 =	sadd.s32 s4, s19  }
0x9c: {  	s7 =	simm.s32 $0x0;
	s20 =	sshll.u32 s5, $0x1;
	s5 =	sadd.s32 s21, s3  }
0x9d: {  	[timem:s7], [sflag:s22] =	dma.local [hbm:s5], s20  }
0x9e: {  	_ =	swait.ge [sflag:s22], s20  }
0x9f: {  	s4 =	ssub.s32 $0x0, s20;
	[sflag:s22] =	ssyncset.done $0x0  }
0xa0: {  	[sflag:s22] =	ssyncadd.s32 s4;
	_ =	sdelay $0x1  }
0xa1: {  	s23 =	simm.s32 $0x1B8B  }
0xa2: {  	_ =	swait.ge [sflag:s23], $0x1  }
0xa3: {  	[sflag:s23] =	ssyncset.done $0x0  }
0xa4: {  	s25 =	simm.s32 $0x1B8E;
	s24 =	sld [smem:$0x3FFE];
	[sflag:s23] =	ssyncadd.s32 $0xFFFFFFFF  }
0xa5: {  	s26 =	simm.s32 $execute0_lowered;
	[smem:$0x3FD2] =	sst s25  }
0xa6: {  	s5 =	sshll.u32 s26, $0x1;
	_ =	strace $0x8000004C;
	[dreg:$0x1] =	wrdreg $0xFFFFFFFF  }
0xa7: {  	s28 =	simm.s32 $_size_execute0_lowered;
	s3 =	sadd.s32 s3, s5;
	[dreg:$0x0] =	wrdreg $0x0  }
0xa8: {  	s5 =	sshll.u32 s28, $0x1;
	[dreg:$0x2] =	wrdreg s3  }
0xa9: {  	[dreg:$0x3] =	wrdreg s5  }
0xaa: {  	[dreg:$0x4] =	wrdreg $0xC0  }
0xab: {  	_ =	task [dreg:s7], $0x5FFFF  }
0xac: {  	[dreg:$0x1] =	wrdreg $0xFFFFFFFF  }
0xad: {  	[dreg:$0x0] =	wrdreg $0x60  }
0xae: {  	[dreg:$0x2] =	wrdreg s24  }
0xaf: {  	[dreg:$0x3] =	wrdreg s2  }
0xb0: {  	[dreg:$0x4] =	wrdreg $0x28000  }
0xb1: {  	[dreg:$0x5] =	wrdreg $0x9  }
0xb2: {  	_ =	task.clear_ibuf [dreg:s7], $0x6FFFF;
	_ =	strace $0x9000004C  }
0xb3: {  	s29 =	simm.s32 $0x9;
	_ =	strace $0x8000004E  }
0xb4: {  	_ =	swait.ge [sflag:s29], $0x1  }
0xb5: {  	[sflag:s29] =	ssyncadd.s32 $0xFFFFFFFF  }
0xb6: {  	_ =	strace $0x9000004E  }
0xb7: {  	_ =	sfence  }
0xb8: {  	s30 =	sld [smem:$0x0];
	_ =	sdelay $0x2  }
0xb9: {  	s31 =	sshll.u32 s1, $0xD;
	s1 =	sshrl.u32 s1, $0x2  }
0xba: {  	s3 =	sand.u32 $0x4000, s31;
	s1 =	sadd.s32 s1, s30  }
0xbb: {  	s0 =	sor.u32 s3, s0;
	s1 =	sshll.u32 s1, $0x11  }
0xbc: {  	s0 =	sor.u32 s1, s0  }
0xbd: {  	s0 =	sadd.s32 $0x8F2B, s0  }
0xbe: {  	[sflag:s0] =	ssyncadd.remote.s32 $0x1  }
0xbf: {  	_ =	sfence.sel $0xFFFF  }
0xc0: {  	[dreg:$0x0] =	wrdreg $0xFFFFFFFF;
	(pc) =	sbr.abs _section_cstart, $3  }
0xc1: {  	[dreg:$0x1] =	wrdreg $0xFFFFFFFF  }
0xc2: {  	_ =	task.clear_ibuf [dreg:s7], $0x2FFFF;
	_ =	strace $0x9FFFFFFF  }
0xc3: {  	(tm) =	ssettm $0x7FFFFFFF  }
tec
execute0_lowered:
.L_overlay_start_1:
0x0: {  	(tag) =	ssettag $0x1  }
0x1: {  	s0 =	rddreg [dreg:$0x0]  }
0x2: {  	s3 =	rddreg [dreg:$0x1]  }
0x3: {  	s1 =	rddreg [dreg:$0x2];
	s2 =	simm.s32 $0x0;
	s4 =	srdreg.scid  }
0x4: {  	s13 =	stileid.u32;
	s19 =	simm.s32 $0x11;
	s20 =	simm.s32 $0x80  }
0x5: {  	s28 =	simm.s32 $0x1800;
	s30 =	simm.s32 $0xA;
	s14 =	simm.s32 $0x6  }
0x6: {  	s16 =	simm.s32 $0xF;
	s17 =	simm.s32 $0x7;
	s31 =	simm.s32 $0x10  }
0x7: {  	[smem:$0x7FF] =	sst s2;
	s5 =	sadd.s32 $0x18200, s0;
	s6 =	sadd.s32 $0x4600, s0  }
0x8: {  	s7 =	sand.u32 $0x1, s4;
	s4 =	sadd.s32 $0x9600, s0;
	s9 =	smul.u32 $0x4F00, s13  }
0x9: {  	s10 =	sadd.s32 $0xE600, s0;
	s12 =	smul.u32 $0xA000, s13;
	s0 =	sadd.s32 $0x2C200, s0  }
0xa: {  	s22 =	sshll.u32 s13, $0x6;
	s26 =	smul.u32 $0x1400, s13;
	_ =	strace $0x8000004D  }
0xb: {  	s8 =	ssub.s32 $0x2, s7;
	s15 =	sor.u32 $0x1C11, s22;
	p0 =	seq.s32 s7, $0x0  }
0xc: {  	s22 =	simm.s32 $0x2;
	s7 =	simm.s32 $0xE;
	s11 =	sshrl.u32 s8, $0x1  }
0xd: {  	s21 =	sshrl.u32 s9, $0x1;
	s9 =	sshrl.u32 s9, $0x4;
	s12 =	sshrl.u32 s12, $0x3  }
0xe: {  	s4 =	smov.u32 @p0 s6;
	s0 =	smov.u32 @p0 s10;
	s13 =	sadd.s32 s26, s5  }
0xf: {  	s26 =	simm.s32 $0x3;
	s10 =	simm.s32 $0xD;
	s6 =	simm.s32 $0xC  }
0x10: {  	[dreg:$0x6] =	wrdreg s15;
	s8 =	ssub.s32 s8, s11;
	s11 =	sadd.s32 s21, s1  }
0x11: {  	s3 =	sadd.s32 s3, s9;
	s12 =	sadd.s32 s5, s12;
	s0 =	sadd.s32 s0, s9  }
0x12: {  	s21 =	simm.s32 $0x800;
	s9 =	simm.s32 $0x8;
	[dreg:$0x4] =	wrdreg s3  }
0x13: {  	s23 =	sadd.s32 $0x20, s12;
	s24 =	sadd.s32 $0x40, s12;
	[dreg:$0x5] =	wrdreg s12  }
0x14: {  	s25 =	sadd.s32 $0x60, s12;
	s29 =	smax.u32 s8, $0x1;
	[dreg:$0xb] =	wrdreg s0  }
.Ltmp0:
0x15: {  	s18 =	sshrl.u32 s11, $0x3;
	[dreg:$0x7] =	wrdreg s23;
	(pc) =	sbr.rel .LBB2_1-.Ltmp0, $4  }
0x16: {  	s0 =	simm.s32 $0x4;
	s3 =	simm.s32 $0x2000;
	[dreg:$0x8] =	wrdreg s24  }
0x17: {  	s8 =	simm.s32 $0xB;
	s11 =	simm.s32 $0x5;
	[dreg:$0x9] =	wrdreg s25  }
0x18: {  	s12 =	simm.s32 $0x700;
	[dreg:$0xa] =	wrdreg s29;
	s23 =	simm.s32 $0x1000  }
0x19: {  	s25 =	simm.s32 $0x9;
	s24 =	simm.s32 $0x0;
	[dreg:$0xc] =	wrdreg s18  }
.LBB2_4:
0x1a: {  	_ =	swait.ge [sflag:s16], $0x800  }
0x1b: {  	[sflag:s16] =	ssyncset.done $0x0  }
0x1c: {  	[sflag:s16] =	ssyncadd.s32 $0xFFFFF800  }
0x1d: {  	_ =	swait.ge [sflag:s31], $0x800  }
0x1e: {  	[sflag:s31] =	ssyncset.done $0x0  }
0x1f: {  	[sflag:s31] =	ssyncadd.s32 $0xFFFFF800  }
0x20: {  	[bflag:$0x0] =	sbarrier.arrive $0xFFFF  }
0x21: {  	s15 =	rddreg [dreg:$0x6]  }
0x22: {  	s5 =	rddreg [dreg:$0xb]  }
0x23: {  	s19 =	simm.s32 $0x11;
	s18 =	rddreg [dreg:$0xc]  }
0x24: {  	[hbm:s5], [sflag:s15] =	dma.local [spmem:s18], $0x4F0  }
0x25: {  	_ =	swait.ge [sflag:s19], $0x4F0  }
0x26: {  	s24 =	rddreg [dreg:$0xd]  }
0x27: {  	s29 =	rddreg [dreg:$0xa];
	s24 =	sadd.s32 $0x1, s24  }
0x28: {  	p0 =	sne.s32 s24, s29  }
.Ltmp1:
0x29: {  	_ = 	snop;
	(pc) =	sbr.rel @!p0 .LBB2_5-.Ltmp1, $3  }
0x2a: {  	_ =	sdelay $0x1  }
0x2b: {  	[sflag:s19] =	ssyncset.done $0x0  }
0x2c: {  	[sflag:s19] =	ssyncadd.s32 $0xFFFFFB10  }
.LBB2_1:
0x2d: {  	[dreg:$0xd] =	wrdreg s24  }
0x2e: {  	s5 =	rddreg [dreg:$0x4]  }
0x2f: {  	[spmem:s18], [sflag:s15] =	dma.local [hbm:s5], $0x4F0  }
0x30: {  	_ =	swait.ge [sflag:s19], $0x4F0  }
0x31: {  	[sflag:s19] =	ssyncset.done $0x0  }
0x32: {  	[sflag:s19] =	ssyncadd.s32 $0xFFFFFB10  }
0x33: {  	[bflag:$0x0] =	sbarrier.arrive $0xFFFF  }
0x34: {  	s18 =	rddreg [dreg:$0x5]  }
0x35: {  	[tilespmem:s2], [sflag:$0x1] =	stream.linear.gather [hbm4b:s18+s2], $0x100, $0x38;
	[tilespmem:$0x4F80] =	vst v63  }
0x36: {  	s15 =	simm.s32 $0x100;
	s19 =	rddreg [dreg:$0x7]  }
0x37: {  	[tilespmem:s15], [sflag:$0x2] =	stream.linear.gather [hbm4b:s19+s2], $0x100, $0x38;
	[tilespmem:$0x4F80] =	vst v63  }
0x38: {  	s29 =	simm.s32 $0x200;
	s24 =	rddreg [dreg:$0x8]  }
0x39: {  	[tilespmem:s29], [sflag:$0x3] =	stream.linear.gather [hbm4b:s24+s2], $0x100, $0x38;
	[tilespmem:$0x4F80] =	vst v63  }
0x3a: {  	s19 =	rddreg [dreg:$0x9];
	s24 =	simm.s32 $0x300;
	s29 =	simm.s32 $0x1  }
0x3b: {  	[tilespmem:s24], [sflag:$0x4] =	stream.linear.gather [hbm4b:s19+s2], $0x100, $0x38;
	[tilespmem:$0x4F80] =	vst v63  }
0x3c: {  	_ =	swait.ge [sflag:s29], $0x100  }
0x3d: {  	[sflag:s29] =	ssyncset.done $0x0  }
0x3e: {  	[sflag:s29] =	ssyncadd.s32 $0xFFFFFF00  }
0x3f: {  	[tilespmem:s21], [sflag:$0x9] =	stream.indirect.gather [hbm4b:s4+s20], $0x10, s2, s20, $0xb8;
	[tilespmem:$0x4F80] =	vst v63  }
0x40: {  	_ =	swait.ge [sflag:s22], $0x100  }
0x41: {  	[sflag:s22] =	ssyncset.done $0x0  }
0x42: {  	[sflag:s22] =	ssyncadd.s32 $0xFFFFFF00  }
0x43: {  	[tilespmem:s23], [sflag:$0xA] =	stream.indirect.gather [hbm4b:s4+s20], $0x10, s15, s20, $0xb8;
	[tilespmem:$0x4F80] =	vst v63  }
0x44: {  	s15 =	simm.s32 $0x0  }
.LBB2_2:
0x45: {  	s18 =	sadd.s32 s15, s13  }
0x46: {  	s24 =	simm.s32 $0x400;
	s19 =	sadd.s32 $0x80, s18  }
0x47: {  	[tilespmem:s24], [sflag:$0x5] =	stream.linear.gather [hbm4b:s19+s2], $0x100, $0x38;
	[tilespmem:$0x4F80] =	vst v63  }
0x48: {  	_ =	swait.ge [sflag:s25], $0x800  }
0x49: {  	p0 =	seq.s32 s15, $0x0;
	[sflag:s25] =	ssyncset.done $0x0  }
0x4a: {  	s19 =	simm.s32 @!p0 $0xF;
	[sflag:s25] =	ssyncadd.s32 $0xFFFFF800  }
0x4b: {  	[spmem:s1] =	stream.indirect.scatter.add.bf16 [tilespmem:s21], [sflag:$0xD], $0x10, s20, s20, $0xb8;
	[tilespmem:$0x4F80] =	vst v63  }
0x4c: {  	_ =	swait.ge @!p0 [sflag:s19], $0x800  }
0x4d: {  	[sflag:s19] =	ssyncset.done @!p0 $0x0  }
0x4e: {  	[sflag:s19] =	ssyncadd.s32 @!p0 $0xFFFFF800  }
0x4f: {  	_ =	swait.ge [sflag:s26], $0x100  }
0x50: {  	[sflag:s26] =	ssyncset.done $0x0  }
0x51: {  	s5 =	simm.s32 $0x200;
	[sflag:s26] =	ssyncadd.s32 $0xFFFFFF00  }
0x52: {  	[tilespmem:s28], [sflag:$0xB] =	stream.indirect.gather [hbm4b:s4+s20], $0x10, s5, s20, $0xb8;
	[tilespmem:$0x4F80] =	vst v63  }
0x53: {  	s29 =	simm.s32 $0x500;
	s5 =	sadd.s32 $0xA0, s18  }
0x54: {  	[tilespmem:s29], [sflag:$0x6] =	stream.linear.gather [hbm4b:s5+s2], $0x100, $0x38;
	[tilespmem:$0x4F80] =	vst v63  }
0x55: {  	_ =	swait.ge [sflag:s30], $0x800  }
0x56: {  	[sflag:s30] =	ssyncset.done $0x0  }
0x57: {  	s19 =	simm.s32 $0x180;
	[sflag:s30] =	ssyncadd.s32 $0xFFFFF800  }
0x58: {  	[spmem:s1] =	stream.indirect.scatter.add.bf16 [tilespmem:s23], [sflag:$0xE], $0x10, s19, s20, $0xb8;
	[tilespmem:$0x4F80] =	vst v63  }
0x59: {  	s19 =	simm.s32 @!p0 $0x10  }
0x5a: {  	_ =	swait.ge @!p0 [sflag:s19], $0x800  }
0x5b: {  	[sflag:s19] =	ssyncset.done @!p0 $0x0  }
0x5c: {  	[sflag:s19] =	ssyncadd.s32 @!p0 $0xFFFFF800  }
0x5d: {  	_ =	swait.ge [sflag:s0], $0x100  }
0x5e: {  	[sflag:s0] =	ssyncset.done $0x0  }
0x5f: {  	s19 =	simm.s32 $0x300;
	[sflag:s0] =	ssyncadd.s32 $0xFFFFFF00  }
0x60: {  	[tilespmem:s3], [sflag:$0xC] =	stream.indirect.gather [hbm4b:s4+s20], $0x10, s19, s20, $0xb8;
	[tilespmem:$0x4F80] =	vst v63  }
0x61: {  	s5 =	simm.s32 $0x600;
	s19 =	sadd.s32 $0xC0, s18  }
0x62: {  	[tilespmem:s5], [sflag:$0x7] =	stream.linear.gather [hbm4b:s19+s2], $0x100, $0x38;
	[tilespmem:$0x4F80] =	vst v63  }
0x63: {  	_ =	swait.ge [sflag:s8], $0x800  }
0x64: {  	[sflag:s8] =	ssyncset.done $0x0  }
0x65: {  	s19 =	simm.s32 $0x280;
	[sflag:s8] =	ssyncadd.s32 $0xFFFFF800  }
0x66: {  	[spmem:s1] =	stream.indirect.scatter.add.bf16 [tilespmem:s28], [sflag:$0xF], $0x10, s19, s20, $0xb8;
	[tilespmem:$0x4F80] =	vst v63  }
0x67: {  	_ =	swait.ge [sflag:s10], $0x800  }
0x68: {  	[sflag:s10] =	ssyncset.done $0x0  }
0x69: {  	[sflag:s10] =	ssyncadd.s32 $0xFFFFF800  }
0x6a: {  	_ =	swait.ge [sflag:s11], $0x100  }
0x6b: {  	[sflag:s11] =	ssyncset.done $0x0  }
0x6c: {  	[sflag:s11] =	ssyncadd.s32 $0xFFFFFF00  }
0x6d: {  	[tilespmem:s21], [sflag:$0x9] =	stream.indirect.gather [hbm4b:s4+s20], $0x10, s24, s20, $0xb8;
	[tilespmem:$0x4F80] =	vst v63  }
0x6e: {  	s18 =	sadd.s32 $0xE0, s18  }
0x6f: {  	[tilespmem:s12], [sflag:$0x8] =	stream.linear.gather [hbm4b:s18+s2], $0x100, $0x38;
	[tilespmem:$0x4F80] =	vst v63  }
0x70: {  	_ =	swait.ge [sflag:s6], $0x800  }
0x71: {  	[sflag:s6] =	ssyncset.done $0x0  }
0x72: {  	s24 =	simm.s32 $0x380;
	[sflag:s6] =	ssyncadd.s32 $0xFFFFF800  }
0x73: {  	[spmem:s1] =	stream.indirect.scatter.add.bf16 [tilespmem:s3], [sflag:$0x10], $0x10, s24, s20, $0xb8;
	[tilespmem:$0x4F80] =	vst v63  }
0x74: {  	_ =	swait.ge [sflag:s7], $0x800  }
0x75: {  	[sflag:s7] =	ssyncset.done $0x0  }
0x76: {  	[sflag:s7] =	ssyncadd.s32 $0xFFFFF800  }
0x77: {  	_ =	swait.ge [sflag:s14], $0x100  }
0x78: {  	p0 =	seq.s32 s15, $0x1300;
	[sflag:s14] =	ssyncset.done $0x0  }
0x79: {  	s18 =	sadd.s32 @!p0 s15, s13;
	[sflag:s14] =	ssyncadd.s32 $0xFFFFFF00  }
0x7a: {  	[tilespmem:s23], [sflag:$0xA] =	stream.indirect.gather [hbm4b:s4+s20], $0x10, s29, s20, $0xb8;
	[tilespmem:$0x4F80] =	vst v63  }
0x7b: {  	s19 =	sadd.s32 @!p0 $0x100, s18;
	s24 =	simm.s32 @!p0 $0x0  }
0x7c: {  	[tilespmem:s24], [sflag:$0x1] =	stream.linear.gather @!p0 [hbm4b:s19+s24], $0x100, $0x38;
	[tilespmem:$0x4F80] =	vst v63  }
0x7d: {  	_ =	swait.ge [sflag:s25], $0x800  }
0x7e: {  	[sflag:s25] =	ssyncset.done $0x0  }
0x7f: {  	s29 =	simm.s32 $0x480;
	[sflag:s25] =	ssyncadd.s32 $0xFFFFF800  }
0x80: {  	[spmem:s1] =	stream.indirect.scatter.add.bf16 [tilespmem:s21], [sflag:$0xD], $0x10, s29, s20, $0xb8;
	[tilespmem:$0x4F80] =	vst v63  }
0x81: {  	_ =	swait.ge [sflag:s16], $0x800  }
0x82: {  	[sflag:s16] =	ssyncset.done $0x0  }
0x83: {  	[sflag:s16] =	ssyncadd.s32 $0xFFFFF800  }
0x84: {  	_ =	swait.ge [sflag:s17], $0x100  }
0x85: {  	[sflag:s17] =	ssyncset.done $0x0  }
0x86: {  	[sflag:s17] =	ssyncadd.s32 $0xFFFFFF00  }
0x87: {  	[tilespmem:s28], [sflag:$0xB] =	stream.indirect.gather [hbm4b:s4+s20], $0x10, s5, s20, $0xb8;
	[tilespmem:$0x4F80] =	vst v63  }
0x88: {  	s19 =	sadd.s32 @!p0 $0x120, s18;
	s29 =	simm.s32 @!p0 $0x100  }
0x89: {  	[tilespmem:s29], [sflag:$0x2] =	stream.linear.gather @!p0 [hbm4b:s19+s24], $0x100, $0x38;
	[tilespmem:$0x4F80] =	vst v63  }
0x8a: {  	_ =	swait.ge [sflag:s30], $0x800  }
0x8b: {  	[sflag:s30] =	ssyncset.done $0x0  }
0x8c: {  	s19 =	simm.s32 $0x580;
	[sflag:s30] =	ssyncadd.s32 $0xFFFFF800  }
0x8d: {  	[spmem:s1] =	stream.indirect.scatter.add.bf16 [tilespmem:s23], [sflag:$0xE], $0x10, s19, s20, $0xb8;
	[tilespmem:$0x4F80] =	vst v63  }
0x8e: {  	_ =	swait.ge [sflag:s31], $0x800  }
0x8f: {  	[sflag:s31] =	ssyncset.done $0x0  }
0x90: {  	[sflag:s31] =	ssyncadd.s32 $0xFFFFF800  }
0x91: {  	_ =	swait.ge [sflag:s9], $0x100  }
0x92: {  	[sflag:s9] =	ssyncset.done $0x0  }
0x93: {  	s19 =	simm.s32 @p0 $0xB;
	[sflag:s9] =	ssyncadd.s32 $0xFFFFFF00  }
0x94: {  	[tilespmem:s3], [sflag:$0xC] =	stream.indirect.gather [hbm4b:s4+s20], $0x10, s12, s20, $0xb8;
	[tilespmem:$0x4F80] =	vst v63  }
0x95: {  	_ =	swait.ge @p0 [sflag:s19], $0x800  }
0x96: {  	s5 =	simm.s32 @p0 $0x1800;
	[sflag:s19] =	ssyncset.done @p0 $0x0  }
0x97: {  	s29 =	simm.s32 @p0 $0x680;
	[sflag:s19] =	ssyncadd.s32 @p0 $0xFFFFF800;
	s19 =	simm.s32 @p0 $0x80  }
0x98: {  	[spmem:s1] =	stream.indirect.scatter.add.bf16 @p0 [tilespmem:s5], [sflag:$0xF], $0x10, s29, s19, $0xb8;
	[tilespmem:$0x4F80] =	vst v63  }
0x99: {  	s5 =	simm.s32 @p0 $0xD  }
0x9a: {  	_ =	swait.ge @p0 [sflag:s5], $0x800  }
0x9b: {  	[sflag:s5] =	ssyncset.done @p0 $0x0  }
0x9c: {  	s19 =	simm.s32 @!p0 $0x200;
	[sflag:s5] =	ssyncadd.s32 @p0 $0xFFFFF800;
	s5 =	sadd.s32 @!p0 $0x140, s18  }
0x9d: {  	[tilespmem:s19], [sflag:$0x3] =	stream.linear.gather @!p0 [hbm4b:s5+s24], $0x100, $0x38;
	[tilespmem:$0x4F80] =	vst v63  }
0x9e: {  	s5 =	simm.s32 @!p0 $0xB  }
0x9f: {  	_ =	swait.ge @!p0 [sflag:s5], $0x800  }
0xa0: {  	s29 =	simm.s32 @!p0 $0x1800;
	[sflag:s5] =	ssyncset.done @!p0 $0x0  }
0xa1: {  	s19 =	simm.s32 @!p0 $0x680;
	[sflag:s5] =	ssyncadd.s32 @!p0 $0xFFFFF800;
	s5 =	simm.s32 @!p0 $0x80  }
0xa2: {  	[spmem:s1] =	stream.indirect.scatter.add.bf16 @!p0 [tilespmem:s29], [sflag:$0xF], $0x10, s19, s5, $0xb8;
	[tilespmem:$0x4F80] =	vst v63  }
0xa3: {  	s19 =	simm.s32 @!p0 $0xD  }
0xa4: {  	_ =	swait.ge @!p0 [sflag:s19], $0x800  }
0xa5: {  	[sflag:s19] =	ssyncset.done @!p0 $0x0  }
0xa6: {  	[sflag:s19] =	ssyncadd.s32 @!p0 $0xFFFFF800;
	s19 =	simm.s32 @!p0 $0x1  }
0xa7: {  	_ =	swait.ge @!p0 [sflag:s19], $0x100  }
0xa8: {  	[sflag:s19] =	ssyncset.done @!p0 $0x0  }
0xa9: {  	[sflag:s19] =	ssyncadd.s32 @!p0 $0xFFFFFF00;
	s19 =	simm.s32 @!p0 $0x800  }
0xaa: {  	[tilespmem:s19], [sflag:$0x9] =	stream.indirect.gather @!p0 [hbm4b:s4+s5], $0x10, s24, s5, $0xb8;
	[tilespmem:$0x4F80] =	vst v63  }
0xab: {  	s5 =	sadd.s32 @!p0 $0x160, s18;
	s18 =	simm.s32 @!p0 $0x300  }
0xac: {  	[tilespmem:s18], [sflag:$0x4] =	stream.linear.gather @!p0 [hbm4b:s5+s24], $0x100, $0x38;
	[tilespmem:$0x4F80] =	vst v63  }
0xad: {  	_ =	swait.ge [sflag:s6], $0x800  }
0xae: {  	[sflag:s6] =	ssyncset.done $0x0  }
.Ltmp2:
0xaf: {  	s29 =	simm.s32 $0x780;
	[sflag:s6] =	ssyncadd.s32 $0xFFFFF800;
	(pc) =	sbr.rel @p0 .LBB2_4-.Ltmp2, $4  }
0xb0: {  	[spmem:s1] =	stream.indirect.scatter.add.bf16 [tilespmem:s3], [sflag:$0x10], $0x10, s29, s20, $0xb8;
	[tilespmem:$0x4F80] =	vst v63  }
0xb1: {  	_ =	swait.ge [sflag:s7], $0x800  }
0xb2: {  	[sflag:s7] =	ssyncset.done $0x0  }
0xb3: {  	[sflag:s7] =	ssyncadd.s32 $0xFFFFF800  }
.Ltmp3:
0xb4: {  	(pc) =	sbr.rel .LBB2_2-.Ltmp3, $4  }
0xb5: {  	_ =	swait.ge [sflag:s22], $0x100  }
0xb6: {  	[sflag:s22] =	ssyncset.done $0x0  }
0xb7: {  	s5 =	simm.s32 $0x100;
	s15 =	sadd.s32 $0x100, s15;
	[sflag:s22] =	ssyncadd.s32 $0xFFFFFF00  }
0xb8: {  	[tilespmem:s23], [sflag:$0xA] =	stream.indirect.gather [hbm4b:s4+s20], $0x10, s5, s20, $0xb8;
	[tilespmem:$0x4F80] =	vst v63  }
.LBB2_5:
0xb9: {  	_ =	sfence.sel $0x180000  }
0xba: {  	[bflag:$0x0] =	sbarrier.arrive $0xFFFF  }
0xbb: {  	_ =	strace $0x9000004D  }
0xbc: {  	s0 =	stileid.u32;
	[bflag:$0x2] =	sbarrier.arrive $0xFFFF  }
0xbd: {  	p0 =	sne.s32 s0, $0x0;
	s0 =	rddreg [dreg:$0x3]  }
0xbe: {  	s0 =	sadd.s32 @!p0 $0x100000, s0  }
0xbf: {  	[sflag:s0] =	ssyncadd.tile.s32 @!p0 $0x1;
	_ =	shalt  }
.Lfunc_end2:
_tile_overlayer_lowered:
.L_overlay_start_2:
0xc0: {  	(tag) =	ssettag $0x2  }
0xc1: {  	s0 =	rddreg [dreg:$0x0];
	s2 =	stileid.u32  }
0xc2: {  	s1 =	rddreg [dreg:$0x1];
	p0 =	sne.s32 s2, $0x0  }
0xc3: {  	s3 =	rddreg [dreg:$0x2];
	[bflag:$0x3] =	sbarrier.arrive $0xFFFF;
	s2 =	simm.s32 @!p0 $0x1C11  }
0xc4: {  	[timem:s3], [sflag:s2] =	dma.local @!p0 [hbm:s0], s1  }
0xc5: {  	s0 =	simm.s32 @!p0 $0x11  }
0xc6: {  	_ =	swait.ge @!p0 [sflag:s0], s1  }
0xc7: {  	s1 =	ssub.s32 @!p0 $0x0, s1;
	[sflag:s0] =	ssyncset.done @!p0 $0x0  }
0xc8: {  	[sflag:s0] =	ssyncadd.s32 @!p0 s1  }
0xc9: {  	[bflag:$0x3] =	sbarrier.arrive $0xFFFF  }
0xca: {  	_ =	shalt  }

// kernel: kernel.8.cloned.1.call-start
scs
__scs_entry_jumppad:
0x0: {  	(pc) =	sbr.rel $0x88, $3  }
0x1: {  	(tag) =	ssettag $0x0;
	lr =	simm.s32 $0x1  }
0x2: {  	[smem:$0x3F92] =	sst lr;
	_ =	strace $0xD0000000  }
0x3: {  	_ = 	snop  }
0x4: {  	_ = 	snop  }
0x5: {  	_ = 	snop  }
0x6: {  	_ = 	snop  }
0x7: {  	_ = 	snop  }
__scs_overlays_trampoline_lowered:
0x8: {  	[smem:$0x3FA1] =	sst s0  }
0x9: {  	[smem:$0x3FA2] =	sst s1  }
0xa: {  	[smem:$0x3FA3] =	sst s2  }
0xb: {  	[smem:$0x3FA4] =	sst s3  }
0xc: {  	[smem:$0x3FA5] =	sst s4  }
0xd: {  	[smem:$0x3FA6] =	sst s5  }
0xe: {  	[smem:$0x3FA7] =	sst s6  }
0xf: {  	[smem:$0x3FA8] =	sst s7  }
0x10: {  	[smem:$0x3FA9] =	sst s8  }
0x11: {  	[smem:$0x3FAA] =	sst s9;
	s0 =	simm.s32 @!p0 $0x0  }
0x12: {  	s1 =	sld [smem:$0x3F90];
	s0 =	simm.s32 @p0 $0x1  }
0x13: {  	[smem:$0x3FAB] =	sst s0;
	s0 =	simm.s32 @!p1 $0x0  }
0x14: {  	s2 =	sld [smem:$0x3F8F];
	s0 =	simm.s32 @p1 $0x1  }
0x15: {  	[smem:$0x3FAC] =	sst s0;
	s0 =	simm.s32 @!p2 $0x0  }
0x16: {  	s3 =	sld [smem:$0x3FDB];
	s0 =	simm.s32 @p2 $0x1  }
0x17: {  	s4 =	simm.s32 $0x1BF5;
	[smem:$0x3FAE] =	sst s0  }
0x18: {  	s0 =	sld [smem:$0x3F91];
	_ =	swait.ge [sflag:s4], $0x0  }
0x19: {  	s7 =	sld [smem:$0x3F92]  }
0x1a: {  	s8 =	sadd.s32 $0xFFFFE003, lr  }
0x1b: {  	s9 =	sadd.s32 $0xFFFFFEF7, lr;
	s5 =	simm.s32 $0xFFFFFFFF;
	p2 =	slt.u32 s8, $0xFFFFF086  }
0x1c: {  	p1 =	slt.u32 s9, $0xF7A;
	s5 =	simm.s32 @!p2 $0x0  }
0x1d: {  	s5 =	simm.s32 @p1 $0x1;
	p0 =	seq.s32 s7, s2  }
0x1e: {  	s7 =	smul.u32 @!p0 $0xF7A, s2;
	p2 =	seq.s32 @!p0 s5, $0x0  }
0x1f: {  	s9 =	smul.u32 $0xF7A, s1;
	s8 =	simm.s32 @!p0 $0x1BF5;
	p2 =	por !p2, p0  }
0x20: {  	[sflag:s8] =	ssyncset.s32 @!p0 $0xFFFFF086;
	s6 =	sadd.s32 @!p0 s3, s7;
	s7 =	simm.s32 @!p0 $0x108  }
0x21: {  	s3 =	sadd.s32 s3, s9;
	s6 =	sadd.s32 @!p0 $0x88, s6;
	s7 =	simm.s32 @p2 $0x1082  }
0x22: {  	[simem:s7], [sflag:s8] =	dma.local @!p0 [hbm:s6], $0xF7A  }
0x23: {  	s9 =	sor.u32 $0xD0000000, s2;
	s6 =	simm.s32 $0x108;
	_ =	swait.ge @!p0 [sflag:s8], $0x0  }
0x24: {  	s3 =	sadd.s32 $0x88, s3;
	s6 =	simm.s32 @!p1 $0x1082;
	[sflag:s4] =	ssyncset.s32 $0xFFFFF086  }
0x25: {  	[simem:s6], [sflag:s4] =	dma.local [hbm:s3], $0xF7A  }
0x26: {  	[smem:$0x3F92] =	sst s1;
	(tag) =	ssettag s2;
	_ =	strace s9  }
0x27: {  	s1 =	sld [smem:$0x3FA2]  }
0x28: {  	s2 =	sld [smem:$0x3FA3]  }
0x29: {  	s4 =	sld [smem:$0x3FA5]  }
0x2a: {  	p0 =	seq.s32 s5, $0x0;
	s5 =	sld [smem:$0x3FA6]  }
0x2b: {  	s6 =	sld [smem:$0x3FA7]  }
0x2c: {  	s7 =	sld [smem:$0x3FA8]  }
0x2d: {  	s3 =	simm.s32 $0x108;
	s8 =	sld [smem:$0x3FA9]  }
0x2e: {  	s3 =	simm.s32 @!p0 $0x1082;
	s9 =	sld [smem:$0x3FAA]  }
0x2f: {  	lr =	sadd.s32 s0, s3;
	s0 =	sld [smem:$0x3FA1]  }
0x30: {  	s3 =	sld [smem:$0x3FA4]  }
0x31: {  	[smem:$0x3FAD] =	sst s10  }
0x32: {  	s10 =	sld [smem:$0x3FAB];
	_ =	sdelay $0x3  }
0x33: {  	p0 =	seq.s32 s10, $0x1;
	s10 =	sld [smem:$0x3FAD];
	_ =	sdelay $0x3  }
0x34: {  	[smem:$0x3FAD] =	sst s10  }
0x35: {  	s10 =	sld [smem:$0x3FAC];
	_ =	sdelay $0x3  }
0x36: {  	p1 =	seq.s32 s10, $0x1;
	s10 =	sld [smem:$0x3FAD];
	_ =	sdelay $0x3  }
0x37: {  	[smem:$0x3FAD] =	sst s10  }
0x38: {  	s10 =	sld [smem:$0x3FAE]  }
0x39: {  	_ = 	snop;
	(pc) =	sbr.ind lr, $3  }
0x3a: {  	_ = 	snop  }
0x3b: {  	_ = 	snop  }
0x3c: {  	p2 =	seq.s32 s10, $0x1;
	s10 =	sld [smem:$0x3FAD]  }
0x3d: {  	_ =	shalt  }
0x3e: {  	_ =	shalt  }
0x3f: {  	_ =	shalt  }
0x40: {  	_ =	shalt  }
0x41: {  	_ =	shalt  }
0x42: {  	_ =	shalt  }
0x43: {  	_ =	shalt  }
0x44: {  	_ =	shalt  }
0x45: {  	_ =	shalt  }
0x46: {  	_ =	shalt  }
0x47: {  	_ =	shalt  }
0x48: {  	_ =	shalt  }
0x49: {  	_ =	shalt  }
0x4a: {  	_ =	shalt  }
0x4b: {  	_ =	shalt  }
0x4c: {  	_ =	shalt  }
0x4d: {  	_ =	shalt  }
0x4e: {  	_ =	shalt  }
0x4f: {  	_ =	shalt  }
0x50: {  	_ =	shalt  }
0x51: {  	_ =	shalt  }
0x52: {  	_ =	shalt  }
0x53: {  	_ =	shalt  }
0x54: {  	_ =	shalt  }
0x55: {  	_ =	shalt  }
0x56: {  	_ =	shalt  }
0x57: {  	_ =	shalt  }
0x58: {  	_ =	shalt  }
0x59: {  	_ =	shalt  }
0x5a: {  	_ =	shalt  }
0x5b: {  	_ =	shalt  }
0x5c: {  	_ =	shalt  }
0x5d: {  	_ =	shalt  }
0x5e: {  	_ =	shalt  }
0x5f: {  	_ =	shalt  }
0x60: {  	_ =	shalt  }
0x61: {  	_ =	shalt  }
0x62: {  	_ =	shalt  }
0x63: {  	_ =	shalt  }
0x64: {  	_ =	shalt  }
0x65: {  	_ =	shalt  }
0x66: {  	_ =	shalt  }
0x67: {  	_ =	shalt  }
0x68: {  	_ =	shalt  }
0x69: {  	_ =	shalt  }
0x6a: {  	_ =	shalt  }
0x6b: {  	_ =	shalt  }
0x6c: {  	_ =	shalt  }
0x6d: {  	_ =	shalt  }
0x6e: {  	_ =	shalt  }
0x6f: {  	_ =	shalt  }
0x70: {  	_ =	shalt  }
0x71: {  	_ =	shalt  }
0x72: {  	_ =	shalt  }
0x73: {  	_ =	shalt  }
0x74: {  	_ =	shalt  }
0x75: {  	_ =	shalt  }
0x76: {  	_ =	shalt  }
0x77: {  	_ =	shalt  }
0x78: {  	_ =	shalt  }
0x79: {  	_ =	shalt  }
0x7a: {  	_ =	shalt  }
0x7b: {  	_ =	shalt  }
0x7c: {  	_ =	shalt  }
0x7d: {  	_ =	shalt  }
0x7e: {  	_ =	shalt  }
0x7f: {  	_ =	shalt  }
0x80: {  	_ =	shalt  }
0x81: {  	_ =	shalt  }
0x82: {  	_ =	shalt  }
0x83: {  	_ =	shalt  }
0x84: {  	_ =	shalt  }
0x85: {  	_ =	shalt  }
0x86: {  	_ =	shalt  }
0x87: {  	_ =	shalt  }
.Lfunc_end0:
.L_simem_size_0:
called_computation_lowered:
.L_overlay_start_0:
0x88: {  	s2 =	sld [smem:$0x3FD9]  }
0x89: {  	s3 =	sld [smem:$0x3FFE];
	_ =	sdelay $0x1  }
0x8a: {  	s1 =	srdreg.scid  }
0x8b: {  	s0 =	sand.u32 $0x1, s1  }
0x8c: {  	s17 =	sshll.u32 s0, $0xA;
	s2 =	sadd.s32 s3, s2  }
0x8d: {  	s2 =	sadd.s32 s2, s17  }
0x8e: {  	[smem:$0x3FB9] =	sst s2  }
0x8f: {  	_ = 	snop  }
0x90: {  	s2 =	sld [smem:$0x3FD0];
	(tm) =	ssettm $0x1  }
0x91: {  	s18 =	sld [smem:$0x3FFB];
	_ =	sdelay $0x3  }
0x92: {  	_ =	strace s18  }
0x93: {  	s3 =	sld [smem:$0x3FFC];
	_ =	sdelay $0x3  }
0x94: {  	_ =	strace s3  }
0x95: {  	s3 =	sld [smem:$0x3FFD];
	_ =	sdelay $0x3  }
0x96: {  	_ =	strace s3  }
0x97: {  	_ =	strace $0x8FFFFFFF  }
0x98: {  	s19 =	sld [smem:$0x3FDB];
	_ =	sdelay $0x1  }
0x99: {  	s4 =	simm.s32 $_scs_section_size  }
0x9a: {  	s5 =	simm.s32 $_size__tile_overlayer_lowered;
	s6 =	simm.s32 $_tile_overlayer_lowered  }
0x9b: {  	s22 =	simm.s32 $0x1BFF;
	s21 =	sshll.u32 s6, $0x1;
	s3 =	sadd.s32 s4, s19  }
0x9c: {  	s7 =	simm.s32 $0x0;
	s20 =	sshll.u32 s5, $0x1;
	s5 =	sadd.s32 s21, s3  }
0x9d: {  	[timem:s7], [sflag:s22] =	dma.local [hbm:s5], s20  }
0x9e: {  	_ =	swait.ge [sflag:s22], s20  }
0x9f: {  	s4 =	ssub.s32 $0x0, s20;
	[sflag:s22] =	ssyncset.done $0x0  }
0xa0: {  	[sflag:s22] =	ssyncadd.s32 s4;
	_ =	sdelay $0x1  }
0xa1: {  	s23 =	simm.s32 $0x1B8B  }
0xa2: {  	_ =	swait.ge [sflag:s23], $0x1  }
0xa3: {  	[sflag:s23] =	ssyncset.done $0x0  }
0xa4: {  	s25 =	simm.s32 $0x1B8E;
	s24 =	sld [smem:$0x3FFE];
	[sflag:s23] =	ssyncadd.s32 $0xFFFFFFFF  }
0xa5: {  	s26 =	simm.s32 $execute0_lowered;
	[smem:$0x3FD2] =	sst s25  }
0xa6: {  	s5 =	sshll.u32 s26, $0x1;
	_ =	strace $0x80000046;
	[dreg:$0x1] =	wrdreg $0xFFFFFFFF  }
0xa7: {  	s28 =	simm.s32 $_size_execute0_lowered;
	s3 =	sadd.s32 s3, s5;
	[dreg:$0x0] =	wrdreg $0x0  }
0xa8: {  	s5 =	sshll.u32 s28, $0x1;
	[dreg:$0x2] =	wrdreg s3  }
0xa9: {  	[dreg:$0x3] =	wrdreg s5  }
0xaa: {  	[dreg:$0x4] =	wrdreg $0xC0  }
0xab: {  	_ =	task [dreg:s7], $0x5FFFF  }
0xac: {  	[dreg:$0x1] =	wrdreg $0xFFFFFFFF  }
0xad: {  	[dreg:$0x0] =	wrdreg $0x60  }
0xae: {  	[dreg:$0x2] =	wrdreg s24  }
0xaf: {  	[dreg:$0x3] =	wrdreg s2  }
0xb0: {  	[dreg:$0x4] =	wrdreg $0x48000  }
0xb1: {  	[dreg:$0x5] =	wrdreg $0x9B000  }
0xb2: {  	[dreg:$0x6] =	wrdreg $0x9  }
0xb3: {  	_ =	task.clear_ibuf [dreg:s7], $0x7FFFF;
	_ =	strace $0x90000046  }
0xb4: {  	s29 =	simm.s32 $0x9;
	_ =	strace $0x80000048  }
0xb5: {  	_ =	swait.ge [sflag:s29], $0x1  }
0xb6: {  	[sflag:s29] =	ssyncadd.s32 $0xFFFFFFFF  }
0xb7: {  	_ =	strace $0x90000048  }
0xb8: {  	_ =	sfence  }
0xb9: {  	s30 =	sld [smem:$0x0];
	_ =	sdelay $0x2  }
0xba: {  	s31 =	sshll.u32 s1, $0xD;
	s1 =	sshrl.u32 s1, $0x2  }
0xbb: {  	s3 =	sand.u32 $0x4000, s31;
	s1 =	sadd.s32 s1, s30  }
0xbc: {  	s0 =	sor.u32 s3, s0;
	s1 =	sshll.u32 s1, $0x11  }
0xbd: {  	s0 =	sor.u32 s1, s0  }
0xbe: {  	s0 =	sadd.s32 $0x8F2B, s0  }
0xbf: {  	[sflag:s0] =	ssyncadd.remote.s32 $0x1  }
0xc0: {  	_ =	sfence.sel $0xFFFF  }
0xc1: {  	[dreg:$0x0] =	wrdreg $0xFFFFFFFF;
	(pc) =	sbr.abs _section_cstart, $3  }
0xc2: {  	[dreg:$0x1] =	wrdreg $0xFFFFFFFF  }
0xc3: {  	_ =	task.clear_ibuf [dreg:s7], $0x2FFFF;
	_ =	strace $0x9FFFFFFF  }
0xc4: {  	(tm) =	ssettm $0x7FFFFFFF  }
0xc5: {  	_ =	shalt  }
tec
execute0_lowered:
.L_overlay_start_1:
0x0: {  	(tag) =	ssettag $0x1  }
0x1: {  	s0 =	rddreg [dreg:$0x0]  }
0x2: {  	s1 =	rddreg [dreg:$0x1]  }
0x3: {  	s2 =	rddreg [dreg:$0x2]  }
0x4: {  	s3 =	rddreg [dreg:$0x3]  }
0x5: {  	s4 =	simm.s32 $0x0;
	s15 =	stileid.u32;
	s25 =	srdreg.scid  }
0x6: {  	s29 =	simm.s32 $0x80;
	s30 =	simm.s32 $0x800;
	s5 =	smul.u32 $0x9E00, s15  }
0x7: {  	s28 =	simm.s32 $0xD;
	[smem:$0x7FF] =	sst s4;
	s6 =	smul.u32 $0x13C0, s15  }
0x8: {  	s7 =	sadd.s32 $0x18200, s0;
	s8 =	sadd.s32 $0x2EA00, s0;
	s14 =	smul.u32 $0xA000, s15  }
0x9: {  	s16 =	sshll.u32 s15, $0x6;
	s23 =	smul.u32 $0x1400, s15;
	s15 =	simm.s32 $0x600  }
0xa: {  	_ =	strace $0x80000047;
	[dreg:$0x5] =	wrdreg s8;
	s8 =	sand.u32 $0x1, s25  }
0xb: {  	s31 =	sor.u32 $0x1C12, s16;
	s16 =	simm.s32 $0x3800;
	s9 =	sshrl.u32 s5, $0x4  }
0xc: {  	s10 =	sshrl.u32 s6, $0x3;
	s12 =	ssub.s32 $0x2, s8;
	s5 =	sshrl.u32 s5, $0x1  }
0xd: {  	s17 =	sshrl.u32 s14, $0x3;
	s14 =	sadd.s32 s6, s3;
	p0 =	seq.s32 s8, $0x0  }
0xe: {  	s6 =	simm.s32 $0x0;
	[dreg:$0x8] =	wrdreg s31;
	s11 =	sadd.s32 s9, s0  }
0xf: {  	s10 =	sadd.s32 s10, s0;
	s13 =	sshrl.u32 s12, $0x1;
	s26 =	sadd.s32 s5, s2  }
0x10: {  	s1 =	sadd.s32 s1, s9;
	s5 =	simm.s32 $0x9;
	[dreg:$0x9] =	wrdreg s14  }
0x11: {  	s12 =	ssub.s32 s12, s13;
	[dreg:$0x7] =	wrdreg s1;
	s18 =	sadd.s32 $0x2C200, s10  }
0x12: {  	s1 =	sadd.s32 s7, s17;
	s21 =	sadd.s32 $0x31400, s11;
	[dreg:$0x6] =	wrdreg s26  }
0x13: {  	s22 =	sadd.s32 $0x3B200, s11;
	s24 =	sadd.s32 $0x2EC00, s10;
	[dreg:$0xa] =	wrdreg s18  }
0x14: {  	s26 =	sshrl.u32 s26, $0x3;
	s10 =	simm.s32 $0x2800;
	[dreg:$0xb] =	wrdreg s1  }
0x15: {  	s13 =	simm.s32 $0xA;
	s11 =	simm.s32 $0x11;
	[dreg:$0xf] =	wrdreg s21  }
0x16: {  	s17 =	simm.s32 $0x10;
	s19 =	sadd.s32 $0x20, s1;
	[dreg:$0x10] =	wrdreg s22  }
0x17: {  	s20 =	sadd.s32 $0x40, s1;
	s1 =	sadd.s32 $0x60, s1;
	[dreg:$0x11] =	wrdreg s24  }
0x18: {  	s25 =	smax.u32 s12, $0x1;
	[dreg:$0x13] =	wrdreg s26;
	s18 =	simm.s32 $0xB  }
0x19: {  	s22 =	simm.s32 $0xC;
	s24 =	simm.s32 $0xE;
	[dreg:$0xc] =	wrdreg s19  }
.Ltmp0:
0x1a: {  	s12 =	simm.s32 $0x7;
	[dreg:$0xd] =	wrdreg s20;
	(pc) =	sbr.rel .LBB2_1-.Ltmp0, $4  }
0x1b: {  	s21 =	simm.s32 $0x8;
	[dreg:$0xe] =	wrdreg s1;
	s1 =	simm.s32 $0xE400  }
0x1c: {  	[dreg:$0x12] =	wrdreg s25;
	s20 =	sadd.s32 s23, s7;
	s23 =	simm.s32 $0x9700  }
0x1d: {  	s25 =	simm.s32 $0x6;
	s1 =	simm.s32 @!p0 $0x4600;
	p0 =	sne.s32 s8, $0x0  }
0x1e: {  	s19 =	sadd.s32 s1, s0;
	s0 =	simm.s32 $0x1800;
	s1 =	simm.s32 $0xF  }
.LBB2_4:
0x1f: {  	_ =	swait.ge [sflag:s1], $0x1000  }
0x20: {  	[sflag:s1] =	ssyncset.done $0x0  }
0x21: {  	[sflag:s1] =	ssyncadd.s32 $0xFFFFF000  }
0x22: {  	_ =	swait.ge [sflag:s11], $0x400  }
0x23: {  	[sflag:s11] =	ssyncset.done $0x0  }
0x24: {  	[sflag:s11] =	ssyncadd.s32 $0xFFFFFC00  }
0x25: {  	_ =	swait.ge [sflag:s17], $0x1000  }
0x26: {  	[sflag:s17] =	ssyncset.done $0x0  }
0x27: {  	[sflag:s17] =	ssyncadd.s32 $0xFFFFF000  }
0x28: {  	_ =	swait.ge [sflag:s11], $0x400  }
0x29: {  	[sflag:s11] =	ssyncset.done $0x0  }
0x2a: {  	[sflag:s11] =	ssyncadd.s32 $0xFFFFFC00  }
0x2b: {  	[bflag:$0x0] =	sbarrier.arrive $0xFFFF  }
0x2c: {  	s9 =	rddreg [dreg:$0x6]  }
0x2d: {  	s31 =	rddreg [dreg:$0x8]  }
0x2e: {  	s14 =	rddreg [dreg:$0xf];
	s8 =	sshrl.u32 @p0 s9, $0x3  }
0x2f: {  	[hbm:s14], [sflag:s31] =	dma.local @p0 [spmem:s8], $0x9E0  }
0x30: {  	s8 =	simm.s32 @p0 $0x12  }
0x31: {  	_ =	swait.ge @p0 [sflag:s8], $0x9E0  }
0x32: {  	[sflag:s8] =	ssyncset.done @p0 $0x0  }
0x33: {  	[sflag:s8] =	ssyncadd.s32 @p0 $0xFFFFF620;
	s8 =	sshrl.u32 @!p0 s9, $0x3;
	s9 =	rddreg [dreg:$0x10]  }
0x34: {  	[hbm:s9], [sflag:s31] =	dma.local @!p0 [spmem:s8], $0x9E0  }
0x35: {  	s8 =	simm.s32 @!p0 $0x12  }
0x36: {  	_ =	swait.ge @!p0 [sflag:s8], $0x9E0  }
0x37: {  	[sflag:s8] =	ssyncset.done @!p0 $0x0;
	s14 =	rddreg [dreg:$0x9]  }
0x38: {  	s26 =	rddreg [dreg:$0x11];
	[sflag:s8] =	ssyncadd.s32 @!p0 $0xFFFFF620;
	s9 =	sshrl.u32 @!p0 s14, $0x3  }
0x39: {  	[hbm:s26], [sflag:s31] =	dma.local @!p0 [spmem:s9], $0x278  }
0x3a: {  	_ =	swait.ge @!p0 [sflag:s8], $0x278  }
0x3b: {  	s6 =	rddreg [dreg:$0x14]  }
0x3c: {  	s26 =	rddreg [dreg:$0x12];
	s6 =	sadd.s32 $0x1, s6  }
0x3d: {  	p1 =	sne.s32 s6, s26  }
.Ltmp1:
0x3e: {  	_ = 	snop;
	(pc) =	sbr.rel @!p1 .LBB2_5-.Ltmp1, $3  }
0x3f: {  	_ =	sdelay $0x1  }
0x40: {  	[sflag:s8] =	ssyncset.done @!p0 $0x0  }
0x41: {  	[sflag:s8] =	ssyncadd.s32 @!p0 $0xFFFFFD88  }
.LBB2_1:
0x42: {  	[dreg:$0x14] =	wrdreg s6  }
0x43: {  	s8 =	rddreg [dreg:$0x7]  }
0x44: {  	s9 =	rddreg [dreg:$0x13]  }
0x45: {  	[spmem:s9], [sflag:s31] =	dma.local [hbm:s8], $0x9E0  }
0x46: {  	s9 =	simm.s32 $0x12  }
0x47: {  	_ =	swait.ge [sflag:s9], $0x9E0  }
0x48: {  	[sflag:s9] =	ssyncset.done $0x0  }
0x49: {  	s26 =	sshrl.u32 s14, $0x3;
	s6 =	rddreg [dreg:$0xa];
	[sflag:s9] =	ssyncadd.s32 $0xFFFFF620  }
0x4a: {  	[spmem:s26], [sflag:s31] =	dma.local [hbm:s6], $0x278  }
0x4b: {  	_ =	swait.ge [sflag:s9], $0x278  }
0x4c: {  	[sflag:s9] =	ssyncset.done $0x0  }
0x4d: {  	s7 =	rddreg [dreg:$0x5];
	[sflag:s9] =	ssyncadd.s32 $0xFFFFFD88  }
0x4e: {  	[tilespmem:s23], [sflag:$0x12] =	stream.linear.gather [hbm4b:s7+s4], $0x400, $0x38;
	[tilespmem:$0xAEC0] =	vst v63  }
0x4f: {  	_ =	swait.ge [sflag:s9], $0x400  }
0x50: {  	[sflag:s9] =	ssyncset.done $0x0  }
0x51: {  	[sflag:s9] =	ssyncadd.s32 $0xFFFFFC00  }
0x52: {  	[bflag:$0x0] =	sbarrier.arrive $0xFFFF  }
0x53: {  	s9 =	rddreg [dreg:$0xb]  }
0x54: {  	[tilespmem:s4], [sflag:$0x1] =	stream.linear.gather [hbm4b:s9+s4], $0x100, $0x38;
	[tilespmem:$0xAEC0] =	vst v63  }
0x55: {  	s14 =	rddreg [dreg:$0xc];
	s9 =	simm.s32 $0x100  }
0x56: {  	[tilespmem:s9], [sflag:$0x2] =	stream.linear.gather [hbm4b:s14+s4], $0x100, $0x38;
	[tilespmem:$0xAEC0] =	vst v63  }
0x57: {  	s31 =	simm.s32 $0x200;
	s26 =	rddreg [dreg:$0xd]  }
0x58: {  	[tilespmem:s31], [sflag:$0x3] =	stream.linear.gather [hbm4b:s26+s4], $0x100, $0x38;
	[tilespmem:$0xAEC0] =	vst v63  }
0x59: {  	s7 =	simm.s32 $0x300;
	s6 =	rddreg [dreg:$0xe];
	s26 =	simm.s32 $0x1  }
0x5a: {  	[tilespmem:s7], [sflag:$0x4] =	stream.linear.gather [hbm4b:s6+s4], $0x100, $0x38;
	[tilespmem:$0xAEC0] =	vst v63  }
0x5b: {  	_ =	swait.ge [sflag:s26], $0x100  }
0x5c: {  	[sflag:s26] =	ssyncset.done $0x0  }
0x5d: {  	s31 =	simm.s32 $0x2;
	[sflag:s26] =	ssyncadd.s32 $0xFFFFFF00  }
0x5e: {  	[tilespmem:s30], [sflag:$0x9] =	stream.indirect.gather [hbm4b:s19+s29], $0x20, s4, s29, $0xb8;
	[tilespmem:$0xAEC0] =	vst v63  }
0x5f: {  	_ =	swait.ge [sflag:s31], $0x100  }
0x60: {  	[sflag:s31] =	ssyncset.done $0x0  }
0x61: {  	s26 =	simm.s32 $0x0;
	[sflag:s31] =	ssyncadd.s32 $0xFFFFFF00  }
0x62: {  	[tilespmem:s0], [sflag:$0xA] =	stream.indirect.gather [hbm4b:s19+s29], $0x20, s9, s29, $0xb8;
	[tilespmem:$0xAEC0] =	vst v63  }
.LBB2_2:
0x63: {  	s14 =	sadd.s32 s26, s20  }
0x64: {  	s31 =	simm.s32 $0x400;
	s9 =	sadd.s32 $0x80, s14  }
0x65: {  	[tilespmem:s31], [sflag:$0x5] =	stream.linear.gather [hbm4b:s9+s4], $0x100, $0x38;
	[tilespmem:$0xAEC0] =	vst v63  }
0x66: {  	_ =	swait.ge [sflag:s5], $0x1000  }
0x67: {  	[sflag:s5] =	ssyncset.done $0x0  }
0x68: {  	s7 =	simm.s32 $0x800;
	p1 =	seq.s32 s26, $0x0;
	[sflag:s5] =	ssyncadd.s32 $0xFFFFF000  }
0x69: {  	[spmem:s2] =	stream.indirect.scatter.add.bf16 [tilespmem:s7], [sflag:$0xD], $0x20, s29, s29, $0xb8;
	[tilespmem:$0xAEC0] =	vst v63  }
0x6a: {  	s9 =	simm.s32 @!p1 $0x11  }
0x6b: {  	[spmem:s3] =	stream.indirect.scatter.add.f32 [tilespmem:s23], [sflag:$0x11], $0x8, s29, s29, $0xb8;
	[tilespmem:$0xAEC0] =	vst v63  }
0x6c: {  	_ =	swait.ge @!p1 [sflag:s9], $0x400  }
0x6d: {  	[sflag:s9] =	ssyncset.done @!p1 $0x0  }
0x6e: {  	s8 =	simm.s32 @!p1 $0xF;
	[sflag:s9] =	ssyncadd.s32 @!p1 $0xFFFFFC00  }
0x6f: {  	_ =	swait.ge @!p1 [sflag:s8], $0x1000  }
0x70: {  	[sflag:s8] =	ssyncset.done @!p1 $0x0  }
0x71: {  	s6 =	simm.s32 $0x3;
	[sflag:s8] =	ssyncadd.s32 @!p1 $0xFFFFF000  }
0x72: {  	_ =	swait.ge [sflag:s6], $0x100  }
0x73: {  	[sflag:s6] =	ssyncset.done $0x0  }
0x74: {  	[sflag:s6] =	ssyncadd.s32 $0xFFFFFF00;
	s6 =	simm.s32 $0x200  }
0x75: {  	[tilespmem:s10], [sflag:$0xB] =	stream.indirect.gather [hbm4b:s19+s29], $0x20, s6, s29, $0xb8;
	[tilespmem:$0xAEC0] =	vst v63  }
0x76: {  	s30 =	simm.s32 $0x500;
	s6 =	sadd.s32 $0xA0, s14  }
0x77: {  	[tilespmem:s30], [sflag:$0x6] =	stream.linear.gather [hbm4b:s6+s4], $0x100, $0x38;
	[tilespmem:$0xAEC0] =	vst v63  }
0x78: {  	_ =	swait.ge [sflag:s13], $0x1000  }
0x79: {  	[sflag:s13] =	ssyncset.done $0x0  }
0x7a: {  	s6 =	simm.s32 $0x180;
	[sflag:s13] =	ssyncadd.s32 $0xFFFFF000  }
0x7b: {  	[spmem:s2] =	stream.indirect.scatter.add.bf16 [tilespmem:s0], [sflag:$0xE], $0x20, s6, s29, $0xb8;
	[tilespmem:$0xAEC0] =	vst v63  }
0x7c: {  	_ = 	snop  }
0x7d: {  	[spmem:s3] =	stream.indirect.scatter.add.f32 [tilespmem:s23], [sflag:$0x11], $0x8, s6, s29, $0xb8;
	[tilespmem:$0xAEC0] =	vst v63  }
0x7e: {  	_ =	swait.ge @!p1 [sflag:s9], $0x400  }
0x7f: {  	[sflag:s9] =	ssyncset.done @!p1 $0x0  }
0x80: {  	s8 =	simm.s32 @!p1 $0x10;
	[sflag:s9] =	ssyncadd.s32 @!p1 $0xFFFFFC00  }
0x81: {  	_ =	swait.ge @!p1 [sflag:s8], $0x1000  }
0x82: {  	[sflag:s8] =	ssyncset.done @!p1 $0x0  }
0x83: {  	s9 =	simm.s32 $0x4;
	[sflag:s8] =	ssyncadd.s32 @!p1 $0xFFFFF000  }
0x84: {  	_ =	swait.ge [sflag:s9], $0x100  }
0x85: {  	[sflag:s9] =	ssyncset.done $0x0  }
0x86: {  	s6 =	simm.s32 $0x300;
	[sflag:s9] =	ssyncadd.s32 $0xFFFFFF00  }
0x87: {  	[tilespmem:s16], [sflag:$0xC] =	stream.indirect.gather [hbm4b:s19+s29], $0x20, s6, s29, $0xb8;
	[tilespmem:$0xAEC0] =	vst v63  }
0x88: {  	s9 =	sadd.s32 $0xC0, s14  }
0x89: {  	[tilespmem:s15], [sflag:$0x7] =	stream.linear.gather [hbm4b:s9+s4], $0x100, $0x38;
	[tilespmem:$0xAEC0] =	vst v63  }
0x8a: {  	_ =	swait.ge [sflag:s18], $0x1000  }
0x8b: {  	[sflag:s18] =	ssyncset.done $0x0  }
0x8c: {  	s6 =	simm.s32 $0x280;
	[sflag:s18] =	ssyncadd.s32 $0xFFFFF000  }
0x8d: {  	[spmem:s2] =	stream.indirect.scatter.add.bf16 [tilespmem:s10], [sflag:$0xF], $0x20, s6, s29, $0xb8;
	[tilespmem:$0xAEC0] =	vst v63  }
0x8e: {  	_ = 	snop  }
0x8f: {  	[spmem:s3] =	stream.indirect.scatter.add.f32 [tilespmem:s23], [sflag:$0x11], $0x8, s6, s29, $0xb8;
	[tilespmem:$0xAEC0] =	vst v63  }
0x90: {  	_ =	swait.ge [sflag:s11], $0x400  }
0x91: {  	[sflag:s11] =	ssyncset.done $0x0  }
0x92: {  	[sflag:s11] =	ssyncadd.s32 $0xFFFFFC00  }
0x93: {  	_ =	swait.ge [sflag:s28], $0x1000  }
0x94: {  	[sflag:s28] =	ssyncset.done $0x0  }
0x95: {  	s6 =	simm.s32 $0x5;
	[sflag:s28] =	ssyncadd.s32 $0xFFFFF000  }
0x96: {  	_ =	swait.ge [sflag:s6], $0x100  }
0x97: {  	[sflag:s6] =	ssyncset.done $0x0  }
0x98: {  	[sflag:s6] =	ssyncadd.s32 $0xFFFFFF00  }
0x99: {  	[tilespmem:s7], [sflag:$0x9] =	stream.indirect.gather [hbm4b:s19+s29], $0x20, s31, s29, $0xb8;
	[tilespmem:$0xAEC0] =	vst v63  }
0x9a: {  	s9 =	sadd.s32 $0xE0, s14;
	s6 =	simm.s32 $0x700  }
0x9b: {  	[tilespmem:s6], [sflag:$0x8] =	stream.linear.gather [hbm4b:s9+s4], $0x100, $0x38;
	[tilespmem:$0xAEC0] =	vst v63  }
0x9c: {  	_ =	swait.ge [sflag:s22], $0x1000  }
0x9d: {  	[sflag:s22] =	ssyncset.done $0x0  }
0x9e: {  	s14 =	simm.s32 $0x380;
	[sflag:s22] =	ssyncadd.s32 $0xFFFFF000  }
0x9f: {  	[spmem:s2] =	stream.indirect.scatter.add.bf16 [tilespmem:s16], [sflag:$0x10], $0x20, s14, s29, $0xb8;
	[tilespmem:$0xAEC0] =	vst v63  }
0xa0: {  	_ = 	snop  }
0xa1: {  	[spmem:s3] =	stream.indirect.scatter.add.f32 [tilespmem:s23], [sflag:$0x11], $0x8, s14, s29, $0xb8;
	[tilespmem:$0xAEC0] =	vst v63  }
0xa2: {  	_ =	swait.ge [sflag:s11], $0x400  }
0xa3: {  	[sflag:s11] =	ssyncset.done $0x0  }
0xa4: {  	[sflag:s11] =	ssyncadd.s32 $0xFFFFFC00  }
0xa5: {  	_ =	swait.ge [sflag:s24], $0x1000  }
0xa6: {  	[sflag:s24] =	ssyncset.done $0x0  }
0xa7: {  	[sflag:s24] =	ssyncadd.s32 $0xFFFFF000  }
0xa8: {  	_ =	swait.ge [sflag:s25], $0x100  }
0xa9: {  	p1 =	seq.s32 s26, $0x1300;
	[sflag:s25] =	ssyncset.done $0x0  }
0xaa: {  	s8 =	sadd.s32 @!p1 s26, s20;
	[sflag:s25] =	ssyncadd.s32 $0xFFFFFF00  }
0xab: {  	[tilespmem:s0], [sflag:$0xA] =	stream.indirect.gather [hbm4b:s19+s29], $0x20, s30, s29, $0xb8;
	[tilespmem:$0xAEC0] =	vst v63  }
0xac: {  	s9 =	sadd.s32 @!p1 $0x100, s8;
	s14 =	simm.s32 @!p1 $0x0  }
0xad: {  	[tilespmem:s14], [sflag:$0x1] =	stream.linear.gather @!p1 [hbm4b:s9+s14], $0x100, $0x38;
	[tilespmem:$0xAEC0] =	vst v63  }
0xae: {  	_ =	swait.ge [sflag:s5], $0x1000  }
0xaf: {  	[sflag:s5] =	ssyncset.done $0x0  }
0xb0: {  	s31 =	simm.s32 $0x480;
	[sflag:s5] =	ssyncadd.s32 $0xFFFFF000  }
0xb1: {  	[spmem:s2] =	stream.indirect.scatter.add.bf16 [tilespmem:s7], [sflag:$0xD], $0x20, s31, s29, $0xb8;
	[tilespmem:$0xAEC0] =	vst v63  }
0xb2: {  	_ = 	snop  }
0xb3: {  	[spmem:s3] =	stream.indirect.scatter.add.f32 [tilespmem:s23], [sflag:$0x11], $0x8, s31, s29, $0xb8;
	[tilespmem:$0xAEC0] =	vst v63  }
0xb4: {  	_ =	swait.ge [sflag:s11], $0x400  }
0xb5: {  	[sflag:s11] =	ssyncset.done $0x0  }
0xb6: {  	[sflag:s11] =	ssyncadd.s32 $0xFFFFFC00  }
0xb7: {  	_ =	swait.ge [sflag:s1], $0x1000  }
0xb8: {  	[sflag:s1] =	ssyncset.done $0x0  }
0xb9: {  	[sflag:s1] =	ssyncadd.s32 $0xFFFFF000  }
0xba: {  	_ =	swait.ge [sflag:s12], $0x100  }
0xbb: {  	[sflag:s12] =	ssyncset.done $0x0  }
0xbc: {  	[sflag:s12] =	ssyncadd.s32 $0xFFFFFF00  }
0xbd: {  	[tilespmem:s10], [sflag:$0xB] =	stream.indirect.gather [hbm4b:s19+s29], $0x20, s15, s29, $0xb8;
	[tilespmem:$0xAEC0] =	vst v63  }
0xbe: {  	s9 =	sadd.s32 @!p1 $0x120, s8;
	s31 =	simm.s32 @!p1 $0x100  }
0xbf: {  	[tilespmem:s31], [sflag:$0x2] =	stream.linear.gather @!p1 [hbm4b:s9+s14], $0x100, $0x38;
	[tilespmem:$0xAEC0] =	vst v63  }
0xc0: {  	_ =	swait.ge [sflag:s13], $0x1000  }
0xc1: {  	[sflag:s13] =	ssyncset.done $0x0  }
0xc2: {  	s31 =	simm.s32 $0x580;
	[sflag:s13] =	ssyncadd.s32 $0xFFFFF000  }
0xc3: {  	[spmem:s2] =	stream.indirect.scatter.add.bf16 [tilespmem:s0], [sflag:$0xE], $0x20, s31, s29, $0xb8;
	[tilespmem:$0xAEC0] =	vst v63  }
0xc4: {  	_ = 	snop  }
0xc5: {  	[spmem:s3] =	stream.indirect.scatter.add.f32 [tilespmem:s23], [sflag:$0x11], $0x8, s31, s29, $0xb8;
	[tilespmem:$0xAEC0] =	vst v63  }
0xc6: {  	_ =	swait.ge [sflag:s11], $0x400  }
0xc7: {  	[sflag:s11] =	ssyncset.done $0x0  }
0xc8: {  	[sflag:s11] =	ssyncadd.s32 $0xFFFFFC00  }
0xc9: {  	_ =	swait.ge [sflag:s17], $0x1000  }
0xca: {  	[sflag:s17] =	ssyncset.done $0x0  }
0xcb: {  	[sflag:s17] =	ssyncadd.s32 $0xFFFFF000  }
0xcc: {  	_ =	swait.ge [sflag:s21], $0x100  }
0xcd: {  	[sflag:s21] =	ssyncset.done $0x0  }
0xce: {  	[sflag:s21] =	ssyncadd.s32 $0xFFFFFF00  }
0xcf: {  	[tilespmem:s16], [sflag:$0xC] =	stream.indirect.gather [hbm4b:s19+s29], $0x20, s6, s29, $0xb8;
	[tilespmem:$0xAEC0] =	vst v63  }
0xd0: {  	s9 =	sadd.s32 @!p1 $0x140, s8;
	s31 =	simm.s32 @!p1 $0x200  }
0xd1: {  	[tilespmem:s31], [sflag:$0x3] =	stream.linear.gather @!p1 [hbm4b:s9+s14], $0x100, $0x38;
	[tilespmem:$0xAEC0] =	vst v63  }
0xd2: {  	_ =	swait.ge [sflag:s18], $0x1000  }
0xd3: {  	[sflag:s18] =	ssyncset.done $0x0  }
0xd4: {  	s9 =	simm.s32 $0x680;
	[sflag:s18] =	ssyncadd.s32 $0xFFFFF000  }
0xd5: {  	[spmem:s2] =	stream.indirect.scatter.add.bf16 [tilespmem:s10], [sflag:$0xF], $0x20, s9, s29, $0xb8;
	[tilespmem:$0xAEC0] =	vst v63  }
0xd6: {  	_ = 	snop  }
0xd7: {  	[spmem:s3] =	stream.indirect.scatter.add.f32 [tilespmem:s23], [sflag:$0x11], $0x8, s9, s29, $0xb8;
	[tilespmem:$0xAEC0] =	vst v63  }
0xd8: {  	_ =	swait.ge [sflag:s11], $0x400  }
0xd9: {  	[sflag:s11] =	ssyncset.done $0x0  }
0xda: {  	[sflag:s11] =	ssyncadd.s32 $0xFFFFFC00  }
0xdb: {  	_ =	swait.ge [sflag:s28], $0x1000  }
0xdc: {  	[sflag:s28] =	ssyncset.done $0x0  }
0xdd: {  	s9 =	simm.s32 @!p1 $0x1;
	[sflag:s28] =	ssyncadd.s32 $0xFFFFF000  }
0xde: {  	_ =	swait.ge @!p1 [sflag:s9], $0x100  }
0xdf: {  	[sflag:s9] =	ssyncset.done @!p1 $0x0  }
0xe0: {  	s31 =	simm.s32 @!p1 $0x800;
	[sflag:s9] =	ssyncadd.s32 @!p1 $0xFFFFFF00;
	s9 =	simm.s32 @!p1 $0x80  }
0xe1: {  	[tilespmem:s31], [sflag:$0x9] =	stream.indirect.gather @!p1 [hbm4b:s19+s9], $0x20, s14, s9, $0xb8;
	[tilespmem:$0xAEC0] =	vst v63  }
0xe2: {  	s8 =	sadd.s32 @!p1 $0x160, s8;
	s9 =	simm.s32 @!p1 $0x300  }
0xe3: {  	[tilespmem:s9], [sflag:$0x4] =	stream.linear.gather @!p1 [hbm4b:s8+s14], $0x100, $0x38;
	[tilespmem:$0xAEC0] =	vst v63  }
0xe4: {  	_ =	swait.ge [sflag:s22], $0x1000  }
0xe5: {  	[sflag:s22] =	ssyncset.done $0x0  }
0xe6: {  	s31 =	simm.s32 $0x780;
	[sflag:s22] =	ssyncadd.s32 $0xFFFFF000  }
0xe7: {  	[spmem:s2] =	stream.indirect.scatter.add.bf16 [tilespmem:s16], [sflag:$0x10], $0x20, s31, s29, $0xb8;
	[tilespmem:$0xAEC0] =	vst v63  }
0xe8: {  	_ = 	snop  }
0xe9: {  	[spmem:s3] =	stream.indirect.scatter.add.f32 [tilespmem:s23], [sflag:$0x11], $0x8, s31, s29, $0xb8;
	[tilespmem:$0xAEC0] =	vst v63  }
0xea: {  	_ =	swait.ge [sflag:s11], $0x400  }
.Ltmp2:
0xeb: {  	[sflag:s11] =	ssyncset.done $0x0;
	(pc) =	sbr.rel @p1 .LBB2_4-.Ltmp2, $4  }
0xec: {  	[sflag:s11] =	ssyncadd.s32 $0xFFFFFC00  }
0xed: {  	_ =	swait.ge [sflag:s24], $0x1000  }
0xee: {  	[sflag:s24] =	ssyncset.done $0x0  }
0xef: {  	s30 =	simm.s32 $0x800;
	[sflag:s24] =	ssyncadd.s32 $0xFFFFF000  }
.Ltmp3:
0xf0: {  	s8 =	simm.s32 $0x2;
	(pc) =	sbr.rel .LBB2_2-.Ltmp3, $4  }
0xf1: {  	_ =	swait.ge [sflag:s8], $0x100  }
0xf2: {  	[sflag:s8] =	ssyncset.done $0x0  }
0xf3: {  	s31 =	simm.s32 $0x100;
	s26 =	sadd.s32 $0x100, s26;
	[sflag:s8] =	ssyncadd.s32 $0xFFFFFF00  }
0xf4: {  	[tilespmem:s0], [sflag:$0xA] =	stream.indirect.gather [hbm4b:s19+s29], $0x20, s31, s29, $0xb8;
	[tilespmem:$0xAEC0] =	vst v63  }
.LBB2_5:
0xf5: {  	_ =	sfence.sel $0x180000  }
0xf6: {  	[bflag:$0x0] =	sbarrier.arrive $0xFFFF  }
0xf7: {  	_ =	strace $0x90000047  }
0xf8: {  	s0 =	stileid.u32;
	[bflag:$0x2] =	sbarrier.arrive $0xFFFF  }
0xf9: {  	p0 =	sne.s32 s0, $0x0;
	s0 =	rddreg [dreg:$0x4]  }
0xfa: {  	s0 =	sadd.s32 @!p0 $0x100000, s0  }
0xfb: {  	[sflag:s0] =	ssyncadd.tile.s32 @!p0 $0x1;
	_ =	shalt  }
.Lfunc_end2:
_tile_overlayer_lowered:
.L_overlay_start_2:
0xfc: {  	(tag) =	ssettag $0x2  }
0xfd: {  	s0 =	rddreg [dreg:$0x0];
	s2 =	stileid.u32  }
0xfe: {  	s1 =	rddreg [dreg:$0x1];
	p0 =	sne.s32 s2, $0x0  }
0xff: {  	s3 =	rddreg [dreg:$0x2];
	[bflag:$0x3] =	sbarrier.arrive $0xFFFF;
	s2 =	simm.s32 @!p0 $0x1C12  }
0x100: {  	[timem:s3], [sflag:s2] =	dma.local @!p0 [hbm:s0], s1  }
0x101: {  	s0 =	simm.s32 @!p0 $0x12  }
0x102: {  	_ =	swait.ge @!p0 [sflag:s0], s1  }
0x103: {  	s1 =	ssub.s32 @!p0 $0x0, s1;
	[sflag:s0] =	ssyncset.done @!p0 $0x0  }
0x104: {  	[sflag:s0] =	ssyncadd.s32 @!p0 s1  }
0x105: {  	[bflag:$0x3] =	sbarrier.arrive $0xFFFF  }
0x106: {  	_ =	shalt  }

</sc_bundles>
